<compile_context>
chip_gen: v7x
topology: tpu7x:2x2x1
jax: 0.10.2.dev20260603
libtpu: 0.0.44.dev20260713+nightly
codegen_flags: <defaults>
</compile_context>

<pallas_src>
import functools

import jax
import jax.numpy as jnp
from jax import lax
from jax.experimental import pallas as pl
from jax.experimental.pallas import tpu as pltpu
from jax.experimental.pallas import tpu_sc as plsc

N = 10000
E = 320000
D = 128
ROWB = 2000
GRID = N // ROWB

NC, NS = 2, 16
K = 2048
NCHUNK = 157
E_PAD = K * NCHUNK
SENTINEL = 1 << 20

R0 = 313
R1 = 312
HALF0 = NS * R0
ACC_ROWS = 5024
EPT = E_PAD // NS
CH = 128
STAGE = 2304



def _layer_body(agg_ref, h_ref, wrel_ref, brel_ref, wroot_ref, o_ref):
    o_ref[...] = (
        jnp.dot(agg_ref[...], wrel_ref[...],
                preferred_element_type=jnp.float32)
        + brel_ref[...]
        + jnp.dot(h_ref[...], wroot_ref[...],
                  preferred_element_type=jnp.float32))


def _tc_layer(agg, h, wrel, brel, wroot):
    return pl.pallas_call(
        _layer_body,
        grid=(GRID,),
        in_specs=[
            pl.BlockSpec((ROWB, D), lambda i: (i, 0)),
            pl.BlockSpec((ROWB, D), lambda i: (i, 0)),
            pl.BlockSpec((D, D), lambda i: (0, 0)),
            pl.BlockSpec((1, D), lambda i: (0, 0)),
            pl.BlockSpec((D, D), lambda i: (0, 0)),
        ],
        out_specs=pl.BlockSpec((ROWB, D), lambda i: (i, 0)),
        out_shape=jax.ShapeDtypeStruct((N, D), jnp.float32),
    )(agg, h, wrel, brel.reshape(1, D), wroot)


def _mlp_body(h_ref, wm0_ref, bm0_ref, wm1_ref, bm1_ref, o_ref):
    t = jnp.dot(h_ref[...], wm0_ref[...], preferred_element_type=jnp.float32)
    t = jnp.maximum(t + bm0_ref[...], 0.0)
    o = jnp.dot(t, wm1_ref[...], preferred_element_type=jnp.float32)
    o_ref[...] = jax.nn.sigmoid(o + bm1_ref[...])


def _tc_mlp(h, wm0, bm0, wm1, bm1):
    return pl.pallas_call(
        _mlp_body,
        grid=(GRID,),
        in_specs=[
            pl.BlockSpec((ROWB, D), lambda i: (i, 0)),
            pl.BlockSpec((D, D), lambda i: (0, 0)),
            pl.BlockSpec((1, D), lambda i: (0, 0)),
            pl.BlockSpec((D, 1), lambda i: (0, 0)),
            pl.BlockSpec((1, 1), lambda i: (0, 0)),
        ],
        out_specs=pl.BlockSpec((ROWB, 1), lambda i: (i, 0)),
        out_shape=jax.ShapeDtypeStruct((N, 1), jnp.float32),
    )(h, wm0, bm0.reshape(1, D), wm1, bm1.reshape(1, 1))



@functools.partial(
    pl.kernel,
    out_type=jax.ShapeDtypeStruct((N, D), jnp.float32),
    mesh=plsc.VectorSubcoreMesh(core_axis_name="c", subcore_axis_name="s"),
    compiler_params=pltpu.CompilerParams(needs_layout_passes=False),
    scratch_types=[
        pltpu.VMEM((2, K), jnp.int32),
        pltpu.VMEM((2, K), jnp.int32),
        pltpu.VMEM((STAGE,), jnp.int32),
        pltpu.VMEM((STAGE,), jnp.int32),
        pltpu.VMEM((4, CH), jnp.int32),
        pltpu.VMEM((4, CH), jnp.int32),
        pltpu.VMEM((4, CH, D), jnp.float32),
        pltpu.VMEM_SHARED((ACC_ROWS, D), jnp.float32),
        pltpu.SemaphoreType.DMA((4,)),
        pltpu.SemaphoreType.DMA,
        pltpu.SemaphoreType.DMA((2,)),
    ],
)
def _sc_agg(h_hbm, src_hbm, dst_hbm, zeros_hbm, out_hbm,
            dchunk, schunk, stage_d, stage_s, flush_d, flush_s, rows,
            acc, gsem, ssem, csem):
    c = lax.axis_index("c")
    s = lax.axis_index("s")
    base = c * HALF0
    rpt = jnp.where(c == 0, R0, R1)
    lo = base + s * rpt
    hi = lo + rpt
    owned = jnp.where(c == 0, HALF0, NS * R1)
    dummy = owned + s
    lov = jnp.full((16,), lo, jnp.int32)
    hiv = jnp.full((16,), hi, jnp.int32)
    basev = jnp.full((16,), base, jnp.int32)
    dummyv = jnp.full((16,), dummy, jnp.int32)
    sentv = jnp.full((16,), SENTINEL, jnp.int32)

    @pl.when(s < 15)
    def _():
        pltpu.sync_copy(zeros_hbm.at[pl.ds(s * 320, 320)],
                        acc.at[pl.ds(s * 320, 320)])

    @pl.when(s == 15)
    def _():
        pltpu.sync_copy(zeros_hbm.at[pl.ds(4800, 224)],
                        acc.at[pl.ds(4800, 224)])

    plsc.subcore_barrier()

    def start_chunk_load(k):
        sl = k % 2
        pltpu.async_copy(dst_hbm.at[pl.ds(k * K, K)], dchunk.at[sl],
                         csem.at[sl])
        pltpu.async_copy(src_hbm.at[pl.ds(k * K, K)], schunk.at[sl],
                         csem.at[sl])

    def wait_chunk_load(k):
        sl = k % 2
        pltpu.make_async_copy(dst_hbm.at[pl.ds(0, K)], dchunk.at[sl],
                              csem.at[sl]).wait()
        pltpu.make_async_copy(src_hbm.at[pl.ds(0, K)], schunk.at[sl],
                              csem.at[sl]).wait()

    start_chunk_load(0)

    def wait_gather(q):
        pltpu.make_async_copy(h_hbm.at[pl.ds(0, CH)], rows.at[q],
                              gsem.at[q]).wait()

    def wait_scatter():
        pltpu.make_async_copy(h_hbm.at[pl.ds(0, CH)], rows.at[0], ssem).wait()

    def flush_event(fo, nf):
        p = nf % 4

        @pl.when(nf >= 4)
        def _():
            wait_scatter()

        for kk in range(CH // 16):
            flush_d[p, pl.ds(kk * 16, 16)] = stage_d[pl.ds(fo + kk * 16, 16)]
            flush_s[p, pl.ds(kk * 16, 16)] = stage_s[pl.ds(fo + kk * 16, 16)]
        pltpu.async_copy(h_hbm.at[flush_s.at[p]], rows.at[p], gsem.at[p])

        @pl.when(nf >= 1)
        def _():
            q = (nf - 1) % 4
            wait_gather(q)
            pltpu.async_copy(rows.at[q], acc.at[flush_d.at[q]], ssem,
                             add=True)

    def scan_chunk(k, carry):
        ptr, nf = carry
        wait_chunk_load(k)

        @pl.when(k + 1 < NCHUNK)
        def _():
            start_chunk_load(k + 1)

        sl = k % 2

        def scan_vec(i, ptr):
            dvec = dchunk[sl, pl.ds(i * 16, 16)]
            svec = schunk[sl, pl.ds(i * 16, 16)]
            fake = dvec >= sentv
            m = jnp.logical_or(
                jnp.logical_and(dvec >= lov, dvec < hiv), fake)
            cnt = jnp.sum(m.astype(jnp.int32))
            dl = jnp.where(fake, dummyv, dvec - basev)
            plsc.store_compressed(stage_d.at[pl.ds(ptr, 16)], dl, mask=m)
            plsc.store_compressed(stage_s.at[pl.ds(ptr, 16)], svec, mask=m)
            return ptr + cnt

        ptr = lax.fori_loop(0, K // 16, scan_vec, ptr, unroll=4)

        def flush_cond(c2):
            fo, nf = c2
            return fo + CH <= ptr

        def flush_step(c2):
            fo, nf = c2
            flush_event(fo, nf)
            return (fo + CH, nf + 1)

        fo, nf = lax.while_loop(flush_cond, flush_step, (jnp.int32(0), nf))

        for kk in range(CH // 16):
            v_d = stage_d[pl.ds(fo + kk * 16, 16)]
            v_s = stage_s[pl.ds(fo + kk * 16, 16)]
            stage_d[pl.ds(kk * 16, 16)] = v_d
            stage_s[pl.ds(kk * 16, 16)] = v_s
        return (ptr - fo, nf)

    _, nf = lax.fori_loop(0, NCHUNK, scan_chunk,
                          (jnp.int32(0), jnp.int32(0)))

    @pl.when(nf >= 1)
    def _():
        q = (nf - 1) % 4
        wait_gather(q)
        pltpu.async_copy(rows.at[q], acc.at[flush_d.at[q]], ssem, add=True)

    def drain(i, carry):
        wait_scatter()
        return carry

    lax.fori_loop(0, jnp.minimum(nf, 4), drain, jnp.int32(0))
    plsc.subcore_barrier()

    @pl.when(s < 15)
    def _():
        pltpu.sync_copy(acc.at[pl.ds(s * 320, 320)],
                        out_hbm.at[pl.ds(base + s * 320, 320)])

    @pl.when(jnp.logical_and(s == 15, c == 0))
    def _():
        pltpu.sync_copy(acc.at[pl.ds(4800, 208)],
                        out_hbm.at[pl.ds(4800, 208)])

    @pl.when(jnp.logical_and(s == 15, c == 1))
    def _():
        pltpu.sync_copy(acc.at[pl.ds(4800, 192)],
                        out_hbm.at[pl.ds(HALF0 + 4800, 192)])



def kernel(x, edge_index, Wrel0, brel0, Wroot0, Wrel1, brel1, Wroot1,
           Wrel2, brel2, Wroot2, Wm0, bm0, Wm1, bm1):
    src = edge_index[0].astype(jnp.int32)
    dst = edge_index[1].astype(jnp.int32)
    pad = E_PAD - E
    src_p = jnp.concatenate([src, jnp.zeros((pad,), jnp.int32)])
    dst_p = jnp.concatenate([dst, jnp.full((pad,), SENTINEL, jnp.int32)])
    zeros = jnp.zeros((ACC_ROWS, D), jnp.float32)

    h = x
    for wrel, brel, wroot in ((Wrel0, brel0, Wroot0),
                              (Wrel1, brel1, Wroot1),
                              (Wrel2, brel2, Wroot2)):
        agg = _sc_agg(h, src_p, dst_p, zeros)
        h = _tc_layer(agg, h, wrel, brel, wroot)
    return _tc_mlp(h, Wm0, bm0, Wm1, bm1)

# --- scband reference (transcript-rebuilt; emitter-appended) ---
"""Pipeline reference for scband-deep-graph-conv-net-14998025797672 (READ-ONLY COPY).

The authoritative reference and input builder live on the scoring server;
editing this copy changes nothing except your own understanding.
"""

import jax, jax.numpy as jnp
import numpy as np

N_NODES = 10000
N_EDGES = 320000
D_FEAT = 128
HID = 128
OUT = 1

def setup_inputs(seed: int = 0) -> dict:
    key = jax.random.key(seed)
    ks = jax.random.split(key, 16)
    x = jax.random.normal(ks[0], (N_NODES, D_FEAT), dtype=jnp.float32)
    edge_index = jax.random.randint(ks[1], (2, N_EDGES), 0, N_NODES, dtype=jnp.int64)
    def glorot(k, shp):
        lim = np.sqrt(6.0 / (shp[0] + shp[1]))
        return jax.random.uniform(k, shp, dtype=jnp.float32, minval=-lim, maxval=lim)
    # 3 GraphConv layers: out = agg(x_src)->dst @ W_rel + b_rel + x @ W_root
    Wrel0 = glorot(ks[2], (D_FEAT, HID)); brel0 = jnp.zeros((HID,), jnp.float32); Wroot0 = glorot(ks[3], (D_FEAT, HID))
    Wrel1 = glorot(ks[4], (HID, HID)); brel1 = jnp.zeros((HID,), jnp.float32); Wroot1 = glorot(ks[5], (HID, HID))
    Wrel2 = glorot(ks[6], (HID, HID)); brel2 = jnp.zeros((HID,), jnp.float32); Wroot2 = glorot(ks[7], (HID, HID))
    # MLP: Linear(HID,HID) -> ReLU -> Linear(HID,OUT)
    Wm0 = glorot(ks[8], (HID, HID)); bm0 = jnp.zeros((HID,), jnp.float32)
    Wm1 = glorot(ks[9], (HID, OUT)); bm1 = jnp.zeros((OUT,), jnp.float32)
    return {"x": x, "edge_index": edge_index,
            "Wrel0": Wrel0, "brel0": brel0, "Wroot0": Wroot0,
            "Wrel1": Wrel1, "brel1": brel1, "Wroot1": Wroot1,
            "Wrel2": Wrel2, "brel2": brel2, "Wroot2": Wroot2,
            "Wm0": Wm0, "bm0": bm0, "Wm1": Wm1, "bm1": bm1}

def reference(x, edge_index, Wrel0, brel0, Wroot0, Wrel1, brel1, Wroot1, Wrel2, brel2, Wroot2, Wm0, bm0, Wm1, bm1):
    src = edge_index[0]
    dst = edge_index[1]
    n = x.shape[0]
    def graph_conv(h, Wrel, brel, Wroot):
        msgs = jnp.take(h, src, axis=0)              # gather source node feats
        agg = jax.ops.segment_sum(msgs, dst, num_segments=n)  # scatter-add to dst
        return agg @ Wrel + brel + h @ Wroot
    h = graph_conv(x, Wrel0, brel0, Wroot0)
    h = graph_conv(h, Wrel1, brel1, Wroot1)
    h = graph_conv(h, Wrel2, brel2, Wroot2)
    h = jax.nn.relu(h @ Wm0 + bm0)
    out = jax.nn.sigmoid(h @ Wm1 + bm1)
    return out

if __name__ == "__main__":
    import jax
    _d = setup_inputs()
    print(jax.jit(kernel)(*tuple(_d.values())))

</pallas_src>

<mosaic_0001>
#map = affine_map<(d0, d1) -> (0, 0)>
#map1 = affine_map<(d0, d1) -> (0)>
module attributes {stable_mosaic.version = 14 : i64} {
  func.func @_sc_agg(%arg0: i32, %arg1: i32, %arg2: memref<10000x128xf32, #tpu.memory_space<hbm>>, %arg3: memref<321536xi32, #tpu.memory_space<hbm>>, %arg4: memref<321536xi32, #tpu.memory_space<hbm>>, %arg5: memref<5024x128xf32, #tpu.memory_space<hbm>>, %arg6: memref<10000x128xf32, #tpu.memory_space<hbm>>, %arg7: memref<2x2048xi32, #tpu.memory_space<vmem>>, %arg8: memref<2x2048xi32, #tpu.memory_space<vmem>>, %arg9: memref<2304xi32, #tpu.memory_space<vmem>>, %arg10: memref<2304xi32, #tpu.memory_space<vmem>>, %arg11: memref<4x128xi32, #tpu.memory_space<vmem>>, %arg12: memref<4x128xi32, #tpu.memory_space<vmem>>, %arg13: memref<4x128x128xf32, #tpu.memory_space<vmem>>, %arg14: memref<5024x128xf32, #tpu.memory_space<vmem_shared>>, %arg15: memref<4x!tpu.dma_semaphore, #tpu.memory_space<semaphore_mem>>, %arg16: memref<!tpu.dma_semaphore, #tpu.memory_space<semaphore_mem>>, %arg17: memref<2x!tpu.dma_semaphore, #tpu.memory_space<semaphore_mem>>) attributes {dimension_semantics = [#tpu.dimension_semantics<core_parallel>, #tpu.dimension_semantics<subcore_parallel>], iteration_bounds = array<i64: 2, 16>, scalar_prefetch = 0 : i64, scratch_operands = 11 : i64, tpu.core_type = #tpu.core_type<sc_vector_subcore>, window_params = [{transform_indices = #map}, {transform_indices = #map1}, {transform_indices = #map1}, {transform_indices = #map}, {transform_indices = #map}]} {
    %mul3A = arith.constant 5008 : i32
    %mul3A_0 = arith.muli %arg0, %mul3A : i32
    %eq3A = arith.constant 0 : i32
    %eq3A_1 = arith.cmpi eq, %arg0, %eq3A : i32
    %jit3A = arith.constant 313 : i32
    %jit3A_2 = arith.constant 312 : i32
    %select_n3A = arith.select %eq3A_1, %jit3A, %jit3A_2 : i32
    %mul3A_3 = arith.muli %arg1, %select_n3A : i32
    %add3A = arith.addi %mul3A_0, %mul3A_3 : i32
    %add3A_4 = arith.addi %add3A, %select_n3A : i32
    %eq3A_5 = arith.constant 0 : i32
    %eq3A_6 = arith.cmpi eq, %arg0, %eq3A_5 : i32
    %jit3A_7 = arith.constant 5008 : i32
    %jit3A_8 = arith.constant 4992 : i32
    %select_n3A_9 = arith.select %eq3A_6, %jit3A_7, %jit3A_8 : i32
    %add3A_10 = arith.addi %select_n3A_9, %arg1 : i32
    %broadcast_in_dim3A = vector.broadcast %add3A : i32 to vector<16xi32>
    %broadcast_in_dim3A_11 = vector.broadcast %add3A_4 : i32 to vector<16xi32>
    %broadcast_in_dim3A_12 = vector.broadcast %mul3A_0 : i32 to vector<16xi32>
    %broadcast_in_dim3A_13 = vector.broadcast %add3A_10 : i32 to vector<16xi32>
    %broadcast_in_dim3A_14 = arith.constant 1048576 : i32
    %broadcast_in_dim3A_15 = vector.broadcast %broadcast_in_dim3A_14 : i32 to vector<16xi32>
    %lt3A = arith.constant 15 : i32
    %lt3A_16 = arith.cmpi slt, %arg1, %lt3A : i32
    %convert_element_type3A = arith.extui %lt3A_16 : i1 to i32
    %cond3A = arith.constant 0 : i32
    %cond3A_17 = arith.cmpi ne, %convert_element_type3A, %cond3A : i32
    scf.if %cond3A_17 {
      %mul3A_92 = arith.constant 320 : i32
      %mul3A_93 = arith.muli %arg1, %mul3A_92 : i32
      %mul3A_94 = arith.constant 320 : i32
      %mul3A_95 = arith.muli %arg1, %mul3A_94 : i32
      "tpu.region"() ({
        %run_scoped3A = tpu.sem_alloc : memref<!tpu.dma_semaphore, #tpu.memory_space<semaphore_mem>>
        %dma_start3A_96 = arith.constant 0 : i32
        %dma_start3A_97 = tpu.memref_slice %arg14[%mul3A_95, %dma_start3A_96] : memref<5024x128xf32, #tpu.memory_space<vmem_shared>> -> memref<320x128xf32, #tpu.memory_space<vmem_shared>>
        %dma_start3A_98 = arith.constant 0 : i32
        %dma_start3A_99 = tpu.memref_slice %arg5[%mul3A_93, %dma_start3A_98] : memref<5024x128xf32, #tpu.memory_space<hbm>> -> memref<320x128xf32, #tpu.memory_space<hbm>>
        tpu.enqueue_dma source(%dma_start3A_99 : memref<320x128xf32, #tpu.memory_space<hbm>>) target(%dma_start3A_97 : memref<320x128xf32, #tpu.memory_space<vmem_shared>>) target_semaphore(%run_scoped3A : memref<!tpu.dma_semaphore, #tpu.memory_space<semaphore_mem>>)
        %dma_wait3A = arith.constant 0 : i32
        %dma_wait3A_100 = tpu.memref_slice %arg14[%mul3A_95, %dma_wait3A] : memref<5024x128xf32, #tpu.memory_space<vmem_shared>> -> memref<320x128xf32, #tpu.memory_space<vmem_shared>>
        %dma_wait3A_101 = arith.constant 0 : i32
        %dma_wait3A_102 = tpu.memref_slice %arg5[%mul3A_93, %dma_wait3A_101] : memref<5024x128xf32, #tpu.memory_space<hbm>> -> memref<320x128xf32, #tpu.memory_space<hbm>>
        tpu.wait_dma2 semaphore(%run_scoped3A : memref<!tpu.dma_semaphore, #tpu.memory_space<semaphore_mem>>) src(%dma_wait3A_102 : memref<320x128xf32, #tpu.memory_space<hbm>>) dst(%dma_wait3A_100 : memref<320x128xf32, #tpu.memory_space<vmem_shared>>)
        tpu.yield
      }) : () -> ()
    } else {
    }
    %eq3A_18 = arith.constant 15 : i32
    %eq3A_19 = arith.cmpi eq, %arg1, %eq3A_18 : i32
    %convert_element_type3A_20 = arith.extui %eq3A_19 : i1 to i32
    %cond3A_21 = arith.constant 0 : i32
    %cond3A_22 = arith.cmpi ne, %convert_element_type3A_20, %cond3A_21 : i32
    scf.if %cond3A_22 {
      "tpu.region"() ({
        %run_scoped3A = tpu.sem_alloc : memref<!tpu.dma_semaphore, #tpu.memory_space<semaphore_mem>>
        %dma_start3A_92 = arith.constant 4800 : i32
        %dma_start3A_93 = arith.constant 0 : i32
        %dma_start3A_94 = tpu.memref_slice %arg14[%dma_start3A_92, %dma_start3A_93] : memref<5024x128xf32, #tpu.memory_space<vmem_shared>> -> memref<224x128xf32, #tpu.memory_space<vmem_shared>>
        %dma_start3A_95 = arith.constant 4800 : i32
        %dma_start3A_96 = arith.constant 0 : i32
        %dma_start3A_97 = tpu.memref_slice %arg5[%dma_start3A_95, %dma_start3A_96] : memref<5024x128xf32, #tpu.memory_space<hbm>> -> memref<224x128xf32, #tpu.memory_space<hbm>>
        tpu.enqueue_dma source(%dma_start3A_97 : memref<224x128xf32, #tpu.memory_space<hbm>>) target(%dma_start3A_94 : memref<224x128xf32, #tpu.memory_space<vmem_shared>>) target_semaphore(%run_scoped3A : memref<!tpu.dma_semaphore, #tpu.memory_space<semaphore_mem>>)
        %dma_wait3A = arith.constant 4800 : i32
        %dma_wait3A_98 = arith.constant 0 : i32
        %dma_wait3A_99 = tpu.memref_slice %arg14[%dma_wait3A, %dma_wait3A_98] : memref<5024x128xf32, #tpu.memory_space<vmem_shared>> -> memref<224x128xf32, #tpu.memory_space<vmem_shared>>
        %dma_wait3A_100 = arith.constant 4800 : i32
        %dma_wait3A_101 = arith.constant 0 : i32
        %dma_wait3A_102 = tpu.memref_slice %arg5[%dma_wait3A_100, %dma_wait3A_101] : memref<5024x128xf32, #tpu.memory_space<hbm>> -> memref<224x128xf32, #tpu.memory_space<hbm>>
        tpu.wait_dma2 semaphore(%run_scoped3A : memref<!tpu.dma_semaphore, #tpu.memory_space<semaphore_mem>>) src(%dma_wait3A_102 : memref<224x128xf32, #tpu.memory_space<hbm>>) dst(%dma_wait3A_99 : memref<224x128xf32, #tpu.memory_space<vmem_shared>>)
        tpu.yield
      }) : () -> ()
    } else {
    }
    %barrier3A = arith.constant 0 : index
    tpu.barrier barrier_id(%barrier3A)
    %dma_start3A = arith.constant 0 : i32
    %dma_start3A_23 = arith.constant 0 : i32
    %dma_start3A_24 = arith.constant 0 : i32
    %dma_start3A_25 = tpu.memref_slice %arg7[%dma_start3A, %dma_start3A_24] : memref<2x2048xi32, #tpu.memory_space<vmem>> -> memref<1x2048xi32, #tpu.memory_space<vmem>>
    %dma_start3A_26 = tpu.memref_squeeze %dma_start3A_25 : memref<1x2048xi32, #tpu.memory_space<vmem>> -> memref<2048xi32, #tpu.memory_space<vmem>>
    %dma_start3A_27 = arith.constant 0 : i32
    %dma_start3A_28 = tpu.memref_slice %arg4[%dma_start3A_27] : memref<321536xi32, #tpu.memory_space<hbm>> -> memref<2048xi32, #tpu.memory_space<hbm>>
    %dma_start3A_29 = tpu.memref_slice %arg17[%dma_start3A_23] : memref<2x!tpu.dma_semaphore, #tpu.memory_space<semaphore_mem>> -> memref<1x!tpu.dma_semaphore, #tpu.memory_space<semaphore_mem>>
    %dma_start3A_30 = tpu.memref_squeeze %dma_start3A_29 : memref<1x!tpu.dma_semaphore, #tpu.memory_space<semaphore_mem>> -> memref<!tpu.dma_semaphore, #tpu.memory_space<semaphore_mem>>
    %dma_start3A_31 = arith.constant 0 : i32
    %dma_start3A_32 = tpu.memref_slice %arg7[%dma_start3A, %dma_start3A_31] : memref<2x2048xi32, #tpu.memory_space<vmem>> -> memref<1x2048xi32, #tpu.memory_space<vmem>>
    %dma_start3A_33 = tpu.memref_squeeze %dma_start3A_32 : memref<1x2048xi32, #tpu.memory_space<vmem>> -> memref<2048xi32, #tpu.memory_space<vmem>>
    %dma_start3A_34 = arith.constant 0 : i32
    %dma_start3A_35 = tpu.memref_slice %arg4[%dma_start3A_34] : memref<321536xi32, #tpu.memory_space<hbm>> -> memref<2048xi32, #tpu.memory_space<hbm>>
    tpu.enqueue_dma source(%dma_start3A_35 : memref<2048xi32, #tpu.memory_space<hbm>>) target(%dma_start3A_33 : memref<2048xi32, #tpu.memory_space<vmem>>) target_semaphore(%dma_start3A_30 : memref<!tpu.dma_semaphore, #tpu.memory_space<semaphore_mem>>)
    %dma_start3A_36 = arith.constant 0 : i32
    %dma_start3A_37 = arith.constant 0 : i32
    %dma_start3A_38 = arith.constant 0 : i32
    %dma_start3A_39 = tpu.memref_slice %arg8[%dma_start3A_36, %dma_start3A_38] : memref<2x2048xi32, #tpu.memory_space<vmem>> -> memref<1x2048xi32, #tpu.memory_space<vmem>>
    %dma_start3A_40 = tpu.memref_squeeze %dma_start3A_39 : memref<1x2048xi32, #tpu.memory_space<vmem>> -> memref<2048xi32, #tpu.memory_space<vmem>>
    %dma_start3A_41 = arith.constant 0 : i32
    %dma_start3A_42 = tpu.memref_slice %arg3[%dma_start3A_41] : memref<321536xi32, #tpu.memory_space<hbm>> -> memref<2048xi32, #tpu.memory_space<hbm>>
    %dma_start3A_43 = tpu.memref_slice %arg17[%dma_start3A_37] : memref<2x!tpu.dma_semaphore, #tpu.memory_space<semaphore_mem>> -> memref<1x!tpu.dma_semaphore, #tpu.memory_space<semaphore_mem>>
    %dma_start3A_44 = tpu.memref_squeeze %dma_start3A_43 : memref<1x!tpu.dma_semaphore, #tpu.memory_space<semaphore_mem>> -> memref<!tpu.dma_semaphore, #tpu.memory_space<semaphore_mem>>
    %dma_start3A_45 = arith.constant 0 : i32
    %dma_start3A_46 = tpu.memref_slice %arg8[%dma_start3A_36, %dma_start3A_45] : memref<2x2048xi32, #tpu.memory_space<vmem>> -> memref<1x2048xi32, #tpu.memory_space<vmem>>
    %dma_start3A_47 = tpu.memref_squeeze %dma_start3A_46 : memref<1x2048xi32, #tpu.memory_space<vmem>> -> memref<2048xi32, #tpu.memory_space<vmem>>
    %dma_start3A_48 = arith.constant 0 : i32
    %dma_start3A_49 = tpu.memref_slice %arg3[%dma_start3A_48] : memref<321536xi32, #tpu.memory_space<hbm>> -> memref<2048xi32, #tpu.memory_space<hbm>>
    tpu.enqueue_dma source(%dma_start3A_49 : memref<2048xi32, #tpu.memory_space<hbm>>) target(%dma_start3A_47 : memref<2048xi32, #tpu.memory_space<vmem>>) target_semaphore(%dma_start3A_44 : memref<!tpu.dma_semaphore, #tpu.memory_space<semaphore_mem>>)
    %scan3A = arith.constant 0 : i32
    %scan3A_50 = arith.constant 0 : i32
    %scan3A_51 = arith.constant 0 : i32
    %scan3A_52 = arith.constant 157 : i32
    %scan3A_53 = arith.addi %scan3A_51, %scan3A_52 : i32
    %scan3A_54 = arith.constant 1 : i32
    %scan3A_55:2 = scf.for %scan3A_92 = %scan3A_51 to %scan3A_53 step %scan3A_54 iter_args(%scan3A_93 = %scan3A, %scan3A_94 = %scan3A_50) -> (i32, i32)  : i32 {
      %jit3A_95 = arith.constant 2 : i32
      %eq3A_96 = arith.constant 0 : i32
      %eq3A_97 = arith.cmpi eq, %jit3A_95, %eq3A_96 : i32
      %jit3A_98 = arith.constant 1 : i32
      %select_n3A_99 = arith.select %eq3A_97, %jit3A_98, %jit3A_95 : i32
      %rem3A = arith.remsi %scan3A_92, %select_n3A_99 : i32
      %ne3A = arith.constant 0 : i32
      %ne3A_100 = arith.cmpi ne, %rem3A, %ne3A : i32
      %lt3A_101 = arith.constant 0 : i32
      %lt3A_102 = arith.cmpi slt, %rem3A, %lt3A_101 : i32
      %lt3A_103 = arith.constant 0 : i32
      %lt3A_104 = arith.cmpi slt, %select_n3A_99, %lt3A_103 : i32
      %ne3A_105 = arith.xori %lt3A_102, %lt3A_104 : i1
      %and3A_106 = arith.andi %ne3A_105, %ne3A_100 : i1
      %add3A_107 = arith.addi %rem3A, %select_n3A_99 : i32
      %select_n3A_108 = arith.select %and3A_106, %add3A_107, %rem3A : i32
      %dma_wait3A = arith.constant 0 : i32
      %dma_wait3A_109 = tpu.memref_slice %arg7[%select_n3A_108, %dma_wait3A] : memref<2x2048xi32, #tpu.memory_space<vmem>> -> memref<1x2048xi32, #tpu.memory_space<vmem>>
      %dma_wait3A_110 = tpu.memref_squeeze %dma_wait3A_109 : memref<1x2048xi32, #tpu.memory_space<vmem>> -> memref<2048xi32, #tpu.memory_space<vmem>>
      %dma_wait3A_111 = arith.constant 0 : i32
      %dma_wait3A_112 = tpu.memref_slice %arg4[%dma_wait3A_111] : memref<321536xi32, #tpu.memory_space<hbm>> -> memref<2048xi32, #tpu.memory_space<hbm>>
      %dma_wait3A_113 = tpu.memref_slice %arg17[%select_n3A_108] : memref<2x!tpu.dma_semaphore, #tpu.memory_space<semaphore_mem>> -> memref<1x!tpu.dma_semaphore, #tpu.memory_space<semaphore_mem>>
      %dma_wait3A_114 = tpu.memref_squeeze %dma_wait3A_113 : memref<1x!tpu.dma_semaphore, #tpu.memory_space<semaphore_mem>> -> memref<!tpu.dma_semaphore, #tpu.memory_space<semaphore_mem>>
      %dma_wait3A_115 = arith.constant 0 : i32
      %dma_wait3A_116 = tpu.memref_slice %arg7[%select_n3A_108, %dma_wait3A_115] : memref<2x2048xi32, #tpu.memory_space<vmem>> -> memref<1x2048xi32, #tpu.memory_space<vmem>>
      %dma_wait3A_117 = tpu.memref_squeeze %dma_wait3A_116 : memref<1x2048xi32, #tpu.memory_space<vmem>> -> memref<2048xi32, #tpu.memory_space<vmem>>
      %dma_wait3A_118 = arith.constant 0 : i32
      %dma_wait3A_119 = tpu.memref_slice %arg4[%dma_wait3A_118] : memref<321536xi32, #tpu.memory_space<hbm>> -> memref<2048xi32, #tpu.memory_space<hbm>>
      tpu.wait_dma2 semaphore(%dma_wait3A_114 : memref<!tpu.dma_semaphore, #tpu.memory_space<semaphore_mem>>) src(%dma_wait3A_119 : memref<2048xi32, #tpu.memory_space<hbm>>) dst(%dma_wait3A_117 : memref<2048xi32, #tpu.memory_space<vmem>>)
      %dma_wait3A_120 = arith.constant 0 : i32
      %dma_wait3A_121 = tpu.memref_slice %arg8[%select_n3A_108, %dma_wait3A_120] : memref<2x2048xi32, #tpu.memory_space<vmem>> -> memref<1x2048xi32, #tpu.memory_space<vmem>>
      %dma_wait3A_122 = tpu.memref_squeeze %dma_wait3A_121 : memref<1x2048xi32, #tpu.memory_space<vmem>> -> memref<2048xi32, #tpu.memory_space<vmem>>
      %dma_wait3A_123 = arith.constant 0 : i32
      %dma_wait3A_124 = tpu.memref_slice %arg3[%dma_wait3A_123] : memref<321536xi32, #tpu.memory_space<hbm>> -> memref<2048xi32, #tpu.memory_space<hbm>>
      %dma_wait3A_125 = tpu.memref_slice %arg17[%select_n3A_108] : memref<2x!tpu.dma_semaphore, #tpu.memory_space<semaphore_mem>> -> memref<1x!tpu.dma_semaphore, #tpu.memory_space<semaphore_mem>>
      %dma_wait3A_126 = tpu.memref_squeeze %dma_wait3A_125 : memref<1x!tpu.dma_semaphore, #tpu.memory_space<semaphore_mem>> -> memref<!tpu.dma_semaphore, #tpu.memory_space<semaphore_mem>>
      %dma_wait3A_127 = arith.constant 0 : i32
      %dma_wait3A_128 = tpu.memref_slice %arg8[%select_n3A_108, %dma_wait3A_127] : memref<2x2048xi32, #tpu.memory_space<vmem>> -> memref<1x2048xi32, #tpu.memory_space<vmem>>
      %dma_wait3A_129 = tpu.memref_squeeze %dma_wait3A_128 : memref<1x2048xi32, #tpu.memory_space<vmem>> -> memref<2048xi32, #tpu.memory_space<vmem>>
      %dma_wait3A_130 = arith.constant 0 : i32
      %dma_wait3A_131 = tpu.memref_slice %arg3[%dma_wait3A_130] : memref<321536xi32, #tpu.memory_space<hbm>> -> memref<2048xi32, #tpu.memory_space<hbm>>
      tpu.wait_dma2 semaphore(%dma_wait3A_126 : memref<!tpu.dma_semaphore, #tpu.memory_space<semaphore_mem>>) src(%dma_wait3A_131 : memref<2048xi32, #tpu.memory_space<hbm>>) dst(%dma_wait3A_129 : memref<2048xi32, #tpu.memory_space<vmem>>)
      %add3A_132 = arith.constant 1 : i32
      %add3A_133 = arith.addi %scan3A_92, %add3A_132 : i32
      %lt3A_134 = arith.constant 157 : i32
      %lt3A_135 = arith.cmpi slt, %add3A_133, %lt3A_134 : i32
      %convert_element_type3A_136 = arith.extui %lt3A_135 : i1 to i32
      %cond3A_137 = arith.constant 0 : i32
      %cond3A_138 = arith.cmpi ne, %convert_element_type3A_136, %cond3A_137 : i32
      scf.if %cond3A_138 {
        %add3A_257 = arith.constant 1 : i32
        %add3A_258 = arith.addi %scan3A_92, %add3A_257 : i32
        %jit3A_259 = arith.constant 2 : i32
        %eq3A_260 = arith.constant 0 : i32
        %eq3A_261 = arith.cmpi eq, %jit3A_259, %eq3A_260 : i32
        %jit3A_262 = arith.constant 1 : i32
        %select_n3A_263 = arith.select %eq3A_261, %jit3A_262, %jit3A_259 : i32
        %rem3A_264 = arith.remsi %add3A_258, %select_n3A_263 : i32
        %ne3A_265 = arith.constant 0 : i32
        %ne3A_266 = arith.cmpi ne, %rem3A_264, %ne3A_265 : i32
        %lt3A_267 = arith.constant 0 : i32
        %lt3A_268 = arith.cmpi slt, %rem3A_264, %lt3A_267 : i32
        %lt3A_269 = arith.constant 0 : i32
        %lt3A_270 = arith.cmpi slt, %select_n3A_263, %lt3A_269 : i32
        %ne3A_271 = arith.xori %lt3A_268, %lt3A_270 : i1
        %and3A_272 = arith.andi %ne3A_271, %ne3A_266 : i1
        %add3A_273 = arith.addi %rem3A_264, %select_n3A_263 : i32
        %select_n3A_274 = arith.select %and3A_272, %add3A_273, %rem3A_264 : i32
        %mul3A_275 = arith.constant 2048 : i32
        %mul3A_276 = arith.muli %add3A_258, %mul3A_275 : i32
        %dma_start3A_277 = arith.constant 0 : i32
        %dma_start3A_278 = tpu.memref_slice %arg7[%select_n3A_274, %dma_start3A_277] : memref<2x2048xi32, #tpu.memory_space<vmem>> -> memref<1x2048xi32, #tpu.memory_space<vmem>>
        %dma_start3A_279 = tpu.memref_squeeze %dma_start3A_278 : memref<1x2048xi32, #tpu.memory_space<vmem>> -> memref<2048xi32, #tpu.memory_space<vmem>>
        %dma_start3A_280 = tpu.memref_slice %arg4[%mul3A_276] : memref<321536xi32, #tpu.memory_space<hbm>> -> memref<2048xi32, #tpu.memory_space<hbm>>
        %dma_start3A_281 = tpu.memref_slice %arg17[%select_n3A_274] : memref<2x!tpu.dma_semaphore, #tpu.memory_space<semaphore_mem>> -> memref<1x!tpu.dma_semaphore, #tpu.memory_space<semaphore_mem>>
        %dma_start3A_282 = tpu.memref_squeeze %dma_start3A_281 : memref<1x!tpu.dma_semaphore, #tpu.memory_space<semaphore_mem>> -> memref<!tpu.dma_semaphore, #tpu.memory_space<semaphore_mem>>
        %dma_start3A_283 = arith.constant 0 : i32
        %dma_start3A_284 = tpu.memref_slice %arg7[%select_n3A_274, %dma_start3A_283] : memref<2x2048xi32, #tpu.memory_space<vmem>> -> memref<1x2048xi32, #tpu.memory_space<vmem>>
        %dma_start3A_285 = tpu.memref_squeeze %dma_start3A_284 : memref<1x2048xi32, #tpu.memory_space<vmem>> -> memref<2048xi32, #tpu.memory_space<vmem>>
        %dma_start3A_286 = tpu.memref_slice %arg4[%mul3A_276] : memref<321536xi32, #tpu.memory_space<hbm>> -> memref<2048xi32, #tpu.memory_space<hbm>>
        tpu.enqueue_dma source(%dma_start3A_286 : memref<2048xi32, #tpu.memory_space<hbm>>) target(%dma_start3A_285 : memref<2048xi32, #tpu.memory_space<vmem>>) target_semaphore(%dma_start3A_282 : memref<!tpu.dma_semaphore, #tpu.memory_space<semaphore_mem>>)
        %mul3A_287 = arith.constant 2048 : i32
        %mul3A_288 = arith.muli %add3A_258, %mul3A_287 : i32
        %dma_start3A_289 = arith.constant 0 : i32
        %dma_start3A_290 = tpu.memref_slice %arg8[%select_n3A_274, %dma_start3A_289] : memref<2x2048xi32, #tpu.memory_space<vmem>> -> memref<1x2048xi32, #tpu.memory_space<vmem>>
        %dma_start3A_291 = tpu.memref_squeeze %dma_start3A_290 : memref<1x2048xi32, #tpu.memory_space<vmem>> -> memref<2048xi32, #tpu.memory_space<vmem>>
        %dma_start3A_292 = tpu.memref_slice %arg3[%mul3A_288] : memref<321536xi32, #tpu.memory_space<hbm>> -> memref<2048xi32, #tpu.memory_space<hbm>>
        %dma_start3A_293 = tpu.memref_slice %arg17[%select_n3A_274] : memref<2x!tpu.dma_semaphore, #tpu.memory_space<semaphore_mem>> -> memref<1x!tpu.dma_semaphore, #tpu.memory_space<semaphore_mem>>
        %dma_start3A_294 = tpu.memref_squeeze %dma_start3A_293 : memref<1x!tpu.dma_semaphore, #tpu.memory_space<semaphore_mem>> -> memref<!tpu.dma_semaphore, #tpu.memory_space<semaphore_mem>>
        %dma_start3A_295 = arith.constant 0 : i32
        %dma_start3A_296 = tpu.memref_slice %arg8[%select_n3A_274, %dma_start3A_295] : memref<2x2048xi32, #tpu.memory_space<vmem>> -> memref<1x2048xi32, #tpu.memory_space<vmem>>
        %dma_start3A_297 = tpu.memref_squeeze %dma_start3A_296 : memref<1x2048xi32, #tpu.memory_space<vmem>> -> memref<2048xi32, #tpu.memory_space<vmem>>
        %dma_start3A_298 = tpu.memref_slice %arg3[%mul3A_288] : memref<321536xi32, #tpu.memory_space<hbm>> -> memref<2048xi32, #tpu.memory_space<hbm>>
        tpu.enqueue_dma source(%dma_start3A_298 : memref<2048xi32, #tpu.memory_space<hbm>>) target(%dma_start3A_297 : memref<2048xi32, #tpu.memory_space<vmem>>) target_semaphore(%dma_start3A_294 : memref<!tpu.dma_semaphore, #tpu.memory_space<semaphore_mem>>)
      } else {
      }
      %jit3A_139 = arith.constant 2 : i32
      %eq3A_140 = arith.constant 0 : i32
      %eq3A_141 = arith.cmpi eq, %jit3A_139, %eq3A_140 : i32
      %jit3A_142 = arith.constant 1 : i32
      %select_n3A_143 = arith.select %eq3A_141, %jit3A_142, %jit3A_139 : i32
      %rem3A_144 = arith.remsi %scan3A_92, %select_n3A_143 : i32
      %ne3A_145 = arith.constant 0 : i32
      %ne3A_146 = arith.cmpi ne, %rem3A_144, %ne3A_145 : i32
      %lt3A_147 = arith.constant 0 : i32
      %lt3A_148 = arith.cmpi slt, %rem3A_144, %lt3A_147 : i32
      %lt3A_149 = arith.constant 0 : i32
      %lt3A_150 = arith.cmpi slt, %select_n3A_143, %lt3A_149 : i32
      %ne3A_151 = arith.xori %lt3A_148, %lt3A_150 : i1
      %and3A_152 = arith.andi %ne3A_151, %ne3A_146 : i1
      %add3A_153 = arith.addi %rem3A_144, %select_n3A_143 : i32
      %select_n3A_154 = arith.select %and3A_152, %add3A_153, %rem3A_144 : i32
      %scan3A_155 = arith.constant 0 : i32
      %scan3A_156 = arith.constant 128 : i32
      %scan3A_157 = arith.addi %scan3A_155, %scan3A_156 : i32
      %scan3A_158 = arith.constant 4 : i32
      %scan3A_159 = scf.for %scan3A_257 = %scan3A_155 to %scan3A_157 step %scan3A_158 iter_args(%scan3A_258 = %scan3A_93) -> (i32)  : i32 {
        %mul3A_259 = arith.constant 16 : i32
        %mul3A_260 = arith.muli %scan3A_257, %mul3A_259 : i32
        %get3A_261 = arith.index_cast %select_n3A_154 : i32 to index
        %get3A_262 = arith.index_cast %mul3A_260 : i32 to index
        %get3A_263 = tpu.vector_load %arg7[%get3A_261, %get3A_262] {strides = array<i32>} : memref<2x2048xi32, #tpu.memory_space<vmem>>, vector<16xi32>,
        %mul3A_264 = arith.constant 16 : i32
        %mul3A_265 = arith.muli %scan3A_257, %mul3A_264 : i32
        %get3A_266 = arith.index_cast %select_n3A_154 : i32 to index
        %get3A_267 = arith.index_cast %mul3A_265 : i32 to index
        %get3A_268 = tpu.vector_load %arg8[%get3A_266, %get3A_267] {strides = array<i32>} : memref<2x2048xi32, #tpu.memory_space<vmem>>, vector<16xi32>,
        %ge3A_269 = arith.cmpi sge, %get3A_263, %broadcast_in_dim3A_15 : vector<16xi32>
        %ge3A_270 = arith.cmpi sge, %get3A_263, %broadcast_in_dim3A : vector<16xi32>
        %lt3A_271 = arith.cmpi slt, %get3A_263, %broadcast_in_dim3A_11 : vector<16xi32>
        %and3A_272 = arith.andi %ge3A_270, %lt3A_271 : vector<16xi1>
        %or3A = arith.ori %and3A_272, %ge3A_269 : vector<16xi1>
        %convert_element_type3A_273 = arith.extui %or3A : vector<16xi1> to vector<16xi32>
        %reduce_sum3A = arith.constant true
        %reduce_sum3A_274 = vector.broadcast %reduce_sum3A : i1 to vector<16xi1>
        %reduce_sum3A_275 = tpu.scan <sum>, %convert_element_type3A_273 masked %reduce_sum3A_274 : vector<16xi32>, vector<16xi1> -> vector<16xi32>
        %reduce_sum3A_276 = vector.extract %reduce_sum3A_275[15] : i32 from vector<16xi32>
        %sub3A_277 = arith.subi %get3A_263, %broadcast_in_dim3A_12 : vector<16xi32>
        %select_n3A_278 = arith.select %ge3A_269, %broadcast_in_dim3A_13, %sub3A_277 : vector<16xi1>, vector<16xi32>
        %swap3A_279 = arith.index_cast %scan3A_258 : i32 to index
        %swap3A_280 = tpu.vector_load %arg9[%swap3A_279] masked %or3A {strides = array<i32>} : memref<2304xi32, #tpu.memory_space<vmem>>, vector<16xi32>, vector<16xi1>
        tpu.vector_store %arg9[%swap3A_279], %select_n3A_278 masked %or3A {strides = array<i32>} : memref<2304xi32, #tpu.memory_space<vmem>>, vector<16xi32>, vector<16xi1>
        %swap3A_281 = arith.index_cast %scan3A_258 : i32 to index
        %swap3A_282 = tpu.vector_load %arg10[%swap3A_281] masked %or3A {strides = array<i32>} : memref<2304xi32, #tpu.memory_space<vmem>>, vector<16xi32>, vector<16xi1>
        tpu.vector_store %arg10[%swap3A_281], %get3A_268 masked %or3A {strides = array<i32>} : memref<2304xi32, #tpu.memory_space<vmem>>, vector<16xi32>, vector<16xi1>
        %add3A_283 = arith.addi %scan3A_258, %reduce_sum3A_276 : i32
        %scan3A_284 = arith.constant 1 : i32
        %scan3A_285 = arith.addi %scan3A_257, %scan3A_284 : i32
        %mul3A_286 = arith.constant 16 : i32
        %mul3A_287 = arith.muli %scan3A_285, %mul3A_286 : i32
        %get3A_288 = arith.index_cast %select_n3A_154 : i32 to index
        %get3A_289 = arith.index_cast %mul3A_287 : i32 to index
        %get3A_290 = tpu.vector_load %arg7[%get3A_288, %get3A_289] {strides = array<i32>} : memref<2x2048xi32, #tpu.memory_space<vmem>>, vector<16xi32>,
        %mul3A_291 = arith.constant 16 : i32
        %mul3A_292 = arith.muli %scan3A_285, %mul3A_291 : i32
        %get3A_293 = arith.index_cast %select_n3A_154 : i32 to index
        %get3A_294 = arith.index_cast %mul3A_292 : i32 to index
        %get3A_295 = tpu.vector_load %arg8[%get3A_293, %get3A_294] {strides = array<i32>} : memref<2x2048xi32, #tpu.memory_space<vmem>>, vector<16xi32>,
        %ge3A_296 = arith.cmpi sge, %get3A_290, %broadcast_in_dim3A_15 : vector<16xi32>
        %ge3A_297 = arith.cmpi sge, %get3A_290, %broadcast_in_dim3A : vector<16xi32>
        %lt3A_298 = arith.cmpi slt, %get3A_290, %broadcast_in_dim3A_11 : vector<16xi32>
        %and3A_299 = arith.andi %ge3A_297, %lt3A_298 : vector<16xi1>
        %or3A_300 = arith.ori %and3A_299, %ge3A_296 : vector<16xi1>
        %convert_element_type3A_301 = arith.extui %or3A_300 : vector<16xi1> to vector<16xi32>
        %reduce_sum3A_302 = arith.constant true
        %reduce_sum3A_303 = vector.broadcast %reduce_sum3A_302 : i1 to vector<16xi1>
        %reduce_sum3A_304 = tpu.scan <sum>, %convert_element_type3A_301 masked %reduce_sum3A_303 : vector<16xi32>, vector<16xi1> -> vector<16xi32>
        %reduce_sum3A_305 = vector.extract %reduce_sum3A_304[15] : i32 from vector<16xi32>
        %sub3A_306 = arith.subi %get3A_290, %broadcast_in_dim3A_12 : vector<16xi32>
        %select_n3A_307 = arith.select %ge3A_296, %broadcast_in_dim3A_13, %sub3A_306 : vector<16xi1>, vector<16xi32>
        %swap3A_308 = arith.index_cast %add3A_283 : i32 to index
        %swap3A_309 = tpu.vector_load %arg9[%swap3A_308] masked %or3A_300 {strides = array<i32>} : memref<2304xi32, #tpu.memory_space<vmem>>, vector<16xi32>, vector<16xi1>
        tpu.vector_store %arg9[%swap3A_308], %select_n3A_307 masked %or3A_300 {strides = array<i32>} : memref<2304xi32, #tpu.memory_space<vmem>>, vector<16xi32>, vector<16xi1>
        %swap3A_310 = arith.index_cast %add3A_283 : i32 to index
        %swap3A_311 = tpu.vector_load %arg10[%swap3A_310] masked %or3A_300 {strides = array<i32>} : memref<2304xi32, #tpu.memory_space<vmem>>, vector<16xi32>, vector<16xi1>
        tpu.vector_store %arg10[%swap3A_310], %get3A_295 masked %or3A_300 {strides = array<i32>} : memref<2304xi32, #tpu.memory_space<vmem>>, vector<16xi32>, vector<16xi1>
        %add3A_312 = arith.addi %add3A_283, %reduce_sum3A_305 : i32
        %scan3A_313 = arith.constant 2 : i32
        %scan3A_314 = arith.addi %scan3A_257, %scan3A_313 : i32
        %mul3A_315 = arith.constant 16 : i32
        %mul3A_316 = arith.muli %scan3A_314, %mul3A_315 : i32
        %get3A_317 = arith.index_cast %select_n3A_154 : i32 to index
        %get3A_318 = arith.index_cast %mul3A_316 : i32 to index
        %get3A_319 = tpu.vector_load %arg7[%get3A_317, %get3A_318] {strides = array<i32>} : memref<2x2048xi32, #tpu.memory_space<vmem>>, vector<16xi32>,
        %mul3A_320 = arith.constant 16 : i32
        %mul3A_321 = arith.muli %scan3A_314, %mul3A_320 : i32
        %get3A_322 = arith.index_cast %select_n3A_154 : i32 to index
        %get3A_323 = arith.index_cast %mul3A_321 : i32 to index
        %get3A_324 = tpu.vector_load %arg8[%get3A_322, %get3A_323] {strides = array<i32>} : memref<2x2048xi32, #tpu.memory_space<vmem>>, vector<16xi32>,
        %ge3A_325 = arith.cmpi sge, %get3A_319, %broadcast_in_dim3A_15 : vector<16xi32>
        %ge3A_326 = arith.cmpi sge, %get3A_319, %broadcast_in_dim3A : vector<16xi32>
        %lt3A_327 = arith.cmpi slt, %get3A_319, %broadcast_in_dim3A_11 : vector<16xi32>
        %and3A_328 = arith.andi %ge3A_326, %lt3A_327 : vector<16xi1>
        %or3A_329 = arith.ori %and3A_328, %ge3A_325 : vector<16xi1>
        %convert_element_type3A_330 = arith.extui %or3A_329 : vector<16xi1> to vector<16xi32>
        %reduce_sum3A_331 = arith.constant true
        %reduce_sum3A_332 = vector.broadcast %reduce_sum3A_331 : i1 to vector<16xi1>
        %reduce_sum3A_333 = tpu.scan <sum>, %convert_element_type3A_330 masked %reduce_sum3A_332 : vector<16xi32>, vector<16xi1> -> vector<16xi32>
        %reduce_sum3A_334 = vector.extract %reduce_sum3A_333[15] : i32 from vector<16xi32>
        %sub3A_335 = arith.subi %get3A_319, %broadcast_in_dim3A_12 : vector<16xi32>
        %select_n3A_336 = arith.select %ge3A_325, %broadcast_in_dim3A_13, %sub3A_335 : vector<16xi1>, vector<16xi32>
        %swap3A_337 = arith.index_cast %add3A_312 : i32 to index
        %swap3A_338 = tpu.vector_load %arg9[%swap3A_337] masked %or3A_329 {strides = array<i32>} : memref<2304xi32, #tpu.memory_space<vmem>>, vector<16xi32>, vector<16xi1>
        tpu.vector_store %arg9[%swap3A_337], %select_n3A_336 masked %or3A_329 {strides = array<i32>} : memref<2304xi32, #tpu.memory_space<vmem>>, vector<16xi32>, vector<16xi1>
        %swap3A_339 = arith.index_cast %add3A_312 : i32 to index
        %swap3A_340 = tpu.vector_load %arg10[%swap3A_339] masked %or3A_329 {strides = array<i32>} : memref<2304xi32, #tpu.memory_space<vmem>>, vector<16xi32>, vector<16xi1>
        tpu.vector_store %arg10[%swap3A_339], %get3A_324 masked %or3A_329 {strides = array<i32>} : memref<2304xi32, #tpu.memory_space<vmem>>, vector<16xi32>, vector<16xi1>
        %add3A_341 = arith.addi %add3A_312, %reduce_sum3A_334 : i32
        %scan3A_342 = arith.constant 3 : i32
        %scan3A_343 = arith.addi %scan3A_257, %scan3A_342 : i32
        %mul3A_344 = arith.constant 16 : i32
        %mul3A_345 = arith.muli %scan3A_343, %mul3A_344 : i32
        %get3A_346 = arith.index_cast %select_n3A_154 : i32 to index
        %get3A_347 = arith.index_cast %mul3A_345 : i32 to index
        %get3A_348 = tpu.vector_load %arg7[%get3A_346, %get3A_347] {strides = array<i32>} : memref<2x2048xi32, #tpu.memory_space<vmem>>, vector<16xi32>,
        %mul3A_349 = arith.constant 16 : i32
        %mul3A_350 = arith.muli %scan3A_343, %mul3A_349 : i32
        %get3A_351 = arith.index_cast %select_n3A_154 : i32 to index
        %get3A_352 = arith.index_cast %mul3A_350 : i32 to index
        %get3A_353 = tpu.vector_load %arg8[%get3A_351, %get3A_352] {strides = array<i32>} : memref<2x2048xi32, #tpu.memory_space<vmem>>, vector<16xi32>,
        %ge3A_354 = arith.cmpi sge, %get3A_348, %broadcast_in_dim3A_15 : vector<16xi32>
        %ge3A_355 = arith.cmpi sge, %get3A_348, %broadcast_in_dim3A : vector<16xi32>
        %lt3A_356 = arith.cmpi slt, %get3A_348, %broadcast_in_dim3A_11 : vector<16xi32>
        %and3A_357 = arith.andi %ge3A_355, %lt3A_356 : vector<16xi1>
        %or3A_358 = arith.ori %and3A_357, %ge3A_354 : vector<16xi1>
        %convert_element_type3A_359 = arith.extui %or3A_358 : vector<16xi1> to vector<16xi32>
        %reduce_sum3A_360 = arith.constant true
        %reduce_sum3A_361 = vector.broadcast %reduce_sum3A_360 : i1 to vector<16xi1>
        %reduce_sum3A_362 = tpu.scan <sum>, %convert_element_type3A_359 masked %reduce_sum3A_361 : vector<16xi32>, vector<16xi1> -> vector<16xi32>
        %reduce_sum3A_363 = vector.extract %reduce_sum3A_362[15] : i32 from vector<16xi32>
        %sub3A_364 = arith.subi %get3A_348, %broadcast_in_dim3A_12 : vector<16xi32>
        %select_n3A_365 = arith.select %ge3A_354, %broadcast_in_dim3A_13, %sub3A_364 : vector<16xi1>, vector<16xi32>
        %swap3A_366 = arith.index_cast %add3A_341 : i32 to index
        %swap3A_367 = tpu.vector_load %arg9[%swap3A_366] masked %or3A_358 {strides = array<i32>} : memref<2304xi32, #tpu.memory_space<vmem>>, vector<16xi32>, vector<16xi1>
        tpu.vector_store %arg9[%swap3A_366], %select_n3A_365 masked %or3A_358 {strides = array<i32>} : memref<2304xi32, #tpu.memory_space<vmem>>, vector<16xi32>, vector<16xi1>
        %swap3A_368 = arith.index_cast %add3A_341 : i32 to index
        %swap3A_369 = tpu.vector_load %arg10[%swap3A_368] masked %or3A_358 {strides = array<i32>} : memref<2304xi32, #tpu.memory_space<vmem>>, vector<16xi32>, vector<16xi1>
        tpu.vector_store %arg10[%swap3A_368], %get3A_353 masked %or3A_358 {strides = array<i32>} : memref<2304xi32, #tpu.memory_space<vmem>>, vector<16xi32>, vector<16xi1>
        %add3A_370 = arith.addi %add3A_341, %reduce_sum3A_363 : i32
        scf.yield %add3A_370 : i32
      }
      %scan3A_160 = arith.constant 128 : i32
      %while3A_161 = arith.constant 0 : i32
      %while3A_162:2 = scf.while (%while3A_257 = %while3A_161, %while3A_258 = %scan3A_94) : (i32, i32) -> (i32, i32) {
        %add3A_259 = arith.constant 128 : i32
        %add3A_260 = arith.addi %while3A_257, %add3A_259 : i32
        %le3A = arith.cmpi sle, %add3A_260, %scan3A_159 : i32
        scf.condition(%le3A) %while3A_257, %while3A_258 : i32, i32
      } do {
      ^bb0(%while3A_257: i32, %while3A_258: i32):
        %jit3A_259 = arith.constant 4 : i32
        %eq3A_260 = arith.constant 0 : i32
        %eq3A_261 = arith.cmpi eq, %jit3A_259, %eq3A_260 : i32
        %jit3A_262 = arith.constant 1 : i32
        %select_n3A_263 = arith.select %eq3A_261, %jit3A_262, %jit3A_259 : i32
        %rem3A_264 = arith.remsi %while3A_258, %select_n3A_263 : i32
        %ne3A_265 = arith.constant 0 : i32
        %ne3A_266 = arith.cmpi ne, %rem3A_264, %ne3A_265 : i32
        %lt3A_267 = arith.constant 0 : i32
        %lt3A_268 = arith.cmpi slt, %rem3A_264, %lt3A_267 : i32
        %lt3A_269 = arith.constant 0 : i32
        %lt3A_270 = arith.cmpi slt, %select_n3A_263, %lt3A_269 : i32
        %ne3A_271 = arith.xori %lt3A_268, %lt3A_270 : i1
        %and3A_272 = arith.andi %ne3A_271, %ne3A_266 : i1
        %add3A_273 = arith.addi %rem3A_264, %select_n3A_263 : i32
        %select_n3A_274 = arith.select %and3A_272, %add3A_273, %rem3A_264 : i32
        %ge3A_275 = arith.constant 4 : i32
        %ge3A_276 = arith.cmpi sge, %while3A_258, %ge3A_275 : i32
        %convert_element_type3A_277 = arith.extui %ge3A_276 : i1 to i32
        %cond3A_278 = arith.constant 0 : i32
        %cond3A_279 = arith.cmpi ne, %convert_element_type3A_277, %cond3A_278 : i32
        scf.if %cond3A_279 {
          %dma_wait3A_413 = arith.constant 0 : i32
          %dma_wait3A_414 = arith.constant 0 : i32
          %dma_wait3A_415 = arith.constant 0 : i32
          %dma_wait3A_416 = tpu.memref_slice %arg13[%dma_wait3A_413, %dma_wait3A_414, %dma_wait3A_415] : memref<4x128x128xf32, #tpu.memory_space<vmem>> -> memref<1x128x128xf32, #tpu.memory_space<vmem>>
          %dma_wait3A_417 = tpu.memref_squeeze %dma_wait3A_416 : memref<1x128x128xf32, #tpu.memory_space<vmem>> -> memref<128x128xf32, #tpu.memory_space<vmem>>
          %dma_wait3A_418 = arith.constant 0 : i32
          %dma_wait3A_419 = arith.constant 0 : i32
          %dma_wait3A_420 = tpu.memref_slice %arg2[%dma_wait3A_418, %dma_wait3A_419] : memref<10000x128xf32, #tpu.memory_space<hbm>> -> memref<128x128xf32, #tpu.memory_space<hbm>>
          %dma_wait3A_421 = arith.constant 0 : i32
          %dma_wait3A_422 = arith.constant 0 : i32
          %dma_wait3A_423 = tpu.memref_slice %arg13[%dma_wait3A_413, %dma_wait3A_421, %dma_wait3A_422] : memref<4x128x128xf32, #tpu.memory_space<vmem>> -> memref<1x128x128xf32, #tpu.memory_space<vmem>>
          %dma_wait3A_424 = tpu.memref_squeeze %dma_wait3A_423 : memref<1x128x128xf32, #tpu.memory_space<vmem>> -> memref<128x128xf32, #tpu.memory_space<vmem>>
          %dma_wait3A_425 = arith.constant 0 : i32
          %dma_wait3A_426 = arith.constant 0 : i32
          %dma_wait3A_427 = tpu.memref_slice %arg2[%dma_wait3A_425, %dma_wait3A_426] : memref<10000x128xf32, #tpu.memory_space<hbm>> -> memref<128x128xf32, #tpu.memory_space<hbm>>
          tpu.wait_dma2 semaphore(%arg16 : memref<!tpu.dma_semaphore, #tpu.memory_space<semaphore_mem>>) src(%dma_wait3A_427 : memref<128x128xf32, #tpu.memory_space<hbm>>) dst(%dma_wait3A_424 : memref<128x128xf32, #tpu.memory_space<vmem>>)
        } else {
        }
        %add3A_280 = arith.constant 0 : i32
        %add3A_281 = arith.addi %while3A_257, %add3A_280 : i32
        %get3A_282 = arith.index_cast %add3A_281 : i32 to index
        %get3A_283 = tpu.vector_load %arg9[%get3A_282] {strides = array<i32>} : memref<2304xi32, #tpu.memory_space<vmem>>, vector<16xi32>,
        %swap3A_284 = arith.index_cast %select_n3A_274 : i32 to index
        %swap3A_285 = arith.constant 0 : index
        %swap3A_286 = tpu.vector_load %arg11[%swap3A_284, %swap3A_285] {strides = array<i32>} : memref<4x128xi32, #tpu.memory_space<vmem>>, vector<16xi32>,
        tpu.vector_store %arg11[%swap3A_284, %swap3A_285], %get3A_283 {strides = array<i32>} : memref<4x128xi32, #tpu.memory_space<vmem>>, vector<16xi32>,
        %add3A_287 = arith.constant 0 : i32
        %add3A_288 = arith.addi %while3A_257, %add3A_287 : i32
        %get3A_289 = arith.index_cast %add3A_288 : i32 to index
        %get3A_290 = tpu.vector_load %arg10[%get3A_289] {strides = array<i32>} : memref<2304xi32, #tpu.memory_space<vmem>>, vector<16xi32>,
        %swap3A_291 = arith.index_cast %select_n3A_274 : i32 to index
        %swap3A_292 = arith.constant 0 : index
        %swap3A_293 = tpu.vector_load %arg12[%swap3A_291, %swap3A_292] {strides = array<i32>} : memref<4x128xi32, #tpu.memory_space<vmem>>, vector<16xi32>,
        tpu.vector_store %arg12[%swap3A_291, %swap3A_292], %get3A_290 {strides = array<i32>} : memref<4x128xi32, #tpu.memory_space<vmem>>, vector<16xi32>,
        %add3A_294 = arith.constant 16 : i32
        %add3A_295 = arith.addi %while3A_257, %add3A_294 : i32
        %get3A_296 = arith.index_cast %add3A_295 : i32 to index
        %get3A_297 = tpu.vector_load %arg9[%get3A_296] {strides = array<i32>} : memref<2304xi32, #tpu.memory_space<vmem>>, vector<16xi32>,
        %swap3A_298 = arith.index_cast %select_n3A_274 : i32 to index
        %swap3A_299 = arith.constant 16 : index
        %swap3A_300 = tpu.vector_load %arg11[%swap3A_298, %swap3A_299] {strides = array<i32>} : memref<4x128xi32, #tpu.memory_space<vmem>>, vector<16xi32>,
        tpu.vector_store %arg11[%swap3A_298, %swap3A_299], %get3A_297 {strides = array<i32>} : memref<4x128xi32, #tpu.memory_space<vmem>>, vector<16xi32>,
        %add3A_301 = arith.constant 16 : i32
        %add3A_302 = arith.addi %while3A_257, %add3A_301 : i32
        %get3A_303 = arith.index_cast %add3A_302 : i32 to index
        %get3A_304 = tpu.vector_load %arg10[%get3A_303] {strides = array<i32>} : memref<2304xi32, #tpu.memory_space<vmem>>, vector<16xi32>,
        %swap3A_305 = arith.index_cast %select_n3A_274 : i32 to index
        %swap3A_306 = arith.constant 16 : index
        %swap3A_307 = tpu.vector_load %arg12[%swap3A_305, %swap3A_306] {strides = array<i32>} : memref<4x128xi32, #tpu.memory_space<vmem>>, vector<16xi32>,
        tpu.vector_store %arg12[%swap3A_305, %swap3A_306], %get3A_304 {strides = array<i32>} : memref<4x128xi32, #tpu.memory_space<vmem>>, vector<16xi32>,
        %add3A_308 = arith.constant 32 : i32
        %add3A_309 = arith.addi %while3A_257, %add3A_308 : i32
        %get3A_310 = arith.index_cast %add3A_309 : i32 to index
        %get3A_311 = tpu.vector_load %arg9[%get3A_310] {strides = array<i32>} : memref<2304xi32, #tpu.memory_space<vmem>>, vector<16xi32>,
        %swap3A_312 = arith.index_cast %select_n3A_274 : i32 to index
        %swap3A_313 = arith.constant 32 : index
        %swap3A_314 = tpu.vector_load %arg11[%swap3A_312, %swap3A_313] {strides = array<i32>} : memref<4x128xi32, #tpu.memory_space<vmem>>, vector<16xi32>,
        tpu.vector_store %arg11[%swap3A_312, %swap3A_313], %get3A_311 {strides = array<i32>} : memref<4x128xi32, #tpu.memory_space<vmem>>, vector<16xi32>,
        %add3A_315 = arith.constant 32 : i32
        %add3A_316 = arith.addi %while3A_257, %add3A_315 : i32
        %get3A_317 = arith.index_cast %add3A_316 : i32 to index
        %get3A_318 = tpu.vector_load %arg10[%get3A_317] {strides = array<i32>} : memref<2304xi32, #tpu.memory_space<vmem>>, vector<16xi32>,
        %swap3A_319 = arith.index_cast %select_n3A_274 : i32 to index
        %swap3A_320 = arith.constant 32 : index
        %swap3A_321 = tpu.vector_load %arg12[%swap3A_319, %swap3A_320] {strides = array<i32>} : memref<4x128xi32, #tpu.memory_space<vmem>>, vector<16xi32>,
        tpu.vector_store %arg12[%swap3A_319, %swap3A_320], %get3A_318 {strides = array<i32>} : memref<4x128xi32, #tpu.memory_space<vmem>>, vector<16xi32>,
        %add3A_322 = arith.constant 48 : i32
        %add3A_323 = arith.addi %while3A_257, %add3A_322 : i32
        %get3A_324 = arith.index_cast %add3A_323 : i32 to index
        %get3A_325 = tpu.vector_load %arg9[%get3A_324] {strides = array<i32>} : memref<2304xi32, #tpu.memory_space<vmem>>, vector<16xi32>,
        %swap3A_326 = arith.index_cast %select_n3A_274 : i32 to index
        %swap3A_327 = arith.constant 48 : index
        %swap3A_328 = tpu.vector_load %arg11[%swap3A_326, %swap3A_327] {strides = array<i32>} : memref<4x128xi32, #tpu.memory_space<vmem>>, vector<16xi32>,
        tpu.vector_store %arg11[%swap3A_326, %swap3A_327], %get3A_325 {strides = array<i32>} : memref<4x128xi32, #tpu.memory_space<vmem>>, vector<16xi32>,
        %add3A_329 = arith.constant 48 : i32
        %add3A_330 = arith.addi %while3A_257, %add3A_329 : i32
        %get3A_331 = arith.index_cast %add3A_330 : i32 to index
        %get3A_332 = tpu.vector_load %arg10[%get3A_331] {strides = array<i32>} : memref<2304xi32, #tpu.memory_space<vmem>>, vector<16xi32>,
        %swap3A_333 = arith.index_cast %select_n3A_274 : i32 to index
        %swap3A_334 = arith.constant 48 : index
        %swap3A_335 = tpu.vector_load %arg12[%swap3A_333, %swap3A_334] {strides = array<i32>} : memref<4x128xi32, #tpu.memory_space<vmem>>, vector<16xi32>,
        tpu.vector_store %arg12[%swap3A_333, %swap3A_334], %get3A_332 {strides = array<i32>} : memref<4x128xi32, #tpu.memory_space<vmem>>, vector<16xi32>,
        %add3A_336 = arith.constant 64 : i32
        %add3A_337 = arith.addi %while3A_257, %add3A_336 : i32
        %get3A_338 = arith.index_cast %add3A_337 : i32 to index
        %get3A_339 = tpu.vector_load %arg9[%get3A_338] {strides = array<i32>} : memref<2304xi32, #tpu.memory_space<vmem>>, vector<16xi32>,
        %swap3A_340 = arith.index_cast %select_n3A_274 : i32 to index
        %swap3A_341 = arith.constant 64 : index
        %swap3A_342 = tpu.vector_load %arg11[%swap3A_340, %swap3A_341] {strides = array<i32>} : memref<4x128xi32, #tpu.memory_space<vmem>>, vector<16xi32>,
        tpu.vector_store %arg11[%swap3A_340, %swap3A_341], %get3A_339 {strides = array<i32>} : memref<4x128xi32, #tpu.memory_space<vmem>>, vector<16xi32>,
        %add3A_343 = arith.constant 64 : i32
        %add3A_344 = arith.addi %while3A_257, %add3A_343 : i32
        %get3A_345 = arith.index_cast %add3A_344 : i32 to index
        %get3A_346 = tpu.vector_load %arg10[%get3A_345] {strides = array<i32>} : memref<2304xi32, #tpu.memory_space<vmem>>, vector<16xi32>,
        %swap3A_347 = arith.index_cast %select_n3A_274 : i32 to index
        %swap3A_348 = arith.constant 64 : index
        %swap3A_349 = tpu.vector_load %arg12[%swap3A_347, %swap3A_348] {strides = array<i32>} : memref<4x128xi32, #tpu.memory_space<vmem>>, vector<16xi32>,
        tpu.vector_store %arg12[%swap3A_347, %swap3A_348], %get3A_346 {strides = array<i32>} : memref<4x128xi32, #tpu.memory_space<vmem>>, vector<16xi32>,
        %add3A_350 = arith.constant 80 : i32
        %add3A_351 = arith.addi %while3A_257, %add3A_350 : i32
        %get3A_352 = arith.index_cast %add3A_351 : i32 to index
        %get3A_353 = tpu.vector_load %arg9[%get3A_352] {strides = array<i32>} : memref<2304xi32, #tpu.memory_space<vmem>>, vector<16xi32>,
        %swap3A_354 = arith.index_cast %select_n3A_274 : i32 to index
        %swap3A_355 = arith.constant 80 : index
        %swap3A_356 = tpu.vector_load %arg11[%swap3A_354, %swap3A_355] {strides = array<i32>} : memref<4x128xi32, #tpu.memory_space<vmem>>, vector<16xi32>,
        tpu.vector_store %arg11[%swap3A_354, %swap3A_355], %get3A_353 {strides = array<i32>} : memref<4x128xi32, #tpu.memory_space<vmem>>, vector<16xi32>,
        %add3A_357 = arith.constant 80 : i32
        %add3A_358 = arith.addi %while3A_257, %add3A_357 : i32
        %get3A_359 = arith.index_cast %add3A_358 : i32 to index
        %get3A_360 = tpu.vector_load %arg10[%get3A_359] {strides = array<i32>} : memref<2304xi32, #tpu.memory_space<vmem>>, vector<16xi32>,
        %swap3A_361 = arith.index_cast %select_n3A_274 : i32 to index
        %swap3A_362 = arith.constant 80 : index
        %swap3A_363 = tpu.vector_load %arg12[%swap3A_361, %swap3A_362] {strides = array<i32>} : memref<4x128xi32, #tpu.memory_space<vmem>>, vector<16xi32>,
        tpu.vector_store %arg12[%swap3A_361, %swap3A_362], %get3A_360 {strides = array<i32>} : memref<4x128xi32, #tpu.memory_space<vmem>>, vector<16xi32>,
        %add3A_364 = arith.constant 96 : i32
        %add3A_365 = arith.addi %while3A_257, %add3A_364 : i32
        %get3A_366 = arith.index_cast %add3A_365 : i32 to index
        %get3A_367 = tpu.vector_load %arg9[%get3A_366] {strides = array<i32>} : memref<2304xi32, #tpu.memory_space<vmem>>, vector<16xi32>,
        %swap3A_368 = arith.index_cast %select_n3A_274 : i32 to index
        %swap3A_369 = arith.constant 96 : index
        %swap3A_370 = tpu.vector_load %arg11[%swap3A_368, %swap3A_369] {strides = array<i32>} : memref<4x128xi32, #tpu.memory_space<vmem>>, vector<16xi32>,
        tpu.vector_store %arg11[%swap3A_368, %swap3A_369], %get3A_367 {strides = array<i32>} : memref<4x128xi32, #tpu.memory_space<vmem>>, vector<16xi32>,
        %add3A_371 = arith.constant 96 : i32
        %add3A_372 = arith.addi %while3A_257, %add3A_371 : i32
        %get3A_373 = arith.index_cast %add3A_372 : i32 to index
        %get3A_374 = tpu.vector_load %arg10[%get3A_373] {strides = array<i32>} : memref<2304xi32, #tpu.memory_space<vmem>>, vector<16xi32>,
        %swap3A_375 = arith.index_cast %select_n3A_274 : i32 to index
        %swap3A_376 = arith.constant 96 : index
        %swap3A_377 = tpu.vector_load %arg12[%swap3A_375, %swap3A_376] {strides = array<i32>} : memref<4x128xi32, #tpu.memory_space<vmem>>, vector<16xi32>,
        tpu.vector_store %arg12[%swap3A_375, %swap3A_376], %get3A_374 {strides = array<i32>} : memref<4x128xi32, #tpu.memory_space<vmem>>, vector<16xi32>,
        %add3A_378 = arith.constant 112 : i32
        %add3A_379 = arith.addi %while3A_257, %add3A_378 : i32
        %get3A_380 = arith.index_cast %add3A_379 : i32 to index
        %get3A_381 = tpu.vector_load %arg9[%get3A_380] {strides = array<i32>} : memref<2304xi32, #tpu.memory_space<vmem>>, vector<16xi32>,
        %swap3A_382 = arith.index_cast %select_n3A_274 : i32 to index
        %swap3A_383 = arith.constant 112 : index
        %swap3A_384 = tpu.vector_load %arg11[%swap3A_382, %swap3A_383] {strides = array<i32>} : memref<4x128xi32, #tpu.memory_space<vmem>>, vector<16xi32>,
        tpu.vector_store %arg11[%swap3A_382, %swap3A_383], %get3A_381 {strides = array<i32>} : memref<4x128xi32, #tpu.memory_space<vmem>>, vector<16xi32>,
        %add3A_385 = arith.constant 112 : i32
        %add3A_386 = arith.addi %while3A_257, %add3A_385 : i32
        %get3A_387 = arith.index_cast %add3A_386 : i32 to index
        %get3A_388 = tpu.vector_load %arg10[%get3A_387] {strides = array<i32>} : memref<2304xi32, #tpu.memory_space<vmem>>, vector<16xi32>,
        %swap3A_389 = arith.index_cast %select_n3A_274 : i32 to index
        %swap3A_390 = arith.constant 112 : index
        %swap3A_391 = tpu.vector_load %arg12[%swap3A_389, %swap3A_390] {strides = array<i32>} : memref<4x128xi32, #tpu.memory_space<vmem>>, vector<16xi32>,
        tpu.vector_store %arg12[%swap3A_389, %swap3A_390], %get3A_388 {strides = array<i32>} : memref<4x128xi32, #tpu.memory_space<vmem>>, vector<16xi32>,
        %dma_start3A_392 = arith.constant 0 : i32
        %dma_start3A_393 = arith.constant 0 : i32
        %dma_start3A_394 = tpu.memref_slice %arg13[%select_n3A_274, %dma_start3A_392, %dma_start3A_393] : memref<4x128x128xf32, #tpu.memory_space<vmem>> -> memref<1x128x128xf32, #tpu.memory_space<vmem>>
        %dma_start3A_395 = tpu.memref_squeeze %dma_start3A_394 : memref<1x128x128xf32, #tpu.memory_space<vmem>> -> memref<128x128xf32, #tpu.memory_space<vmem>>
        %dma_start3A_396 = arith.constant 0 : i32
        %dma_start3A_397 = tpu.memref_slice %arg12[%select_n3A_274, %dma_start3A_396] : memref<4x128xi32, #tpu.memory_space<vmem>> -> memref<1x128xi32, #tpu.memory_space<vmem>>
        %dma_start3A_398 = tpu.memref_squeeze %dma_start3A_397 : memref<1x128xi32, #tpu.memory_space<vmem>> -> memref<128xi32, #tpu.memory_space<vmem>>
        %dma_start3A_399 = arith.constant 0 : i32
        %dma_start3A_400 = arith.constant 0 : i32
        %dma_start3A_401 = tpu.memref_slice %arg2[%dma_start3A_399, %dma_start3A_400] : memref<10000x128xf32, #tpu.memory_space<hbm>> -> memref<10000x128xf32, #tpu.memory_space<hbm>>
        %dma_start3A_402 = tpu.memref_slice %arg15[%select_n3A_274] : memref<4x!tpu.dma_semaphore, #tpu.memory_space<semaphore_mem>> -> memref<1x!tpu.dma_semaphore, #tpu.memory_space<semaphore_mem>>
        %dma_start3A_403 = tpu.memref_squeeze %dma_start3A_402 : memref<1x!tpu.dma_semaphore, #tpu.memory_space<semaphore_mem>> -> memref<!tpu.dma_semaphore, #tpu.memory_space<semaphore_mem>>
        tpu.enqueue_indirect_dma source(%dma_start3A_401 : memref<10000x128xf32, #tpu.memory_space<hbm>>) target(%dma_start3A_395 : memref<128x128xf32, #tpu.memory_space<vmem>>) offsets(%dma_start3A_398 : memref<128xi32, #tpu.memory_space<vmem>>) semaphore(%dma_start3A_403 : memref<!tpu.dma_semaphore, #tpu.memory_space<semaphore_mem>>)
        %ge3A_404 = arith.constant 1 : i32
        %ge3A_405 = arith.cmpi sge, %while3A_258, %ge3A_404 : i32
        %convert_element_type3A_406 = arith.extui %ge3A_405 : i1 to i32
        %cond3A_407 = arith.constant 0 : i32
        %cond3A_408 = arith.cmpi ne, %convert_element_type3A_406, %cond3A_407 : i32
        scf.if %cond3A_408 {
          %sub3A_413 = arith.constant 1 : i32
          %sub3A_414 = arith.subi %while3A_258, %sub3A_413 : i32
          %jit3A_415 = arith.constant 4 : i32
          %eq3A_416 = arith.constant 0 : i32
          %eq3A_417 = arith.cmpi eq, %jit3A_415, %eq3A_416 : i32
          %jit3A_418 = arith.constant 1 : i32
          %select_n3A_419 = arith.select %eq3A_417, %jit3A_418, %jit3A_415 : i32
          %rem3A_420 = arith.remsi %sub3A_414, %select_n3A_419 : i32
          %ne3A_421 = arith.constant 0 : i32
          %ne3A_422 = arith.cmpi ne, %rem3A_420, %ne3A_421 : i32
          %lt3A_423 = arith.constant 0 : i32
          %lt3A_424 = arith.cmpi slt, %rem3A_420, %lt3A_423 : i32
          %lt3A_425 = arith.constant 0 : i32
          %lt3A_426 = arith.cmpi slt, %select_n3A_419, %lt3A_425 : i32
          %ne3A_427 = arith.xori %lt3A_424, %lt3A_426 : i1
          %and3A_428 = arith.andi %ne3A_427, %ne3A_422 : i1
          %add3A_429 = arith.addi %rem3A_420, %select_n3A_419 : i32
          %select_n3A_430 = arith.select %and3A_428, %add3A_429, %rem3A_420 : i32
          %dma_wait3A_431 = arith.constant 0 : i32
          %dma_wait3A_432 = arith.constant 0 : i32
          %dma_wait3A_433 = tpu.memref_slice %arg13[%select_n3A_430, %dma_wait3A_431, %dma_wait3A_432] : memref<4x128x128xf32, #tpu.memory_space<vmem>> -> memref<1x128x128xf32, #tpu.memory_space<vmem>>
          %dma_wait3A_434 = tpu.memref_squeeze %dma_wait3A_433 : memref<1x128x128xf32, #tpu.memory_space<vmem>> -> memref<128x128xf32, #tpu.memory_space<vmem>>
          %dma_wait3A_435 = arith.constant 0 : i32
          %dma_wait3A_436 = arith.constant 0 : i32
          %dma_wait3A_437 = tpu.memref_slice %arg2[%dma_wait3A_435, %dma_wait3A_436] : memref<10000x128xf32, #tpu.memory_space<hbm>> -> memref<128x128xf32, #tpu.memory_space<hbm>>
          %dma_wait3A_438 = tpu.memref_slice %arg15[%select_n3A_430] : memref<4x!tpu.dma_semaphore, #tpu.memory_space<semaphore_mem>> -> memref<1x!tpu.dma_semaphore, #tpu.memory_space<semaphore_mem>>
          %dma_wait3A_439 = tpu.memref_squeeze %dma_wait3A_438 : memref<1x!tpu.dma_semaphore, #tpu.memory_space<semaphore_mem>> -> memref<!tpu.dma_semaphore, #tpu.memory_space<semaphore_mem>>
          %dma_wait3A_440 = arith.constant 0 : i32
          %dma_wait3A_441 = arith.constant 0 : i32
          %dma_wait3A_442 = tpu.memref_slice %arg13[%select_n3A_430, %dma_wait3A_440, %dma_wait3A_441] : memref<4x128x128xf32, #tpu.memory_space<vmem>> -> memref<1x128x128xf32, #tpu.memory_space<vmem>>
          %dma_wait3A_443 = tpu.memref_squeeze %dma_wait3A_442 : memref<1x128x128xf32, #tpu.memory_space<vmem>> -> memref<128x128xf32, #tpu.memory_space<vmem>>
          %dma_wait3A_444 = arith.constant 0 : i32
          %dma_wait3A_445 = arith.constant 0 : i32
          %dma_wait3A_446 = tpu.memref_slice %arg2[%dma_wait3A_444, %dma_wait3A_445] : memref<10000x128xf32, #tpu.memory_space<hbm>> -> memref<128x128xf32, #tpu.memory_space<hbm>>
          tpu.wait_dma2 semaphore(%dma_wait3A_439 : memref<!tpu.dma_semaphore, #tpu.memory_space<semaphore_mem>>) src(%dma_wait3A_446 : memref<128x128xf32, #tpu.memory_space<hbm>>) dst(%dma_wait3A_443 : memref<128x128xf32, #tpu.memory_space<vmem>>)
          %dma_start3A_447 = arith.constant 0 : i32
          %dma_start3A_448 = arith.constant 0 : i32
          %dma_start3A_449 = tpu.memref_slice %arg13[%select_n3A_430, %dma_start3A_447, %dma_start3A_448] : memref<4x128x128xf32, #tpu.memory_space<vmem>> -> memref<1x128x128xf32, #tpu.memory_space<vmem>>
          %dma_start3A_450 = tpu.memref_squeeze %dma_start3A_449 : memref<1x128x128xf32, #tpu.memory_space<vmem>> -> memref<128x128xf32, #tpu.memory_space<vmem>>
          %dma_start3A_451 = arith.constant 0 : i32
          %dma_start3A_452 = tpu.memref_slice %arg11[%select_n3A_430, %dma_start3A_451] : memref<4x128xi32, #tpu.memory_space<vmem>> -> memref<1x128xi32, #tpu.memory_space<vmem>>
          %dma_start3A_453 = tpu.memref_squeeze %dma_start3A_452 : memref<1x128xi32, #tpu.memory_space<vmem>> -> memref<128xi32, #tpu.memory_space<vmem>>
          %dma_start3A_454 = arith.constant 0 : i32
          %dma_start3A_455 = arith.constant 0 : i32
          %dma_start3A_456 = tpu.memref_slice %arg14[%dma_start3A_454, %dma_start3A_455] : memref<5024x128xf32, #tpu.memory_space<vmem_shared>> -> memref<5024x128xf32, #tpu.memory_space<vmem_shared>>
          tpu.enqueue_indirect_dma source(%dma_start3A_450 : memref<128x128xf32, #tpu.memory_space<vmem>>) target(%dma_start3A_456 : memref<5024x128xf32, #tpu.memory_space<vmem_shared>>) offsets(%dma_start3A_453 : memref<128xi32, #tpu.memory_space<vmem>>) semaphore(%arg16 : memref<!tpu.dma_semaphore, #tpu.memory_space<semaphore_mem>>) {add = true}
        } else {
        }
        %add3A_409 = arith.constant 128 : i32
        %add3A_410 = arith.addi %while3A_257, %add3A_409 : i32
        %add3A_411 = arith.constant 1 : i32
        %add3A_412 = arith.addi %while3A_258, %add3A_411 : i32
        scf.yield %add3A_410, %add3A_412 : i32, i32
      }
      %add3A_163 = arith.constant 0 : i32
      %add3A_164 = arith.addi %while3A_162#0, %add3A_163 : i32
      %get3A = arith.index_cast %add3A_164 : i32 to index
      %get3A_165 = tpu.vector_load %arg9[%get3A] {strides = array<i32>} : memref<2304xi32, #tpu.memory_space<vmem>>, vector<16xi32>,
      %add3A_166 = arith.constant 0 : i32
      %add3A_167 = arith.addi %while3A_162#0, %add3A_166 : i32
      %get3A_168 = arith.index_cast %add3A_167 : i32 to index
      %get3A_169 = tpu.vector_load %arg10[%get3A_168] {strides = array<i32>} : memref<2304xi32, #tpu.memory_space<vmem>>, vector<16xi32>,
      %swap3A = arith.constant 0 : index
      %swap3A_170 = tpu.vector_load %arg9[%swap3A] {strides = array<i32>} : memref<2304xi32, #tpu.memory_space<vmem>>, vector<16xi32>,
      tpu.vector_store %arg9[%swap3A], %get3A_165 {strides = array<i32>} : memref<2304xi32, #tpu.memory_space<vmem>>, vector<16xi32>,
      %swap3A_171 = arith.constant 0 : index
      %swap3A_172 = tpu.vector_load %arg10[%swap3A_171] {strides = array<i32>} : memref<2304xi32, #tpu.memory_space<vmem>>, vector<16xi32>,
      tpu.vector_store %arg10[%swap3A_171], %get3A_169 {strides = array<i32>} : memref<2304xi32, #tpu.memory_space<vmem>>, vector<16xi32>,
      %add3A_173 = arith.constant 16 : i32
      %add3A_174 = arith.addi %while3A_162#0, %add3A_173 : i32
      %get3A_175 = arith.index_cast %add3A_174 : i32 to index
      %get3A_176 = tpu.vector_load %arg9[%get3A_175] {strides = array<i32>} : memref<2304xi32, #tpu.memory_space<vmem>>, vector<16xi32>,
      %add3A_177 = arith.constant 16 : i32
      %add3A_178 = arith.addi %while3A_162#0, %add3A_177 : i32
      %get3A_179 = arith.index_cast %add3A_178 : i32 to index
      %get3A_180 = tpu.vector_load %arg10[%get3A_179] {strides = array<i32>} : memref<2304xi32, #tpu.memory_space<vmem>>, vector<16xi32>,
      %swap3A_181 = arith.constant 16 : index
      %swap3A_182 = tpu.vector_load %arg9[%swap3A_181] {strides = array<i32>} : memref<2304xi32, #tpu.memory_space<vmem>>, vector<16xi32>,
      tpu.vector_store %arg9[%swap3A_181], %get3A_176 {strides = array<i32>} : memref<2304xi32, #tpu.memory_space<vmem>>, vector<16xi32>,
      %swap3A_183 = arith.constant 16 : index
      %swap3A_184 = tpu.vector_load %arg10[%swap3A_183] {strides = array<i32>} : memref<2304xi32, #tpu.memory_space<vmem>>, vector<16xi32>,
      tpu.vector_store %arg10[%swap3A_183], %get3A_180 {strides = array<i32>} : memref<2304xi32, #tpu.memory_space<vmem>>, vector<16xi32>,
      %add3A_185 = arith.constant 32 : i32
      %add3A_186 = arith.addi %while3A_162#0, %add3A_185 : i32
      %get3A_187 = arith.index_cast %add3A_186 : i32 to index
      %get3A_188 = tpu.vector_load %arg9[%get3A_187] {strides = array<i32>} : memref<2304xi32, #tpu.memory_space<vmem>>, vector<16xi32>,
      %add3A_189 = arith.constant 32 : i32
      %add3A_190 = arith.addi %while3A_162#0, %add3A_189 : i32
      %get3A_191 = arith.index_cast %add3A_190 : i32 to index
      %get3A_192 = tpu.vector_load %arg10[%get3A_191] {strides = array<i32>} : memref<2304xi32, #tpu.memory_space<vmem>>, vector<16xi32>,
      %swap3A_193 = arith.constant 32 : index
      %swap3A_194 = tpu.vector_load %arg9[%swap3A_193] {strides = array<i32>} : memref<2304xi32, #tpu.memory_space<vmem>>, vector<16xi32>,
      tpu.vector_store %arg9[%swap3A_193], %get3A_188 {strides = array<i32>} : memref<2304xi32, #tpu.memory_space<vmem>>, vector<16xi32>,
      %swap3A_195 = arith.constant 32 : index
      %swap3A_196 = tpu.vector_load %arg10[%swap3A_195] {strides = array<i32>} : memref<2304xi32, #tpu.memory_space<vmem>>, vector<16xi32>,
      tpu.vector_store %arg10[%swap3A_195], %get3A_192 {strides = array<i32>} : memref<2304xi32, #tpu.memory_space<vmem>>, vector<16xi32>,
      %add3A_197 = arith.constant 48 : i32
      %add3A_198 = arith.addi %while3A_162#0, %add3A_197 : i32
      %get3A_199 = arith.index_cast %add3A_198 : i32 to index
      %get3A_200 = tpu.vector_load %arg9[%get3A_199] {strides = array<i32>} : memref<2304xi32, #tpu.memory_space<vmem>>, vector<16xi32>,
      %add3A_201 = arith.constant 48 : i32
      %add3A_202 = arith.addi %while3A_162#0, %add3A_201 : i32
      %get3A_203 = arith.index_cast %add3A_202 : i32 to index
      %get3A_204 = tpu.vector_load %arg10[%get3A_203] {strides = array<i32>} : memref<2304xi32, #tpu.memory_space<vmem>>, vector<16xi32>,
      %swap3A_205 = arith.constant 48 : index
      %swap3A_206 = tpu.vector_load %arg9[%swap3A_205] {strides = array<i32>} : memref<2304xi32, #tpu.memory_space<vmem>>, vector<16xi32>,
      tpu.vector_store %arg9[%swap3A_205], %get3A_200 {strides = array<i32>} : memref<2304xi32, #tpu.memory_space<vmem>>, vector<16xi32>,
      %swap3A_207 = arith.constant 48 : index
      %swap3A_208 = tpu.vector_load %arg10[%swap3A_207] {strides = array<i32>} : memref<2304xi32, #tpu.memory_space<vmem>>, vector<16xi32>,
      tpu.vector_store %arg10[%swap3A_207], %get3A_204 {strides = array<i32>} : memref<2304xi32, #tpu.memory_space<vmem>>, vector<16xi32>,
      %add3A_209 = arith.constant 64 : i32
      %add3A_210 = arith.addi %while3A_162#0, %add3A_209 : i32
      %get3A_211 = arith.index_cast %add3A_210 : i32 to index
      %get3A_212 = tpu.vector_load %arg9[%get3A_211] {strides = array<i32>} : memref<2304xi32, #tpu.memory_space<vmem>>, vector<16xi32>,
      %add3A_213 = arith.constant 64 : i32
      %add3A_214 = arith.addi %while3A_162#0, %add3A_213 : i32
      %get3A_215 = arith.index_cast %add3A_214 : i32 to index
      %get3A_216 = tpu.vector_load %arg10[%get3A_215] {strides = array<i32>} : memref<2304xi32, #tpu.memory_space<vmem>>, vector<16xi32>,
      %swap3A_217 = arith.constant 64 : index
      %swap3A_218 = tpu.vector_load %arg9[%swap3A_217] {strides = array<i32>} : memref<2304xi32, #tpu.memory_space<vmem>>, vector<16xi32>,
      tpu.vector_store %arg9[%swap3A_217], %get3A_212 {strides = array<i32>} : memref<2304xi32, #tpu.memory_space<vmem>>, vector<16xi32>,
      %swap3A_219 = arith.constant 64 : index
      %swap3A_220 = tpu.vector_load %arg10[%swap3A_219] {strides = array<i32>} : memref<2304xi32, #tpu.memory_space<vmem>>, vector<16xi32>,
      tpu.vector_store %arg10[%swap3A_219], %get3A_216 {strides = array<i32>} : memref<2304xi32, #tpu.memory_space<vmem>>, vector<16xi32>,
      %add3A_221 = arith.constant 80 : i32
      %add3A_222 = arith.addi %while3A_162#0, %add3A_221 : i32
      %get3A_223 = arith.index_cast %add3A_222 : i32 to index
      %get3A_224 = tpu.vector_load %arg9[%get3A_223] {strides = array<i32>} : memref<2304xi32, #tpu.memory_space<vmem>>, vector<16xi32>,
      %add3A_225 = arith.constant 80 : i32
      %add3A_226 = arith.addi %while3A_162#0, %add3A_225 : i32
      %get3A_227 = arith.index_cast %add3A_226 : i32 to index
      %get3A_228 = tpu.vector_load %arg10[%get3A_227] {strides = array<i32>} : memref<2304xi32, #tpu.memory_space<vmem>>, vector<16xi32>,
      %swap3A_229 = arith.constant 80 : index
      %swap3A_230 = tpu.vector_load %arg9[%swap3A_229] {strides = array<i32>} : memref<2304xi32, #tpu.memory_space<vmem>>, vector<16xi32>,
      tpu.vector_store %arg9[%swap3A_229], %get3A_224 {strides = array<i32>} : memref<2304xi32, #tpu.memory_space<vmem>>, vector<16xi32>,
      %swap3A_231 = arith.constant 80 : index
      %swap3A_232 = tpu.vector_load %arg10[%swap3A_231] {strides = array<i32>} : memref<2304xi32, #tpu.memory_space<vmem>>, vector<16xi32>,
      tpu.vector_store %arg10[%swap3A_231], %get3A_228 {strides = array<i32>} : memref<2304xi32, #tpu.memory_space<vmem>>, vector<16xi32>,
      %add3A_233 = arith.constant 96 : i32
      %add3A_234 = arith.addi %while3A_162#0, %add3A_233 : i32
      %get3A_235 = arith.index_cast %add3A_234 : i32 to index
      %get3A_236 = tpu.vector_load %arg9[%get3A_235] {strides = array<i32>} : memref<2304xi32, #tpu.memory_space<vmem>>, vector<16xi32>,
      %add3A_237 = arith.constant 96 : i32
      %add3A_238 = arith.addi %while3A_162#0, %add3A_237 : i32
      %get3A_239 = arith.index_cast %add3A_238 : i32 to index
      %get3A_240 = tpu.vector_load %arg10[%get3A_239] {strides = array<i32>} : memref<2304xi32, #tpu.memory_space<vmem>>, vector<16xi32>,
      %swap3A_241 = arith.constant 96 : index
      %swap3A_242 = tpu.vector_load %arg9[%swap3A_241] {strides = array<i32>} : memref<2304xi32, #tpu.memory_space<vmem>>, vector<16xi32>,
      tpu.vector_store %arg9[%swap3A_241], %get3A_236 {strides = array<i32>} : memref<2304xi32, #tpu.memory_space<vmem>>, vector<16xi32>,
      %swap3A_243 = arith.constant 96 : index
      %swap3A_244 = tpu.vector_load %arg10[%swap3A_243] {strides = array<i32>} : memref<2304xi32, #tpu.memory_space<vmem>>, vector<16xi32>,
      tpu.vector_store %arg10[%swap3A_243], %get3A_240 {strides = array<i32>} : memref<2304xi32, #tpu.memory_space<vmem>>, vector<16xi32>,
      %add3A_245 = arith.constant 112 : i32
      %add3A_246 = arith.addi %while3A_162#0, %add3A_245 : i32
      %get3A_247 = arith.index_cast %add3A_246 : i32 to index
      %get3A_248 = tpu.vector_load %arg9[%get3A_247] {strides = array<i32>} : memref<2304xi32, #tpu.memory_space<vmem>>, vector<16xi32>,
      %add3A_249 = arith.constant 112 : i32
      %add3A_250 = arith.addi %while3A_162#0, %add3A_249 : i32
      %get3A_251 = arith.index_cast %add3A_250 : i32 to index
      %get3A_252 = tpu.vector_load %arg10[%get3A_251] {strides = array<i32>} : memref<2304xi32, #tpu.memory_space<vmem>>, vector<16xi32>,
      %swap3A_253 = arith.constant 112 : index
      %swap3A_254 = tpu.vector_load %arg9[%swap3A_253] {strides = array<i32>} : memref<2304xi32, #tpu.memory_space<vmem>>, vector<16xi32>,
      tpu.vector_store %arg9[%swap3A_253], %get3A_248 {strides = array<i32>} : memref<2304xi32, #tpu.memory_space<vmem>>, vector<16xi32>,
      %swap3A_255 = arith.constant 112 : index
      %swap3A_256 = tpu.vector_load %arg10[%swap3A_255] {strides = array<i32>} : memref<2304xi32, #tpu.memory_space<vmem>>, vector<16xi32>,
      tpu.vector_store %arg10[%swap3A_255], %get3A_252 {strides = array<i32>} : memref<2304xi32, #tpu.memory_space<vmem>>, vector<16xi32>,
      %sub3A = arith.subi %scan3A_159, %while3A_162#0 : i32
      scf.yield %sub3A, %while3A_162#1 : i32, i32
    }
    %scan3A_56 = arith.constant 157 : i32
    %ge3A = arith.constant 1 : i32
    %ge3A_57 = arith.cmpi sge, %scan3A_55#1, %ge3A : i32
    %convert_element_type3A_58 = arith.extui %ge3A_57 : i1 to i32
    %cond3A_59 = arith.constant 0 : i32
    %cond3A_60 = arith.cmpi ne, %convert_element_type3A_58, %cond3A_59 : i32
    scf.if %cond3A_60 {
      %sub3A = arith.constant 1 : i32
      %sub3A_92 = arith.subi %scan3A_55#1, %sub3A : i32
      %jit3A_93 = arith.constant 4 : i32
      %eq3A_94 = arith.constant 0 : i32
      %eq3A_95 = arith.cmpi eq, %jit3A_93, %eq3A_94 : i32
      %jit3A_96 = arith.constant 1 : i32
      %select_n3A_97 = arith.select %eq3A_95, %jit3A_96, %jit3A_93 : i32
      %rem3A = arith.remsi %sub3A_92, %select_n3A_97 : i32
      %ne3A = arith.constant 0 : i32
      %ne3A_98 = arith.cmpi ne, %rem3A, %ne3A : i32
      %lt3A_99 = arith.constant 0 : i32
      %lt3A_100 = arith.cmpi slt, %rem3A, %lt3A_99 : i32
      %lt3A_101 = arith.constant 0 : i32
      %lt3A_102 = arith.cmpi slt, %select_n3A_97, %lt3A_101 : i32
      %ne3A_103 = arith.xori %lt3A_100, %lt3A_102 : i1
      %and3A_104 = arith.andi %ne3A_103, %ne3A_98 : i1
      %add3A_105 = arith.addi %rem3A, %select_n3A_97 : i32
      %select_n3A_106 = arith.select %and3A_104, %add3A_105, %rem3A : i32
      %dma_wait3A = arith.constant 0 : i32
      %dma_wait3A_107 = arith.constant 0 : i32
      %dma_wait3A_108 = tpu.memref_slice %arg13[%select_n3A_106, %dma_wait3A, %dma_wait3A_107] : memref<4x128x128xf32, #tpu.memory_space<vmem>> -> memref<1x128x128xf32, #tpu.memory_space<vmem>>
      %dma_wait3A_109 = tpu.memref_squeeze %dma_wait3A_108 : memref<1x128x128xf32, #tpu.memory_space<vmem>> -> memref<128x128xf32, #tpu.memory_space<vmem>>
      %dma_wait3A_110 = arith.constant 0 : i32
      %dma_wait3A_111 = arith.constant 0 : i32
      %dma_wait3A_112 = tpu.memref_slice %arg2[%dma_wait3A_110, %dma_wait3A_111] : memref<10000x128xf32, #tpu.memory_space<hbm>> -> memref<128x128xf32, #tpu.memory_space<hbm>>
      %dma_wait3A_113 = tpu.memref_slice %arg15[%select_n3A_106] : memref<4x!tpu.dma_semaphore, #tpu.memory_space<semaphore_mem>> -> memref<1x!tpu.dma_semaphore, #tpu.memory_space<semaphore_mem>>
      %dma_wait3A_114 = tpu.memref_squeeze %dma_wait3A_113 : memref<1x!tpu.dma_semaphore, #tpu.memory_space<semaphore_mem>> -> memref<!tpu.dma_semaphore, #tpu.memory_space<semaphore_mem>>
      %dma_wait3A_115 = arith.constant 0 : i32
      %dma_wait3A_116 = arith.constant 0 : i32
      %dma_wait3A_117 = tpu.memref_slice %arg13[%select_n3A_106, %dma_wait3A_115, %dma_wait3A_116] : memref<4x128x128xf32, #tpu.memory_space<vmem>> -> memref<1x128x128xf32, #tpu.memory_space<vmem>>
      %dma_wait3A_118 = tpu.memref_squeeze %dma_wait3A_117 : memref<1x128x128xf32, #tpu.memory_space<vmem>> -> memref<128x128xf32, #tpu.memory_space<vmem>>
      %dma_wait3A_119 = arith.constant 0 : i32
      %dma_wait3A_120 = arith.constant 0 : i32
      %dma_wait3A_121 = tpu.memref_slice %arg2[%dma_wait3A_119, %dma_wait3A_120] : memref<10000x128xf32, #tpu.memory_space<hbm>> -> memref<128x128xf32, #tpu.memory_space<hbm>>
      tpu.wait_dma2 semaphore(%dma_wait3A_114 : memref<!tpu.dma_semaphore, #tpu.memory_space<semaphore_mem>>) src(%dma_wait3A_121 : memref<128x128xf32, #tpu.memory_space<hbm>>) dst(%dma_wait3A_118 : memref<128x128xf32, #tpu.memory_space<vmem>>)
      %dma_start3A_122 = arith.constant 0 : i32
      %dma_start3A_123 = arith.constant 0 : i32
      %dma_start3A_124 = tpu.memref_slice %arg13[%select_n3A_106, %dma_start3A_122, %dma_start3A_123] : memref<4x128x128xf32, #tpu.memory_space<vmem>> -> memref<1x128x128xf32, #tpu.memory_space<vmem>>
      %dma_start3A_125 = tpu.memref_squeeze %dma_start3A_124 : memref<1x128x128xf32, #tpu.memory_space<vmem>> -> memref<128x128xf32, #tpu.memory_space<vmem>>
      %dma_start3A_126 = arith.constant 0 : i32
      %dma_start3A_127 = tpu.memref_slice %arg11[%select_n3A_106, %dma_start3A_126] : memref<4x128xi32, #tpu.memory_space<vmem>> -> memref<1x128xi32, #tpu.memory_space<vmem>>
      %dma_start3A_128 = tpu.memref_squeeze %dma_start3A_127 : memref<1x128xi32, #tpu.memory_space<vmem>> -> memref<128xi32, #tpu.memory_space<vmem>>
      %dma_start3A_129 = arith.constant 0 : i32
      %dma_start3A_130 = arith.constant 0 : i32
      %dma_start3A_131 = tpu.memref_slice %arg14[%dma_start3A_129, %dma_start3A_130] : memref<5024x128xf32, #tpu.memory_space<vmem_shared>> -> memref<5024x128xf32, #tpu.memory_space<vmem_shared>>
      tpu.enqueue_indirect_dma source(%dma_start3A_125 : memref<128x128xf32, #tpu.memory_space<vmem>>) target(%dma_start3A_131 : memref<5024x128xf32, #tpu.memory_space<vmem_shared>>) offsets(%dma_start3A_128 : memref<128xi32, #tpu.memory_space<vmem>>) semaphore(%arg16 : memref<!tpu.dma_semaphore, #tpu.memory_space<semaphore_mem>>) {add = true}
    } else {
    }
    %min3A = arith.constant 4 : i32
    %min3A_61 = arith.minsi %scan3A_55#1, %min3A : i32
    %while3A = arith.constant 0 : i32
    %while3A_62 = arith.constant 0 : i32
    %while3A_63 = arith.subi %min3A_61, %while3A_62 : i32
    %while3A_64 = arith.addi %while3A_62, %while3A_63 : i32
    %while3A_65 = arith.constant 1 : i32
    %while3A_66 = arith.divsi %while3A_63, %while3A_65 : i32
    %while3A_67 = arith.muli %while3A_66, %while3A_65 : i32
    %while3A_68 = arith.addi %while3A_62, %while3A_67 : i32
    %while3A_69 = arith.constant 1 : i32
    scf.for %while3A_92 = %while3A_62 to %while3A_68 step %while3A_69  : i32 {
      %dma_wait3A = arith.constant 0 : i32
      %dma_wait3A_93 = arith.constant 0 : i32
      %dma_wait3A_94 = arith.constant 0 : i32
      %dma_wait3A_95 = tpu.memref_slice %arg13[%dma_wait3A, %dma_wait3A_93, %dma_wait3A_94] : memref<4x128x128xf32, #tpu.memory_space<vmem>> -> memref<1x128x128xf32, #tpu.memory_space<vmem>>
      %dma_wait3A_96 = tpu.memref_squeeze %dma_wait3A_95 : memref<1x128x128xf32, #tpu.memory_space<vmem>> -> memref<128x128xf32, #tpu.memory_space<vmem>>
      %dma_wait3A_97 = arith.constant 0 : i32
      %dma_wait3A_98 = arith.constant 0 : i32
      %dma_wait3A_99 = tpu.memref_slice %arg2[%dma_wait3A_97, %dma_wait3A_98] : memref<10000x128xf32, #tpu.memory_space<hbm>> -> memref<128x128xf32, #tpu.memory_space<hbm>>
      %dma_wait3A_100 = arith.constant 0 : i32
      %dma_wait3A_101 = arith.constant 0 : i32
      %dma_wait3A_102 = tpu.memref_slice %arg13[%dma_wait3A, %dma_wait3A_100, %dma_wait3A_101] : memref<4x128x128xf32, #tpu.memory_space<vmem>> -> memref<1x128x128xf32, #tpu.memory_space<vmem>>
      %dma_wait3A_103 = tpu.memref_squeeze %dma_wait3A_102 : memref<1x128x128xf32, #tpu.memory_space<vmem>> -> memref<128x128xf32, #tpu.memory_space<vmem>>
      %dma_wait3A_104 = arith.constant 0 : i32
      %dma_wait3A_105 = arith.constant 0 : i32
      %dma_wait3A_106 = tpu.memref_slice %arg2[%dma_wait3A_104, %dma_wait3A_105] : memref<10000x128xf32, #tpu.memory_space<hbm>> -> memref<128x128xf32, #tpu.memory_space<hbm>>
      tpu.wait_dma2 semaphore(%arg16 : memref<!tpu.dma_semaphore, #tpu.memory_space<semaphore_mem>>) src(%dma_wait3A_106 : memref<128x128xf32, #tpu.memory_space<hbm>>) dst(%dma_wait3A_103 : memref<128x128xf32, #tpu.memory_space<vmem>>)
    }
    %while3A_70 = arith.constant 1 : i32
    scf.for %while3A_92 = %while3A_68 to %while3A_64 step %while3A_70  : i32 {
      %dma_wait3A = arith.constant 0 : i32
      %dma_wait3A_93 = arith.constant 0 : i32
      %dma_wait3A_94 = arith.constant 0 : i32
      %dma_wait3A_95 = tpu.memref_slice %arg13[%dma_wait3A, %dma_wait3A_93, %dma_wait3A_94] : memref<4x128x128xf32, #tpu.memory_space<vmem>> -> memref<1x128x128xf32, #tpu.memory_space<vmem>>
      %dma_wait3A_96 = tpu.memref_squeeze %dma_wait3A_95 : memref<1x128x128xf32, #tpu.memory_space<vmem>> -> memref<128x128xf32, #tpu.memory_space<vmem>>
      %dma_wait3A_97 = arith.constant 0 : i32
      %dma_wait3A_98 = arith.constant 0 : i32
      %dma_wait3A_99 = tpu.memref_slice %arg2[%dma_wait3A_97, %dma_wait3A_98] : memref<10000x128xf32, #tpu.memory_space<hbm>> -> memref<128x128xf32, #tpu.memory_space<hbm>>
      %dma_wait3A_100 = arith.constant 0 : i32
      %dma_wait3A_101 = arith.constant 0 : i32
      %dma_wait3A_102 = tpu.memref_slice %arg13[%dma_wait3A, %dma_wait3A_100, %dma_wait3A_101] : memref<4x128x128xf32, #tpu.memory_space<vmem>> -> memref<1x128x128xf32, #tpu.memory_space<vmem>>
      %dma_wait3A_103 = tpu.memref_squeeze %dma_wait3A_102 : memref<1x128x128xf32, #tpu.memory_space<vmem>> -> memref<128x128xf32, #tpu.memory_space<vmem>>
      %dma_wait3A_104 = arith.constant 0 : i32
      %dma_wait3A_105 = arith.constant 0 : i32
      %dma_wait3A_106 = tpu.memref_slice %arg2[%dma_wait3A_104, %dma_wait3A_105] : memref<10000x128xf32, #tpu.memory_space<hbm>> -> memref<128x128xf32, #tpu.memory_space<hbm>>
      tpu.wait_dma2 semaphore(%arg16 : memref<!tpu.dma_semaphore, #tpu.memory_space<semaphore_mem>>) src(%dma_wait3A_106 : memref<128x128xf32, #tpu.memory_space<hbm>>) dst(%dma_wait3A_103 : memref<128x128xf32, #tpu.memory_space<vmem>>)
    }
    %barrier3A_71 = arith.constant 0 : index
    tpu.barrier barrier_id(%barrier3A_71)
    %lt3A_72 = arith.constant 15 : i32
    %lt3A_73 = arith.cmpi slt, %arg1, %lt3A_72 : i32
    %convert_element_type3A_74 = arith.extui %lt3A_73 : i1 to i32
    %cond3A_75 = arith.constant 0 : i32
    %cond3A_76 = arith.cmpi ne, %convert_element_type3A_74, %cond3A_75 : i32
    scf.if %cond3A_76 {
      %mul3A_92 = arith.constant 320 : i32
      %mul3A_93 = arith.muli %arg1, %mul3A_92 : i32
      %mul3A_94 = arith.constant 320 : i32
      %mul3A_95 = arith.muli %arg1, %mul3A_94 : i32
      %add3A_96 = arith.addi %mul3A_0, %mul3A_95 : i32
      "tpu.region"() ({
        %run_scoped3A = tpu.sem_alloc : memref<!tpu.dma_semaphore, #tpu.memory_space<semaphore_mem>>
        %dma_start3A_97 = arith.constant 0 : i32
        %dma_start3A_98 = tpu.memref_slice %arg6[%add3A_96, %dma_start3A_97] : memref<10000x128xf32, #tpu.memory_space<hbm>> -> memref<320x128xf32, #tpu.memory_space<hbm>>
        %dma_start3A_99 = arith.constant 0 : i32
        %dma_start3A_100 = tpu.memref_slice %arg14[%mul3A_93, %dma_start3A_99] : memref<5024x128xf32, #tpu.memory_space<vmem_shared>> -> memref<320x128xf32, #tpu.memory_space<vmem_shared>>
        tpu.enqueue_dma source(%dma_start3A_100 : memref<320x128xf32, #tpu.memory_space<vmem_shared>>) target(%dma_start3A_98 : memref<320x128xf32, #tpu.memory_space<hbm>>) target_semaphore(%run_scoped3A : memref<!tpu.dma_semaphore, #tpu.memory_space<semaphore_mem>>)
        %dma_wait3A = arith.constant 0 : i32
        %dma_wait3A_101 = tpu.memref_slice %arg6[%add3A_96, %dma_wait3A] : memref<10000x128xf32, #tpu.memory_space<hbm>> -> memref<320x128xf32, #tpu.memory_space<hbm>>
        %dma_wait3A_102 = arith.constant 0 : i32
        %dma_wait3A_103 = tpu.memref_slice %arg14[%mul3A_93, %dma_wait3A_102] : memref<5024x128xf32, #tpu.memory_space<vmem_shared>> -> memref<320x128xf32, #tpu.memory_space<vmem_shared>>
        tpu.wait_dma2 semaphore(%run_scoped3A : memref<!tpu.dma_semaphore, #tpu.memory_space<semaphore_mem>>) src(%dma_wait3A_103 : memref<320x128xf32, #tpu.memory_space<vmem_shared>>) dst(%dma_wait3A_101 : memref<320x128xf32, #tpu.memory_space<hbm>>)
        tpu.yield
      }) : () -> ()
    } else {
    }
    %eq3A_77 = arith.constant 15 : i32
    %eq3A_78 = arith.cmpi eq, %arg1, %eq3A_77 : i32
    %eq3A_79 = arith.constant 0 : i32
    %eq3A_80 = arith.cmpi eq, %arg0, %eq3A_79 : i32
    %and3A = arith.andi %eq3A_78, %eq3A_80 : i1
    %convert_element_type3A_81 = arith.extui %and3A : i1 to i32
    %cond3A_82 = arith.constant 0 : i32
    %cond3A_83 = arith.cmpi ne, %convert_element_type3A_81, %cond3A_82 : i32
    scf.if %cond3A_83 {
      "tpu.region"() ({
        %run_scoped3A = tpu.sem_alloc : memref<!tpu.dma_semaphore, #tpu.memory_space<semaphore_mem>>
        %dma_start3A_92 = arith.constant 4800 : i32
        %dma_start3A_93 = arith.constant 0 : i32
        %dma_start3A_94 = tpu.memref_slice %arg6[%dma_start3A_92, %dma_start3A_93] : memref<10000x128xf32, #tpu.memory_space<hbm>> -> memref<208x128xf32, #tpu.memory_space<hbm>>
        %dma_start3A_95 = arith.constant 4800 : i32
        %dma_start3A_96 = arith.constant 0 : i32
        %dma_start3A_97 = tpu.memref_slice %arg14[%dma_start3A_95, %dma_start3A_96] : memref<5024x128xf32, #tpu.memory_space<vmem_shared>> -> memref<208x128xf32, #tpu.memory_space<vmem_shared>>
        tpu.enqueue_dma source(%dma_start3A_97 : memref<208x128xf32, #tpu.memory_space<vmem_shared>>) target(%dma_start3A_94 : memref<208x128xf32, #tpu.memory_space<hbm>>) target_semaphore(%run_scoped3A : memref<!tpu.dma_semaphore, #tpu.memory_space<semaphore_mem>>)
        %dma_wait3A = arith.constant 4800 : i32
        %dma_wait3A_98 = arith.constant 0 : i32
        %dma_wait3A_99 = tpu.memref_slice %arg6[%dma_wait3A, %dma_wait3A_98] : memref<10000x128xf32, #tpu.memory_space<hbm>> -> memref<208x128xf32, #tpu.memory_space<hbm>>
        %dma_wait3A_100 = arith.constant 4800 : i32
        %dma_wait3A_101 = arith.constant 0 : i32
        %dma_wait3A_102 = tpu.memref_slice %arg14[%dma_wait3A_100, %dma_wait3A_101] : memref<5024x128xf32, #tpu.memory_space<vmem_shared>> -> memref<208x128xf32, #tpu.memory_space<vmem_shared>>
        tpu.wait_dma2 semaphore(%run_scoped3A : memref<!tpu.dma_semaphore, #tpu.memory_space<semaphore_mem>>) src(%dma_wait3A_102 : memref<208x128xf32, #tpu.memory_space<vmem_shared>>) dst(%dma_wait3A_99 : memref<208x128xf32, #tpu.memory_space<hbm>>)
        tpu.yield
      }) : () -> ()
    } else {
    }
    %eq3A_84 = arith.constant 15 : i32
    %eq3A_85 = arith.cmpi eq, %arg1, %eq3A_84 : i32
    %eq3A_86 = arith.constant 1 : i32
    %eq3A_87 = arith.cmpi eq, %arg0, %eq3A_86 : i32
    %and3A_88 = arith.andi %eq3A_85, %eq3A_87 : i1
    %convert_element_type3A_89 = arith.extui %and3A_88 : i1 to i32
    %cond3A_90 = arith.constant 0 : i32
    %cond3A_91 = arith.cmpi ne, %convert_element_type3A_89, %cond3A_90 : i32
    scf.if %cond3A_91 {
      "tpu.region"() ({
        %run_scoped3A = tpu.sem_alloc : memref<!tpu.dma_semaphore, #tpu.memory_space<semaphore_mem>>
        %dma_start3A_92 = arith.constant 9808 : i32
        %dma_start3A_93 = arith.constant 0 : i32
        %dma_start3A_94 = tpu.memref_slice %arg6[%dma_start3A_92, %dma_start3A_93] : memref<10000x128xf32, #tpu.memory_space<hbm>> -> memref<192x128xf32, #tpu.memory_space<hbm>>
        %dma_start3A_95 = arith.constant 4800 : i32
        %dma_start3A_96 = arith.constant 0 : i32
        %dma_start3A_97 = tpu.memref_slice %arg14[%dma_start3A_95, %dma_start3A_96] : memref<5024x128xf32, #tpu.memory_space<vmem_shared>> -> memref<192x128xf32, #tpu.memory_space<vmem_shared>>
        tpu.enqueue_dma source(%dma_start3A_97 : memref<192x128xf32, #tpu.memory_space<vmem_shared>>) target(%dma_start3A_94 : memref<192x128xf32, #tpu.memory_space<hbm>>) target_semaphore(%run_scoped3A : memref<!tpu.dma_semaphore, #tpu.memory_space<semaphore_mem>>)
        %dma_wait3A = arith.constant 9808 : i32
        %dma_wait3A_98 = arith.constant 0 : i32
        %dma_wait3A_99 = tpu.memref_slice %arg6[%dma_wait3A, %dma_wait3A_98] : memref<10000x128xf32, #tpu.memory_space<hbm>> -> memref<192x128xf32, #tpu.memory_space<hbm>>
        %dma_wait3A_100 = arith.constant 4800 : i32
        %dma_wait3A_101 = arith.constant 0 : i32
        %dma_wait3A_102 = tpu.memref_slice %arg14[%dma_wait3A_100, %dma_wait3A_101] : memref<5024x128xf32, #tpu.memory_space<vmem_shared>> -> memref<192x128xf32, #tpu.memory_space<vmem_shared>>
        tpu.wait_dma2 semaphore(%run_scoped3A : memref<!tpu.dma_semaphore, #tpu.memory_space<semaphore_mem>>) src(%dma_wait3A_102 : memref<192x128xf32, #tpu.memory_space<vmem_shared>>) dst(%dma_wait3A_99 : memref<192x128xf32, #tpu.memory_space<hbm>>)
        tpu.yield
      }) : () -> ()
    } else {
    }
    return
  }
}

#map = affine_map<(d0, d1) -> (0, 0)>
#map1 = affine_map<(d0, d1) -> (0)>
module attributes {stable_mosaic.version = 14 : i64} {
  func.func @_sc_agg(%arg0: i32, %arg1: i32, %arg2: memref<10000x128xf32, #tpu.memory_space<hbm>>, %arg3: memref<321536xi32, #tpu.memory_space<hbm>>, %arg4: memref<321536xi32, #tpu.memory_space<hbm>>, %arg5: memref<5024x128xf32, #tpu.memory_space<hbm>>, %arg6: memref<10000x128xf32, #tpu.memory_space<hbm>>, %arg7: memref<2x2048xi32, #tpu.memory_space<vmem>>, %arg8: memref<2x2048xi32, #tpu.memory_space<vmem>>, %arg9: memref<2304xi32, #tpu.memory_space<vmem>>, %arg10: memref<2304xi32, #tpu.memory_space<vmem>>, %arg11: memref<4x128xi32, #tpu.memory_space<vmem>>, %arg12: memref<4x128xi32, #tpu.memory_space<vmem>>, %arg13: memref<4x128x128xf32, #tpu.memory_space<vmem>>, %arg14: memref<5024x128xf32, #tpu.memory_space<vmem_shared>>, %arg15: memref<4x!tpu.dma_semaphore, #tpu.memory_space<semaphore_mem>>, %arg16: memref<!tpu.dma_semaphore, #tpu.memory_space<semaphore_mem>>, %arg17: memref<2x!tpu.dma_semaphore, #tpu.memory_space<semaphore_mem>>) attributes {dimension_semantics = [#tpu.dimension_semantics<core_parallel>, #tpu.dimension_semantics<subcore_parallel>], iteration_bounds = array<i64: 2, 16>, scalar_prefetch = 0 : i64, scratch_operands = 11 : i64, tpu.core_type = #tpu.core_type<sc_vector_subcore>, window_params = [{transform_indices = #map}, {transform_indices = #map1}, {transform_indices = #map1}, {transform_indices = #map}, {transform_indices = #map}]} {
    %mul3A = arith.constant 5008 : i32
    %mul3A_0 = arith.muli %arg0, %mul3A : i32
    %eq3A = arith.constant 0 : i32
    %eq3A_1 = arith.cmpi eq, %arg0, %eq3A : i32
    %jit3A = arith.constant 313 : i32
    %jit3A_2 = arith.constant 312 : i32
    %select_n3A = arith.select %eq3A_1, %jit3A, %jit3A_2 : i32
    %mul3A_3 = arith.muli %arg1, %select_n3A : i32
    %add3A = arith.addi %mul3A_0, %mul3A_3 : i32
    %add3A_4 = arith.addi %add3A, %select_n3A : i32
    %eq3A_5 = arith.constant 0 : i32
    %eq3A_6 = arith.cmpi eq, %arg0, %eq3A_5 : i32
    %jit3A_7 = arith.constant 5008 : i32
    %jit3A_8 = arith.constant 4992 : i32
    %select_n3A_9 = arith.select %eq3A_6, %jit3A_7, %jit3A_8 : i32
    %add3A_10 = arith.addi %select_n3A_9, %arg1 : i32
    %broadcast_in_dim3A = vector.broadcast %add3A : i32 to vector<16xi32>
    %broadcast_in_dim3A_11 = vector.broadcast %add3A_4 : i32 to vector<16xi32>
    %broadcast_in_dim3A_12 = vector.broadcast %mul3A_0 : i32 to vector<16xi32>
    %broadcast_in_dim3A_13 = vector.broadcast %add3A_10 : i32 to vector<16xi32>
    %broadcast_in_dim3A_14 = arith.constant 1048576 : i32
    %broadcast_in_dim3A_15 = vector.broadcast %broadcast_in_dim3A_14 : i32 to vector<16xi32>
    %lt3A = arith.constant 15 : i32
    %lt3A_16 = arith.cmpi slt, %arg1, %lt3A : i32
    %convert_element_type3A = arith.extui %lt3A_16 : i1 to i32
    %cond3A = arith.constant 0 : i32
    %cond3A_17 = arith.cmpi ne, %convert_element_type3A, %cond3A : i32
    scf.if %cond3A_17 {
      %mul3A_92 = arith.constant 320 : i32
      %mul3A_93 = arith.muli %arg1, %mul3A_92 : i32
      %mul3A_94 = arith.constant 320 : i32
      %mul3A_95 = arith.muli %arg1, %mul3A_94 : i32
      "tpu.region"() ({
        %run_scoped3A = tpu.sem_alloc : memref<!tpu.dma_semaphore, #tpu.memory_space<semaphore_mem>>
        %dma_start3A_96 = arith.constant 0 : i32
        %dma_start3A_97 = tpu.memref_slice %arg14[%mul3A_95, %dma_start3A_96] : memref<5024x128xf32, #tpu.memory_space<vmem_shared>> -> memref<320x128xf32, #tpu.memory_space<vmem_shared>>
        %dma_start3A_98 = arith.constant 0 : i32
        %dma_start3A_99 = tpu.memref_slice %arg5[%mul3A_93, %dma_start3A_98] : memref<5024x128xf32, #tpu.memory_space<hbm>> -> memref<320x128xf32, #tpu.memory_space<hbm>>
        tpu.enqueue_dma source(%dma_start3A_99 : memref<320x128xf32, #tpu.memory_space<hbm>>) target(%dma_start3A_97 : memref<320x128xf32, #tpu.memory_space<vmem_shared>>) target_semaphore(%run_scoped3A : memref<!tpu.dma_semaphore, #tpu.memory_space<semaphore_mem>>)
        %dma_wait3A = arith.constant 0 : i32
        %dma_wait3A_100 = tpu.memref_slice %arg14[%mul3A_95, %dma_wait3A] : memref<5024x128xf32, #tpu.memory_space<vmem_shared>> -> memref<320x128xf32, #tpu.memory_space<vmem_shared>>
        %dma_wait3A_101 = arith.constant 0 : i32
        %dma_wait3A_102 = tpu.memref_slice %arg5[%mul3A_93, %dma_wait3A_101] : memref<5024x128xf32, #tpu.memory_space<hbm>> -> memref<320x128xf32, #tpu.memory_space<hbm>>
        tpu.wait_dma2 semaphore(%run_scoped3A : memref<!tpu.dma_semaphore, #tpu.memory_space<semaphore_mem>>) src(%dma_wait3A_102 : memref<320x128xf32, #tpu.memory_space<hbm>>) dst(%dma_wait3A_100 : memref<320x128xf32, #tpu.memory_space<vmem_shared>>)
        tpu.yield
      }) : () -> ()
    } else {
    }
    %eq3A_18 = arith.constant 15 : i32
    %eq3A_19 = arith.cmpi eq, %arg1, %eq3A_18 : i32
    %convert_element_type3A_20 = arith.extui %eq3A_19 : i1 to i32
    %cond3A_21 = arith.constant 0 : i32
    %cond3A_22 = arith.cmpi ne, %convert_element_type3A_20, %cond3A_21 : i32
    scf.if %cond3A_22 {
      "tpu.region"() ({
        %run_scoped3A = tpu.sem_alloc : memref<!tpu.dma_semaphore, #tpu.memory_space<semaphore_mem>>
        %dma_start3A_92 = arith.constant 4800 : i32
        %dma_start3A_93 = arith.constant 0 : i32
        %dma_start3A_94 = tpu.memref_slice %arg14[%dma_start3A_92, %dma_start3A_93] : memref<5024x128xf32, #tpu.memory_space<vmem_shared>> -> memref<224x128xf32, #tpu.memory_space<vmem_shared>>
        %dma_start3A_95 = arith.constant 4800 : i32
        %dma_start3A_96 = arith.constant 0 : i32
        %dma_start3A_97 = tpu.memref_slice %arg5[%dma_start3A_95, %dma_start3A_96] : memref<5024x128xf32, #tpu.memory_space<hbm>> -> memref<224x128xf32, #tpu.memory_space<hbm>>
        tpu.enqueue_dma source(%dma_start3A_97 : memref<224x128xf32, #tpu.memory_space<hbm>>) target(%dma_start3A_94 : memref<224x128xf32, #tpu.memory_space<vmem_shared>>) target_semaphore(%run_scoped3A : memref<!tpu.dma_semaphore, #tpu.memory_space<semaphore_mem>>)
        %dma_wait3A = arith.constant 4800 : i32
        %dma_wait3A_98 = arith.constant 0 : i32
        %dma_wait3A_99 = tpu.memref_slice %arg14[%dma_wait3A, %dma_wait3A_98] : memref<5024x128xf32, #tpu.memory_space<vmem_shared>> -> memref<224x128xf32, #tpu.memory_space<vmem_shared>>
        %dma_wait3A_100 = arith.constant 4800 : i32
        %dma_wait3A_101 = arith.constant 0 : i32
        %dma_wait3A_102 = tpu.memref_slice %arg5[%dma_wait3A_100, %dma_wait3A_101] : memref<5024x128xf32, #tpu.memory_space<hbm>> -> memref<224x128xf32, #tpu.memory_space<hbm>>
        tpu.wait_dma2 semaphore(%run_scoped3A : memref<!tpu.dma_semaphore, #tpu.memory_space<semaphore_mem>>) src(%dma_wait3A_102 : memref<224x128xf32, #tpu.memory_space<hbm>>) dst(%dma_wait3A_99 : memref<224x128xf32, #tpu.memory_space<vmem_shared>>)
        tpu.yield
      }) : () -> ()
    } else {
    }
    %barrier3A = arith.constant 0 : index
    tpu.barrier barrier_id(%barrier3A)
    %dma_start3A = arith.constant 0 : i32
    %dma_start3A_23 = arith.constant 0 : i32
    %dma_start3A_24 = arith.constant 0 : i32
    %dma_start3A_25 = tpu.memref_slice %arg7[%dma_start3A, %dma_start3A_24] : memref<2x2048xi32, #tpu.memory_space<vmem>> -> memref<1x2048xi32, #tpu.memory_space<vmem>>
    %dma_start3A_26 = tpu.memref_squeeze %dma_start3A_25 : memref<1x2048xi32, #tpu.memory_space<vmem>> -> memref<2048xi32, #tpu.memory_space<vmem>>
    %dma_start3A_27 = arith.constant 0 : i32
    %dma_start3A_28 = tpu.memref_slice %arg4[%dma_start3A_27] : memref<321536xi32, #tpu.memory_space<hbm>> -> memref<2048xi32, #tpu.memory_space<hbm>>
    %dma_start3A_29 = tpu.memref_slice %arg17[%dma_start3A_23] : memref<2x!tpu.dma_semaphore, #tpu.memory_space<semaphore_mem>> -> memref<1x!tpu.dma_semaphore, #tpu.memory_space<semaphore_mem>>
    %dma_start3A_30 = tpu.memref_squeeze %dma_start3A_29 : memref<1x!tpu.dma_semaphore, #tpu.memory_space<semaphore_mem>> -> memref<!tpu.dma_semaphore, #tpu.memory_space<semaphore_mem>>
    %dma_start3A_31 = arith.constant 0 : i32
    %dma_start3A_32 = tpu.memref_slice %arg7[%dma_start3A, %dma_start3A_31] : memref<2x2048xi32, #tpu.memory_space<vmem>> -> memref<1x2048xi32, #tpu.memory_space<vmem>>
    %dma_start3A_33 = tpu.memref_squeeze %dma_start3A_32 : memref<1x2048xi32, #tpu.memory_space<vmem>> -> memref<2048xi32, #tpu.memory_space<vmem>>
    %dma_start3A_34 = arith.constant 0 : i32
    %dma_start3A_35 = tpu.memref_slice %arg4[%dma_start3A_34] : memref<321536xi32, #tpu.memory_space<hbm>> -> memref<2048xi32, #tpu.memory_space<hbm>>
    tpu.enqueue_dma source(%dma_start3A_35 : memref<2048xi32, #tpu.memory_space<hbm>>) target(%dma_start3A_33 : memref<2048xi32, #tpu.memory_space<vmem>>) target_semaphore(%dma_start3A_30 : memref<!tpu.dma_semaphore, #tpu.memory_space<semaphore_mem>>)
    %dma_start3A_36 = arith.constant 0 : i32
    %dma_start3A_37 = arith.constant 0 : i32
    %dma_start3A_38 = arith.constant 0 : i32
    %dma_start3A_39 = tpu.memref_slice %arg8[%dma_start3A_36, %dma_start3A_38] : memref<2x2048xi32, #tpu.memory_space<vmem>> -> memref<1x2048xi32, #tpu.memory_space<vmem>>
    %dma_start3A_40 = tpu.memref_squeeze %dma_start3A_39 : memref<1x2048xi32, #tpu.memory_space<vmem>> -> memref<2048xi32, #tpu.memory_space<vmem>>
    %dma_start3A_41 = arith.constant 0 : i32
    %dma_start3A_42 = tpu.memref_slice %arg3[%dma_start3A_41] : memref<321536xi32, #tpu.memory_space<hbm>> -> memref<2048xi32, #tpu.memory_space<hbm>>
    %dma_start3A_43 = tpu.memref_slice %arg17[%dma_start3A_37] : memref<2x!tpu.dma_semaphore, #tpu.memory_space<semaphore_mem>> -> memref<1x!tpu.dma_semaphore, #tpu.memory_space<semaphore_mem>>
    %dma_start3A_44 = tpu.memref_squeeze %dma_start3A_43 : memref<1x!tpu.dma_semaphore, #tpu.memory_space<semaphore_mem>> -> memref<!tpu.dma_semaphore, #tpu.memory_space<semaphore_mem>>
    %dma_start3A_45 = arith.constant 0 : i32
    %dma_start3A_46 = tpu.memref_slice %arg8[%dma_start3A_36, %dma_start3A_45] : memref<2x2048xi32, #tpu.memory_space<vmem>> -> memref<1x2048xi32, #tpu.memory_space<vmem>>
    %dma_start3A_47 = tpu.memref_squeeze %dma_start3A_46 : memref<1x2048xi32, #tpu.memory_space<vmem>> -> memref<2048xi32, #tpu.memory_space<vmem>>
    %dma_start3A_48 = arith.constant 0 : i32
    %dma_start3A_49 = tpu.memref_slice %arg3[%dma_start3A_48] : memref<321536xi32, #tpu.memory_space<hbm>> -> memref<2048xi32, #tpu.memory_space<hbm>>
    tpu.enqueue_dma source(%dma_start3A_49 : memref<2048xi32, #tpu.memory_space<hbm>>) target(%dma_start3A_47 : memref<2048xi32, #tpu.memory_space<vmem>>) target_semaphore(%dma_start3A_44 : memref<!tpu.dma_semaphore, #tpu.memory_space<semaphore_mem>>)
    %scan3A = arith.constant 0 : i32
    %scan3A_50 = arith.constant 0 : i32
    %scan3A_51 = arith.constant 0 : i32
    %scan3A_52 = arith.constant 157 : i32
    %scan3A_53 = arith.addi %scan3A_51, %scan3A_52 : i32
    %scan3A_54 = arith.constant 1 : i32
    %scan3A_55:2 = scf.for %scan3A_92 = %scan3A_51 to %scan3A_53 step %scan3A_54 iter_args(%scan3A_93 = %scan3A, %scan3A_94 = %scan3A_50) -> (i32, i32)  : i32 {
      %jit3A_95 = arith.constant 2 : i32
      %eq3A_96 = arith.constant 0 : i32
      %eq3A_97 = arith.cmpi eq, %jit3A_95, %eq3A_96 : i32
      %jit3A_98 = arith.constant 1 : i32
      %select_n3A_99 = arith.select %eq3A_97, %jit3A_98, %jit3A_95 : i32
      %rem3A = arith.remsi %scan3A_92, %select_n3A_99 : i32
      %ne3A = arith.constant 0 : i32
      %ne3A_100 = arith.cmpi ne, %rem3A, %ne3A : i32
      %lt3A_101 = arith.constant 0 : i32
      %lt3A_102 = arith.cmpi slt, %rem3A, %lt3A_101 : i32
      %lt3A_103 = arith.constant 0 : i32
      %lt3A_104 = arith.cmpi slt, %select_n3A_99, %lt3A_103 : i32
      %ne3A_105 = arith.xori %lt3A_102, %lt3A_104 : i1
      %and3A_106 = arith.andi %ne3A_105, %ne3A_100 : i1
      %add3A_107 = arith.addi %rem3A, %select_n3A_99 : i32
      %select_n3A_108 = arith.select %and3A_106, %add3A_107, %rem3A : i32
      %dma_wait3A = arith.constant 0 : i32
      %dma_wait3A_109 = tpu.memref_slice %arg7[%select_n3A_108, %dma_wait3A] : memref<2x2048xi32, #tpu.memory_space<vmem>> -> memref<1x2048xi32, #tpu.memory_space<vmem>>
      %dma_wait3A_110 = tpu.memref_squeeze %dma_wait3A_109 : memref<1x2048xi32, #tpu.memory_space<vmem>> -> memref<2048xi32, #tpu.memory_space<vmem>>
      %dma_wait3A_111 = arith.constant 0 : i32
      %dma_wait3A_112 = tpu.memref_slice %arg4[%dma_wait3A_111] : memref<321536xi32, #tpu.memory_space<hbm>> -> memref<2048xi32, #tpu.memory_space<hbm>>
      %dma_wait3A_113 = tpu.memref_slice %arg17[%select_n3A_108] : memref<2x!tpu.dma_semaphore, #tpu.memory_space<semaphore_mem>> -> memref<1x!tpu.dma_semaphore, #tpu.memory_space<semaphore_mem>>
      %dma_wait3A_114 = tpu.memref_squeeze %dma_wait3A_113 : memref<1x!tpu.dma_semaphore, #tpu.memory_space<semaphore_mem>> -> memref<!tpu.dma_semaphore, #tpu.memory_space<semaphore_mem>>
      %dma_wait3A_115 = arith.constant 0 : i32
      %dma_wait3A_116 = tpu.memref_slice %arg7[%select_n3A_108, %dma_wait3A_115] : memref<2x2048xi32, #tpu.memory_space<vmem>> -> memref<1x2048xi32, #tpu.memory_space<vmem>>
      %dma_wait3A_117 = tpu.memref_squeeze %dma_wait3A_116 : memref<1x2048xi32, #tpu.memory_space<vmem>> -> memref<2048xi32, #tpu.memory_space<vmem>>
      %dma_wait3A_118 = arith.constant 0 : i32
      %dma_wait3A_119 = tpu.memref_slice %arg4[%dma_wait3A_118] : memref<321536xi32, #tpu.memory_space<hbm>> -> memref<2048xi32, #tpu.memory_space<hbm>>
      tpu.wait_dma2 semaphore(%dma_wait3A_114 : memref<!tpu.dma_semaphore, #tpu.memory_space<semaphore_mem>>) src(%dma_wait3A_119 : memref<2048xi32, #tpu.memory_space<hbm>>) dst(%dma_wait3A_117 : memref<2048xi32, #tpu.memory_space<vmem>>)
      %dma_wait3A_120 = arith.constant 0 : i32
      %dma_wait3A_121 = tpu.memref_slice %arg8[%select_n3A_108, %dma_wait3A_120] : memref<2x2048xi32, #tpu.memory_space<vmem>> -> memref<1x2048xi32, #tpu.memory_space<vmem>>
      %dma_wait3A_122 = tpu.memref_squeeze %dma_wait3A_121 : memref<1x2048xi32, #tpu.memory_space<vmem>> -> memref<2048xi32, #tpu.memory_space<vmem>>
      %dma_wait3A_123 = arith.constant 0 : i32
      %dma_wait3A_124 = tpu.memref_slice %arg3[%dma_wait3A_123] : memref<321536xi32, #tpu.memory_space<hbm>> -> memref<2048xi32, #tpu.memory_space<hbm>>
      %dma_wait3A_125 = tpu.memref_slice %arg17[%select_n3A_108] : memref<2x!tpu.dma_semaphore, #tpu.memory_space<semaphore_mem>> -> memref<1x!tpu.dma_semaphore, #tpu.memory_space<semaphore_mem>>
      %dma_wait3A_126 = tpu.memref_squeeze %dma_wait3A_125 : memref<1x!tpu.dma_semaphore, #tpu.memory_space<semaphore_mem>> -> memref<!tpu.dma_semaphore, #tpu.memory_space<semaphore_mem>>
      %dma_wait3A_127 = arith.constant 0 : i32
      %dma_wait3A_128 = tpu.memref_slice %arg8[%select_n3A_108, %dma_wait3A_127] : memref<2x2048xi32, #tpu.memory_space<vmem>> -> memref<1x2048xi32, #tpu.memory_space<vmem>>
      %dma_wait3A_129 = tpu.memref_squeeze %dma_wait3A_128 : memref<1x2048xi32, #tpu.memory_space<vmem>> -> memref<2048xi32, #tpu.memory_space<vmem>>
      %dma_wait3A_130 = arith.constant 0 : i32
      %dma_wait3A_131 = tpu.memref_slice %arg3[%dma_wait3A_130] : memref<321536xi32, #tpu.memory_space<hbm>> -> memref<2048xi32, #tpu.memory_space<hbm>>
      tpu.wait_dma2 semaphore(%dma_wait3A_126 : memref<!tpu.dma_semaphore, #tpu.memory_space<semaphore_mem>>) src(%dma_wait3A_131 : memref<2048xi32, #tpu.memory_space<hbm>>) dst(%dma_wait3A_129 : memref<2048xi32, #tpu.memory_space<vmem>>)
      %add3A_132 = arith.constant 1 : i32
      %add3A_133 = arith.addi %scan3A_92, %add3A_132 : i32
      %lt3A_134 = arith.constant 157 : i32
      %lt3A_135 = arith.cmpi slt, %add3A_133, %lt3A_134 : i32
      %convert_element_type3A_136 = arith.extui %lt3A_135 : i1 to i32
      %cond3A_137 = arith.constant 0 : i32
      %cond3A_138 = arith.cmpi ne, %convert_element_type3A_136, %cond3A_137 : i32
      scf.if %cond3A_138 {
        %add3A_257 = arith.constant 1 : i32
        %add3A_258 = arith.addi %scan3A_92, %add3A_257 : i32
        %jit3A_259 = arith.constant 2 : i32
        %eq3A_260 = arith.constant 0 : i32
        %eq3A_261 = arith.cmpi eq, %jit3A_259, %eq3A_260 : i32
        %jit3A_262 = arith.constant 1 : i32
        %select_n3A_263 = arith.select %eq3A_261, %jit3A_262, %jit3A_259 : i32
        %rem3A_264 = arith.remsi %add3A_258, %select_n3A_263 : i32
        %ne3A_265 = arith.constant 0 : i32
        %ne3A_266 = arith.cmpi ne, %rem3A_264, %ne3A_265 : i32
        %lt3A_267 = arith.constant 0 : i32
        %lt3A_268 = arith.cmpi slt, %rem3A_264, %lt3A_267 : i32
        %lt3A_269 = arith.constant 0 : i32
        %lt3A_270 = arith.cmpi slt, %select_n3A_263, %lt3A_269 : i32
        %ne3A_271 = arith.xori %lt3A_268, %lt3A_270 : i1
        %and3A_272 = arith.andi %ne3A_271, %ne3A_266 : i1
        %add3A_273 = arith.addi %rem3A_264, %select_n3A_263 : i32
        %select_n3A_274 = arith.select %and3A_272, %add3A_273, %rem3A_264 : i32
        %mul3A_275 = arith.constant 2048 : i32
        %mul3A_276 = arith.muli %add3A_258, %mul3A_275 : i32
        %dma_start3A_277 = arith.constant 0 : i32
        %dma_start3A_278 = tpu.memref_slice %arg7[%select_n3A_274, %dma_start3A_277] : memref<2x2048xi32, #tpu.memory_space<vmem>> -> memref<1x2048xi32, #tpu.memory_space<vmem>>
        %dma_start3A_279 = tpu.memref_squeeze %dma_start3A_278 : memref<1x2048xi32, #tpu.memory_space<vmem>> -> memref<2048xi32, #tpu.memory_space<vmem>>
        %dma_start3A_280 = tpu.memref_slice %arg4[%mul3A_276] : memref<321536xi32, #tpu.memory_space<hbm>> -> memref<2048xi32, #tpu.memory_space<hbm>>
        %dma_start3A_281 = tpu.memref_slice %arg17[%select_n3A_274] : memref<2x!tpu.dma_semaphore, #tpu.memory_space<semaphore_mem>> -> memref<1x!tpu.dma_semaphore, #tpu.memory_space<semaphore_mem>>
        %dma_start3A_282 = tpu.memref_squeeze %dma_start3A_281 : memref<1x!tpu.dma_semaphore, #tpu.memory_space<semaphore_mem>> -> memref<!tpu.dma_semaphore, #tpu.memory_space<semaphore_mem>>
        %dma_start3A_283 = arith.constant 0 : i32
        %dma_start3A_284 = tpu.memref_slice %arg7[%select_n3A_274, %dma_start3A_283] : memref<2x2048xi32, #tpu.memory_space<vmem>> -> memref<1x2048xi32, #tpu.memory_space<vmem>>
        %dma_start3A_285 = tpu.memref_squeeze %dma_start3A_284 : memref<1x2048xi32, #tpu.memory_space<vmem>> -> memref<2048xi32, #tpu.memory_space<vmem>>
        %dma_start3A_286 = tpu.memref_slice %arg4[%mul3A_276] : memref<321536xi32, #tpu.memory_space<hbm>> -> memref<2048xi32, #tpu.memory_space<hbm>>
        tpu.enqueue_dma source(%dma_start3A_286 : memref<2048xi32, #tpu.memory_space<hbm>>) target(%dma_start3A_285 : memref<2048xi32, #tpu.memory_space<vmem>>) target_semaphore(%dma_start3A_282 : memref<!tpu.dma_semaphore, #tpu.memory_space<semaphore_mem>>)
        %mul3A_287 = arith.constant 2048 : i32
        %mul3A_288 = arith.muli %add3A_258, %mul3A_287 : i32
        %dma_start3A_289 = arith.constant 0 : i32
        %dma_start3A_290 = tpu.memref_slice %arg8[%select_n3A_274, %dma_start3A_289] : memref<2x2048xi32, #tpu.memory_space<vmem>> -> memref<1x2048xi32, #tpu.memory_space<vmem>>
        %dma_start3A_291 = tpu.memref_squeeze %dma_start3A_290 : memref<1x2048xi32, #tpu.memory_space<vmem>> -> memref<2048xi32, #tpu.memory_space<vmem>>
        %dma_start3A_292 = tpu.memref_slice %arg3[%mul3A_288] : memref<321536xi32, #tpu.memory_space<hbm>> -> memref<2048xi32, #tpu.memory_space<hbm>>
        %dma_start3A_293 = tpu.memref_slice %arg17[%select_n3A_274] : memref<2x!tpu.dma_semaphore, #tpu.memory_space<semaphore_mem>> -> memref<1x!tpu.dma_semaphore, #tpu.memory_space<semaphore_mem>>
        %dma_start3A_294 = tpu.memref_squeeze %dma_start3A_293 : memref<1x!tpu.dma_semaphore, #tpu.memory_space<semaphore_mem>> -> memref<!tpu.dma_semaphore, #tpu.memory_space<semaphore_mem>>
        %dma_start3A_295 = arith.constant 0 : i32
        %dma_start3A_296 = tpu.memref_slice %arg8[%select_n3A_274, %dma_start3A_295] : memref<2x2048xi32, #tpu.memory_space<vmem>> -> memref<1x2048xi32, #tpu.memory_space<vmem>>
        %dma_start3A_297 = tpu.memref_squeeze %dma_start3A_296 : memref<1x2048xi32, #tpu.memory_space<vmem>> -> memref<2048xi32, #tpu.memory_space<vmem>>
        %dma_start3A_298 = tpu.memref_slice %arg3[%mul3A_288] : memref<321536xi32, #tpu.memory_space<hbm>> -> memref<2048xi32, #tpu.memory_space<hbm>>
        tpu.enqueue_dma source(%dma_start3A_298 : memref<2048xi32, #tpu.memory_space<hbm>>) target(%dma_start3A_297 : memref<2048xi32, #tpu.memory_space<vmem>>) target_semaphore(%dma_start3A_294 : memref<!tpu.dma_semaphore, #tpu.memory_space<semaphore_mem>>)
      } else {
      }
      %jit3A_139 = arith.constant 2 : i32
      %eq3A_140 = arith.constant 0 : i32
      %eq3A_141 = arith.cmpi eq, %jit3A_139, %eq3A_140 : i32
      %jit3A_142 = arith.constant 1 : i32
      %select_n3A_143 = arith.select %eq3A_141, %jit3A_142, %jit3A_139 : i32
      %rem3A_144 = arith.remsi %scan3A_92, %select_n3A_143 : i32
      %ne3A_145 = arith.constant 0 : i32
      %ne3A_146 = arith.cmpi ne, %rem3A_144, %ne3A_145 : i32
      %lt3A_147 = arith.constant 0 : i32
      %lt3A_148 = arith.cmpi slt, %rem3A_144, %lt3A_147 : i32
      %lt3A_149 = arith.constant 0 : i32
      %lt3A_150 = arith.cmpi slt, %select_n3A_143, %lt3A_149 : i32
      %ne3A_151 = arith.xori %lt3A_148, %lt3A_150 : i1
      %and3A_152 = arith.andi %ne3A_151, %ne3A_146 : i1
      %add3A_153 = arith.addi %rem3A_144, %select_n3A_143 : i32
      %select_n3A_154 = arith.select %and3A_152, %add3A_153, %rem3A_144 : i32
      %scan3A_155 = arith.constant 0 : i32
      %scan3A_156 = arith.constant 128 : i32
      %scan3A_157 = arith.addi %scan3A_155, %scan3A_156 : i32
      %scan3A_158 = arith.constant 4 : i32
      %scan3A_159 = scf.for %scan3A_257 = %scan3A_155 to %scan3A_157 step %scan3A_158 iter_args(%scan3A_258 = %scan3A_93) -> (i32)  : i32 {
        %mul3A_259 = arith.constant 16 : i32
        %mul3A_260 = arith.muli %scan3A_257, %mul3A_259 : i32
        %get3A_261 = arith.index_cast %select_n3A_154 : i32 to index
        %get3A_262 = arith.index_cast %mul3A_260 : i32 to index
        %get3A_263 = tpu.vector_load %arg7[%get3A_261, %get3A_262] {strides = array<i32>} : memref<2x2048xi32, #tpu.memory_space<vmem>>, vector<16xi32>,
        %mul3A_264 = arith.constant 16 : i32
        %mul3A_265 = arith.muli %scan3A_257, %mul3A_264 : i32
        %get3A_266 = arith.index_cast %select_n3A_154 : i32 to index
        %get3A_267 = arith.index_cast %mul3A_265 : i32 to index
        %get3A_268 = tpu.vector_load %arg8[%get3A_266, %get3A_267] {strides = array<i32>} : memref<2x2048xi32, #tpu.memory_space<vmem>>, vector<16xi32>,
        %ge3A_269 = arith.cmpi sge, %get3A_263, %broadcast_in_dim3A_15 : vector<16xi32>
        %ge3A_270 = arith.cmpi sge, %get3A_263, %broadcast_in_dim3A : vector<16xi32>
        %lt3A_271 = arith.cmpi slt, %get3A_263, %broadcast_in_dim3A_11 : vector<16xi32>
        %and3A_272 = arith.andi %ge3A_270, %lt3A_271 : vector<16xi1>
        %or3A = arith.ori %and3A_272, %ge3A_269 : vector<16xi1>
        %convert_element_type3A_273 = arith.extui %or3A : vector<16xi1> to vector<16xi32>
        %reduce_sum3A = arith.constant true
        %reduce_sum3A_274 = vector.broadcast %reduce_sum3A : i1 to vector<16xi1>
        %reduce_sum3A_275 = tpu.scan <sum>, %convert_element_type3A_273 masked %reduce_sum3A_274 : vector<16xi32>, vector<16xi1> -> vector<16xi32>
        %reduce_sum3A_276 = vector.extract %reduce_sum3A_275[15] : i32 from vector<16xi32>
        %sub3A_277 = arith.subi %get3A_263, %broadcast_in_dim3A_12 : vector<16xi32>
        %select_n3A_278 = arith.select %ge3A_269, %broadcast_in_dim3A_13, %sub3A_277 : vector<16xi1>, vector<16xi32>
        %swap3A_279 = arith.index_cast %scan3A_258 : i32 to index
        %swap3A_280 = tpu.vector_load %arg9[%swap3A_279] masked %or3A {strides = array<i32>} : memref<2304xi32, #tpu.memory_space<vmem>>, vector<16xi32>, vector<16xi1>
        tpu.vector_store %arg9[%swap3A_279], %select_n3A_278 masked %or3A {strides = array<i32>} : memref<2304xi32, #tpu.memory_space<vmem>>, vector<16xi32>, vector<16xi1>
        %swap3A_281 = arith.index_cast %scan3A_258 : i32 to index
        %swap3A_282 = tpu.vector_load %arg10[%swap3A_281] masked %or3A {strides = array<i32>} : memref<2304xi32, #tpu.memory_space<vmem>>, vector<16xi32>, vector<16xi1>
        tpu.vector_store %arg10[%swap3A_281], %get3A_268 masked %or3A {strides = array<i32>} : memref<2304xi32, #tpu.memory_space<vmem>>, vector<16xi32>, vector<16xi1>
        %add3A_283 = arith.addi %scan3A_258, %reduce_sum3A_276 : i32
        %scan3A_284 = arith.constant 1 : i32
        %scan3A_285 = arith.addi %scan3A_257, %scan3A_284 : i32
        %mul3A_286 = arith.constant 16 : i32
        %mul3A_287 = arith.muli %scan3A_285, %mul3A_286 : i32
        %get3A_288 = arith.index_cast %select_n3A_154 : i32 to index
        %get3A_289 = arith.index_cast %mul3A_287 : i32 to index
        %get3A_290 = tpu.vector_load %arg7[%get3A_288, %get3A_289] {strides = array<i32>} : memref<2x2048xi32, #tpu.memory_space<vmem>>, vector<16xi32>,
        %mul3A_291 = arith.constant 16 : i32
        %mul3A_292 = arith.muli %scan3A_285, %mul3A_291 : i32
        %get3A_293 = arith.index_cast %select_n3A_154 : i32 to index
        %get3A_294 = arith.index_cast %mul3A_292 : i32 to index
        %get3A_295 = tpu.vector_load %arg8[%get3A_293, %get3A_294] {strides = array<i32>} : memref<2x2048xi32, #tpu.memory_space<vmem>>, vector<16xi32>,
        %ge3A_296 = arith.cmpi sge, %get3A_290, %broadcast_in_dim3A_15 : vector<16xi32>
        %ge3A_297 = arith.cmpi sge, %get3A_290, %broadcast_in_dim3A : vector<16xi32>
        %lt3A_298 = arith.cmpi slt, %get3A_290, %broadcast_in_dim3A_11 : vector<16xi32>
        %and3A_299 = arith.andi %ge3A_297, %lt3A_298 : vector<16xi1>
        %or3A_300 = arith.ori %and3A_299, %ge3A_296 : vector<16xi1>
        %convert_element_type3A_301 = arith.extui %or3A_300 : vector<16xi1> to vector<16xi32>
        %reduce_sum3A_302 = arith.constant true
        %reduce_sum3A_303 = vector.broadcast %reduce_sum3A_302 : i1 to vector<16xi1>
        %reduce_sum3A_304 = tpu.scan <sum>, %convert_element_type3A_301 masked %reduce_sum3A_303 : vector<16xi32>, vector<16xi1> -> vector<16xi32>
        %reduce_sum3A_305 = vector.extract %reduce_sum3A_304[15] : i32 from vector<16xi32>
        %sub3A_306 = arith.subi %get3A_290, %broadcast_in_dim3A_12 : vector<16xi32>
        %select_n3A_307 = arith.select %ge3A_296, %broadcast_in_dim3A_13, %sub3A_306 : vector<16xi1>, vector<16xi32>
        %swap3A_308 = arith.index_cast %add3A_283 : i32 to index
        %swap3A_309 = tpu.vector_load %arg9[%swap3A_308] masked %or3A_300 {strides = array<i32>} : memref<2304xi32, #tpu.memory_space<vmem>>, vector<16xi32>, vector<16xi1>
        tpu.vector_store %arg9[%swap3A_308], %select_n3A_307 masked %or3A_300 {strides = array<i32>} : memref<2304xi32, #tpu.memory_space<vmem>>, vector<16xi32>, vector<16xi1>
        %swap3A_310 = arith.index_cast %add3A_283 : i32 to index
        %swap3A_311 = tpu.vector_load %arg10[%swap3A_310] masked %or3A_300 {strides = array<i32>} : memref<2304xi32, #tpu.memory_space<vmem>>, vector<16xi32>, vector<16xi1>
        tpu.vector_store %arg10[%swap3A_310], %get3A_295 masked %or3A_300 {strides = array<i32>} : memref<2304xi32, #tpu.memory_space<vmem>>, vector<16xi32>, vector<16xi1>
        %add3A_312 = arith.addi %add3A_283, %reduce_sum3A_305 : i32
        %scan3A_313 = arith.constant 2 : i32
        %scan3A_314 = arith.addi %scan3A_257, %scan3A_313 : i32
        %mul3A_315 = arith.constant 16 : i32
        %mul3A_316 = arith.muli %scan3A_314, %mul3A_315 : i32
        %get3A_317 = arith.index_cast %select_n3A_154 : i32 to index
        %get3A_318 = arith.index_cast %mul3A_316 : i32 to index
        %get3A_319 = tpu.vector_load %arg7[%get3A_317, %get3A_318] {strides = array<i32>} : memref<2x2048xi32, #tpu.memory_space<vmem>>, vector<16xi32>,
        %mul3A_320 = arith.constant 16 : i32
        %mul3A_321 = arith.muli %scan3A_314, %mul3A_320 : i32
        %get3A_322 = arith.index_cast %select_n3A_154 : i32 to index
        %get3A_323 = arith.index_cast %mul3A_321 : i32 to index
        %get3A_324 = tpu.vector_load %arg8[%get3A_322, %get3A_323] {strides = array<i32>} : memref<2x2048xi32, #tpu.memory_space<vmem>>, vector<16xi32>,
        %ge3A_325 = arith.cmpi sge, %get3A_319, %broadcast_in_dim3A_15 : vector<16xi32>
        %ge3A_326 = arith.cmpi sge, %get3A_319, %broadcast_in_dim3A : vector<16xi32>
        %lt3A_327 = arith.cmpi slt, %get3A_319, %broadcast_in_dim3A_11 : vector<16xi32>
        %and3A_328 = arith.andi %ge3A_326, %lt3A_327 : vector<16xi1>
        %or3A_329 = arith.ori %and3A_328, %ge3A_325 : vector<16xi1>
        %convert_element_type3A_330 = arith.extui %or3A_329 : vector<16xi1> to vector<16xi32>
        %reduce_sum3A_331 = arith.constant true
        %reduce_sum3A_332 = vector.broadcast %reduce_sum3A_331 : i1 to vector<16xi1>
        %reduce_sum3A_333 = tpu.scan <sum>, %convert_element_type3A_330 masked %reduce_sum3A_332 : vector<16xi32>, vector<16xi1> -> vector<16xi32>
        %reduce_sum3A_334 = vector.extract %reduce_sum3A_333[15] : i32 from vector<16xi32>
        %sub3A_335 = arith.subi %get3A_319, %broadcast_in_dim3A_12 : vector<16xi32>
        %select_n3A_336 = arith.select %ge3A_325, %broadcast_in_dim3A_13, %sub3A_335 : vector<16xi1>, vector<16xi32>
        %swap3A_337 = arith.index_cast %add3A_312 : i32 to index
        %swap3A_338 = tpu.vector_load %arg9[%swap3A_337] masked %or3A_329 {strides = array<i32>} : memref<2304xi32, #tpu.memory_space<vmem>>, vector<16xi32>, vector<16xi1>
        tpu.vector_store %arg9[%swap3A_337], %select_n3A_336 masked %or3A_329 {strides = array<i32>} : memref<2304xi32, #tpu.memory_space<vmem>>, vector<16xi32>, vector<16xi1>
        %swap3A_339 = arith.index_cast %add3A_312 : i32 to index
        %swap3A_340 = tpu.vector_load %arg10[%swap3A_339] masked %or3A_329 {strides = array<i32>} : memref<2304xi32, #tpu.memory_space<vmem>>, vector<16xi32>, vector<16xi1>
        tpu.vector_store %arg10[%swap3A_339], %get3A_324 masked %or3A_329 {strides = array<i32>} : memref<2304xi32, #tpu.memory_space<vmem>>, vector<16xi32>, vector<16xi1>
        %add3A_341 = arith.addi %add3A_312, %reduce_sum3A_334 : i32
        %scan3A_342 = arith.constant 3 : i32
        %scan3A_343 = arith.addi %scan3A_257, %scan3A_342 : i32
        %mul3A_344 = arith.constant 16 : i32
        %mul3A_345 = arith.muli %scan3A_343, %mul3A_344 : i32
        %get3A_346 = arith.index_cast %select_n3A_154 : i32 to index
        %get3A_347 = arith.index_cast %mul3A_345 : i32 to index
        %get3A_348 = tpu.vector_load %arg7[%get3A_346, %get3A_347] {strides = array<i32>} : memref<2x2048xi32, #tpu.memory_space<vmem>>, vector<16xi32>,
        %mul3A_349 = arith.constant 16 : i32
        %mul3A_350 = arith.muli %scan3A_343, %mul3A_349 : i32
        %get3A_351 = arith.index_cast %select_n3A_154 : i32 to index
        %get3A_352 = arith.index_cast %mul3A_350 : i32 to index
        %get3A_353 = tpu.vector_load %arg8[%get3A_351, %get3A_352] {strides = array<i32>} : memref<2x2048xi32, #tpu.memory_space<vmem>>, vector<16xi32>,
        %ge3A_354 = arith.cmpi sge, %get3A_348, %broadcast_in_dim3A_15 : vector<16xi32>
        %ge3A_355 = arith.cmpi sge, %get3A_348, %broadcast_in_dim3A : vector<16xi32>
        %lt3A_356 = arith.cmpi slt, %get3A_348, %broadcast_in_dim3A_11 : vector<16xi32>
        %and3A_357 = arith.andi %ge3A_355, %lt3A_356 : vector<16xi1>
        %or3A_358 = arith.ori %and3A_357, %ge3A_354 : vector<16xi1>
        %convert_element_type3A_359 = arith.extui %or3A_358 : vector<16xi1> to vector<16xi32>
        %reduce_sum3A_360 = arith.constant true
        %reduce_sum3A_361 = vector.broadcast %reduce_sum3A_360 : i1 to vector<16xi1>
        %reduce_sum3A_362 = tpu.scan <sum>, %convert_element_type3A_359 masked %reduce_sum3A_361 : vector<16xi32>, vector<16xi1> -> vector<16xi32>
        %reduce_sum3A_363 = vector.extract %reduce_sum3A_362[15] : i32 from vector<16xi32>
        %sub3A_364 = arith.subi %get3A_348, %broadcast_in_dim3A_12 : vector<16xi32>
        %select_n3A_365 = arith.select %ge3A_354, %broadcast_in_dim3A_13, %sub3A_364 : vector<16xi1>, vector<16xi32>
        %swap3A_366 = arith.index_cast %add3A_341 : i32 to index
        %swap3A_367 = tpu.vector_load %arg9[%swap3A_366] masked %or3A_358 {strides = array<i32>} : memref<2304xi32, #tpu.memory_space<vmem>>, vector<16xi32>, vector<16xi1>
        tpu.vector_store %arg9[%swap3A_366], %select_n3A_365 masked %or3A_358 {strides = array<i32>} : memref<2304xi32, #tpu.memory_space<vmem>>, vector<16xi32>, vector<16xi1>
        %swap3A_368 = arith.index_cast %add3A_341 : i32 to index
        %swap3A_369 = tpu.vector_load %arg10[%swap3A_368] masked %or3A_358 {strides = array<i32>} : memref<2304xi32, #tpu.memory_space<vmem>>, vector<16xi32>, vector<16xi1>
        tpu.vector_store %arg10[%swap3A_368], %get3A_353 masked %or3A_358 {strides = array<i32>} : memref<2304xi32, #tpu.memory_space<vmem>>, vector<16xi32>, vector<16xi1>
        %add3A_370 = arith.addi %add3A_341, %reduce_sum3A_363 : i32
        scf.yield %add3A_370 : i32
      }
      %scan3A_160 = arith.constant 128 : i32
      %while3A_161 = arith.constant 0 : i32
      %while3A_162:2 = scf.while (%while3A_257 = %while3A_161, %while3A_258 = %scan3A_94) : (i32, i32) -> (i32, i32) {
        %add3A_259 = arith.constant 128 : i32
        %add3A_260 = arith.addi %while3A_257, %add3A_259 : i32
        %le3A = arith.cmpi sle, %add3A_260, %scan3A_159 : i32
        scf.condition(%le3A) %while3A_257, %while3A_258 : i32, i32
      } do {
      ^bb0(%while3A_257: i32, %while3A_258: i32):
        %jit3A_259 = arith.constant 4 : i32
        %eq3A_260 = arith.constant 0 : i32
        %eq3A_261 = arith.cmpi eq, %jit3A_259, %eq3A_260 : i32
        %jit3A_262 = arith.constant 1 : i32
        %select_n3A_263 = arith.select %eq3A_261, %jit3A_262, %jit3A_259 : i32
        %rem3A_264 = arith.remsi %while3A_258, %select_n3A_263 : i32
        %ne3A_265 = arith.constant 0 : i32
        %ne3A_266 = arith.cmpi ne, %rem3A_264, %ne3A_265 : i32
        %lt3A_267 = arith.constant 0 : i32
        %lt3A_268 = arith.cmpi slt, %rem3A_264, %lt3A_267 : i32
        %lt3A_269 = arith.constant 0 : i32
        %lt3A_270 = arith.cmpi slt, %select_n3A_263, %lt3A_269 : i32
        %ne3A_271 = arith.xori %lt3A_268, %lt3A_270 : i1
        %and3A_272 = arith.andi %ne3A_271, %ne3A_266 : i1
        %add3A_273 = arith.addi %rem3A_264, %select_n3A_263 : i32
        %select_n3A_274 = arith.select %and3A_272, %add3A_273, %rem3A_264 : i32
        %ge3A_275 = arith.constant 4 : i32
        %ge3A_276 = arith.cmpi sge, %while3A_258, %ge3A_275 : i32
        %convert_element_type3A_277 = arith.extui %ge3A_276 : i1 to i32
        %cond3A_278 = arith.constant 0 : i32
        %cond3A_279 = arith.cmpi ne, %convert_element_type3A_277, %cond3A_278 : i32
        scf.if %cond3A_279 {
          %dma_wait3A_413 = arith.constant 0 : i32
          %dma_wait3A_414 = arith.constant 0 : i32
          %dma_wait3A_415 = arith.constant 0 : i32
          %dma_wait3A_416 = tpu.memref_slice %arg13[%dma_wait3A_413, %dma_wait3A_414, %dma_wait3A_415] : memref<4x128x128xf32, #tpu.memory_space<vmem>> -> memref<1x128x128xf32, #tpu.memory_space<vmem>>
          %dma_wait3A_417 = tpu.memref_squeeze %dma_wait3A_416 : memref<1x128x128xf32, #tpu.memory_space<vmem>> -> memref<128x128xf32, #tpu.memory_space<vmem>>
          %dma_wait3A_418 = arith.constant 0 : i32
          %dma_wait3A_419 = arith.constant 0 : i32
          %dma_wait3A_420 = tpu.memref_slice %arg2[%dma_wait3A_418, %dma_wait3A_419] : memref<10000x128xf32, #tpu.memory_space<hbm>> -> memref<128x128xf32, #tpu.memory_space<hbm>>
          %dma_wait3A_421 = arith.constant 0 : i32
          %dma_wait3A_422 = arith.constant 0 : i32
          %dma_wait3A_423 = tpu.memref_slice %arg13[%dma_wait3A_413, %dma_wait3A_421, %dma_wait3A_422] : memref<4x128x128xf32, #tpu.memory_space<vmem>> -> memref<1x128x128xf32, #tpu.memory_space<vmem>>
          %dma_wait3A_424 = tpu.memref_squeeze %dma_wait3A_423 : memref<1x128x128xf32, #tpu.memory_space<vmem>> -> memref<128x128xf32, #tpu.memory_space<vmem>>
          %dma_wait3A_425 = arith.constant 0 : i32
          %dma_wait3A_426 = arith.constant 0 : i32
          %dma_wait3A_427 = tpu.memref_slice %arg2[%dma_wait3A_425, %dma_wait3A_426] : memref<10000x128xf32, #tpu.memory_space<hbm>> -> memref<128x128xf32, #tpu.memory_space<hbm>>
          tpu.wait_dma2 semaphore(%arg16 : memref<!tpu.dma_semaphore, #tpu.memory_space<semaphore_mem>>) src(%dma_wait3A_427 : memref<128x128xf32, #tpu.memory_space<hbm>>) dst(%dma_wait3A_424 : memref<128x128xf32, #tpu.memory_space<vmem>>)
        } else {
        }
        %add3A_280 = arith.constant 0 : i32
        %add3A_281 = arith.addi %while3A_257, %add3A_280 : i32
        %get3A_282 = arith.index_cast %add3A_281 : i32 to index
        %get3A_283 = tpu.vector_load %arg9[%get3A_282] {strides = array<i32>} : memref<2304xi32, #tpu.memory_space<vmem>>, vector<16xi32>,
        %swap3A_284 = arith.index_cast %select_n3A_274 : i32 to index
        %swap3A_285 = arith.constant 0 : index
        %swap3A_286 = tpu.vector_load %arg11[%swap3A_284, %swap3A_285] {strides = array<i32>} : memref<4x128xi32, #tpu.memory_space<vmem>>, vector<16xi32>,
        tpu.vector_store %arg11[%swap3A_284, %swap3A_285], %get3A_283 {strides = array<i32>} : memref<4x128xi32, #tpu.memory_space<vmem>>, vector<16xi32>,
        %add3A_287 = arith.constant 0 : i32
        %add3A_288 = arith.addi %while3A_257, %add3A_287 : i32
        %get3A_289 = arith.index_cast %add3A_288 : i32 to index
        %get3A_290 = tpu.vector_load %arg10[%get3A_289] {strides = array<i32>} : memref<2304xi32, #tpu.memory_space<vmem>>, vector<16xi32>,
        %swap3A_291 = arith.index_cast %select_n3A_274 : i32 to index
        %swap3A_292 = arith.constant 0 : index
        %swap3A_293 = tpu.vector_load %arg12[%swap3A_291, %swap3A_292] {strides = array<i32>} : memref<4x128xi32, #tpu.memory_space<vmem>>, vector<16xi32>,
        tpu.vector_store %arg12[%swap3A_291, %swap3A_292], %get3A_290 {strides = array<i32>} : memref<4x128xi32, #tpu.memory_space<vmem>>, vector<16xi32>,
        %add3A_294 = arith.constant 16 : i32
        %add3A_295 = arith.addi %while3A_257, %add3A_294 : i32
        %get3A_296 = arith.index_cast %add3A_295 : i32 to index
        %get3A_297 = tpu.vector_load %arg9[%get3A_296] {strides = array<i32>} : memref<2304xi32, #tpu.memory_space<vmem>>, vector<16xi32>,
        %swap3A_298 = arith.index_cast %select_n3A_274 : i32 to index
        %swap3A_299 = arith.constant 16 : index
        %swap3A_300 = tpu.vector_load %arg11[%swap3A_298, %swap3A_299] {strides = array<i32>} : memref<4x128xi32, #tpu.memory_space<vmem>>, vector<16xi32>,
        tpu.vector_store %arg11[%swap3A_298, %swap3A_299], %get3A_297 {strides = array<i32>} : memref<4x128xi32, #tpu.memory_space<vmem>>, vector<16xi32>,
        %add3A_301 = arith.constant 16 : i32
        %add3A_302 = arith.addi %while3A_257, %add3A_301 : i32
        %get3A_303 = arith.index_cast %add3A_302 : i32 to index
        %get3A_304 = tpu.vector_load %arg10[%get3A_303] {strides = array<i32>} : memref<2304xi32, #tpu.memory_space<vmem>>, vector<16xi32>,
        %swap3A_305 = arith.index_cast %select_n3A_274 : i32 to index
        %swap3A_306 = arith.constant 16 : index
        %swap3A_307 = tpu.vector_load %arg12[%swap3A_305, %swap3A_306] {strides = array<i32>} : memref<4x128xi32, #tpu.memory_space<vmem>>, vector<16xi32>,
        tpu.vector_store %arg12[%swap3A_305, %swap3A_306], %get3A_304 {strides = array<i32>} : memref<4x128xi32, #tpu.memory_space<vmem>>, vector<16xi32>,
        %add3A_308 = arith.constant 32 : i32
        %add3A_309 = arith.addi %while3A_257, %add3A_308 : i32
        %get3A_310 = arith.index_cast %add3A_309 : i32 to index
        %get3A_311 = tpu.vector_load %arg9[%get3A_310] {strides = array<i32>} : memref<2304xi32, #tpu.memory_space<vmem>>, vector<16xi32>,
        %swap3A_312 = arith.index_cast %select_n3A_274 : i32 to index
        %swap3A_313 = arith.constant 32 : index
        %swap3A_314 = tpu.vector_load %arg11[%swap3A_312, %swap3A_313] {strides = array<i32>} : memref<4x128xi32, #tpu.memory_space<vmem>>, vector<16xi32>,
        tpu.vector_store %arg11[%swap3A_312, %swap3A_313], %get3A_311 {strides = array<i32>} : memref<4x128xi32, #tpu.memory_space<vmem>>, vector<16xi32>,
        %add3A_315 = arith.constant 32 : i32
        %add3A_316 = arith.addi %while3A_257, %add3A_315 : i32
        %get3A_317 = arith.index_cast %add3A_316 : i32 to index
        %get3A_318 = tpu.vector_load %arg10[%get3A_317] {strides = array<i32>} : memref<2304xi32, #tpu.memory_space<vmem>>, vector<16xi32>,
        %swap3A_319 = arith.index_cast %select_n3A_274 : i32 to index
        %swap3A_320 = arith.constant 32 : index
        %swap3A_321 = tpu.vector_load %arg12[%swap3A_319, %swap3A_320] {strides = array<i32>} : memref<4x128xi32, #tpu.memory_space<vmem>>, vector<16xi32>,
        tpu.vector_store %arg12[%swap3A_319, %swap3A_320], %get3A_318 {strides = array<i32>} : memref<4x128xi32, #tpu.memory_space<vmem>>, vector<16xi32>,
        %add3A_322 = arith.constant 48 : i32
        %add3A_323 = arith.addi %while3A_257, %add3A_322 : i32
        %get3A_324 = arith.index_cast %add3A_323 : i32 to index
        %get3A_325 = tpu.vector_load %arg9[%get3A_324] {strides = array<i32>} : memref<2304xi32, #tpu.memory_space<vmem>>, vector<16xi32>,
        %swap3A_326 = arith.index_cast %select_n3A_274 : i32 to index
        %swap3A_327 = arith.constant 48 : index
        %swap3A_328 = tpu.vector_load %arg11[%swap3A_326, %swap3A_327] {strides = array<i32>} : memref<4x128xi32, #tpu.memory_space<vmem>>, vector<16xi32>,
        tpu.vector_store %arg11[%swap3A_326, %swap3A_327], %get3A_325 {strides = array<i32>} : memref<4x128xi32, #tpu.memory_space<vmem>>, vector<16xi32>,
        %add3A_329 = arith.constant 48 : i32
        %add3A_330 = arith.addi %while3A_257, %add3A_329 : i32
        %get3A_331 = arith.index_cast %add3A_330 : i32 to index
        %get3A_332 = tpu.vector_load %arg10[%get3A_331] {strides = array<i32>} : memref<2304xi32, #tpu.memory_space<vmem>>, vector<16xi32>,
        %swap3A_333 = arith.index_cast %select_n3A_274 : i32 to index
        %swap3A_334 = arith.constant 48 : index
        %swap3A_335 = tpu.vector_load %arg12[%swap3A_333, %swap3A_334] {strides = array<i32>} : memref<4x128xi32, #tpu.memory_space<vmem>>, vector<16xi32>,
        tpu.vector_store %arg12[%swap3A_333, %swap3A_334], %get3A_332 {strides = array<i32>} : memref<4x128xi32, #tpu.memory_space<vmem>>, vector<16xi32>,
        %add3A_336 = arith.constant 64 : i32
        %add3A_337 = arith.addi %while3A_257, %add3A_336 : i32
        %get3A_338 = arith.index_cast %add3A_337 : i32 to index
        %get3A_339 = tpu.vector_load %arg9[%get3A_338] {strides = array<i32>} : memref<2304xi32, #tpu.memory_space<vmem>>, vector<16xi32>,
        %swap3A_340 = arith.index_cast %select_n3A_274 : i32 to index
        %swap3A_341 = arith.constant 64 : index
        %swap3A_342 = tpu.vector_load %arg11[%swap3A_340, %swap3A_341] {strides = array<i32>} : memref<4x128xi32, #tpu.memory_space<vmem>>, vector<16xi32>,
        tpu.vector_store %arg11[%swap3A_340, %swap3A_341], %get3A_339 {strides = array<i32>} : memref<4x128xi32, #tpu.memory_space<vmem>>, vector<16xi32>,
        %add3A_343 = arith.constant 64 : i32
        %add3A_344 = arith.addi %while3A_257, %add3A_343 : i32
        %get3A_345 = arith.index_cast %add3A_344 : i32 to index
        %get3A_346 = tpu.vector_load %arg10[%get3A_345] {strides = array<i32>} : memref<2304xi32, #tpu.memory_space<vmem>>, vector<16xi32>,
        %swap3A_347 = arith.index_cast %select_n3A_274 : i32 to index
        %swap3A_348 = arith.constant 64 : index
        %swap3A_349 = tpu.vector_load %arg12[%swap3A_347, %swap3A_348] {strides = array<i32>} : memref<4x128xi32, #tpu.memory_space<vmem>>, vector<16xi32>,
        tpu.vector_store %arg12[%swap3A_347, %swap3A_348], %get3A_346 {strides = array<i32>} : memref<4x128xi32, #tpu.memory_space<vmem>>, vector<16xi32>,
        %add3A_350 = arith.constant 80 : i32
        %add3A_351 = arith.addi %while3A_257, %add3A_350 : i32
        %get3A_352 = arith.index_cast %add3A_351 : i32 to index
        %get3A_353 = tpu.vector_load %arg9[%get3A_352] {strides = array<i32>} : memref<2304xi32, #tpu.memory_space<vmem>>, vector<16xi32>,
        %swap3A_354 = arith.index_cast %select_n3A_274 : i32 to index
        %swap3A_355 = arith.constant 80 : index
        %swap3A_356 = tpu.vector_load %arg11[%swap3A_354, %swap3A_355] {strides = array<i32>} : memref<4x128xi32, #tpu.memory_space<vmem>>, vector<16xi32>,
        tpu.vector_store %arg11[%swap3A_354, %swap3A_355], %get3A_353 {strides = array<i32>} : memref<4x128xi32, #tpu.memory_space<vmem>>, vector<16xi32>,
        %add3A_357 = arith.constant 80 : i32
        %add3A_358 = arith.addi %while3A_257, %add3A_357 : i32
        %get3A_359 = arith.index_cast %add3A_358 : i32 to index
        %get3A_360 = tpu.vector_load %arg10[%get3A_359] {strides = array<i32>} : memref<2304xi32, #tpu.memory_space<vmem>>, vector<16xi32>,
        %swap3A_361 = arith.index_cast %select_n3A_274 : i32 to index
        %swap3A_362 = arith.constant 80 : index
        %swap3A_363 = tpu.vector_load %arg12[%swap3A_361, %swap3A_362] {strides = array<i32>} : memref<4x128xi32, #tpu.memory_space<vmem>>, vector<16xi32>,
        tpu.vector_store %arg12[%swap3A_361, %swap3A_362], %get3A_360 {strides = array<i32>} : memref<4x128xi32, #tpu.memory_space<vmem>>, vector<16xi32>,
        %add3A_364 = arith.constant 96 : i32
        %add3A_365 = arith.addi %while3A_257, %add3A_364 : i32
        %get3A_366 = arith.index_cast %add3A_365 : i32 to index
        %get3A_367 = tpu.vector_load %arg9[%get3A_366] {strides = array<i32>} : memref<2304xi32, #tpu.memory_space<vmem>>, vector<16xi32>,
        %swap3A_368 = arith.index_cast %select_n3A_274 : i32 to index
        %swap3A_369 = arith.constant 96 : index
        %swap3A_370 = tpu.vector_load %arg11[%swap3A_368, %swap3A_369] {strides = array<i32>} : memref<4x128xi32, #tpu.memory_space<vmem>>, vector<16xi32>,
        tpu.vector_store %arg11[%swap3A_368, %swap3A_369], %get3A_367 {strides = array<i32>} : memref<4x128xi32, #tpu.memory_space<vmem>>, vector<16xi32>,
        %add3A_371 = arith.constant 96 : i32
        %add3A_372 = arith.addi %while3A_257, %add3A_371 : i32
        %get3A_373 = arith.index_cast %add3A_372 : i32 to index
        %get3A_374 = tpu.vector_load %arg10[%get3A_373] {strides = array<i32>} : memref<2304xi32, #tpu.memory_space<vmem>>, vector<16xi32>,
        %swap3A_375 = arith.index_cast %select_n3A_274 : i32 to index
        %swap3A_376 = arith.constant 96 : index
        %swap3A_377 = tpu.vector_load %arg12[%swap3A_375, %swap3A_376] {strides = array<i32>} : memref<4x128xi32, #tpu.memory_space<vmem>>, vector<16xi32>,
        tpu.vector_store %arg12[%swap3A_375, %swap3A_376], %get3A_374 {strides = array<i32>} : memref<4x128xi32, #tpu.memory_space<vmem>>, vector<16xi32>,
        %add3A_378 = arith.constant 112 : i32
        %add3A_379 = arith.addi %while3A_257, %add3A_378 : i32
        %get3A_380 = arith.index_cast %add3A_379 : i32 to index
        %get3A_381 = tpu.vector_load %arg9[%get3A_380] {strides = array<i32>} : memref<2304xi32, #tpu.memory_space<vmem>>, vector<16xi32>,
        %swap3A_382 = arith.index_cast %select_n3A_274 : i32 to index
        %swap3A_383 = arith.constant 112 : index
        %swap3A_384 = tpu.vector_load %arg11[%swap3A_382, %swap3A_383] {strides = array<i32>} : memref<4x128xi32, #tpu.memory_space<vmem>>, vector<16xi32>,
        tpu.vector_store %arg11[%swap3A_382, %swap3A_383], %get3A_381 {strides = array<i32>} : memref<4x128xi32, #tpu.memory_space<vmem>>, vector<16xi32>,
        %add3A_385 = arith.constant 112 : i32
        %add3A_386 = arith.addi %while3A_257, %add3A_385 : i32
        %get3A_387 = arith.index_cast %add3A_386 : i32 to index
        %get3A_388 = tpu.vector_load %arg10[%get3A_387] {strides = array<i32>} : memref<2304xi32, #tpu.memory_space<vmem>>, vector<16xi32>,
        %swap3A_389 = arith.index_cast %select_n3A_274 : i32 to index
        %swap3A_390 = arith.constant 112 : index
        %swap3A_391 = tpu.vector_load %arg12[%swap3A_389, %swap3A_390] {strides = array<i32>} : memref<4x128xi32, #tpu.memory_space<vmem>>, vector<16xi32>,
        tpu.vector_store %arg12[%swap3A_389, %swap3A_390], %get3A_388 {strides = array<i32>} : memref<4x128xi32, #tpu.memory_space<vmem>>, vector<16xi32>,
        %dma_start3A_392 = arith.constant 0 : i32
        %dma_start3A_393 = arith.constant 0 : i32
        %dma_start3A_394 = tpu.memref_slice %arg13[%select_n3A_274, %dma_start3A_392, %dma_start3A_393] : memref<4x128x128xf32, #tpu.memory_space<vmem>> -> memref<1x128x128xf32, #tpu.memory_space<vmem>>
        %dma_start3A_395 = tpu.memref_squeeze %dma_start3A_394 : memref<1x128x128xf32, #tpu.memory_space<vmem>> -> memref<128x128xf32, #tpu.memory_space<vmem>>
        %dma_start3A_396 = arith.constant 0 : i32
        %dma_start3A_397 = tpu.memref_slice %arg12[%select_n3A_274, %dma_start3A_396] : memref<4x128xi32, #tpu.memory_space<vmem>> -> memref<1x128xi32, #tpu.memory_space<vmem>>
        %dma_start3A_398 = tpu.memref_squeeze %dma_start3A_397 : memref<1x128xi32, #tpu.memory_space<vmem>> -> memref<128xi32, #tpu.memory_space<vmem>>
        %dma_start3A_399 = arith.constant 0 : i32
        %dma_start3A_400 = arith.constant 0 : i32
        %dma_start3A_401 = tpu.memref_slice %arg2[%dma_start3A_399, %dma_start3A_400] : memref<10000x128xf32, #tpu.memory_space<hbm>> -> memref<10000x128xf32, #tpu.memory_space<hbm>>
        %dma_start3A_402 = tpu.memref_slice %arg15[%select_n3A_274] : memref<4x!tpu.dma_semaphore, #tpu.memory_space<semaphore_mem>> -> memref<1x!tpu.dma_semaphore, #tpu.memory_space<semaphore_mem>>
        %dma_start3A_403 = tpu.memref_squeeze %dma_start3A_402 : memref<1x!tpu.dma_semaphore, #tpu.memory_space<semaphore_mem>> -> memref<!tpu.dma_semaphore, #tpu.memory_space<semaphore_mem>>
        tpu.enqueue_indirect_dma source(%dma_start3A_401 : memref<10000x128xf32, #tpu.memory_space<hbm>>) target(%dma_start3A_395 : memref<128x128xf32, #tpu.memory_space<vmem>>) offsets(%dma_start3A_398 : memref<128xi32, #tpu.memory_space<vmem>>) semaphore(%dma_start3A_403 : memref<!tpu.dma_semaphore, #tpu.memory_space<semaphore_mem>>)
        %ge3A_404 = arith.constant 1 : i32
        %ge3A_405 = arith.cmpi sge, %while3A_258, %ge3A_404 : i32
        %convert_element_type3A_406 = arith.extui %ge3A_405 : i1 to i32
        %cond3A_407 = arith.constant 0 : i32
        %cond3A_408 = arith.cmpi ne, %convert_element_type3A_406, %cond3A_407 : i32
        scf.if %cond3A_408 {
          %sub3A_413 = arith.constant 1 : i32
          %sub3A_414 = arith.subi %while3A_258, %sub3A_413 : i32
          %jit3A_415 = arith.constant 4 : i32
          %eq3A_416 = arith.constant 0 : i32
          %eq3A_417 = arith.cmpi eq, %jit3A_415, %eq3A_416 : i32
          %jit3A_418 = arith.constant 1 : i32
          %select_n3A_419 = arith.select %eq3A_417, %jit3A_418, %jit3A_415 : i32
          %rem3A_420 = arith.remsi %sub3A_414, %select_n3A_419 : i32
          %ne3A_421 = arith.constant 0 : i32
          %ne3A_422 = arith.cmpi ne, %rem3A_420, %ne3A_421 : i32
          %lt3A_423 = arith.constant 0 : i32
          %lt3A_424 = arith.cmpi slt, %rem3A_420, %lt3A_423 : i32
          %lt3A_425 = arith.constant 0 : i32
          %lt3A_426 = arith.cmpi slt, %select_n3A_419, %lt3A_425 : i32
          %ne3A_427 = arith.xori %lt3A_424, %lt3A_426 : i1
          %and3A_428 = arith.andi %ne3A_427, %ne3A_422 : i1
          %add3A_429 = arith.addi %rem3A_420, %select_n3A_419 : i32
          %select_n3A_430 = arith.select %and3A_428, %add3A_429, %rem3A_420 : i32
          %dma_wait3A_431 = arith.constant 0 : i32
          %dma_wait3A_432 = arith.constant 0 : i32
          %dma_wait3A_433 = tpu.memref_slice %arg13[%select_n3A_430, %dma_wait3A_431, %dma_wait3A_432] : memref<4x128x128xf32, #tpu.memory_space<vmem>> -> memref<1x128x128xf32, #tpu.memory_space<vmem>>
          %dma_wait3A_434 = tpu.memref_squeeze %dma_wait3A_433 : memref<1x128x128xf32, #tpu.memory_space<vmem>> -> memref<128x128xf32, #tpu.memory_space<vmem>>
          %dma_wait3A_435 = arith.constant 0 : i32
          %dma_wait3A_436 = arith.constant 0 : i32
          %dma_wait3A_437 = tpu.memref_slice %arg2[%dma_wait3A_435, %dma_wait3A_436] : memref<10000x128xf32, #tpu.memory_space<hbm>> -> memref<128x128xf32, #tpu.memory_space<hbm>>
          %dma_wait3A_438 = tpu.memref_slice %arg15[%select_n3A_430] : memref<4x!tpu.dma_semaphore, #tpu.memory_space<semaphore_mem>> -> memref<1x!tpu.dma_semaphore, #tpu.memory_space<semaphore_mem>>
          %dma_wait3A_439 = tpu.memref_squeeze %dma_wait3A_438 : memref<1x!tpu.dma_semaphore, #tpu.memory_space<semaphore_mem>> -> memref<!tpu.dma_semaphore, #tpu.memory_space<semaphore_mem>>
          %dma_wait3A_440 = arith.constant 0 : i32
          %dma_wait3A_441 = arith.constant 0 : i32
          %dma_wait3A_442 = tpu.memref_slice %arg13[%select_n3A_430, %dma_wait3A_440, %dma_wait3A_441] : memref<4x128x128xf32, #tpu.memory_space<vmem>> -> memref<1x128x128xf32, #tpu.memory_space<vmem>>
          %dma_wait3A_443 = tpu.memref_squeeze %dma_wait3A_442 : memref<1x128x128xf32, #tpu.memory_space<vmem>> -> memref<128x128xf32, #tpu.memory_space<vmem>>
          %dma_wait3A_444 = arith.constant 0 : i32
          %dma_wait3A_445 = arith.constant 0 : i32
          %dma_wait3A_446 = tpu.memref_slice %arg2[%dma_wait3A_444, %dma_wait3A_445] : memref<10000x128xf32, #tpu.memory_space<hbm>> -> memref<128x128xf32, #tpu.memory_space<hbm>>
          tpu.wait_dma2 semaphore(%dma_wait3A_439 : memref<!tpu.dma_semaphore, #tpu.memory_space<semaphore_mem>>) src(%dma_wait3A_446 : memref<128x128xf32, #tpu.memory_space<hbm>>) dst(%dma_wait3A_443 : memref<128x128xf32, #tpu.memory_space<vmem>>)
          %dma_start3A_447 = arith.constant 0 : i32
          %dma_start3A_448 = arith.constant 0 : i32
          %dma_start3A_449 = tpu.memref_slice %arg13[%select_n3A_430, %dma_start3A_447, %dma_start3A_448] : memref<4x128x128xf32, #tpu.memory_space<vmem>> -> memref<1x128x128xf32, #tpu.memory_space<vmem>>
          %dma_start3A_450 = tpu.memref_squeeze %dma_start3A_449 : memref<1x128x128xf32, #tpu.memory_space<vmem>> -> memref<128x128xf32, #tpu.memory_space<vmem>>
          %dma_start3A_451 = arith.constant 0 : i32
          %dma_start3A_452 = tpu.memref_slice %arg11[%select_n3A_430, %dma_start3A_451] : memref<4x128xi32, #tpu.memory_space<vmem>> -> memref<1x128xi32, #tpu.memory_space<vmem>>
          %dma_start3A_453 = tpu.memref_squeeze %dma_start3A_452 : memref<1x128xi32, #tpu.memory_space<vmem>> -> memref<128xi32, #tpu.memory_space<vmem>>
          %dma_start3A_454 = arith.constant 0 : i32
          %dma_start3A_455 = arith.constant 0 : i32
          %dma_start3A_456 = tpu.memref_slice %arg14[%dma_start3A_454, %dma_start3A_455] : memref<5024x128xf32, #tpu.memory_space<vmem_shared>> -> memref<5024x128xf32, #tpu.memory_space<vmem_shared>>
          tpu.enqueue_indirect_dma source(%dma_start3A_450 : memref<128x128xf32, #tpu.memory_space<vmem>>) target(%dma_start3A_456 : memref<5024x128xf32, #tpu.memory_space<vmem_shared>>) offsets(%dma_start3A_453 : memref<128xi32, #tpu.memory_space<vmem>>) semaphore(%arg16 : memref<!tpu.dma_semaphore, #tpu.memory_space<semaphore_mem>>) {add = true}
        } else {
        }
        %add3A_409 = arith.constant 128 : i32
        %add3A_410 = arith.addi %while3A_257, %add3A_409 : i32
        %add3A_411 = arith.constant 1 : i32
        %add3A_412 = arith.addi %while3A_258, %add3A_411 : i32
        scf.yield %add3A_410, %add3A_412 : i32, i32
      }
      %add3A_163 = arith.constant 0 : i32
      %add3A_164 = arith.addi %while3A_162#0, %add3A_163 : i32
      %get3A = arith.index_cast %add3A_164 : i32 to index
      %get3A_165 = tpu.vector_load %arg9[%get3A] {strides = array<i32>} : memref<2304xi32, #tpu.memory_space<vmem>>, vector<16xi32>,
      %add3A_166 = arith.constant 0 : i32
      %add3A_167 = arith.addi %while3A_162#0, %add3A_166 : i32
      %get3A_168 = arith.index_cast %add3A_167 : i32 to index
      %get3A_169 = tpu.vector_load %arg10[%get3A_168] {strides = array<i32>} : memref<2304xi32, #tpu.memory_space<vmem>>, vector<16xi32>,
      %swap3A = arith.constant 0 : index
      %swap3A_170 = tpu.vector_load %arg9[%swap3A] {strides = array<i32>} : memref<2304xi32, #tpu.memory_space<vmem>>, vector<16xi32>,
      tpu.vector_store %arg9[%swap3A], %get3A_165 {strides = array<i32>} : memref<2304xi32, #tpu.memory_space<vmem>>, vector<16xi32>,
      %swap3A_171 = arith.constant 0 : index
      %swap3A_172 = tpu.vector_load %arg10[%swap3A_171] {strides = array<i32>} : memref<2304xi32, #tpu.memory_space<vmem>>, vector<16xi32>,
      tpu.vector_store %arg10[%swap3A_171], %get3A_169 {strides = array<i32>} : memref<2304xi32, #tpu.memory_space<vmem>>, vector<16xi32>,
      %add3A_173 = arith.constant 16 : i32
      %add3A_174 = arith.addi %while3A_162#0, %add3A_173 : i32
      %get3A_175 = arith.index_cast %add3A_174 : i32 to index
      %get3A_176 = tpu.vector_load %arg9[%get3A_175] {strides = array<i32>} : memref<2304xi32, #tpu.memory_space<vmem>>, vector<16xi32>,
      %add3A_177 = arith.constant 16 : i32
      %add3A_178 = arith.addi %while3A_162#0, %add3A_177 : i32
      %get3A_179 = arith.index_cast %add3A_178 : i32 to index
      %get3A_180 = tpu.vector_load %arg10[%get3A_179] {strides = array<i32>} : memref<2304xi32, #tpu.memory_space<vmem>>, vector<16xi32>,
      %swap3A_181 = arith.constant 16 : index
      %swap3A_182 = tpu.vector_load %arg9[%swap3A_181] {strides = array<i32>} : memref<2304xi32, #tpu.memory_space<vmem>>, vector<16xi32>,
      tpu.vector_store %arg9[%swap3A_181], %get3A_176 {strides = array<i32>} : memref<2304xi32, #tpu.memory_space<vmem>>, vector<16xi32>,
      %swap3A_183 = arith.constant 16 : index
      %swap3A_184 = tpu.vector_load %arg10[%swap3A_183] {strides = array<i32>} : memref<2304xi32, #tpu.memory_space<vmem>>, vector<16xi32>,
      tpu.vector_store %arg10[%swap3A_183], %get3A_180 {strides = array<i32>} : memref<2304xi32, #tpu.memory_space<vmem>>, vector<16xi32>,
      %add3A_185 = arith.constant 32 : i32
      %add3A_186 = arith.addi %while3A_162#0, %add3A_185 : i32
      %get3A_187 = arith.index_cast %add3A_186 : i32 to index
      %get3A_188 = tpu.vector_load %arg9[%get3A_187] {strides = array<i32>} : memref<2304xi32, #tpu.memory_space<vmem>>, vector<16xi32>,
      %add3A_189 = arith.constant 32 : i32
      %add3A_190 = arith.addi %while3A_162#0, %add3A_189 : i32
      %get3A_191 = arith.index_cast %add3A_190 : i32 to index
      %get3A_192 = tpu.vector_load %arg10[%get3A_191] {strides = array<i32>} : memref<2304xi32, #tpu.memory_space<vmem>>, vector<16xi32>,
      %swap3A_193 = arith.constant 32 : index
      %swap3A_194 = tpu.vector_load %arg9[%swap3A_193] {strides = array<i32>} : memref<2304xi32, #tpu.memory_space<vmem>>, vector<16xi32>,
      tpu.vector_store %arg9[%swap3A_193], %get3A_188 {strides = array<i32>} : memref<2304xi32, #tpu.memory_space<vmem>>, vector<16xi32>,
      %swap3A_195 = arith.constant 32 : index
      %swap3A_196 = tpu.vector_load %arg10[%swap3A_195] {strides = array<i32>} : memref<2304xi32, #tpu.memory_space<vmem>>, vector<16xi32>,
      tpu.vector_store %arg10[%swap3A_195], %get3A_192 {strides = array<i32>} : memref<2304xi32, #tpu.memory_space<vmem>>, vector<16xi32>,
      %add3A_197 = arith.constant 48 : i32
      %add3A_198 = arith.addi %while3A_162#0, %add3A_197 : i32
      %get3A_199 = arith.index_cast %add3A_198 : i32 to index
      %get3A_200 = tpu.vector_load %arg9[%get3A_199] {strides = array<i32>} : memref<2304xi32, #tpu.memory_space<vmem>>, vector<16xi32>,
      %add3A_201 = arith.constant 48 : i32
      %add3A_202 = arith.addi %while3A_162#0, %add3A_201 : i32
      %get3A_203 = arith.index_cast %add3A_202 : i32 to index
      %get3A_204 = tpu.vector_load %arg10[%get3A_203] {strides = array<i32>} : memref<2304xi32, #tpu.memory_space<vmem>>, vector<16xi32>,
      %swap3A_205 = arith.constant 48 : index
      %swap3A_206 = tpu.vector_load %arg9[%swap3A_205] {strides = array<i32>} : memref<2304xi32, #tpu.memory_space<vmem>>, vector<16xi32>,
      tpu.vector_store %arg9[%swap3A_205], %get3A_200 {strides = array<i32>} : memref<2304xi32, #tpu.memory_space<vmem>>, vector<16xi32>,
      %swap3A_207 = arith.constant 48 : index
      %swap3A_208 = tpu.vector_load %arg10[%swap3A_207] {strides = array<i32>} : memref<2304xi32, #tpu.memory_space<vmem>>, vector<16xi32>,
      tpu.vector_store %arg10[%swap3A_207], %get3A_204 {strides = array<i32>} : memref<2304xi32, #tpu.memory_space<vmem>>, vector<16xi32>,
      %add3A_209 = arith.constant 64 : i32
      %add3A_210 = arith.addi %while3A_162#0, %add3A_209 : i32
      %get3A_211 = arith.index_cast %add3A_210 : i32 to index
      %get3A_212 = tpu.vector_load %arg9[%get3A_211] {strides = array<i32>} : memref<2304xi32, #tpu.memory_space<vmem>>, vector<16xi32>,
      %add3A_213 = arith.constant 64 : i32
      %add3A_214 = arith.addi %while3A_162#0, %add3A_213 : i32
      %get3A_215 = arith.index_cast %add3A_214 : i32 to index
      %get3A_216 = tpu.vector_load %arg10[%get3A_215] {strides = array<i32>} : memref<2304xi32, #tpu.memory_space<vmem>>, vector<16xi32>,
      %swap3A_217 = arith.constant 64 : index
      %swap3A_218 = tpu.vector_load %arg9[%swap3A_217] {strides = array<i32>} : memref<2304xi32, #tpu.memory_space<vmem>>, vector<16xi32>,
      tpu.vector_store %arg9[%swap3A_217], %get3A_212 {strides = array<i32>} : memref<2304xi32, #tpu.memory_space<vmem>>, vector<16xi32>,
      %swap3A_219 = arith.constant 64 : index
      %swap3A_220 = tpu.vector_load %arg10[%swap3A_219] {strides = array<i32>} : memref<2304xi32, #tpu.memory_space<vmem>>, vector<16xi32>,
      tpu.vector_store %arg10[%swap3A_219], %get3A_216 {strides = array<i32>} : memref<2304xi32, #tpu.memory_space<vmem>>, vector<16xi32>,
      %add3A_221 = arith.constant 80 : i32
      %add3A_222 = arith.addi %while3A_162#0, %add3A_221 : i32
      %get3A_223 = arith.index_cast %add3A_222 : i32 to index
      %get3A_224 = tpu.vector_load %arg9[%get3A_223] {strides = array<i32>} : memref<2304xi32, #tpu.memory_space<vmem>>, vector<16xi32>,
      %add3A_225 = arith.constant 80 : i32
      %add3A_226 = arith.addi %while3A_162#0, %add3A_225 : i32
      %get3A_227 = arith.index_cast %add3A_226 : i32 to index
      %get3A_228 = tpu.vector_load %arg10[%get3A_227] {strides = array<i32>} : memref<2304xi32, #tpu.memory_space<vmem>>, vector<16xi32>,
      %swap3A_229 = arith.constant 80 : index
      %swap3A_230 = tpu.vector_load %arg9[%swap3A_229] {strides = array<i32>} : memref<2304xi32, #tpu.memory_space<vmem>>, vector<16xi32>,
      tpu.vector_store %arg9[%swap3A_229], %get3A_224 {strides = array<i32>} : memref<2304xi32, #tpu.memory_space<vmem>>, vector<16xi32>,
      %swap3A_231 = arith.constant 80 : index
      %swap3A_232 = tpu.vector_load %arg10[%swap3A_231] {strides = array<i32>} : memref<2304xi32, #tpu.memory_space<vmem>>, vector<16xi32>,
      tpu.vector_store %arg10[%swap3A_231], %get3A_228 {strides = array<i32>} : memref<2304xi32, #tpu.memory_space<vmem>>, vector<16xi32>,
      %add3A_233 = arith.constant 96 : i32
      %add3A_234 = arith.addi %while3A_162#0, %add3A_233 : i32
      %get3A_235 = arith.index_cast %add3A_234 : i32 to index
      %get3A_236 = tpu.vector_load %arg9[%get3A_235] {strides = array<i32>} : memref<2304xi32, #tpu.memory_space<vmem>>, vector<16xi32>,
      %add3A_237 = arith.constant 96 : i32
      %add3A_238 = arith.addi %while3A_162#0, %add3A_237 : i32
      %get3A_239 = arith.index_cast %add3A_238 : i32 to index
      %get3A_240 = tpu.vector_load %arg10[%get3A_239] {strides = array<i32>} : memref<2304xi32, #tpu.memory_space<vmem>>, vector<16xi32>,
      %swap3A_241 = arith.constant 96 : index
      %swap3A_242 = tpu.vector_load %arg9[%swap3A_241] {strides = array<i32>} : memref<2304xi32, #tpu.memory_space<vmem>>, vector<16xi32>,
      tpu.vector_store %arg9[%swap3A_241], %get3A_236 {strides = array<i32>} : memref<2304xi32, #tpu.memory_space<vmem>>, vector<16xi32>,
      %swap3A_243 = arith.constant 96 : index
      %swap3A_244 = tpu.vector_load %arg10[%swap3A_243] {strides = array<i32>} : memref<2304xi32, #tpu.memory_space<vmem>>, vector<16xi32>,
      tpu.vector_store %arg10[%swap3A_243], %get3A_240 {strides = array<i32>} : memref<2304xi32, #tpu.memory_space<vmem>>, vector<16xi32>,
      %add3A_245 = arith.constant 112 : i32
      %add3A_246 = arith.addi %while3A_162#0, %add3A_245 : i32
      %get3A_247 = arith.index_cast %add3A_246 : i32 to index
      %get3A_248 = tpu.vector_load %arg9[%get3A_247] {strides = array<i32>} : memref<2304xi32, #tpu.memory_space<vmem>>, vector<16xi32>,
      %add3A_249 = arith.constant 112 : i32
      %add3A_250 = arith.addi %while3A_162#0, %add3A_249 : i32
      %get3A_251 = arith.index_cast %add3A_250 : i32 to index
      %get3A_252 = tpu.vector_load %arg10[%get3A_251] {strides = array<i32>} : memref<2304xi32, #tpu.memory_space<vmem>>, vector<16xi32>,
      %swap3A_253 = arith.constant 112 : index
      %swap3A_254 = tpu.vector_load %arg9[%swap3A_253] {strides = array<i32>} : memref<2304xi32, #tpu.memory_space<vmem>>, vector<16xi32>,
      tpu.vector_store %arg9[%swap3A_253], %get3A_248 {strides = array<i32>} : memref<2304xi32, #tpu.memory_space<vmem>>, vector<16xi32>,
      %swap3A_255 = arith.constant 112 : index
      %swap3A_256 = tpu.vector_load %arg10[%swap3A_255] {strides = array<i32>} : memref<2304xi32, #tpu.memory_space<vmem>>, vector<16xi32>,
      tpu.vector_store %arg10[%swap3A_255], %get3A_252 {strides = array<i32>} : memref<2304xi32, #tpu.memory_space<vmem>>, vector<16xi32>,
      %sub3A = arith.subi %scan3A_159, %while3A_162#0 : i32
      scf.yield %sub3A, %while3A_162#1 : i32, i32
    }
    %scan3A_56 = arith.constant 157 : i32
    %ge3A = arith.constant 1 : i32
    %ge3A_57 = arith.cmpi sge, %scan3A_55#1, %ge3A : i32
    %convert_element_type3A_58 = arith.extui %ge3A_57 : i1 to i32
    %cond3A_59 = arith.constant 0 : i32
    %cond3A_60 = arith.cmpi ne, %convert_element_type3A_58, %cond3A_59 : i32
    scf.if %cond3A_60 {
      %sub3A = arith.constant 1 : i32
      %sub3A_92 = arith.subi %scan3A_55#1, %sub3A : i32
      %jit3A_93 = arith.constant 4 : i32
      %eq3A_94 = arith.constant 0 : i32
      %eq3A_95 = arith.cmpi eq, %jit3A_93, %eq3A_94 : i32
      %jit3A_96 = arith.constant 1 : i32
      %select_n3A_97 = arith.select %eq3A_95, %jit3A_96, %jit3A_93 : i32
      %rem3A = arith.remsi %sub3A_92, %select_n3A_97 : i32
      %ne3A = arith.constant 0 : i32
      %ne3A_98 = arith.cmpi ne, %rem3A, %ne3A : i32
      %lt3A_99 = arith.constant 0 : i32
      %lt3A_100 = arith.cmpi slt, %rem3A, %lt3A_99 : i32
      %lt3A_101 = arith.constant 0 : i32
      %lt3A_102 = arith.cmpi slt, %select_n3A_97, %lt3A_101 : i32
      %ne3A_103 = arith.xori %lt3A_100, %lt3A_102 : i1
      %and3A_104 = arith.andi %ne3A_103, %ne3A_98 : i1
      %add3A_105 = arith.addi %rem3A, %select_n3A_97 : i32
      %select_n3A_106 = arith.select %and3A_104, %add3A_105, %rem3A : i32
      %dma_wait3A = arith.constant 0 : i32
      %dma_wait3A_107 = arith.constant 0 : i32
      %dma_wait3A_108 = tpu.memref_slice %arg13[%select_n3A_106, %dma_wait3A, %dma_wait3A_107] : memref<4x128x128xf32, #tpu.memory_space<vmem>> -> memref<1x128x128xf32, #tpu.memory_space<vmem>>
      %dma_wait3A_109 = tpu.memref_squeeze %dma_wait3A_108 : memref<1x128x128xf32, #tpu.memory_space<vmem>> -> memref<128x128xf32, #tpu.memory_space<vmem>>
      %dma_wait3A_110 = arith.constant 0 : i32
      %dma_wait3A_111 = arith.constant 0 : i32
      %dma_wait3A_112 = tpu.memref_slice %arg2[%dma_wait3A_110, %dma_wait3A_111] : memref<10000x128xf32, #tpu.memory_space<hbm>> -> memref<128x128xf32, #tpu.memory_space<hbm>>
      %dma_wait3A_113 = tpu.memref_slice %arg15[%select_n3A_106] : memref<4x!tpu.dma_semaphore, #tpu.memory_space<semaphore_mem>> -> memref<1x!tpu.dma_semaphore, #tpu.memory_space<semaphore_mem>>
      %dma_wait3A_114 = tpu.memref_squeeze %dma_wait3A_113 : memref<1x!tpu.dma_semaphore, #tpu.memory_space<semaphore_mem>> -> memref<!tpu.dma_semaphore, #tpu.memory_space<semaphore_mem>>
      %dma_wait3A_115 = arith.constant 0 : i32
      %dma_wait3A_116 = arith.constant 0 : i32
      %dma_wait3A_117 = tpu.memref_slice %arg13[%select_n3A_106, %dma_wait3A_115, %dma_wait3A_116] : memref<4x128x128xf32, #tpu.memory_space<vmem>> -> memref<1x128x128xf32, #tpu.memory_space<vmem>>
      %dma_wait3A_118 = tpu.memref_squeeze %dma_wait3A_117 : memref<1x128x128xf32, #tpu.memory_space<vmem>> -> memref<128x128xf32, #tpu.memory_space<vmem>>
      %dma_wait3A_119 = arith.constant 0 : i32
      %dma_wait3A_120 = arith.constant 0 : i32
      %dma_wait3A_121 = tpu.memref_slice %arg2[%dma_wait3A_119, %dma_wait3A_120] : memref<10000x128xf32, #tpu.memory_space<hbm>> -> memref<128x128xf32, #tpu.memory_space<hbm>>
      tpu.wait_dma2 semaphore(%dma_wait3A_114 : memref<!tpu.dma_semaphore, #tpu.memory_space<semaphore_mem>>) src(%dma_wait3A_121 : memref<128x128xf32, #tpu.memory_space<hbm>>) dst(%dma_wait3A_118 : memref<128x128xf32, #tpu.memory_space<vmem>>)
      %dma_start3A_122 = arith.constant 0 : i32
      %dma_start3A_123 = arith.constant 0 : i32
      %dma_start3A_124 = tpu.memref_slice %arg13[%select_n3A_106, %dma_start3A_122, %dma_start3A_123] : memref<4x128x128xf32, #tpu.memory_space<vmem>> -> memref<1x128x128xf32, #tpu.memory_space<vmem>>
      %dma_start3A_125 = tpu.memref_squeeze %dma_start3A_124 : memref<1x128x128xf32, #tpu.memory_space<vmem>> -> memref<128x128xf32, #tpu.memory_space<vmem>>
      %dma_start3A_126 = arith.constant 0 : i32
      %dma_start3A_127 = tpu.memref_slice %arg11[%select_n3A_106, %dma_start3A_126] : memref<4x128xi32, #tpu.memory_space<vmem>> -> memref<1x128xi32, #tpu.memory_space<vmem>>
      %dma_start3A_128 = tpu.memref_squeeze %dma_start3A_127 : memref<1x128xi32, #tpu.memory_space<vmem>> -> memref<128xi32, #tpu.memory_space<vmem>>
      %dma_start3A_129 = arith.constant 0 : i32
      %dma_start3A_130 = arith.constant 0 : i32
      %dma_start3A_131 = tpu.memref_slice %arg14[%dma_start3A_129, %dma_start3A_130] : memref<5024x128xf32, #tpu.memory_space<vmem_shared>> -> memref<5024x128xf32, #tpu.memory_space<vmem_shared>>
      tpu.enqueue_indirect_dma source(%dma_start3A_125 : memref<128x128xf32, #tpu.memory_space<vmem>>) target(%dma_start3A_131 : memref<5024x128xf32, #tpu.memory_space<vmem_shared>>) offsets(%dma_start3A_128 : memref<128xi32, #tpu.memory_space<vmem>>) semaphore(%arg16 : memref<!tpu.dma_semaphore, #tpu.memory_space<semaphore_mem>>) {add = true}
    } else {
    }
    %min3A = arith.constant 4 : i32
    %min3A_61 = arith.minsi %scan3A_55#1, %min3A : i32
    %while3A = arith.constant 0 : i32
    %while3A_62 = arith.constant 0 : i32
    %while3A_63 = arith.subi %min3A_61, %while3A_62 : i32
    %while3A_64 = arith.addi %while3A_62, %while3A_63 : i32
    %while3A_65 = arith.constant 1 : i32
    %while3A_66 = arith.divsi %while3A_63, %while3A_65 : i32
    %while3A_67 = arith.muli %while3A_66, %while3A_65 : i32
    %while3A_68 = arith.addi %while3A_62, %while3A_67 : i32
    %while3A_69 = arith.constant 1 : i32
    scf.for %while3A_92 = %while3A_62 to %while3A_68 step %while3A_69  : i32 {
      %dma_wait3A = arith.constant 0 : i32
      %dma_wait3A_93 = arith.constant 0 : i32
      %dma_wait3A_94 = arith.constant 0 : i32
      %dma_wait3A_95 = tpu.memref_slice %arg13[%dma_wait3A, %dma_wait3A_93, %dma_wait3A_94] : memref<4x128x128xf32, #tpu.memory_space<vmem>> -> memref<1x128x128xf32, #tpu.memory_space<vmem>>
      %dma_wait3A_96 = tpu.memref_squeeze %dma_wait3A_95 : memref<1x128x128xf32, #tpu.memory_space<vmem>> -> memref<128x128xf32, #tpu.memory_space<vmem>>
      %dma_wait3A_97 = arith.constant 0 : i32
      %dma_wait3A_98 = arith.constant 0 : i32
      %dma_wait3A_99 = tpu.memref_slice %arg2[%dma_wait3A_97, %dma_wait3A_98] : memref<10000x128xf32, #tpu.memory_space<hbm>> -> memref<128x128xf32, #tpu.memory_space<hbm>>
      %dma_wait3A_100 = arith.constant 0 : i32
      %dma_wait3A_101 = arith.constant 0 : i32
      %dma_wait3A_102 = tpu.memref_slice %arg13[%dma_wait3A, %dma_wait3A_100, %dma_wait3A_101] : memref<4x128x128xf32, #tpu.memory_space<vmem>> -> memref<1x128x128xf32, #tpu.memory_space<vmem>>
      %dma_wait3A_103 = tpu.memref_squeeze %dma_wait3A_102 : memref<1x128x128xf32, #tpu.memory_space<vmem>> -> memref<128x128xf32, #tpu.memory_space<vmem>>
      %dma_wait3A_104 = arith.constant 0 : i32
      %dma_wait3A_105 = arith.constant 0 : i32
      %dma_wait3A_106 = tpu.memref_slice %arg2[%dma_wait3A_104, %dma_wait3A_105] : memref<10000x128xf32, #tpu.memory_space<hbm>> -> memref<128x128xf32, #tpu.memory_space<hbm>>
      tpu.wait_dma2 semaphore(%arg16 : memref<!tpu.dma_semaphore, #tpu.memory_space<semaphore_mem>>) src(%dma_wait3A_106 : memref<128x128xf32, #tpu.memory_space<hbm>>) dst(%dma_wait3A_103 : memref<128x128xf32, #tpu.memory_space<vmem>>)
    }
    %while3A_70 = arith.constant 1 : i32
    scf.for %while3A_92 = %while3A_68 to %while3A_64 step %while3A_70  : i32 {
      %dma_wait3A = arith.constant 0 : i32
      %dma_wait3A_93 = arith.constant 0 : i32
      %dma_wait3A_94 = arith.constant 0 : i32
      %dma_wait3A_95 = tpu.memref_slice %arg13[%dma_wait3A, %dma_wait3A_93, %dma_wait3A_94] : memref<4x128x128xf32, #tpu.memory_space<vmem>> -> memref<1x128x128xf32, #tpu.memory_space<vmem>>
      %dma_wait3A_96 = tpu.memref_squeeze %dma_wait3A_95 : memref<1x128x128xf32, #tpu.memory_space<vmem>> -> memref<128x128xf32, #tpu.memory_space<vmem>>
      %dma_wait3A_97 = arith.constant 0 : i32
      %dma_wait3A_98 = arith.constant 0 : i32
      %dma_wait3A_99 = tpu.memref_slice %arg2[%dma_wait3A_97, %dma_wait3A_98] : memref<10000x128xf32, #tpu.memory_space<hbm>> -> memref<128x128xf32, #tpu.memory_space<hbm>>
      %dma_wait3A_100 = arith.constant 0 : i32
      %dma_wait3A_101 = arith.constant 0 : i32
      %dma_wait3A_102 = tpu.memref_slice %arg13[%dma_wait3A, %dma_wait3A_100, %dma_wait3A_101] : memref<4x128x128xf32, #tpu.memory_space<vmem>> -> memref<1x128x128xf32, #tpu.memory_space<vmem>>
      %dma_wait3A_103 = tpu.memref_squeeze %dma_wait3A_102 : memref<1x128x128xf32, #tpu.memory_space<vmem>> -> memref<128x128xf32, #tpu.memory_space<vmem>>
      %dma_wait3A_104 = arith.constant 0 : i32
      %dma_wait3A_105 = arith.constant 0 : i32
      %dma_wait3A_106 = tpu.memref_slice %arg2[%dma_wait3A_104, %dma_wait3A_105] : memref<10000x128xf32, #tpu.memory_space<hbm>> -> memref<128x128xf32, #tpu.memory_space<hbm>>
      tpu.wait_dma2 semaphore(%arg16 : memref<!tpu.dma_semaphore, #tpu.memory_space<semaphore_mem>>) src(%dma_wait3A_106 : memref<128x128xf32, #tpu.memory_space<hbm>>) dst(%dma_wait3A_103 : memref<128x128xf32, #tpu.memory_space<vmem>>)
    }
    %barrier3A_71 = arith.constant 0 : index
    tpu.barrier barrier_id(%barrier3A_71)
    %lt3A_72 = arith.constant 15 : i32
    %lt3A_73 = arith.cmpi slt, %arg1, %lt3A_72 : i32
    %convert_element_type3A_74 = arith.extui %lt3A_73 : i1 to i32
    %cond3A_75 = arith.constant 0 : i32
    %cond3A_76 = arith.cmpi ne, %convert_element_type3A_74, %cond3A_75 : i32
    scf.if %cond3A_76 {
      %mul3A_92 = arith.constant 320 : i32
      %mul3A_93 = arith.muli %arg1, %mul3A_92 : i32
      %mul3A_94 = arith.constant 320 : i32
      %mul3A_95 = arith.muli %arg1, %mul3A_94 : i32
      %add3A_96 = arith.addi %mul3A_0, %mul3A_95 : i32
      "tpu.region"() ({
        %run_scoped3A = tpu.sem_alloc : memref<!tpu.dma_semaphore, #tpu.memory_space<semaphore_mem>>
        %dma_start3A_97 = arith.constant 0 : i32
        %dma_start3A_98 = tpu.memref_slice %arg6[%add3A_96, %dma_start3A_97] : memref<10000x128xf32, #tpu.memory_space<hbm>> -> memref<320x128xf32, #tpu.memory_space<hbm>>
        %dma_start3A_99 = arith.constant 0 : i32
        %dma_start3A_100 = tpu.memref_slice %arg14[%mul3A_93, %dma_start3A_99] : memref<5024x128xf32, #tpu.memory_space<vmem_shared>> -> memref<320x128xf32, #tpu.memory_space<vmem_shared>>
        tpu.enqueue_dma source(%dma_start3A_100 : memref<320x128xf32, #tpu.memory_space<vmem_shared>>) target(%dma_start3A_98 : memref<320x128xf32, #tpu.memory_space<hbm>>) target_semaphore(%run_scoped3A : memref<!tpu.dma_semaphore, #tpu.memory_space<semaphore_mem>>)
        %dma_wait3A = arith.constant 0 : i32
        %dma_wait3A_101 = tpu.memref_slice %arg6[%add3A_96, %dma_wait3A] : memref<10000x128xf32, #tpu.memory_space<hbm>> -> memref<320x128xf32, #tpu.memory_space<hbm>>
        %dma_wait3A_102 = arith.constant 0 : i32
        %dma_wait3A_103 = tpu.memref_slice %arg14[%mul3A_93, %dma_wait3A_102] : memref<5024x128xf32, #tpu.memory_space<vmem_shared>> -> memref<320x128xf32, #tpu.memory_space<vmem_shared>>
        tpu.wait_dma2 semaphore(%run_scoped3A : memref<!tpu.dma_semaphore, #tpu.memory_space<semaphore_mem>>) src(%dma_wait3A_103 : memref<320x128xf32, #tpu.memory_space<vmem_shared>>) dst(%dma_wait3A_101 : memref<320x128xf32, #tpu.memory_space<hbm>>)
        tpu.yield
      }) : () -> ()
    } else {
    }
    %eq3A_77 = arith.constant 15 : i32
    %eq3A_78 = arith.cmpi eq, %arg1, %eq3A_77 : i32
    %eq3A_79 = arith.constant 0 : i32
    %eq3A_80 = arith.cmpi eq, %arg0, %eq3A_79 : i32
    %and3A = arith.andi %eq3A_78, %eq3A_80 : i1
    %convert_element_type3A_81 = arith.extui %and3A : i1 to i32
    %cond3A_82 = arith.constant 0 : i32
    %cond3A_83 = arith.cmpi ne, %convert_element_type3A_81, %cond3A_82 : i32
    scf.if %cond3A_83 {
      "tpu.region"() ({
        %run_scoped3A = tpu.sem_alloc : memref<!tpu.dma_semaphore, #tpu.memory_space<semaphore_mem>>
        %dma_start3A_92 = arith.constant 4800 : i32
        %dma_start3A_93 = arith.constant 0 : i32
        %dma_start3A_94 = tpu.memref_slice %arg6[%dma_start3A_92, %dma_start3A_93] : memref<10000x128xf32, #tpu.memory_space<hbm>> -> memref<208x128xf32, #tpu.memory_space<hbm>>
        %dma_start3A_95 = arith.constant 4800 : i32
        %dma_start3A_96 = arith.constant 0 : i32
        %dma_start3A_97 = tpu.memref_slice %arg14[%dma_start3A_95, %dma_start3A_96] : memref<5024x128xf32, #tpu.memory_space<vmem_shared>> -> memref<208x128xf32, #tpu.memory_space<vmem_shared>>
        tpu.enqueue_dma source(%dma_start3A_97 : memref<208x128xf32, #tpu.memory_space<vmem_shared>>) target(%dma_start3A_94 : memref<208x128xf32, #tpu.memory_space<hbm>>) target_semaphore(%run_scoped3A : memref<!tpu.dma_semaphore, #tpu.memory_space<semaphore_mem>>)
        %dma_wait3A = arith.constant 4800 : i32
        %dma_wait3A_98 = arith.constant 0 : i32
        %dma_wait3A_99 = tpu.memref_slice %arg6[%dma_wait3A, %dma_wait3A_98] : memref<10000x128xf32, #tpu.memory_space<hbm>> -> memref<208x128xf32, #tpu.memory_space<hbm>>
        %dma_wait3A_100 = arith.constant 4800 : i32
        %dma_wait3A_101 = arith.constant 0 : i32
        %dma_wait3A_102 = tpu.memref_slice %arg14[%dma_wait3A_100, %dma_wait3A_101] : memref<5024x128xf32, #tpu.memory_space<vmem_shared>> -> memref<208x128xf32, #tpu.memory_space<vmem_shared>>
        tpu.wait_dma2 semaphore(%run_scoped3A : memref<!tpu.dma_semaphore, #tpu.memory_space<semaphore_mem>>) src(%dma_wait3A_102 : memref<208x128xf32, #tpu.memory_space<vmem_shared>>) dst(%dma_wait3A_99 : memref<208x128xf32, #tpu.memory_space<hbm>>)
        tpu.yield
      }) : () -> ()
    } else {
    }
    %eq3A_84 = arith.constant 15 : i32
    %eq3A_85 = arith.cmpi eq, %arg1, %eq3A_84 : i32
    %eq3A_86 = arith.constant 1 : i32
    %eq3A_87 = arith.cmpi eq, %arg0, %eq3A_86 : i32
    %and3A_88 = arith.andi %eq3A_85, %eq3A_87 : i1
    %convert_element_type3A_89 = arith.extui %and3A_88 : i1 to i32
    %cond3A_90 = arith.constant 0 : i32
    %cond3A_91 = arith.cmpi ne, %convert_element_type3A_89, %cond3A_90 : i32
    scf.if %cond3A_91 {
      "tpu.region"() ({
        %run_scoped3A = tpu.sem_alloc : memref<!tpu.dma_semaphore, #tpu.memory_space<semaphore_mem>>
        %dma_start3A_92 = arith.constant 9808 : i32
        %dma_start3A_93 = arith.constant 0 : i32
        %dma_start3A_94 = tpu.memref_slice %arg6[%dma_start3A_92, %dma_start3A_93] : memref<10000x128xf32, #tpu.memory_space<hbm>> -> memref<192x128xf32, #tpu.memory_space<hbm>>
        %dma_start3A_95 = arith.constant 4800 : i32
        %dma_start3A_96 = arith.constant 0 : i32
        %dma_start3A_97 = tpu.memref_slice %arg14[%dma_start3A_95, %dma_start3A_96] : memref<5024x128xf32, #tpu.memory_space<vmem_shared>> -> memref<192x128xf32, #tpu.memory_space<vmem_shared>>
        tpu.enqueue_dma source(%dma_start3A_97 : memref<192x128xf32, #tpu.memory_space<vmem_shared>>) target(%dma_start3A_94 : memref<192x128xf32, #tpu.memory_space<hbm>>) target_semaphore(%run_scoped3A : memref<!tpu.dma_semaphore, #tpu.memory_space<semaphore_mem>>)
        %dma_wait3A = arith.constant 9808 : i32
        %dma_wait3A_98 = arith.constant 0 : i32
        %dma_wait3A_99 = tpu.memref_slice %arg6[%dma_wait3A, %dma_wait3A_98] : memref<10000x128xf32, #tpu.memory_space<hbm>> -> memref<192x128xf32, #tpu.memory_space<hbm>>
        %dma_wait3A_100 = arith.constant 4800 : i32
        %dma_wait3A_101 = arith.constant 0 : i32
        %dma_wait3A_102 = tpu.memref_slice %arg14[%dma_wait3A_100, %dma_wait3A_101] : memref<5024x128xf32, #tpu.memory_space<vmem_shared>> -> memref<192x128xf32, #tpu.memory_space<vmem_shared>>
        tpu.wait_dma2 semaphore(%run_scoped3A : memref<!tpu.dma_semaphore, #tpu.memory_space<semaphore_mem>>) src(%dma_wait3A_102 : memref<192x128xf32, #tpu.memory_space<vmem_shared>>) dst(%dma_wait3A_99 : memref<192x128xf32, #tpu.memory_space<hbm>>)
        tpu.yield
      }) : () -> ()
    } else {
    }
    return
  }
}

#map = affine_map<(d0, d1) -> (0, 0)>
#map1 = affine_map<(d0, d1) -> (0)>
module attributes {stable_mosaic.version = 14 : i64} {
  func.func @_sc_agg(%arg0: i32, %arg1: i32, %arg2: memref<10000x128xf32, #tpu.memory_space<hbm>>, %arg3: memref<321536xi32, #tpu.memory_space<hbm>>, %arg4: memref<321536xi32, #tpu.memory_space<hbm>>, %arg5: memref<5024x128xf32, #tpu.memory_space<hbm>>, %arg6: memref<10000x128xf32, #tpu.memory_space<hbm>>, %arg7: memref<2x2048xi32, #tpu.memory_space<vmem>>, %arg8: memref<2x2048xi32, #tpu.memory_space<vmem>>, %arg9: memref<2304xi32, #tpu.memory_space<vmem>>, %arg10: memref<2304xi32, #tpu.memory_space<vmem>>, %arg11: memref<4x128xi32, #tpu.memory_space<vmem>>, %arg12: memref<4x128xi32, #tpu.memory_space<vmem>>, %arg13: memref<4x128x128xf32, #tpu.memory_space<vmem>>, %arg14: memref<5024x128xf32, #tpu.memory_space<vmem_shared>>, %arg15: memref<4x!tpu.dma_semaphore, #tpu.memory_space<semaphore_mem>>, %arg16: memref<!tpu.dma_semaphore, #tpu.memory_space<semaphore_mem>>, %arg17: memref<2x!tpu.dma_semaphore, #tpu.memory_space<semaphore_mem>>) attributes {dimension_semantics = [#tpu.dimension_semantics<core_parallel>, #tpu.dimension_semantics<subcore_parallel>], iteration_bounds = array<i64: 2, 16>, scalar_prefetch = 0 : i64, scratch_operands = 11 : i64, tpu.core_type = #tpu.core_type<sc_vector_subcore>, window_params = [{transform_indices = #map}, {transform_indices = #map1}, {transform_indices = #map1}, {transform_indices = #map}, {transform_indices = #map}]} {
    %mul3A = arith.constant 5008 : i32
    %mul3A_0 = arith.muli %arg0, %mul3A : i32
    %eq3A = arith.constant 0 : i32
    %eq3A_1 = arith.cmpi eq, %arg0, %eq3A : i32
    %jit3A = arith.constant 313 : i32
    %jit3A_2 = arith.constant 312 : i32
    %select_n3A = arith.select %eq3A_1, %jit3A, %jit3A_2 : i32
    %mul3A_3 = arith.muli %arg1, %select_n3A : i32
    %add3A = arith.addi %mul3A_0, %mul3A_3 : i32
    %add3A_4 = arith.addi %add3A, %select_n3A : i32
    %eq3A_5 = arith.constant 0 : i32
    %eq3A_6 = arith.cmpi eq, %arg0, %eq3A_5 : i32
    %jit3A_7 = arith.constant 5008 : i32
    %jit3A_8 = arith.constant 4992 : i32
    %select_n3A_9 = arith.select %eq3A_6, %jit3A_7, %jit3A_8 : i32
    %add3A_10 = arith.addi %select_n3A_9, %arg1 : i32
    %broadcast_in_dim3A = vector.broadcast %add3A : i32 to vector<16xi32>
    %broadcast_in_dim3A_11 = vector.broadcast %add3A_4 : i32 to vector<16xi32>
    %broadcast_in_dim3A_12 = vector.broadcast %mul3A_0 : i32 to vector<16xi32>
    %broadcast_in_dim3A_13 = vector.broadcast %add3A_10 : i32 to vector<16xi32>
    %broadcast_in_dim3A_14 = arith.constant 1048576 : i32
    %broadcast_in_dim3A_15 = vector.broadcast %broadcast_in_dim3A_14 : i32 to vector<16xi32>
    %lt3A = arith.constant 15 : i32
    %lt3A_16 = arith.cmpi slt, %arg1, %lt3A : i32
    %convert_element_type3A = arith.extui %lt3A_16 : i1 to i32
    %cond3A = arith.constant 0 : i32
    %cond3A_17 = arith.cmpi ne, %convert_element_type3A, %cond3A : i32
    scf.if %cond3A_17 {
      %mul3A_92 = arith.constant 320 : i32
      %mul3A_93 = arith.muli %arg1, %mul3A_92 : i32
      %mul3A_94 = arith.constant 320 : i32
      %mul3A_95 = arith.muli %arg1, %mul3A_94 : i32
      "tpu.region"() ({
        %run_scoped3A = tpu.sem_alloc : memref<!tpu.dma_semaphore, #tpu.memory_space<semaphore_mem>>
        %dma_start3A_96 = arith.constant 0 : i32
        %dma_start3A_97 = tpu.memref_slice %arg14[%mul3A_95, %dma_start3A_96] : memref<5024x128xf32, #tpu.memory_space<vmem_shared>> -> memref<320x128xf32, #tpu.memory_space<vmem_shared>>
        %dma_start3A_98 = arith.constant 0 : i32
        %dma_start3A_99 = tpu.memref_slice %arg5[%mul3A_93, %dma_start3A_98] : memref<5024x128xf32, #tpu.memory_space<hbm>> -> memref<320x128xf32, #tpu.memory_space<hbm>>
        tpu.enqueue_dma source(%dma_start3A_99 : memref<320x128xf32, #tpu.memory_space<hbm>>) target(%dma_start3A_97 : memref<320x128xf32, #tpu.memory_space<vmem_shared>>) target_semaphore(%run_scoped3A : memref<!tpu.dma_semaphore, #tpu.memory_space<semaphore_mem>>)
        %dma_wait3A = arith.constant 0 : i32
        %dma_wait3A_100 = tpu.memref_slice %arg14[%mul3A_95, %dma_wait3A] : memref<5024x128xf32, #tpu.memory_space<vmem_shared>> -> memref<320x128xf32, #tpu.memory_space<vmem_shared>>
        %dma_wait3A_101 = arith.constant 0 : i32
        %dma_wait3A_102 = tpu.memref_slice %arg5[%mul3A_93, %dma_wait3A_101] : memref<5024x128xf32, #tpu.memory_space<hbm>> -> memref<320x128xf32, #tpu.memory_space<hbm>>
        tpu.wait_dma2 semaphore(%run_scoped3A : memref<!tpu.dma_semaphore, #tpu.memory_space<semaphore_mem>>) src(%dma_wait3A_102 : memref<320x128xf32, #tpu.memory_space<hbm>>) dst(%dma_wait3A_100 : memref<320x128xf32, #tpu.memory_space<vmem_shared>>)
        tpu.yield
      }) : () -> ()
    } else {
    }
    %eq3A_18 = arith.constant 15 : i32
    %eq3A_19 = arith.cmpi eq, %arg1, %eq3A_18 : i32
    %convert_element_type3A_20 = arith.extui %eq3A_19 : i1 to i32
    %cond3A_21 = arith.constant 0 : i32
    %cond3A_22 = arith.cmpi ne, %convert_element_type3A_20, %cond3A_21 : i32
    scf.if %cond3A_22 {
      "tpu.region"() ({
        %run_scoped3A = tpu.sem_alloc : memref<!tpu.dma_semaphore, #tpu.memory_space<semaphore_mem>>
        %dma_start3A_92 = arith.constant 4800 : i32
        %dma_start3A_93 = arith.constant 0 : i32
        %dma_start3A_94 = tpu.memref_slice %arg14[%dma_start3A_92, %dma_start3A_93] : memref<5024x128xf32, #tpu.memory_space<vmem_shared>> -> memref<224x128xf32, #tpu.memory_space<vmem_shared>>
        %dma_start3A_95 = arith.constant 4800 : i32
        %dma_start3A_96 = arith.constant 0 : i32
        %dma_start3A_97 = tpu.memref_slice %arg5[%dma_start3A_95, %dma_start3A_96] : memref<5024x128xf32, #tpu.memory_space<hbm>> -> memref<224x128xf32, #tpu.memory_space<hbm>>
        tpu.enqueue_dma source(%dma_start3A_97 : memref<224x128xf32, #tpu.memory_space<hbm>>) target(%dma_start3A_94 : memref<224x128xf32, #tpu.memory_space<vmem_shared>>) target_semaphore(%run_scoped3A : memref<!tpu.dma_semaphore, #tpu.memory_space<semaphore_mem>>)
        %dma_wait3A = arith.constant 4800 : i32
        %dma_wait3A_98 = arith.constant 0 : i32
        %dma_wait3A_99 = tpu.memref_slice %arg14[%dma_wait3A, %dma_wait3A_98] : memref<5024x128xf32, #tpu.memory_space<vmem_shared>> -> memref<224x128xf32, #tpu.memory_space<vmem_shared>>
        %dma_wait3A_100 = arith.constant 4800 : i32
        %dma_wait3A_101 = arith.constant 0 : i32
        %dma_wait3A_102 = tpu.memref_slice %arg5[%dma_wait3A_100, %dma_wait3A_101] : memref<5024x128xf32, #tpu.memory_space<hbm>> -> memref<224x128xf32, #tpu.memory_space<hbm>>
        tpu.wait_dma2 semaphore(%run_scoped3A : memref<!tpu.dma_semaphore, #tpu.memory_space<semaphore_mem>>) src(%dma_wait3A_102 : memref<224x128xf32, #tpu.memory_space<hbm>>) dst(%dma_wait3A_99 : memref<224x128xf32, #tpu.memory_space<vmem_shared>>)
        tpu.yield
      }) : () -> ()
    } else {
    }
    %barrier3A = arith.constant 0 : index
    tpu.barrier barrier_id(%barrier3A)
    %dma_start3A = arith.constant 0 : i32
    %dma_start3A_23 = arith.constant 0 : i32
    %dma_start3A_24 = arith.constant 0 : i32
    %dma_start3A_25 = tpu.memref_slice %arg7[%dma_start3A, %dma_start3A_24] : memref<2x2048xi32, #tpu.memory_space<vmem>> -> memref<1x2048xi32, #tpu.memory_space<vmem>>
    %dma_start3A_26 = tpu.memref_squeeze %dma_start3A_25 : memref<1x2048xi32, #tpu.memory_space<vmem>> -> memref<2048xi32, #tpu.memory_space<vmem>>
    %dma_start3A_27 = arith.constant 0 : i32
    %dma_start3A_28 = tpu.memref_slice %arg4[%dma_start3A_27] : memref<321536xi32, #tpu.memory_space<hbm>> -> memref<2048xi32, #tpu.memory_space<hbm>>
    %dma_start3A_29 = tpu.memref_slice %arg17[%dma_start3A_23] : memref<2x!tpu.dma_semaphore, #tpu.memory_space<semaphore_mem>> -> memref<1x!tpu.dma_semaphore, #tpu.memory_space<semaphore_mem>>
    %dma_start3A_30 = tpu.memref_squeeze %dma_start3A_29 : memref<1x!tpu.dma_semaphore, #tpu.memory_space<semaphore_mem>> -> memref<!tpu.dma_semaphore, #tpu.memory_space<semaphore_mem>>
    %dma_start3A_31 = arith.constant 0 : i32
    %dma_start3A_32 = tpu.memref_slice %arg7[%dma_start3A, %dma_start3A_31] : memref<2x2048xi32, #tpu.memory_space<vmem>> -> memref<1x2048xi32, #tpu.memory_space<vmem>>
    %dma_start3A_33 = tpu.memref_squeeze %dma_start3A_32 : memref<1x2048xi32, #tpu.memory_space<vmem>> -> memref<2048xi32, #tpu.memory_space<vmem>>
    %dma_start3A_34 = arith.constant 0 : i32
    %dma_start3A_35 = tpu.memref_slice %arg4[%dma_start3A_34] : memref<321536xi32, #tpu.memory_space<hbm>> -> memref<2048xi32, #tpu.memory_space<hbm>>
    tpu.enqueue_dma source(%dma_start3A_35 : memref<2048xi32, #tpu.memory_space<hbm>>) target(%dma_start3A_33 : memref<2048xi32, #tpu.memory_space<vmem>>) target_semaphore(%dma_start3A_30 : memref<!tpu.dma_semaphore, #tpu.memory_space<semaphore_mem>>)
    %dma_start3A_36 = arith.constant 0 : i32
    %dma_start3A_37 = arith.constant 0 : i32
    %dma_start3A_38 = arith.constant 0 : i32
    %dma_start3A_39 = tpu.memref_slice %arg8[%dma_start3A_36, %dma_start3A_38] : memref<2x2048xi32, #tpu.memory_space<vmem>> -> memref<1x2048xi32, #tpu.memory_space<vmem>>
    %dma_start3A_40 = tpu.memref_squeeze %dma_start3A_39 : memref<1x2048xi32, #tpu.memory_space<vmem>> -> memref<2048xi32, #tpu.memory_space<vmem>>
    %dma_start3A_41 = arith.constant 0 : i32
    %dma_start3A_42 = tpu.memref_slice %arg3[%dma_start3A_41] : memref<321536xi32, #tpu.memory_space<hbm>> -> memref<2048xi32, #tpu.memory_space<hbm>>
    %dma_start3A_43 = tpu.memref_slice %arg17[%dma_start3A_37] : memref<2x!tpu.dma_semaphore, #tpu.memory_space<semaphore_mem>> -> memref<1x!tpu.dma_semaphore, #tpu.memory_space<semaphore_mem>>
    %dma_start3A_44 = tpu.memref_squeeze %dma_start3A_43 : memref<1x!tpu.dma_semaphore, #tpu.memory_space<semaphore_mem>> -> memref<!tpu.dma_semaphore, #tpu.memory_space<semaphore_mem>>
    %dma_start3A_45 = arith.constant 0 : i32
    %dma_start3A_46 = tpu.memref_slice %arg8[%dma_start3A_36, %dma_start3A_45] : memref<2x2048xi32, #tpu.memory_space<vmem>> -> memref<1x2048xi32, #tpu.memory_space<vmem>>
    %dma_start3A_47 = tpu.memref_squeeze %dma_start3A_46 : memref<1x2048xi32, #tpu.memory_space<vmem>> -> memref<2048xi32, #tpu.memory_space<vmem>>
    %dma_start3A_48 = arith.constant 0 : i32
    %dma_start3A_49 = tpu.memref_slice %arg3[%dma_start3A_48] : memref<321536xi32, #tpu.memory_space<hbm>> -> memref<2048xi32, #tpu.memory_space<hbm>>
    tpu.enqueue_dma source(%dma_start3A_49 : memref<2048xi32, #tpu.memory_space<hbm>>) target(%dma_start3A_47 : memref<2048xi32, #tpu.memory_space<vmem>>) target_semaphore(%dma_start3A_44 : memref<!tpu.dma_semaphore, #tpu.memory_space<semaphore_mem>>)
    %scan3A = arith.constant 0 : i32
    %scan3A_50 = arith.constant 0 : i32
    %scan3A_51 = arith.constant 0 : i32
    %scan3A_52 = arith.constant 157 : i32
    %scan3A_53 = arith.addi %scan3A_51, %scan3A_52 : i32
    %scan3A_54 = arith.constant 1 : i32
    %scan3A_55:2 = scf.for %scan3A_92 = %scan3A_51 to %scan3A_53 step %scan3A_54 iter_args(%scan3A_93 = %scan3A, %scan3A_94 = %scan3A_50) -> (i32, i32)  : i32 {
      %jit3A_95 = arith.constant 2 : i32
      %eq3A_96 = arith.constant 0 : i32
      %eq3A_97 = arith.cmpi eq, %jit3A_95, %eq3A_96 : i32
      %jit3A_98 = arith.constant 1 : i32
      %select_n3A_99 = arith.select %eq3A_97, %jit3A_98, %jit3A_95 : i32
      %rem3A = arith.remsi %scan3A_92, %select_n3A_99 : i32
      %ne3A = arith.constant 0 : i32
      %ne3A_100 = arith.cmpi ne, %rem3A, %ne3A : i32
      %lt3A_101 = arith.constant 0 : i32
      %lt3A_102 = arith.cmpi slt, %rem3A, %lt3A_101 : i32
      %lt3A_103 = arith.constant 0 : i32
      %lt3A_104 = arith.cmpi slt, %select_n3A_99, %lt3A_103 : i32
      %ne3A_105 = arith.xori %lt3A_102, %lt3A_104 : i1
      %and3A_106 = arith.andi %ne3A_105, %ne3A_100 : i1
      %add3A_107 = arith.addi %rem3A, %select_n3A_99 : i32
      %select_n3A_108 = arith.select %and3A_106, %add3A_107, %rem3A : i32
      %dma_wait3A = arith.constant 0 : i32
      %dma_wait3A_109 = tpu.memref_slice %arg7[%select_n3A_108, %dma_wait3A] : memref<2x2048xi32, #tpu.memory_space<vmem>> -> memref<1x2048xi32, #tpu.memory_space<vmem>>
      %dma_wait3A_110 = tpu.memref_squeeze %dma_wait3A_109 : memref<1x2048xi32, #tpu.memory_space<vmem>> -> memref<2048xi32, #tpu.memory_space<vmem>>
      %dma_wait3A_111 = arith.constant 0 : i32
      %dma_wait3A_112 = tpu.memref_slice %arg4[%dma_wait3A_111] : memref<321536xi32, #tpu.memory_space<hbm>> -> memref<2048xi32, #tpu.memory_space<hbm>>
      %dma_wait3A_113 = tpu.memref_slice %arg17[%select_n3A_108] : memref<2x!tpu.dma_semaphore, #tpu.memory_space<semaphore_mem>> -> memref<1x!tpu.dma_semaphore, #tpu.memory_space<semaphore_mem>>
      %dma_wait3A_114 = tpu.memref_squeeze %dma_wait3A_113 : memref<1x!tpu.dma_semaphore, #tpu.memory_space<semaphore_mem>> -> memref<!tpu.dma_semaphore, #tpu.memory_space<semaphore_mem>>
      %dma_wait3A_115 = arith.constant 0 : i32
      %dma_wait3A_116 = tpu.memref_slice %arg7[%select_n3A_108, %dma_wait3A_115] : memref<2x2048xi32, #tpu.memory_space<vmem>> -> memref<1x2048xi32, #tpu.memory_space<vmem>>
      %dma_wait3A_117 = tpu.memref_squeeze %dma_wait3A_116 : memref<1x2048xi32, #tpu.memory_space<vmem>> -> memref<2048xi32, #tpu.memory_space<vmem>>
      %dma_wait3A_118 = arith.constant 0 : i32
      %dma_wait3A_119 = tpu.memref_slice %arg4[%dma_wait3A_118] : memref<321536xi32, #tpu.memory_space<hbm>> -> memref<2048xi32, #tpu.memory_space<hbm>>
      tpu.wait_dma2 semaphore(%dma_wait3A_114 : memref<!tpu.dma_semaphore, #tpu.memory_space<semaphore_mem>>) src(%dma_wait3A_119 : memref<2048xi32, #tpu.memory_space<hbm>>) dst(%dma_wait3A_117 : memref<2048xi32, #tpu.memory_space<vmem>>)
      %dma_wait3A_120 = arith.constant 0 : i32
      %dma_wait3A_121 = tpu.memref_slice %arg8[%select_n3A_108, %dma_wait3A_120] : memref<2x2048xi32, #tpu.memory_space<vmem>> -> memref<1x2048xi32, #tpu.memory_space<vmem>>
      %dma_wait3A_122 = tpu.memref_squeeze %dma_wait3A_121 : memref<1x2048xi32, #tpu.memory_space<vmem>> -> memref<2048xi32, #tpu.memory_space<vmem>>
      %dma_wait3A_123 = arith.constant 0 : i32
      %dma_wait3A_124 = tpu.memref_slice %arg3[%dma_wait3A_123] : memref<321536xi32, #tpu.memory_space<hbm>> -> memref<2048xi32, #tpu.memory_space<hbm>>
      %dma_wait3A_125 = tpu.memref_slice %arg17[%select_n3A_108] : memref<2x!tpu.dma_semaphore, #tpu.memory_space<semaphore_mem>> -> memref<1x!tpu.dma_semaphore, #tpu.memory_space<semaphore_mem>>
      %dma_wait3A_126 = tpu.memref_squeeze %dma_wait3A_125 : memref<1x!tpu.dma_semaphore, #tpu.memory_space<semaphore_mem>> -> memref<!tpu.dma_semaphore, #tpu.memory_space<semaphore_mem>>
      %dma_wait3A_127 = arith.constant 0 : i32
      %dma_wait3A_128 = tpu.memref_slice %arg8[%select_n3A_108, %dma_wait3A_127] : memref<2x2048xi32, #tpu.memory_space<vmem>> -> memref<1x2048xi32, #tpu.memory_space<vmem>>
      %dma_wait3A_129 = tpu.memref_squeeze %dma_wait3A_128 : memref<1x2048xi32, #tpu.memory_space<vmem>> -> memref<2048xi32, #tpu.memory_space<vmem>>
      %dma_wait3A_130 = arith.constant 0 : i32
      %dma_wait3A_131 = tpu.memref_slice %arg3[%dma_wait3A_130] : memref<321536xi32, #tpu.memory_space<hbm>> -> memref<2048xi32, #tpu.memory_space<hbm>>
      tpu.wait_dma2 semaphore(%dma_wait3A_126 : memref<!tpu.dma_semaphore, #tpu.memory_space<semaphore_mem>>) src(%dma_wait3A_131 : memref<2048xi32, #tpu.memory_space<hbm>>) dst(%dma_wait3A_129 : memref<2048xi32, #tpu.memory_space<vmem>>)
      %add3A_132 = arith.constant 1 : i32
      %add3A_133 = arith.addi %scan3A_92, %add3A_132 : i32
      %lt3A_134 = arith.constant 157 : i32
      %lt3A_135 = arith.cmpi slt, %add3A_133, %lt3A_134 : i32
      %convert_element_type3A_136 = arith.extui %lt3A_135 : i1 to i32
      %cond3A_137 = arith.constant 0 : i32
      %cond3A_138 = arith.cmpi ne, %convert_element_type3A_136, %cond3A_137 : i32
      scf.if %cond3A_138 {
        %add3A_257 = arith.constant 1 : i32
        %add3A_258 = arith.addi %scan3A_92, %add3A_257 : i32
        %jit3A_259 = arith.constant 2 : i32
        %eq3A_260 = arith.constant 0 : i32
        %eq3A_261 = arith.cmpi eq, %jit3A_259, %eq3A_260 : i32
        %jit3A_262 = arith.constant 1 : i32
        %select_n3A_263 = arith.select %eq3A_261, %jit3A_262, %jit3A_259 : i32
        %rem3A_264 = arith.remsi %add3A_258, %select_n3A_263 : i32
        %ne3A_265 = arith.constant 0 : i32
        %ne3A_266 = arith.cmpi ne, %rem3A_264, %ne3A_265 : i32
        %lt3A_267 = arith.constant 0 : i32
        %lt3A_268 = arith.cmpi slt, %rem3A_264, %lt3A_267 : i32
        %lt3A_269 = arith.constant 0 : i32
        %lt3A_270 = arith.cmpi slt, %select_n3A_263, %lt3A_269 : i32
        %ne3A_271 = arith.xori %lt3A_268, %lt3A_270 : i1
        %and3A_272 = arith.andi %ne3A_271, %ne3A_266 : i1
        %add3A_273 = arith.addi %rem3A_264, %select_n3A_263 : i32
        %select_n3A_274 = arith.select %and3A_272, %add3A_273, %rem3A_264 : i32
        %mul3A_275 = arith.constant 2048 : i32
        %mul3A_276 = arith.muli %add3A_258, %mul3A_275 : i32
        %dma_start3A_277 = arith.constant 0 : i32
        %dma_start3A_278 = tpu.memref_slice %arg7[%select_n3A_274, %dma_start3A_277] : memref<2x2048xi32, #tpu.memory_space<vmem>> -> memref<1x2048xi32, #tpu.memory_space<vmem>>
        %dma_start3A_279 = tpu.memref_squeeze %dma_start3A_278 : memref<1x2048xi32, #tpu.memory_space<vmem>> -> memref<2048xi32, #tpu.memory_space<vmem>>
        %dma_start3A_280 = tpu.memref_slice %arg4[%mul3A_276] : memref<321536xi32, #tpu.memory_space<hbm>> -> memref<2048xi32, #tpu.memory_space<hbm>>
        %dma_start3A_281 = tpu.memref_slice %arg17[%select_n3A_274] : memref<2x!tpu.dma_semaphore, #tpu.memory_space<semaphore_mem>> -> memref<1x!tpu.dma_semaphore, #tpu.memory_space<semaphore_mem>>
        %dma_start3A_282 = tpu.memref_squeeze %dma_start3A_281 : memref<1x!tpu.dma_semaphore, #tpu.memory_space<semaphore_mem>> -> memref<!tpu.dma_semaphore, #tpu.memory_space<semaphore_mem>>
        %dma_start3A_283 = arith.constant 0 : i32
        %dma_start3A_284 = tpu.memref_slice %arg7[%select_n3A_274, %dma_start3A_283] : memref<2x2048xi32, #tpu.memory_space<vmem>> -> memref<1x2048xi32, #tpu.memory_space<vmem>>
        %dma_start3A_285 = tpu.memref_squeeze %dma_start3A_284 : memref<1x2048xi32, #tpu.memory_space<vmem>> -> memref<2048xi32, #tpu.memory_space<vmem>>
        %dma_start3A_286 = tpu.memref_slice %arg4[%mul3A_276] : memref<321536xi32, #tpu.memory_space<hbm>> -> memref<2048xi32, #tpu.memory_space<hbm>>
        tpu.enqueue_dma source(%dma_start3A_286 : memref<2048xi32, #tpu.memory_space<hbm>>) target(%dma_start3A_285 : memref<2048xi32, #tpu.memory_space<vmem>>) target_semaphore(%dma_start3A_282 : memref<!tpu.dma_semaphore, #tpu.memory_space<semaphore_mem>>)
        %mul3A_287 = arith.constant 2048 : i32
        %mul3A_288 = arith.muli %add3A_258, %mul3A_287 : i32
        %dma_start3A_289 = arith.constant 0 : i32
        %dma_start3A_290 = tpu.memref_slice %arg8[%select_n3A_274, %dma_start3A_289] : memref<2x2048xi32, #tpu.memory_space<vmem>> -> memref<1x2048xi32, #tpu.memory_space<vmem>>
        %dma_start3A_291 = tpu.memref_squeeze %dma_start3A_290 : memref<1x2048xi32, #tpu.memory_space<vmem>> -> memref<2048xi32, #tpu.memory_space<vmem>>
        %dma_start3A_292 = tpu.memref_slice %arg3[%mul3A_288] : memref<321536xi32, #tpu.memory_space<hbm>> -> memref<2048xi32, #tpu.memory_space<hbm>>
        %dma_start3A_293 = tpu.memref_slice %arg17[%select_n3A_274] : memref<2x!tpu.dma_semaphore, #tpu.memory_space<semaphore_mem>> -> memref<1x!tpu.dma_semaphore, #tpu.memory_space<semaphore_mem>>
        %dma_start3A_294 = tpu.memref_squeeze %dma_start3A_293 : memref<1x!tpu.dma_semaphore, #tpu.memory_space<semaphore_mem>> -> memref<!tpu.dma_semaphore, #tpu.memory_space<semaphore_mem>>
        %dma_start3A_295 = arith.constant 0 : i32
        %dma_start3A_296 = tpu.memref_slice %arg8[%select_n3A_274, %dma_start3A_295] : memref<2x2048xi32, #tpu.memory_space<vmem>> -> memref<1x2048xi32, #tpu.memory_space<vmem>>
        %dma_start3A_297 = tpu.memref_squeeze %dma_start3A_296 : memref<1x2048xi32, #tpu.memory_space<vmem>> -> memref<2048xi32, #tpu.memory_space<vmem>>
        %dma_start3A_298 = tpu.memref_slice %arg3[%mul3A_288] : memref<321536xi32, #tpu.memory_space<hbm>> -> memref<2048xi32, #tpu.memory_space<hbm>>
        tpu.enqueue_dma source(%dma_start3A_298 : memref<2048xi32, #tpu.memory_space<hbm>>) target(%dma_start3A_297 : memref<2048xi32, #tpu.memory_space<vmem>>) target_semaphore(%dma_start3A_294 : memref<!tpu.dma_semaphore, #tpu.memory_space<semaphore_mem>>)
      } else {
      }
      %jit3A_139 = arith.constant 2 : i32
      %eq3A_140 = arith.constant 0 : i32
      %eq3A_141 = arith.cmpi eq, %jit3A_139, %eq3A_140 : i32
      %jit3A_142 = arith.constant 1 : i32
      %select_n3A_143 = arith.select %eq3A_141, %jit3A_142, %jit3A_139 : i32
      %rem3A_144 = arith.remsi %scan3A_92, %select_n3A_143 : i32
      %ne3A_145 = arith.constant 0 : i32
      %ne3A_146 = arith.cmpi ne, %rem3A_144, %ne3A_145 : i32
      %lt3A_147 = arith.constant 0 : i32
      %lt3A_148 = arith.cmpi slt, %rem3A_144, %lt3A_147 : i32
      %lt3A_149 = arith.constant 0 : i32
      %lt3A_150 = arith.cmpi slt, %select_n3A_143, %lt3A_149 : i32
      %ne3A_151 = arith.xori %lt3A_148, %lt3A_150 : i1
      %and3A_152 = arith.andi %ne3A_151, %ne3A_146 : i1
      %add3A_153 = arith.addi %rem3A_144, %select_n3A_143 : i32
      %select_n3A_154 = arith.select %and3A_152, %add3A_153, %rem3A_144 : i32
      %scan3A_155 = arith.constant 0 : i32
      %scan3A_156 = arith.constant 128 : i32
      %scan3A_157 = arith.addi %scan3A_155, %scan3A_156 : i32
      %scan3A_158 = arith.constant 4 : i32
      %scan3A_159 = scf.for %scan3A_257 = %scan3A_155 to %scan3A_157 step %scan3A_158 iter_args(%scan3A_258 = %scan3A_93) -> (i32)  : i32 {
        %mul3A_259 = arith.constant 16 : i32
        %mul3A_260 = arith.muli %scan3A_257, %mul3A_259 : i32
        %get3A_261 = arith.index_cast %select_n3A_154 : i32 to index
        %get3A_262 = arith.index_cast %mul3A_260 : i32 to index
        %get3A_263 = tpu.vector_load %arg7[%get3A_261, %get3A_262] {strides = array<i32>} : memref<2x2048xi32, #tpu.memory_space<vmem>>, vector<16xi32>,
        %mul3A_264 = arith.constant 16 : i32
        %mul3A_265 = arith.muli %scan3A_257, %mul3A_264 : i32
        %get3A_266 = arith.index_cast %select_n3A_154 : i32 to index
        %get3A_267 = arith.index_cast %mul3A_265 : i32 to index
        %get3A_268 = tpu.vector_load %arg8[%get3A_266, %get3A_267] {strides = array<i32>} : memref<2x2048xi32, #tpu.memory_space<vmem>>, vector<16xi32>,
        %ge3A_269 = arith.cmpi sge, %get3A_263, %broadcast_in_dim3A_15 : vector<16xi32>
        %ge3A_270 = arith.cmpi sge, %get3A_263, %broadcast_in_dim3A : vector<16xi32>
        %lt3A_271 = arith.cmpi slt, %get3A_263, %broadcast_in_dim3A_11 : vector<16xi32>
        %and3A_272 = arith.andi %ge3A_270, %lt3A_271 : vector<16xi1>
        %or3A = arith.ori %and3A_272, %ge3A_269 : vector<16xi1>
        %convert_element_type3A_273 = arith.extui %or3A : vector<16xi1> to vector<16xi32>
        %reduce_sum3A = arith.constant true
        %reduce_sum3A_274 = vector.broadcast %reduce_sum3A : i1 to vector<16xi1>
        %reduce_sum3A_275 = tpu.scan <sum>, %convert_element_type3A_273 masked %reduce_sum3A_274 : vector<16xi32>, vector<16xi1> -> vector<16xi32>
        %reduce_sum3A_276 = vector.extract %reduce_sum3A_275[15] : i32 from vector<16xi32>
        %sub3A_277 = arith.subi %get3A_263, %broadcast_in_dim3A_12 : vector<16xi32>
        %select_n3A_278 = arith.select %ge3A_269, %broadcast_in_dim3A_13, %sub3A_277 : vector<16xi1>, vector<16xi32>
        %swap3A_279 = arith.index_cast %scan3A_258 : i32 to index
        %swap3A_280 = tpu.vector_load %arg9[%swap3A_279] masked %or3A {strides = array<i32>} : memref<2304xi32, #tpu.memory_space<vmem>>, vector<16xi32>, vector<16xi1>
        tpu.vector_store %arg9[%swap3A_279], %select_n3A_278 masked %or3A {strides = array<i32>} : memref<2304xi32, #tpu.memory_space<vmem>>, vector<16xi32>, vector<16xi1>
        %swap3A_281 = arith.index_cast %scan3A_258 : i32 to index
        %swap3A_282 = tpu.vector_load %arg10[%swap3A_281] masked %or3A {strides = array<i32>} : memref<2304xi32, #tpu.memory_space<vmem>>, vector<16xi32>, vector<16xi1>
        tpu.vector_store %arg10[%swap3A_281], %get3A_268 masked %or3A {strides = array<i32>} : memref<2304xi32, #tpu.memory_space<vmem>>, vector<16xi32>, vector<16xi1>
        %add3A_283 = arith.addi %scan3A_258, %reduce_sum3A_276 : i32
        %scan3A_284 = arith.constant 1 : i32
        %scan3A_285 = arith.addi %scan3A_257, %scan3A_284 : i32
        %mul3A_286 = arith.constant 16 : i32
        %mul3A_287 = arith.muli %scan3A_285, %mul3A_286 : i32
        %get3A_288 = arith.index_cast %select_n3A_154 : i32 to index
        %get3A_289 = arith.index_cast %mul3A_287 : i32 to index
        %get3A_290 = tpu.vector_load %arg7[%get3A_288, %get3A_289] {strides = array<i32>} : memref<2x2048xi32, #tpu.memory_space<vmem>>, vector<16xi32>,
        %mul3A_291 = arith.constant 16 : i32
        %mul3A_292 = arith.muli %scan3A_285, %mul3A_291 : i32
        %get3A_293 = arith.index_cast %select_n3A_154 : i32 to index
        %get3A_294 = arith.index_cast %mul3A_292 : i32 to index
        %get3A_295 = tpu.vector_load %arg8[%get3A_293, %get3A_294] {strides = array<i32>} : memref<2x2048xi32, #tpu.memory_space<vmem>>, vector<16xi32>,
        %ge3A_296 = arith.cmpi sge, %get3A_290, %broadcast_in_dim3A_15 : vector<16xi32>
        %ge3A_297 = arith.cmpi sge, %get3A_290, %broadcast_in_dim3A : vector<16xi32>
        %lt3A_298 = arith.cmpi slt, %get3A_290, %broadcast_in_dim3A_11 : vector<16xi32>
        %and3A_299 = arith.andi %ge3A_297, %lt3A_298 : vector<16xi1>
        %or3A_300 = arith.ori %and3A_299, %ge3A_296 : vector<16xi1>
        %convert_element_type3A_301 = arith.extui %or3A_300 : vector<16xi1> to vector<16xi32>
        %reduce_sum3A_302 = arith.constant true
        %reduce_sum3A_303 = vector.broadcast %reduce_sum3A_302 : i1 to vector<16xi1>
        %reduce_sum3A_304 = tpu.scan <sum>, %convert_element_type3A_301 masked %reduce_sum3A_303 : vector<16xi32>, vector<16xi1> -> vector<16xi32>
        %reduce_sum3A_305 = vector.extract %reduce_sum3A_304[15] : i32 from vector<16xi32>
        %sub3A_306 = arith.subi %get3A_290, %broadcast_in_dim3A_12 : vector<16xi32>
        %select_n3A_307 = arith.select %ge3A_296, %broadcast_in_dim3A_13, %sub3A_306 : vector<16xi1>, vector<16xi32>
        %swap3A_308 = arith.index_cast %add3A_283 : i32 to index
        %swap3A_309 = tpu.vector_load %arg9[%swap3A_308] masked %or3A_300 {strides = array<i32>} : memref<2304xi32, #tpu.memory_space<vmem>>, vector<16xi32>, vector<16xi1>
        tpu.vector_store %arg9[%swap3A_308], %select_n3A_307 masked %or3A_300 {strides = array<i32>} : memref<2304xi32, #tpu.memory_space<vmem>>, vector<16xi32>, vector<16xi1>
        %swap3A_310 = arith.index_cast %add3A_283 : i32 to index
        %swap3A_311 = tpu.vector_load %arg10[%swap3A_310] masked %or3A_300 {strides = array<i32>} : memref<2304xi32, #tpu.memory_space<vmem>>, vector<16xi32>, vector<16xi1>
        tpu.vector_store %arg10[%swap3A_310], %get3A_295 masked %or3A_300 {strides = array<i32>} : memref<2304xi32, #tpu.memory_space<vmem>>, vector<16xi32>, vector<16xi1>
        %add3A_312 = arith.addi %add3A_283, %reduce_sum3A_305 : i32
        %scan3A_313 = arith.constant 2 : i32
        %scan3A_314 = arith.addi %scan3A_257, %scan3A_313 : i32
        %mul3A_315 = arith.constant 16 : i32
        %mul3A_316 = arith.muli %scan3A_314, %mul3A_315 : i32
        %get3A_317 = arith.index_cast %select_n3A_154 : i32 to index
        %get3A_318 = arith.index_cast %mul3A_316 : i32 to index
        %get3A_319 = tpu.vector_load %arg7[%get3A_317, %get3A_318] {strides = array<i32>} : memref<2x2048xi32, #tpu.memory_space<vmem>>, vector<16xi32>,
        %mul3A_320 = arith.constant 16 : i32
        %mul3A_321 = arith.muli %scan3A_314, %mul3A_320 : i32
        %get3A_322 = arith.index_cast %select_n3A_154 : i32 to index
        %get3A_323 = arith.index_cast %mul3A_321 : i32 to index
        %get3A_324 = tpu.vector_load %arg8[%get3A_322, %get3A_323] {strides = array<i32>} : memref<2x2048xi32, #tpu.memory_space<vmem>>, vector<16xi32>,
        %ge3A_325 = arith.cmpi sge, %get3A_319, %broadcast_in_dim3A_15 : vector<16xi32>
        %ge3A_326 = arith.cmpi sge, %get3A_319, %broadcast_in_dim3A : vector<16xi32>
        %lt3A_327 = arith.cmpi slt, %get3A_319, %broadcast_in_dim3A_11 : vector<16xi32>
        %and3A_328 = arith.andi %ge3A_326, %lt3A_327 : vector<16xi1>
        %or3A_329 = arith.ori %and3A_328, %ge3A_325 : vector<16xi1>
        %convert_element_type3A_330 = arith.extui %or3A_329 : vector<16xi1> to vector<16xi32>
        %reduce_sum3A_331 = arith.constant true
        %reduce_sum3A_332 = vector.broadcast %reduce_sum3A_331 : i1 to vector<16xi1>
        %reduce_sum3A_333 = tpu.scan <sum>, %convert_element_type3A_330 masked %reduce_sum3A_332 : vector<16xi32>, vector<16xi1> -> vector<16xi32>
        %reduce_sum3A_334 = vector.extract %reduce_sum3A_333[15] : i32 from vector<16xi32>
        %sub3A_335 = arith.subi %get3A_319, %broadcast_in_dim3A_12 : vector<16xi32>
        %select_n3A_336 = arith.select %ge3A_325, %broadcast_in_dim3A_13, %sub3A_335 : vector<16xi1>, vector<16xi32>
        %swap3A_337 = arith.index_cast %add3A_312 : i32 to index
        %swap3A_338 = tpu.vector_load %arg9[%swap3A_337] masked %or3A_329 {strides = array<i32>} : memref<2304xi32, #tpu.memory_space<vmem>>, vector<16xi32>, vector<16xi1>
        tpu.vector_store %arg9[%swap3A_337], %select_n3A_336 masked %or3A_329 {strides = array<i32>} : memref<2304xi32, #tpu.memory_space<vmem>>, vector<16xi32>, vector<16xi1>
        %swap3A_339 = arith.index_cast %add3A_312 : i32 to index
        %swap3A_340 = tpu.vector_load %arg10[%swap3A_339] masked %or3A_329 {strides = array<i32>} : memref<2304xi32, #tpu.memory_space<vmem>>, vector<16xi32>, vector<16xi1>
        tpu.vector_store %arg10[%swap3A_339], %get3A_324 masked %or3A_329 {strides = array<i32>} : memref<2304xi32, #tpu.memory_space<vmem>>, vector<16xi32>, vector<16xi1>
        %add3A_341 = arith.addi %add3A_312, %reduce_sum3A_334 : i32
        %scan3A_342 = arith.constant 3 : i32
        %scan3A_343 = arith.addi %scan3A_257, %scan3A_342 : i32
        %mul3A_344 = arith.constant 16 : i32
        %mul3A_345 = arith.muli %scan3A_343, %mul3A_344 : i32
        %get3A_346 = arith.index_cast %select_n3A_154 : i32 to index
        %get3A_347 = arith.index_cast %mul3A_345 : i32 to index
        %get3A_348 = tpu.vector_load %arg7[%get3A_346, %get3A_347] {strides = array<i32>} : memref<2x2048xi32, #tpu.memory_space<vmem>>, vector<16xi32>,
        %mul3A_349 = arith.constant 16 : i32
        %mul3A_350 = arith.muli %scan3A_343, %mul3A_349 : i32
        %get3A_351 = arith.index_cast %select_n3A_154 : i32 to index
        %get3A_352 = arith.index_cast %mul3A_350 : i32 to index
        %get3A_353 = tpu.vector_load %arg8[%get3A_351, %get3A_352] {strides = array<i32>} : memref<2x2048xi32, #tpu.memory_space<vmem>>, vector<16xi32>,
        %ge3A_354 = arith.cmpi sge, %get3A_348, %broadcast_in_dim3A_15 : vector<16xi32>
        %ge3A_355 = arith.cmpi sge, %get3A_348, %broadcast_in_dim3A : vector<16xi32>
        %lt3A_356 = arith.cmpi slt, %get3A_348, %broadcast_in_dim3A_11 : vector<16xi32>
        %and3A_357 = arith.andi %ge3A_355, %lt3A_356 : vector<16xi1>
        %or3A_358 = arith.ori %and3A_357, %ge3A_354 : vector<16xi1>
        %convert_element_type3A_359 = arith.extui %or3A_358 : vector<16xi1> to vector<16xi32>
        %reduce_sum3A_360 = arith.constant true
        %reduce_sum3A_361 = vector.broadcast %reduce_sum3A_360 : i1 to vector<16xi1>
        %reduce_sum3A_362 = tpu.scan <sum>, %convert_element_type3A_359 masked %reduce_sum3A_361 : vector<16xi32>, vector<16xi1> -> vector<16xi32>
        %reduce_sum3A_363 = vector.extract %reduce_sum3A_362[15] : i32 from vector<16xi32>
        %sub3A_364 = arith.subi %get3A_348, %broadcast_in_dim3A_12 : vector<16xi32>
        %select_n3A_365 = arith.select %ge3A_354, %broadcast_in_dim3A_13, %sub3A_364 : vector<16xi1>, vector<16xi32>
        %swap3A_366 = arith.index_cast %add3A_341 : i32 to index
        %swap3A_367 = tpu.vector_load %arg9[%swap3A_366] masked %or3A_358 {strides = array<i32>} : memref<2304xi32, #tpu.memory_space<vmem>>, vector<16xi32>, vector<16xi1>
        tpu.vector_store %arg9[%swap3A_366], %select_n3A_365 masked %or3A_358 {strides = array<i32>} : memref<2304xi32, #tpu.memory_space<vmem>>, vector<16xi32>, vector<16xi1>
        %swap3A_368 = arith.index_cast %add3A_341 : i32 to index
        %swap3A_369 = tpu.vector_load %arg10[%swap3A_368] masked %or3A_358 {strides = array<i32>} : memref<2304xi32, #tpu.memory_space<vmem>>, vector<16xi32>, vector<16xi1>
        tpu.vector_store %arg10[%swap3A_368], %get3A_353 masked %or3A_358 {strides = array<i32>} : memref<2304xi32, #tpu.memory_space<vmem>>, vector<16xi32>, vector<16xi1>
        %add3A_370 = arith.addi %add3A_341, %reduce_sum3A_363 : i32
        scf.yield %add3A_370 : i32
      }
      %scan3A_160 = arith.constant 128 : i32
      %while3A_161 = arith.constant 0 : i32
      %while3A_162:2 = scf.while (%while3A_257 = %while3A_161, %while3A_258 = %scan3A_94) : (i32, i32) -> (i32, i32) {
        %add3A_259 = arith.constant 128 : i32
        %add3A_260 = arith.addi %while3A_257, %add3A_259 : i32
        %le3A = arith.cmpi sle, %add3A_260, %scan3A_159 : i32
        scf.condition(%le3A) %while3A_257, %while3A_258 : i32, i32
      } do {
      ^bb0(%while3A_257: i32, %while3A_258: i32):
        %jit3A_259 = arith.constant 4 : i32
        %eq3A_260 = arith.constant 0 : i32
        %eq3A_261 = arith.cmpi eq, %jit3A_259, %eq3A_260 : i32
        %jit3A_262 = arith.constant 1 : i32
        %select_n3A_263 = arith.select %eq3A_261, %jit3A_262, %jit3A_259 : i32
        %rem3A_264 = arith.remsi %while3A_258, %select_n3A_263 : i32
        %ne3A_265 = arith.constant 0 : i32
        %ne3A_266 = arith.cmpi ne, %rem3A_264, %ne3A_265 : i32
        %lt3A_267 = arith.constant 0 : i32
        %lt3A_268 = arith.cmpi slt, %rem3A_264, %lt3A_267 : i32
        %lt3A_269 = arith.constant 0 : i32
        %lt3A_270 = arith.cmpi slt, %select_n3A_263, %lt3A_269 : i32
        %ne3A_271 = arith.xori %lt3A_268, %lt3A_270 : i1
        %and3A_272 = arith.andi %ne3A_271, %ne3A_266 : i1
        %add3A_273 = arith.addi %rem3A_264, %select_n3A_263 : i32
        %select_n3A_274 = arith.select %and3A_272, %add3A_273, %rem3A_264 : i32
        %ge3A_275 = arith.constant 4 : i32
        %ge3A_276 = arith.cmpi sge, %while3A_258, %ge3A_275 : i32
        %convert_element_type3A_277 = arith.extui %ge3A_276 : i1 to i32
        %cond3A_278 = arith.constant 0 : i32
        %cond3A_279 = arith.cmpi ne, %convert_element_type3A_277, %cond3A_278 : i32
        scf.if %cond3A_279 {
          %dma_wait3A_413 = arith.constant 0 : i32
          %dma_wait3A_414 = arith.constant 0 : i32
          %dma_wait3A_415 = arith.constant 0 : i32
          %dma_wait3A_416 = tpu.memref_slice %arg13[%dma_wait3A_413, %dma_wait3A_414, %dma_wait3A_415] : memref<4x128x128xf32, #tpu.memory_space<vmem>> -> memref<1x128x128xf32, #tpu.memory_space<vmem>>
          %dma_wait3A_417 = tpu.memref_squeeze %dma_wait3A_416 : memref<1x128x128xf32, #tpu.memory_space<vmem>> -> memref<128x128xf32, #tpu.memory_space<vmem>>
          %dma_wait3A_418 = arith.constant 0 : i32
          %dma_wait3A_419 = arith.constant 0 : i32
          %dma_wait3A_420 = tpu.memref_slice %arg2[%dma_wait3A_418, %dma_wait3A_419] : memref<10000x128xf32, #tpu.memory_space<hbm>> -> memref<128x128xf32, #tpu.memory_space<hbm>>
          %dma_wait3A_421 = arith.constant 0 : i32
          %dma_wait3A_422 = arith.constant 0 : i32
          %dma_wait3A_423 = tpu.memref_slice %arg13[%dma_wait3A_413, %dma_wait3A_421, %dma_wait3A_422] : memref<4x128x128xf32, #tpu.memory_space<vmem>> -> memref<1x128x128xf32, #tpu.memory_space<vmem>>
          %dma_wait3A_424 = tpu.memref_squeeze %dma_wait3A_423 : memref<1x128x128xf32, #tpu.memory_space<vmem>> -> memref<128x128xf32, #tpu.memory_space<vmem>>
          %dma_wait3A_425 = arith.constant 0 : i32
          %dma_wait3A_426 = arith.constant 0 : i32
          %dma_wait3A_427 = tpu.memref_slice %arg2[%dma_wait3A_425, %dma_wait3A_426] : memref<10000x128xf32, #tpu.memory_space<hbm>> -> memref<128x128xf32, #tpu.memory_space<hbm>>
          tpu.wait_dma2 semaphore(%arg16 : memref<!tpu.dma_semaphore, #tpu.memory_space<semaphore_mem>>) src(%dma_wait3A_427 : memref<128x128xf32, #tpu.memory_space<hbm>>) dst(%dma_wait3A_424 : memref<128x128xf32, #tpu.memory_space<vmem>>)
        } else {
        }
        %add3A_280 = arith.constant 0 : i32
        %add3A_281 = arith.addi %while3A_257, %add3A_280 : i32
        %get3A_282 = arith.index_cast %add3A_281 : i32 to index
        %get3A_283 = tpu.vector_load %arg9[%get3A_282] {strides = array<i32>} : memref<2304xi32, #tpu.memory_space<vmem>>, vector<16xi32>,
        %swap3A_284 = arith.index_cast %select_n3A_274 : i32 to index
        %swap3A_285 = arith.constant 0 : index
        %swap3A_286 = tpu.vector_load %arg11[%swap3A_284, %swap3A_285] {strides = array<i32>} : memref<4x128xi32, #tpu.memory_space<vmem>>, vector<16xi32>,
        tpu.vector_store %arg11[%swap3A_284, %swap3A_285], %get3A_283 {strides = array<i32>} : memref<4x128xi32, #tpu.memory_space<vmem>>, vector<16xi32>,
        %add3A_287 = arith.constant 0 : i32
        %add3A_288 = arith.addi %while3A_257, %add3A_287 : i32
        %get3A_289 = arith.index_cast %add3A_288 : i32 to index
        %get3A_290 = tpu.vector_load %arg10[%get3A_289] {strides = array<i32>} : memref<2304xi32, #tpu.memory_space<vmem>>, vector<16xi32>,
        %swap3A_291 = arith.index_cast %select_n3A_274 : i32 to index
        %swap3A_292 = arith.constant 0 : index
        %swap3A_293 = tpu.vector_load %arg12[%swap3A_291, %swap3A_292] {strides = array<i32>} : memref<4x128xi32, #tpu.memory_space<vmem>>, vector<16xi32>,
        tpu.vector_store %arg12[%swap3A_291, %swap3A_292], %get3A_290 {strides = array<i32>} : memref<4x128xi32, #tpu.memory_space<vmem>>, vector<16xi32>,
        %add3A_294 = arith.constant 16 : i32
        %add3A_295 = arith.addi %while3A_257, %add3A_294 : i32
        %get3A_296 = arith.index_cast %add3A_295 : i32 to index
        %get3A_297 = tpu.vector_load %arg9[%get3A_296] {strides = array<i32>} : memref<2304xi32, #tpu.memory_space<vmem>>, vector<16xi32>,
        %swap3A_298 = arith.index_cast %select_n3A_274 : i32 to index
        %swap3A_299 = arith.constant 16 : index
        %swap3A_300 = tpu.vector_load %arg11[%swap3A_298, %swap3A_299] {strides = array<i32>} : memref<4x128xi32, #tpu.memory_space<vmem>>, vector<16xi32>,
        tpu.vector_store %arg11[%swap3A_298, %swap3A_299], %get3A_297 {strides = array<i32>} : memref<4x128xi32, #tpu.memory_space<vmem>>, vector<16xi32>,
        %add3A_301 = arith.constant 16 : i32
        %add3A_302 = arith.addi %while3A_257, %add3A_301 : i32
        %get3A_303 = arith.index_cast %add3A_302 : i32 to index
        %get3A_304 = tpu.vector_load %arg10[%get3A_303] {strides = array<i32>} : memref<2304xi32, #tpu.memory_space<vmem>>, vector<16xi32>,
        %swap3A_305 = arith.index_cast %select_n3A_274 : i32 to index
        %swap3A_306 = arith.constant 16 : index
        %swap3A_307 = tpu.vector_load %arg12[%swap3A_305, %swap3A_306] {strides = array<i32>} : memref<4x128xi32, #tpu.memory_space<vmem>>, vector<16xi32>,
        tpu.vector_store %arg12[%swap3A_305, %swap3A_306], %get3A_304 {strides = array<i32>} : memref<4x128xi32, #tpu.memory_space<vmem>>, vector<16xi32>,
        %add3A_308 = arith.constant 32 : i32
        %add3A_309 = arith.addi %while3A_257, %add3A_308 : i32
        %get3A_310 = arith.index_cast %add3A_309 : i32 to index
        %get3A_311 = tpu.vector_load %arg9[%get3A_310] {strides = array<i32>} : memref<2304xi32, #tpu.memory_space<vmem>>, vector<16xi32>,
        %swap3A_312 = arith.index_cast %select_n3A_274 : i32 to index
        %swap3A_313 = arith.constant 32 : index
        %swap3A_314 = tpu.vector_load %arg11[%swap3A_312, %swap3A_313] {strides = array<i32>} : memref<4x128xi32, #tpu.memory_space<vmem>>, vector<16xi32>,
        tpu.vector_store %arg11[%swap3A_312, %swap3A_313], %get3A_311 {strides = array<i32>} : memref<4x128xi32, #tpu.memory_space<vmem>>, vector<16xi32>,
        %add3A_315 = arith.constant 32 : i32
        %add3A_316 = arith.addi %while3A_257, %add3A_315 : i32
        %get3A_317 = arith.index_cast %add3A_316 : i32 to index
        %get3A_318 = tpu.vector_load %arg10[%get3A_317] {strides = array<i32>} : memref<2304xi32, #tpu.memory_space<vmem>>, vector<16xi32>,
        %swap3A_319 = arith.index_cast %select_n3A_274 : i32 to index
        %swap3A_320 = arith.constant 32 : index
        %swap3A_321 = tpu.vector_load %arg12[%swap3A_319, %swap3A_320] {strides = array<i32>} : memref<4x128xi32, #tpu.memory_space<vmem>>, vector<16xi32>,
        tpu.vector_store %arg12[%swap3A_319, %swap3A_320], %get3A_318 {strides = array<i32>} : memref<4x128xi32, #tpu.memory_space<vmem>>, vector<16xi32>,
        %add3A_322 = arith.constant 48 : i32
        %add3A_323 = arith.addi %while3A_257, %add3A_322 : i32
        %get3A_324 = arith.index_cast %add3A_323 : i32 to index
        %get3A_325 = tpu.vector_load %arg9[%get3A_324] {strides = array<i32>} : memref<2304xi32, #tpu.memory_space<vmem>>, vector<16xi32>,
        %swap3A_326 = arith.index_cast %select_n3A_274 : i32 to index
        %swap3A_327 = arith.constant 48 : index
        %swap3A_328 = tpu.vector_load %arg11[%swap3A_326, %swap3A_327] {strides = array<i32>} : memref<4x128xi32, #tpu.memory_space<vmem>>, vector<16xi32>,
        tpu.vector_store %arg11[%swap3A_326, %swap3A_327], %get3A_325 {strides = array<i32>} : memref<4x128xi32, #tpu.memory_space<vmem>>, vector<16xi32>,
        %add3A_329 = arith.constant 48 : i32
        %add3A_330 = arith.addi %while3A_257, %add3A_329 : i32
        %get3A_331 = arith.index_cast %add3A_330 : i32 to index
        %get3A_332 = tpu.vector_load %arg10[%get3A_331] {strides = array<i32>} : memref<2304xi32, #tpu.memory_space<vmem>>, vector<16xi32>,
        %swap3A_333 = arith.index_cast %select_n3A_274 : i32 to index
        %swap3A_334 = arith.constant 48 : index
        %swap3A_335 = tpu.vector_load %arg12[%swap3A_333, %swap3A_334] {strides = array<i32>} : memref<4x128xi32, #tpu.memory_space<vmem>>, vector<16xi32>,
        tpu.vector_store %arg12[%swap3A_333, %swap3A_334], %get3A_332 {strides = array<i32>} : memref<4x128xi32, #tpu.memory_space<vmem>>, vector<16xi32>,
        %add3A_336 = arith.constant 64 : i32
        %add3A_337 = arith.addi %while3A_257, %add3A_336 : i32
        %get3A_338 = arith.index_cast %add3A_337 : i32 to index
        %get3A_339 = tpu.vector_load %arg9[%get3A_338] {strides = array<i32>} : memref<2304xi32, #tpu.memory_space<vmem>>, vector<16xi32>,
        %swap3A_340 = arith.index_cast %select_n3A_274 : i32 to index
        %swap3A_341 = arith.constant 64 : index
        %swap3A_342 = tpu.vector_load %arg11[%swap3A_340, %swap3A_341] {strides = array<i32>} : memref<4x128xi32, #tpu.memory_space<vmem>>, vector<16xi32>,
        tpu.vector_store %arg11[%swap3A_340, %swap3A_341], %get3A_339 {strides = array<i32>} : memref<4x128xi32, #tpu.memory_space<vmem>>, vector<16xi32>,
        %add3A_343 = arith.constant 64 : i32
        %add3A_344 = arith.addi %while3A_257, %add3A_343 : i32
        %get3A_345 = arith.index_cast %add3A_344 : i32 to index
        %get3A_346 = tpu.vector_load %arg10[%get3A_345] {strides = array<i32>} : memref<2304xi32, #tpu.memory_space<vmem>>, vector<16xi32>,
        %swap3A_347 = arith.index_cast %select_n3A_274 : i32 to index
        %swap3A_348 = arith.constant 64 : index
        %swap3A_349 = tpu.vector_load %arg12[%swap3A_347, %swap3A_348] {strides = array<i32>} : memref<4x128xi32, #tpu.memory_space<vmem>>, vector<16xi32>,
        tpu.vector_store %arg12[%swap3A_347, %swap3A_348], %get3A_346 {strides = array<i32>} : memref<4x128xi32, #tpu.memory_space<vmem>>, vector<16xi32>,
        %add3A_350 = arith.constant 80 : i32
        %add3A_351 = arith.addi %while3A_257, %add3A_350 : i32
        %get3A_352 = arith.index_cast %add3A_351 : i32 to index
        %get3A_353 = tpu.vector_load %arg9[%get3A_352] {strides = array<i32>} : memref<2304xi32, #tpu.memory_space<vmem>>, vector<16xi32>,
        %swap3A_354 = arith.index_cast %select_n3A_274 : i32 to index
        %swap3A_355 = arith.constant 80 : index
        %swap3A_356 = tpu.vector_load %arg11[%swap3A_354, %swap3A_355] {strides = array<i32>} : memref<4x128xi32, #tpu.memory_space<vmem>>, vector<16xi32>,
        tpu.vector_store %arg11[%swap3A_354, %swap3A_355], %get3A_353 {strides = array<i32>} : memref<4x128xi32, #tpu.memory_space<vmem>>, vector<16xi32>,
        %add3A_357 = arith.constant 80 : i32
        %add3A_358 = arith.addi %while3A_257, %add3A_357 : i32
        %get3A_359 = arith.index_cast %add3A_358 : i32 to index
        %get3A_360 = tpu.vector_load %arg10[%get3A_359] {strides = array<i32>} : memref<2304xi32, #tpu.memory_space<vmem>>, vector<16xi32>,
        %swap3A_361 = arith.index_cast %select_n3A_274 : i32 to index
        %swap3A_362 = arith.constant 80 : index
        %swap3A_363 = tpu.vector_load %arg12[%swap3A_361, %swap3A_362] {strides = array<i32>} : memref<4x128xi32, #tpu.memory_space<vmem>>, vector<16xi32>,
        tpu.vector_store %arg12[%swap3A_361, %swap3A_362], %get3A_360 {strides = array<i32>} : memref<4x128xi32, #tpu.memory_space<vmem>>, vector<16xi32>,
        %add3A_364 = arith.constant 96 : i32
        %add3A_365 = arith.addi %while3A_257, %add3A_364 : i32
        %get3A_366 = arith.index_cast %add3A_365 : i32 to index
        %get3A_367 = tpu.vector_load %arg9[%get3A_366] {strides = array<i32>} : memref<2304xi32, #tpu.memory_space<vmem>>, vector<16xi32>,
        %swap3A_368 = arith.index_cast %select_n3A_274 : i32 to index
        %swap3A_369 = arith.constant 96 : index
        %swap3A_370 = tpu.vector_load %arg11[%swap3A_368, %swap3A_369] {strides = array<i32>} : memref<4x128xi32, #tpu.memory_space<vmem>>, vector<16xi32>,
        tpu.vector_store %arg11[%swap3A_368, %swap3A_369], %get3A_367 {strides = array<i32>} : memref<4x128xi32, #tpu.memory_space<vmem>>, vector<16xi32>,
        %add3A_371 = arith.constant 96 : i32
        %add3A_372 = arith.addi %while3A_257, %add3A_371 : i32
        %get3A_373 = arith.index_cast %add3A_372 : i32 to index
        %get3A_374 = tpu.vector_load %arg10[%get3A_373] {strides = array<i32>} : memref<2304xi32, #tpu.memory_space<vmem>>, vector<16xi32>,
        %swap3A_375 = arith.index_cast %select_n3A_274 : i32 to index
        %swap3A_376 = arith.constant 96 : index
        %swap3A_377 = tpu.vector_load %arg12[%swap3A_375, %swap3A_376] {strides = array<i32>} : memref<4x128xi32, #tpu.memory_space<vmem>>, vector<16xi32>,
        tpu.vector_store %arg12[%swap3A_375, %swap3A_376], %get3A_374 {strides = array<i32>} : memref<4x128xi32, #tpu.memory_space<vmem>>, vector<16xi32>,
        %add3A_378 = arith.constant 112 : i32
        %add3A_379 = arith.addi %while3A_257, %add3A_378 : i32
        %get3A_380 = arith.index_cast %add3A_379 : i32 to index
        %get3A_381 = tpu.vector_load %arg9[%get3A_380] {strides = array<i32>} : memref<2304xi32, #tpu.memory_space<vmem>>, vector<16xi32>,
        %swap3A_382 = arith.index_cast %select_n3A_274 : i32 to index
        %swap3A_383 = arith.constant 112 : index
        %swap3A_384 = tpu.vector_load %arg11[%swap3A_382, %swap3A_383] {strides = array<i32>} : memref<4x128xi32, #tpu.memory_space<vmem>>, vector<16xi32>,
        tpu.vector_store %arg11[%swap3A_382, %swap3A_383], %get3A_381 {strides = array<i32>} : memref<4x128xi32, #tpu.memory_space<vmem>>, vector<16xi32>,
        %add3A_385 = arith.constant 112 : i32
        %add3A_386 = arith.addi %while3A_257, %add3A_385 : i32
        %get3A_387 = arith.index_cast %add3A_386 : i32 to index
        %get3A_388 = tpu.vector_load %arg10[%get3A_387] {strides = array<i32>} : memref<2304xi32, #tpu.memory_space<vmem>>, vector<16xi32>,
        %swap3A_389 = arith.index_cast %select_n3A_274 : i32 to index
        %swap3A_390 = arith.constant 112 : index
        %swap3A_391 = tpu.vector_load %arg12[%swap3A_389, %swap3A_390] {strides = array<i32>} : memref<4x128xi32, #tpu.memory_space<vmem>>, vector<16xi32>,
        tpu.vector_store %arg12[%swap3A_389, %swap3A_390], %get3A_388 {strides = array<i32>} : memref<4x128xi32, #tpu.memory_space<vmem>>, vector<16xi32>,
        %dma_start3A_392 = arith.constant 0 : i32
        %dma_start3A_393 = arith.constant 0 : i32
        %dma_start3A_394 = tpu.memref_slice %arg13[%select_n3A_274, %dma_start3A_392, %dma_start3A_393] : memref<4x128x128xf32, #tpu.memory_space<vmem>> -> memref<1x128x128xf32, #tpu.memory_space<vmem>>
        %dma_start3A_395 = tpu.memref_squeeze %dma_start3A_394 : memref<1x128x128xf32, #tpu.memory_space<vmem>> -> memref<128x128xf32, #tpu.memory_space<vmem>>
        %dma_start3A_396 = arith.constant 0 : i32
        %dma_start3A_397 = tpu.memref_slice %arg12[%select_n3A_274, %dma_start3A_396] : memref<4x128xi32, #tpu.memory_space<vmem>> -> memref<1x128xi32, #tpu.memory_space<vmem>>
        %dma_start3A_398 = tpu.memref_squeeze %dma_start3A_397 : memref<1x128xi32, #tpu.memory_space<vmem>> -> memref<128xi32, #tpu.memory_space<vmem>>
        %dma_start3A_399 = arith.constant 0 : i32
        %dma_start3A_400 = arith.constant 0 : i32
        %dma_start3A_401 = tpu.memref_slice %arg2[%dma_start3A_399, %dma_start3A_400] : memref<10000x128xf32, #tpu.memory_space<hbm>> -> memref<10000x128xf32, #tpu.memory_space<hbm>>
        %dma_start3A_402 = tpu.memref_slice %arg15[%select_n3A_274] : memref<4x!tpu.dma_semaphore, #tpu.memory_space<semaphore_mem>> -> memref<1x!tpu.dma_semaphore, #tpu.memory_space<semaphore_mem>>
        %dma_start3A_403 = tpu.memref_squeeze %dma_start3A_402 : memref<1x!tpu.dma_semaphore, #tpu.memory_space<semaphore_mem>> -> memref<!tpu.dma_semaphore, #tpu.memory_space<semaphore_mem>>
        tpu.enqueue_indirect_dma source(%dma_start3A_401 : memref<10000x128xf32, #tpu.memory_space<hbm>>) target(%dma_start3A_395 : memref<128x128xf32, #tpu.memory_space<vmem>>) offsets(%dma_start3A_398 : memref<128xi32, #tpu.memory_space<vmem>>) semaphore(%dma_start3A_403 : memref<!tpu.dma_semaphore, #tpu.memory_space<semaphore_mem>>)
        %ge3A_404 = arith.constant 1 : i32
        %ge3A_405 = arith.cmpi sge, %while3A_258, %ge3A_404 : i32
        %convert_element_type3A_406 = arith.extui %ge3A_405 : i1 to i32
        %cond3A_407 = arith.constant 0 : i32
        %cond3A_408 = arith.cmpi ne, %convert_element_type3A_406, %cond3A_407 : i32
        scf.if %cond3A_408 {
          %sub3A_413 = arith.constant 1 : i32
          %sub3A_414 = arith.subi %while3A_258, %sub3A_413 : i32
          %jit3A_415 = arith.constant 4 : i32
          %eq3A_416 = arith.constant 0 : i32
          %eq3A_417 = arith.cmpi eq, %jit3A_415, %eq3A_416 : i32
          %jit3A_418 = arith.constant 1 : i32
          %select_n3A_419 = arith.select %eq3A_417, %jit3A_418, %jit3A_415 : i32
          %rem3A_420 = arith.remsi %sub3A_414, %select_n3A_419 : i32
          %ne3A_421 = arith.constant 0 : i32
          %ne3A_422 = arith.cmpi ne, %rem3A_420, %ne3A_421 : i32
          %lt3A_423 = arith.constant 0 : i32
          %lt3A_424 = arith.cmpi slt, %rem3A_420, %lt3A_423 : i32
          %lt3A_425 = arith.constant 0 : i32
          %lt3A_426 = arith.cmpi slt, %select_n3A_419, %lt3A_425 : i32
          %ne3A_427 = arith.xori %lt3A_424, %lt3A_426 : i1
          %and3A_428 = arith.andi %ne3A_427, %ne3A_422 : i1
          %add3A_429 = arith.addi %rem3A_420, %select_n3A_419 : i32
          %select_n3A_430 = arith.select %and3A_428, %add3A_429, %rem3A_420 : i32
          %dma_wait3A_431 = arith.constant 0 : i32
          %dma_wait3A_432 = arith.constant 0 : i32
          %dma_wait3A_433 = tpu.memref_slice %arg13[%select_n3A_430, %dma_wait3A_431, %dma_wait3A_432] : memref<4x128x128xf32, #tpu.memory_space<vmem>> -> memref<1x128x128xf32, #tpu.memory_space<vmem>>
          %dma_wait3A_434 = tpu.memref_squeeze %dma_wait3A_433 : memref<1x128x128xf32, #tpu.memory_space<vmem>> -> memref<128x128xf32, #tpu.memory_space<vmem>>
          %dma_wait3A_435 = arith.constant 0 : i32
          %dma_wait3A_436 = arith.constant 0 : i32
          %dma_wait3A_437 = tpu.memref_slice %arg2[%dma_wait3A_435, %dma_wait3A_436] : memref<10000x128xf32, #tpu.memory_space<hbm>> -> memref<128x128xf32, #tpu.memory_space<hbm>>
          %dma_wait3A_438 = tpu.memref_slice %arg15[%select_n3A_430] : memref<4x!tpu.dma_semaphore, #tpu.memory_space<semaphore_mem>> -> memref<1x!tpu.dma_semaphore, #tpu.memory_space<semaphore_mem>>
          %dma_wait3A_439 = tpu.memref_squeeze %dma_wait3A_438 : memref<1x!tpu.dma_semaphore, #tpu.memory_space<semaphore_mem>> -> memref<!tpu.dma_semaphore, #tpu.memory_space<semaphore_mem>>
          %dma_wait3A_440 = arith.constant 0 : i32
          %dma_wait3A_441 = arith.constant 0 : i32
          %dma_wait3A_442 = tpu.memref_slice %arg13[%select_n3A_430, %dma_wait3A_440, %dma_wait3A_441] : memref<4x128x128xf32, #tpu.memory_space<vmem>> -> memref<1x128x128xf32, #tpu.memory_space<vmem>>
          %dma_wait3A_443 = tpu.memref_squeeze %dma_wait3A_442 : memref<1x128x128xf32, #tpu.memory_space<vmem>> -> memref<128x128xf32, #tpu.memory_space<vmem>>
          %dma_wait3A_444 = arith.constant 0 : i32
          %dma_wait3A_445 = arith.constant 0 : i32
          %dma_wait3A_446 = tpu.memref_slice %arg2[%dma_wait3A_444, %dma_wait3A_445] : memref<10000x128xf32, #tpu.memory_space<hbm>> -> memref<128x128xf32, #tpu.memory_space<hbm>>
          tpu.wait_dma2 semaphore(%dma_wait3A_439 : memref<!tpu.dma_semaphore, #tpu.memory_space<semaphore_mem>>) src(%dma_wait3A_446 : memref<128x128xf32, #tpu.memory_space<hbm>>) dst(%dma_wait3A_443 : memref<128x128xf32, #tpu.memory_space<vmem>>)
          %dma_start3A_447 = arith.constant 0 : i32
          %dma_start3A_448 = arith.constant 0 : i32
          %dma_start3A_449 = tpu.memref_slice %arg13[%select_n3A_430, %dma_start3A_447, %dma_start3A_448] : memref<4x128x128xf32, #tpu.memory_space<vmem>> -> memref<1x128x128xf32, #tpu.memory_space<vmem>>
          %dma_start3A_450 = tpu.memref_squeeze %dma_start3A_449 : memref<1x128x128xf32, #tpu.memory_space<vmem>> -> memref<128x128xf32, #tpu.memory_space<vmem>>
          %dma_start3A_451 = arith.constant 0 : i32
          %dma_start3A_452 = tpu.memref_slice %arg11[%select_n3A_430, %dma_start3A_451] : memref<4x128xi32, #tpu.memory_space<vmem>> -> memref<1x128xi32, #tpu.memory_space<vmem>>
          %dma_start3A_453 = tpu.memref_squeeze %dma_start3A_452 : memref<1x128xi32, #tpu.memory_space<vmem>> -> memref<128xi32, #tpu.memory_space<vmem>>
          %dma_start3A_454 = arith.constant 0 : i32
          %dma_start3A_455 = arith.constant 0 : i32
          %dma_start3A_456 = tpu.memref_slice %arg14[%dma_start3A_454, %dma_start3A_455] : memref<5024x128xf32, #tpu.memory_space<vmem_shared>> -> memref<5024x128xf32, #tpu.memory_space<vmem_shared>>
          tpu.enqueue_indirect_dma source(%dma_start3A_450 : memref<128x128xf32, #tpu.memory_space<vmem>>) target(%dma_start3A_456 : memref<5024x128xf32, #tpu.memory_space<vmem_shared>>) offsets(%dma_start3A_453 : memref<128xi32, #tpu.memory_space<vmem>>) semaphore(%arg16 : memref<!tpu.dma_semaphore, #tpu.memory_space<semaphore_mem>>) {add = true}
        } else {
        }
        %add3A_409 = arith.constant 128 : i32
        %add3A_410 = arith.addi %while3A_257, %add3A_409 : i32
        %add3A_411 = arith.constant 1 : i32
        %add3A_412 = arith.addi %while3A_258, %add3A_411 : i32
        scf.yield %add3A_410, %add3A_412 : i32, i32
      }
      %add3A_163 = arith.constant 0 : i32
      %add3A_164 = arith.addi %while3A_162#0, %add3A_163 : i32
      %get3A = arith.index_cast %add3A_164 : i32 to index
      %get3A_165 = tpu.vector_load %arg9[%get3A] {strides = array<i32>} : memref<2304xi32, #tpu.memory_space<vmem>>, vector<16xi32>,
      %add3A_166 = arith.constant 0 : i32
      %add3A_167 = arith.addi %while3A_162#0, %add3A_166 : i32
      %get3A_168 = arith.index_cast %add3A_167 : i32 to index
      %get3A_169 = tpu.vector_load %arg10[%get3A_168] {strides = array<i32>} : memref<2304xi32, #tpu.memory_space<vmem>>, vector<16xi32>,
      %swap3A = arith.constant 0 : index
      %swap3A_170 = tpu.vector_load %arg9[%swap3A] {strides = array<i32>} : memref<2304xi32, #tpu.memory_space<vmem>>, vector<16xi32>,
      tpu.vector_store %arg9[%swap3A], %get3A_165 {strides = array<i32>} : memref<2304xi32, #tpu.memory_space<vmem>>, vector<16xi32>,
      %swap3A_171 = arith.constant 0 : index
      %swap3A_172 = tpu.vector_load %arg10[%swap3A_171] {strides = array<i32>} : memref<2304xi32, #tpu.memory_space<vmem>>, vector<16xi32>,
      tpu.vector_store %arg10[%swap3A_171], %get3A_169 {strides = array<i32>} : memref<2304xi32, #tpu.memory_space<vmem>>, vector<16xi32>,
      %add3A_173 = arith.constant 16 : i32
      %add3A_174 = arith.addi %while3A_162#0, %add3A_173 : i32
      %get3A_175 = arith.index_cast %add3A_174 : i32 to index
      %get3A_176 = tpu.vector_load %arg9[%get3A_175] {strides = array<i32>} : memref<2304xi32, #tpu.memory_space<vmem>>, vector<16xi32>,
      %add3A_177 = arith.constant 16 : i32
      %add3A_178 = arith.addi %while3A_162#0, %add3A_177 : i32
      %get3A_179 = arith.index_cast %add3A_178 : i32 to index
      %get3A_180 = tpu.vector_load %arg10[%get3A_179] {strides = array<i32>} : memref<2304xi32, #tpu.memory_space<vmem>>, vector<16xi32>,
      %swap3A_181 = arith.constant 16 : index
      %swap3A_182 = tpu.vector_load %arg9[%swap3A_181] {strides = array<i32>} : memref<2304xi32, #tpu.memory_space<vmem>>, vector<16xi32>,
      tpu.vector_store %arg9[%swap3A_181], %get3A_176 {strides = array<i32>} : memref<2304xi32, #tpu.memory_space<vmem>>, vector<16xi32>,
      %swap3A_183 = arith.constant 16 : index
      %swap3A_184 = tpu.vector_load %arg10[%swap3A_183] {strides = array<i32>} : memref<2304xi32, #tpu.memory_space<vmem>>, vector<16xi32>,
      tpu.vector_store %arg10[%swap3A_183], %get3A_180 {strides = array<i32>} : memref<2304xi32, #tpu.memory_space<vmem>>, vector<16xi32>,
      %add3A_185 = arith.constant 32 : i32
      %add3A_186 = arith.addi %while3A_162#0, %add3A_185 : i32
      %get3A_187 = arith.index_cast %add3A_186 : i32 to index
      %get3A_188 = tpu.vector_load %arg9[%get3A_187] {strides = array<i32>} : memref<2304xi32, #tpu.memory_space<vmem>>, vector<16xi32>,
      %add3A_189 = arith.constant 32 : i32
      %add3A_190 = arith.addi %while3A_162#0, %add3A_189 : i32
      %get3A_191 = arith.index_cast %add3A_190 : i32 to index
      %get3A_192 = tpu.vector_load %arg10[%get3A_191] {strides = array<i32>} : memref<2304xi32, #tpu.memory_space<vmem>>, vector<16xi32>,
      %swap3A_193 = arith.constant 32 : index
      %swap3A_194 = tpu.vector_load %arg9[%swap3A_193] {strides = array<i32>} : memref<2304xi32, #tpu.memory_space<vmem>>, vector<16xi32>,
      tpu.vector_store %arg9[%swap3A_193], %get3A_188 {strides = array<i32>} : memref<2304xi32, #tpu.memory_space<vmem>>, vector<16xi32>,
      %swap3A_195 = arith.constant 32 : index
      %swap3A_196 = tpu.vector_load %arg10[%swap3A_195] {strides = array<i32>} : memref<2304xi32, #tpu.memory_space<vmem>>, vector<16xi32>,
      tpu.vector_store %arg10[%swap3A_195], %get3A_192 {strides = array<i32>} : memref<2304xi32, #tpu.memory_space<vmem>>, vector<16xi32>,
      %add3A_197 = arith.constant 48 : i32
      %add3A_198 = arith.addi %while3A_162#0, %add3A_197 : i32
      %get3A_199 = arith.index_cast %add3A_198 : i32 to index
      %get3A_200 = tpu.vector_load %arg9[%get3A_199] {strides = array<i32>} : memref<2304xi32, #tpu.memory_space<vmem>>, vector<16xi32>,
      %add3A_201 = arith.constant 48 : i32
      %add3A_202 = arith.addi %while3A_162#0, %add3A_201 : i32
      %get3A_203 = arith.index_cast %add3A_202 : i32 to index
      %get3A_204 = tpu.vector_load %arg10[%get3A_203] {strides = array<i32>} : memref<2304xi32, #tpu.memory_space<vmem>>, vector<16xi32>,
      %swap3A_205 = arith.constant 48 : index
      %swap3A_206 = tpu.vector_load %arg9[%swap3A_205] {strides = array<i32>} : memref<2304xi32, #tpu.memory_space<vmem>>, vector<16xi32>,
      tpu.vector_store %arg9[%swap3A_205], %get3A_200 {strides = array<i32>} : memref<2304xi32, #tpu.memory_space<vmem>>, vector<16xi32>,
      %swap3A_207 = arith.constant 48 : index
      %swap3A_208 = tpu.vector_load %arg10[%swap3A_207] {strides = array<i32>} : memref<2304xi32, #tpu.memory_space<vmem>>, vector<16xi32>,
      tpu.vector_store %arg10[%swap3A_207], %get3A_204 {strides = array<i32>} : memref<2304xi32, #tpu.memory_space<vmem>>, vector<16xi32>,
      %add3A_209 = arith.constant 64 : i32
      %add3A_210 = arith.addi %while3A_162#0, %add3A_209 : i32
      %get3A_211 = arith.index_cast %add3A_210 : i32 to index
      %get3A_212 = tpu.vector_load %arg9[%get3A_211] {strides = array<i32>} : memref<2304xi32, #tpu.memory_space<vmem>>, vector<16xi32>,
      %add3A_213 = arith.constant 64 : i32
      %add3A_214 = arith.addi %while3A_162#0, %add3A_213 : i32
      %get3A_215 = arith.index_cast %add3A_214 : i32 to index
      %get3A_216 = tpu.vector_load %arg10[%get3A_215] {strides = array<i32>} : memref<2304xi32, #tpu.memory_space<vmem>>, vector<16xi32>,
      %swap3A_217 = arith.constant 64 : index
      %swap3A_218 = tpu.vector_load %arg9[%swap3A_217] {strides = array<i32>} : memref<2304xi32, #tpu.memory_space<vmem>>, vector<16xi32>,
      tpu.vector_store %arg9[%swap3A_217], %get3A_212 {strides = array<i32>} : memref<2304xi32, #tpu.memory_space<vmem>>, vector<16xi32>,
      %swap3A_219 = arith.constant 64 : index
      %swap3A_220 = tpu.vector_load %arg10[%swap3A_219] {strides = array<i32>} : memref<2304xi32, #tpu.memory_space<vmem>>, vector<16xi32>,
      tpu.vector_store %arg10[%swap3A_219], %get3A_216 {strides = array<i32>} : memref<2304xi32, #tpu.memory_space<vmem>>, vector<16xi32>,
      %add3A_221 = arith.constant 80 : i32
      %add3A_222 = arith.addi %while3A_162#0, %add3A_221 : i32
      %get3A_223 = arith.index_cast %add3A_222 : i32 to index
      %get3A_224 = tpu.vector_load %arg9[%get3A_223] {strides = array<i32>} : memref<2304xi32, #tpu.memory_space<vmem>>, vector<16xi32>,
      %add3A_225 = arith.constant 80 : i32
      %add3A_226 = arith.addi %while3A_162#0, %add3A_225 : i32
      %get3A_227 = arith.index_cast %add3A_226 : i32 to index
      %get3A_228 = tpu.vector_load %arg10[%get3A_227] {strides = array<i32>} : memref<2304xi32, #tpu.memory_space<vmem>>, vector<16xi32>,
      %swap3A_229 = arith.constant 80 : index
      %swap3A_230 = tpu.vector_load %arg9[%swap3A_229] {strides = array<i32>} : memref<2304xi32, #tpu.memory_space<vmem>>, vector<16xi32>,
      tpu.vector_store %arg9[%swap3A_229], %get3A_224 {strides = array<i32>} : memref<2304xi32, #tpu.memory_space<vmem>>, vector<16xi32>,
      %swap3A_231 = arith.constant 80 : index
      %swap3A_232 = tpu.vector_load %arg10[%swap3A_231] {strides = array<i32>} : memref<2304xi32, #tpu.memory_space<vmem>>, vector<16xi32>,
      tpu.vector_store %arg10[%swap3A_231], %get3A_228 {strides = array<i32>} : memref<2304xi32, #tpu.memory_space<vmem>>, vector<16xi32>,
      %add3A_233 = arith.constant 96 : i32
      %add3A_234 = arith.addi %while3A_162#0, %add3A_233 : i32
      %get3A_235 = arith.index_cast %add3A_234 : i32 to index
      %get3A_236 = tpu.vector_load %arg9[%get3A_235] {strides = array<i32>} : memref<2304xi32, #tpu.memory_space<vmem>>, vector<16xi32>,
      %add3A_237 = arith.constant 96 : i32
      %add3A_238 = arith.addi %while3A_162#0, %add3A_237 : i32
      %get3A_239 = arith.index_cast %add3A_238 : i32 to index
      %get3A_240 = tpu.vector_load %arg10[%get3A_239] {strides = array<i32>} : memref<2304xi32, #tpu.memory_space<vmem>>, vector<16xi32>,
      %swap3A_241 = arith.constant 96 : index
      %swap3A_242 = tpu.vector_load %arg9[%swap3A_241] {strides = array<i32>} : memref<2304xi32, #tpu.memory_space<vmem>>, vector<16xi32>,
      tpu.vector_store %arg9[%swap3A_241], %get3A_236 {strides = array<i32>} : memref<2304xi32, #tpu.memory_space<vmem>>, vector<16xi32>,
      %swap3A_243 = arith.constant 96 : index
      %swap3A_244 = tpu.vector_load %arg10[%swap3A_243] {strides = array<i32>} : memref<2304xi32, #tpu.memory_space<vmem>>, vector<16xi32>,
      tpu.vector_store %arg10[%swap3A_243], %get3A_240 {strides = array<i32>} : memref<2304xi32, #tpu.memory_space<vmem>>, vector<16xi32>,
      %add3A_245 = arith.constant 112 : i32
      %add3A_246 = arith.addi %while3A_162#0, %add3A_245 : i32
      %get3A_247 = arith.index_cast %add3A_246 : i32 to index
      %get3A_248 = tpu.vector_load %arg9[%get3A_247] {strides = array<i32>} : memref<2304xi32, #tpu.memory_space<vmem>>, vector<16xi32>,
      %add3A_249 = arith.constant 112 : i32
      %add3A_250 = arith.addi %while3A_162#0, %add3A_249 : i32
      %get3A_251 = arith.index_cast %add3A_250 : i32 to index
      %get3A_252 = tpu.vector_load %arg10[%get3A_251] {strides = array<i32>} : memref<2304xi32, #tpu.memory_space<vmem>>, vector<16xi32>,
      %swap3A_253 = arith.constant 112 : index
      %swap3A_254 = tpu.vector_load %arg9[%swap3A_253] {strides = array<i32>} : memref<2304xi32, #tpu.memory_space<vmem>>, vector<16xi32>,
      tpu.vector_store %arg9[%swap3A_253], %get3A_248 {strides = array<i32>} : memref<2304xi32, #tpu.memory_space<vmem>>, vector<16xi32>,
      %swap3A_255 = arith.constant 112 : index
      %swap3A_256 = tpu.vector_load %arg10[%swap3A_255] {strides = array<i32>} : memref<2304xi32, #tpu.memory_space<vmem>>, vector<16xi32>,
      tpu.vector_store %arg10[%swap3A_255], %get3A_252 {strides = array<i32>} : memref<2304xi32, #tpu.memory_space<vmem>>, vector<16xi32>,
      %sub3A = arith.subi %scan3A_159, %while3A_162#0 : i32
      scf.yield %sub3A, %while3A_162#1 : i32, i32
    }
    %scan3A_56 = arith.constant 157 : i32
    %ge3A = arith.constant 1 : i32
    %ge3A_57 = arith.cmpi sge, %scan3A_55#1, %ge3A : i32
    %convert_element_type3A_58 = arith.extui %ge3A_57 : i1 to i32
    %cond3A_59 = arith.constant 0 : i32
    %cond3A_60 = arith.cmpi ne, %convert_element_type3A_58, %cond3A_59 : i32
    scf.if %cond3A_60 {
      %sub3A = arith.constant 1 : i32
      %sub3A_92 = arith.subi %scan3A_55#1, %sub3A : i32
      %jit3A_93 = arith.constant 4 : i32
      %eq3A_94 = arith.constant 0 : i32
      %eq3A_95 = arith.cmpi eq, %jit3A_93, %eq3A_94 : i32
      %jit3A_96 = arith.constant 1 : i32
      %select_n3A_97 = arith.select %eq3A_95, %jit3A_96, %jit3A_93 : i32
      %rem3A = arith.remsi %sub3A_92, %select_n3A_97 : i32
      %ne3A = arith.constant 0 : i32
      %ne3A_98 = arith.cmpi ne, %rem3A, %ne3A : i32
      %lt3A_99 = arith.constant 0 : i32
      %lt3A_100 = arith.cmpi slt, %rem3A, %lt3A_99 : i32
      %lt3A_101 = arith.constant 0 : i32
      %lt3A_102 = arith.cmpi slt, %select_n3A_97, %lt3A_101 : i32
      %ne3A_103 = arith.xori %lt3A_100, %lt3A_102 : i1
      %and3A_104 = arith.andi %ne3A_103, %ne3A_98 : i1
      %add3A_105 = arith.addi %rem3A, %select_n3A_97 : i32
      %select_n3A_106 = arith.select %and3A_104, %add3A_105, %rem3A : i32
      %dma_wait3A = arith.constant 0 : i32
      %dma_wait3A_107 = arith.constant 0 : i32
      %dma_wait3A_108 = tpu.memref_slice %arg13[%select_n3A_106, %dma_wait3A, %dma_wait3A_107] : memref<4x128x128xf32, #tpu.memory_space<vmem>> -> memref<1x128x128xf32, #tpu.memory_space<vmem>>
      %dma_wait3A_109 = tpu.memref_squeeze %dma_wait3A_108 : memref<1x128x128xf32, #tpu.memory_space<vmem>> -> memref<128x128xf32, #tpu.memory_space<vmem>>
      %dma_wait3A_110 = arith.constant 0 : i32
      %dma_wait3A_111 = arith.constant 0 : i32
      %dma_wait3A_112 = tpu.memref_slice %arg2[%dma_wait3A_110, %dma_wait3A_111] : memref<10000x128xf32, #tpu.memory_space<hbm>> -> memref<128x128xf32, #tpu.memory_space<hbm>>
      %dma_wait3A_113 = tpu.memref_slice %arg15[%select_n3A_106] : memref<4x!tpu.dma_semaphore, #tpu.memory_space<semaphore_mem>> -> memref<1x!tpu.dma_semaphore, #tpu.memory_space<semaphore_mem>>
      %dma_wait3A_114 = tpu.memref_squeeze %dma_wait3A_113 : memref<1x!tpu.dma_semaphore, #tpu.memory_space<semaphore_mem>> -> memref<!tpu.dma_semaphore, #tpu.memory_space<semaphore_mem>>
      %dma_wait3A_115 = arith.constant 0 : i32
      %dma_wait3A_116 = arith.constant 0 : i32
      %dma_wait3A_117 = tpu.memref_slice %arg13[%select_n3A_106, %dma_wait3A_115, %dma_wait3A_116] : memref<4x128x128xf32, #tpu.memory_space<vmem>> -> memref<1x128x128xf32, #tpu.memory_space<vmem>>
      %dma_wait3A_118 = tpu.memref_squeeze %dma_wait3A_117 : memref<1x128x128xf32, #tpu.memory_space<vmem>> -> memref<128x128xf32, #tpu.memory_space<vmem>>
      %dma_wait3A_119 = arith.constant 0 : i32
      %dma_wait3A_120 = arith.constant 0 : i32
      %dma_wait3A_121 = tpu.memref_slice %arg2[%dma_wait3A_119, %dma_wait3A_120] : memref<10000x128xf32, #tpu.memory_space<hbm>> -> memref<128x128xf32, #tpu.memory_space<hbm>>
      tpu.wait_dma2 semaphore(%dma_wait3A_114 : memref<!tpu.dma_semaphore, #tpu.memory_space<semaphore_mem>>) src(%dma_wait3A_121 : memref<128x128xf32, #tpu.memory_space<hbm>>) dst(%dma_wait3A_118 : memref<128x128xf32, #tpu.memory_space<vmem>>)
      %dma_start3A_122 = arith.constant 0 : i32
      %dma_start3A_123 = arith.constant 0 : i32
      %dma_start3A_124 = tpu.memref_slice %arg13[%select_n3A_106, %dma_start3A_122, %dma_start3A_123] : memref<4x128x128xf32, #tpu.memory_space<vmem>> -> memref<1x128x128xf32, #tpu.memory_space<vmem>>
      %dma_start3A_125 = tpu.memref_squeeze %dma_start3A_124 : memref<1x128x128xf32, #tpu.memory_space<vmem>> -> memref<128x128xf32, #tpu.memory_space<vmem>>
      %dma_start3A_126 = arith.constant 0 : i32
      %dma_start3A_127 = tpu.memref_slice %arg11[%select_n3A_106, %dma_start3A_126] : memref<4x128xi32, #tpu.memory_space<vmem>> -> memref<1x128xi32, #tpu.memory_space<vmem>>
      %dma_start3A_128 = tpu.memref_squeeze %dma_start3A_127 : memref<1x128xi32, #tpu.memory_space<vmem>> -> memref<128xi32, #tpu.memory_space<vmem>>
      %dma_start3A_129 = arith.constant 0 : i32
      %dma_start3A_130 = arith.constant 0 : i32
      %dma_start3A_131 = tpu.memref_slice %arg14[%dma_start3A_129, %dma_start3A_130] : memref<5024x128xf32, #tpu.memory_space<vmem_shared>> -> memref<5024x128xf32, #tpu.memory_space<vmem_shared>>
      tpu.enqueue_indirect_dma source(%dma_start3A_125 : memref<128x128xf32, #tpu.memory_space<vmem>>) target(%dma_start3A_131 : memref<5024x128xf32, #tpu.memory_space<vmem_shared>>) offsets(%dma_start3A_128 : memref<128xi32, #tpu.memory_space<vmem>>) semaphore(%arg16 : memref<!tpu.dma_semaphore, #tpu.memory_space<semaphore_mem>>) {add = true}
    } else {
    }
    %min3A = arith.constant 4 : i32
    %min3A_61 = arith.minsi %scan3A_55#1, %min3A : i32
    %while3A = arith.constant 0 : i32
    %while3A_62 = arith.constant 0 : i32
    %while3A_63 = arith.subi %min3A_61, %while3A_62 : i32
    %while3A_64 = arith.addi %while3A_62, %while3A_63 : i32
    %while3A_65 = arith.constant 1 : i32
    %while3A_66 = arith.divsi %while3A_63, %while3A_65 : i32
    %while3A_67 = arith.muli %while3A_66, %while3A_65 : i32
    %while3A_68 = arith.addi %while3A_62, %while3A_67 : i32
    %while3A_69 = arith.constant 1 : i32
    scf.for %while3A_92 = %while3A_62 to %while3A_68 step %while3A_69  : i32 {
      %dma_wait3A = arith.constant 0 : i32
      %dma_wait3A_93 = arith.constant 0 : i32
      %dma_wait3A_94 = arith.constant 0 : i32
      %dma_wait3A_95 = tpu.memref_slice %arg13[%dma_wait3A, %dma_wait3A_93, %dma_wait3A_94] : memref<4x128x128xf32, #tpu.memory_space<vmem>> -> memref<1x128x128xf32, #tpu.memory_space<vmem>>
      %dma_wait3A_96 = tpu.memref_squeeze %dma_wait3A_95 : memref<1x128x128xf32, #tpu.memory_space<vmem>> -> memref<128x128xf32, #tpu.memory_space<vmem>>
      %dma_wait3A_97 = arith.constant 0 : i32
      %dma_wait3A_98 = arith.constant 0 : i32
      %dma_wait3A_99 = tpu.memref_slice %arg2[%dma_wait3A_97, %dma_wait3A_98] : memref<10000x128xf32, #tpu.memory_space<hbm>> -> memref<128x128xf32, #tpu.memory_space<hbm>>
      %dma_wait3A_100 = arith.constant 0 : i32
      %dma_wait3A_101 = arith.constant 0 : i32
      %dma_wait3A_102 = tpu.memref_slice %arg13[%dma_wait3A, %dma_wait3A_100, %dma_wait3A_101] : memref<4x128x128xf32, #tpu.memory_space<vmem>> -> memref<1x128x128xf32, #tpu.memory_space<vmem>>
      %dma_wait3A_103 = tpu.memref_squeeze %dma_wait3A_102 : memref<1x128x128xf32, #tpu.memory_space<vmem>> -> memref<128x128xf32, #tpu.memory_space<vmem>>
      %dma_wait3A_104 = arith.constant 0 : i32
      %dma_wait3A_105 = arith.constant 0 : i32
      %dma_wait3A_106 = tpu.memref_slice %arg2[%dma_wait3A_104, %dma_wait3A_105] : memref<10000x128xf32, #tpu.memory_space<hbm>> -> memref<128x128xf32, #tpu.memory_space<hbm>>
      tpu.wait_dma2 semaphore(%arg16 : memref<!tpu.dma_semaphore, #tpu.memory_space<semaphore_mem>>) src(%dma_wait3A_106 : memref<128x128xf32, #tpu.memory_space<hbm>>) dst(%dma_wait3A_103 : memref<128x128xf32, #tpu.memory_space<vmem>>)
    }
    %while3A_70 = arith.constant 1 : i32
    scf.for %while3A_92 = %while3A_68 to %while3A_64 step %while3A_70  : i32 {
      %dma_wait3A = arith.constant 0 : i32
      %dma_wait3A_93 = arith.constant 0 : i32
      %dma_wait3A_94 = arith.constant 0 : i32
      %dma_wait3A_95 = tpu.memref_slice %arg13[%dma_wait3A, %dma_wait3A_93, %dma_wait3A_94] : memref<4x128x128xf32, #tpu.memory_space<vmem>> -> memref<1x128x128xf32, #tpu.memory_space<vmem>>
      %dma_wait3A_96 = tpu.memref_squeeze %dma_wait3A_95 : memref<1x128x128xf32, #tpu.memory_space<vmem>> -> memref<128x128xf32, #tpu.memory_space<vmem>>
      %dma_wait3A_97 = arith.constant 0 : i32
      %dma_wait3A_98 = arith.constant 0 : i32
      %dma_wait3A_99 = tpu.memref_slice %arg2[%dma_wait3A_97, %dma_wait3A_98] : memref<10000x128xf32, #tpu.memory_space<hbm>> -> memref<128x128xf32, #tpu.memory_space<hbm>>
      %dma_wait3A_100 = arith.constant 0 : i32
      %dma_wait3A_101 = arith.constant 0 : i32
      %dma_wait3A_102 = tpu.memref_slice %arg13[%dma_wait3A, %dma_wait3A_100, %dma_wait3A_101] : memref<4x128x128xf32, #tpu.memory_space<vmem>> -> memref<1x128x128xf32, #tpu.memory_space<vmem>>
      %dma_wait3A_103 = tpu.memref_squeeze %dma_wait3A_102 : memref<1x128x128xf32, #tpu.memory_space<vmem>> -> memref<128x128xf32, #tpu.memory_space<vmem>>
      %dma_wait3A_104 = arith.constant 0 : i32
      %dma_wait3A_105 = arith.constant 0 : i32
      %dma_wait3A_106 = tpu.memref_slice %arg2[%dma_wait3A_104, %dma_wait3A_105] : memref<10000x128xf32, #tpu.memory_space<hbm>> -> memref<128x128xf32, #tpu.memory_space<hbm>>
      tpu.wait_dma2 semaphore(%arg16 : memref<!tpu.dma_semaphore, #tpu.memory_space<semaphore_mem>>) src(%dma_wait3A_106 : memref<128x128xf32, #tpu.memory_space<hbm>>) dst(%dma_wait3A_103 : memref<128x128xf32, #tpu.memory_space<vmem>>)
    }
    %barrier3A_71 = arith.constant 0 : index
    tpu.barrier barrier_id(%barrier3A_71)
    %lt3A_72 = arith.constant 15 : i32
    %lt3A_73 = arith.cmpi slt, %arg1, %lt3A_72 : i32
    %convert_element_type3A_74 = arith.extui %lt3A_73 : i1 to i32
    %cond3A_75 = arith.constant 0 : i32
    %cond3A_76 = arith.cmpi ne, %convert_element_type3A_74, %cond3A_75 : i32
    scf.if %cond3A_76 {
      %mul3A_92 = arith.constant 320 : i32
      %mul3A_93 = arith.muli %arg1, %mul3A_92 : i32
      %mul3A_94 = arith.constant 320 : i32
      %mul3A_95 = arith.muli %arg1, %mul3A_94 : i32
      %add3A_96 = arith.addi %mul3A_0, %mul3A_95 : i32
      "tpu.region"() ({
        %run_scoped3A = tpu.sem_alloc : memref<!tpu.dma_semaphore, #tpu.memory_space<semaphore_mem>>
        %dma_start3A_97 = arith.constant 0 : i32
        %dma_start3A_98 = tpu.memref_slice %arg6[%add3A_96, %dma_start3A_97] : memref<10000x128xf32, #tpu.memory_space<hbm>> -> memref<320x128xf32, #tpu.memory_space<hbm>>
        %dma_start3A_99 = arith.constant 0 : i32
        %dma_start3A_100 = tpu.memref_slice %arg14[%mul3A_93, %dma_start3A_99] : memref<5024x128xf32, #tpu.memory_space<vmem_shared>> -> memref<320x128xf32, #tpu.memory_space<vmem_shared>>
        tpu.enqueue_dma source(%dma_start3A_100 : memref<320x128xf32, #tpu.memory_space<vmem_shared>>) target(%dma_start3A_98 : memref<320x128xf32, #tpu.memory_space<hbm>>) target_semaphore(%run_scoped3A : memref<!tpu.dma_semaphore, #tpu.memory_space<semaphore_mem>>)
        %dma_wait3A = arith.constant 0 : i32
        %dma_wait3A_101 = tpu.memref_slice %arg6[%add3A_96, %dma_wait3A] : memref<10000x128xf32, #tpu.memory_space<hbm>> -> memref<320x128xf32, #tpu.memory_space<hbm>>
        %dma_wait3A_102 = arith.constant 0 : i32
        %dma_wait3A_103 = tpu.memref_slice %arg14[%mul3A_93, %dma_wait3A_102] : memref<5024x128xf32, #tpu.memory_space<vmem_shared>> -> memref<320x128xf32, #tpu.memory_space<vmem_shared>>
        tpu.wait_dma2 semaphore(%run_scoped3A : memref<!tpu.dma_semaphore, #tpu.memory_space<semaphore_mem>>) src(%dma_wait3A_103 : memref<320x128xf32, #tpu.memory_space<vmem_shared>>) dst(%dma_wait3A_101 : memref<320x128xf32, #tpu.memory_space<hbm>>)
        tpu.yield
      }) : () -> ()
    } else {
    }
    %eq3A_77 = arith.constant 15 : i32
    %eq3A_78 = arith.cmpi eq, %arg1, %eq3A_77 : i32
    %eq3A_79 = arith.constant 0 : i32
    %eq3A_80 = arith.cmpi eq, %arg0, %eq3A_79 : i32
    %and3A = arith.andi %eq3A_78, %eq3A_80 : i1
    %convert_element_type3A_81 = arith.extui %and3A : i1 to i32
    %cond3A_82 = arith.constant 0 : i32
    %cond3A_83 = arith.cmpi ne, %convert_element_type3A_81, %cond3A_82 : i32
    scf.if %cond3A_83 {
      "tpu.region"() ({
        %run_scoped3A = tpu.sem_alloc : memref<!tpu.dma_semaphore, #tpu.memory_space<semaphore_mem>>
        %dma_start3A_92 = arith.constant 4800 : i32
        %dma_start3A_93 = arith.constant 0 : i32
        %dma_start3A_94 = tpu.memref_slice %arg6[%dma_start3A_92, %dma_start3A_93] : memref<10000x128xf32, #tpu.memory_space<hbm>> -> memref<208x128xf32, #tpu.memory_space<hbm>>
        %dma_start3A_95 = arith.constant 4800 : i32
        %dma_start3A_96 = arith.constant 0 : i32
        %dma_start3A_97 = tpu.memref_slice %arg14[%dma_start3A_95, %dma_start3A_96] : memref<5024x128xf32, #tpu.memory_space<vmem_shared>> -> memref<208x128xf32, #tpu.memory_space<vmem_shared>>
        tpu.enqueue_dma source(%dma_start3A_97 : memref<208x128xf32, #tpu.memory_space<vmem_shared>>) target(%dma_start3A_94 : memref<208x128xf32, #tpu.memory_space<hbm>>) target_semaphore(%run_scoped3A : memref<!tpu.dma_semaphore, #tpu.memory_space<semaphore_mem>>)
        %dma_wait3A = arith.constant 4800 : i32
        %dma_wait3A_98 = arith.constant 0 : i32
        %dma_wait3A_99 = tpu.memref_slice %arg6[%dma_wait3A, %dma_wait3A_98] : memref<10000x128xf32, #tpu.memory_space<hbm>> -> memref<208x128xf32, #tpu.memory_space<hbm>>
        %dma_wait3A_100 = arith.constant 4800 : i32
        %dma_wait3A_101 = arith.constant 0 : i32
        %dma_wait3A_102 = tpu.memref_slice %arg14[%dma_wait3A_100, %dma_wait3A_101] : memref<5024x128xf32, #tpu.memory_space<vmem_shared>> -> memref<208x128xf32, #tpu.memory_space<vmem_shared>>
        tpu.wait_dma2 semaphore(%run_scoped3A : memref<!tpu.dma_semaphore, #tpu.memory_space<semaphore_mem>>) src(%dma_wait3A_102 : memref<208x128xf32, #tpu.memory_space<vmem_shared>>) dst(%dma_wait3A_99 : memref<208x128xf32, #tpu.memory_space<hbm>>)
        tpu.yield
      }) : () -> ()
    } else {
    }
    %eq3A_84 = arith.constant 15 : i32
    %eq3A_85 = arith.cmpi eq, %arg1, %eq3A_84 : i32
    %eq3A_86 = arith.constant 1 : i32
    %eq3A_87 = arith.cmpi eq, %arg0, %eq3A_86 : i32
    %and3A_88 = arith.andi %eq3A_85, %eq3A_87 : i1
    %convert_element_type3A_89 = arith.extui %and3A_88 : i1 to i32
    %cond3A_90 = arith.constant 0 : i32
    %cond3A_91 = arith.cmpi ne, %convert_element_type3A_89, %cond3A_90 : i32
    scf.if %cond3A_91 {
      "tpu.region"() ({
        %run_scoped3A = tpu.sem_alloc : memref<!tpu.dma_semaphore, #tpu.memory_space<semaphore_mem>>
        %dma_start3A_92 = arith.constant 9808 : i32
        %dma_start3A_93 = arith.constant 0 : i32
        %dma_start3A_94 = tpu.memref_slice %arg6[%dma_start3A_92, %dma_start3A_93] : memref<10000x128xf32, #tpu.memory_space<hbm>> -> memref<192x128xf32, #tpu.memory_space<hbm>>
        %dma_start3A_95 = arith.constant 4800 : i32
        %dma_start3A_96 = arith.constant 0 : i32
        %dma_start3A_97 = tpu.memref_slice %arg14[%dma_start3A_95, %dma_start3A_96] : memref<5024x128xf32, #tpu.memory_space<vmem_shared>> -> memref<192x128xf32, #tpu.memory_space<vmem_shared>>
        tpu.enqueue_dma source(%dma_start3A_97 : memref<192x128xf32, #tpu.memory_space<vmem_shared>>) target(%dma_start3A_94 : memref<192x128xf32, #tpu.memory_space<hbm>>) target_semaphore(%run_scoped3A : memref<!tpu.dma_semaphore, #tpu.memory_space<semaphore_mem>>)
        %dma_wait3A = arith.constant 9808 : i32
        %dma_wait3A_98 = arith.constant 0 : i32
        %dma_wait3A_99 = tpu.memref_slice %arg6[%dma_wait3A, %dma_wait3A_98] : memref<10000x128xf32, #tpu.memory_space<hbm>> -> memref<192x128xf32, #tpu.memory_space<hbm>>
        %dma_wait3A_100 = arith.constant 4800 : i32
        %dma_wait3A_101 = arith.constant 0 : i32
        %dma_wait3A_102 = tpu.memref_slice %arg14[%dma_wait3A_100, %dma_wait3A_101] : memref<5024x128xf32, #tpu.memory_space<vmem_shared>> -> memref<192x128xf32, #tpu.memory_space<vmem_shared>>
        tpu.wait_dma2 semaphore(%run_scoped3A : memref<!tpu.dma_semaphore, #tpu.memory_space<semaphore_mem>>) src(%dma_wait3A_102 : memref<192x128xf32, #tpu.memory_space<vmem_shared>>) dst(%dma_wait3A_99 : memref<192x128xf32, #tpu.memory_space<hbm>>)
        tpu.yield
      }) : () -> ()
    } else {
    }
    return
  }
}

module attributes {stable_mosaic.version = 14 : i64} {
  func.func @_layer_body(%arg0: i32, %arg1: memref<2000x128xf32, #tpu.memory_space<vmem>>, %arg2: memref<2000x128xf32, #tpu.memory_space<vmem>>, %arg3: memref<128x128xf32, #tpu.memory_space<vmem>>, %arg4: memref<1x128xf32, #tpu.memory_space<vmem>>, %arg5: memref<128x128xf32, #tpu.memory_space<vmem>>, %arg6: memref<2000x128xf32, #tpu.memory_space<vmem>>) attributes {dimension_semantics = [#tpu.dimension_semantics<arbitrary>], iteration_bounds = array<i64: 5>, scalar_prefetch = 0 : i64, scratch_operands = 0 : i64, tpu.core_type = #tpu.core_type<tc>, window_params = [{transform_indices = @transform_0, window_bounds = array<i64: 2000, 128>}, {transform_indices = @transform_1, window_bounds = array<i64: 2000, 128>}, {pipeline_mode = #tpu.pipeline_mode<synchronous>, transform_indices = @transform_2, window_bounds = array<i64: 128, 128>}, {pipeline_mode = #tpu.pipeline_mode<synchronous>, transform_indices = @transform_3, window_bounds = array<i64: 1, 128>}, {pipeline_mode = #tpu.pipeline_mode<synchronous>, transform_indices = @transform_4, window_bounds = array<i64: 128, 128>}, {transform_indices = @transform_5, window_bounds = array<i64: 2000, 128>}]} {
    %get3A = arith.constant 0 : index
    %get3A_0 = arith.constant 0 : index
    %get3A_1 = vector.load %arg1[%get3A, %get3A_0] : memref<2000x128xf32, #tpu.memory_space<vmem>>, vector<2000x128xf32>
    %get3A_2 = arith.constant 0 : index
    %get3A_3 = arith.constant 0 : index
    %get3A_4 = vector.load %arg3[%get3A_2, %get3A_3] : memref<128x128xf32, #tpu.memory_space<vmem>>, vector<128x128xf32>
    %dot_general3A = arith.constant dense<0.000000e+00> : vector<2000x128xf32>
    %dot_general3A_5 = tpu.matmul %get3A_1, %get3A_4, %dot_general3A {dimension_numbers = #tpu.dot_dimension_numbers<[1], [0], [0], [1], [0, 0, 1, 1], [], []>, transpose_lhs_hint = false} : vector<2000x128xf32>, vector<128x128xf32>, vector<2000x128xf32> -> vector<2000x128xf32>
    %get3A_6 = arith.constant 0 : index
    %get3A_7 = arith.constant 0 : index
    %get3A_8 = vector.load %arg4[%get3A_6, %get3A_7] : memref<1x128xf32, #tpu.memory_space<vmem>>, vector<1x128xf32>
    %add3A = vector.broadcast %get3A_8 : vector<1x128xf32> to vector<2000x128xf32>
    %add3A_9 = arith.addf %dot_general3A_5, %add3A : vector<2000x128xf32>
    %get3A_10 = arith.constant 0 : index
    %get3A_11 = arith.constant 0 : index
    %get3A_12 = vector.load %arg2[%get3A_10, %get3A_11] : memref<2000x128xf32, #tpu.memory_space<vmem>>, vector<2000x128xf32>
    %get3A_13 = arith.constant 0 : index
    %get3A_14 = arith.constant 0 : index
    %get3A_15 = vector.load %arg5[%get3A_13, %get3A_14] : memref<128x128xf32, #tpu.memory_space<vmem>>, vector<128x128xf32>
    %dot_general3A_16 = arith.constant dense<0.000000e+00> : vector<2000x128xf32>
    %dot_general3A_17 = tpu.matmul %get3A_12, %get3A_15, %dot_general3A_16 {dimension_numbers = #tpu.dot_dimension_numbers<[1], [0], [0], [1], [0, 0, 1, 1], [], []>, transpose_lhs_hint = false} : vector<2000x128xf32>, vector<128x128xf32>, vector<2000x128xf32> -> vector<2000x128xf32>
    %add3A_18 = arith.addf %add3A_9, %dot_general3A_17 : vector<2000x128xf32>
    %swap3A = arith.constant 0 : index
    %swap3A_19 = arith.constant 0 : index
    %swap3A_20 = vector.load %arg6[%swap3A, %swap3A_19] : memref<2000x128xf32, #tpu.memory_space<vmem>>, vector<2000x128xf32>
    tpu.vector_store %arg6[%swap3A, %swap3A_19], %add3A_18 {strides = array<i32>} : memref<2000x128xf32, #tpu.memory_space<vmem>>, vector<2000x128xf32>,
    return
  }
  func.func @transform_0(%arg0: i32) -> (i32, i32) {
    %c0_i32 = arith.constant 0 : i32
    %c0_i32_0 = arith.constant 0 : i32
    return %arg0, %c0_i32 : i32, i32
  }
  func.func @transform_1(%arg0: i32) -> (i32, i32) {
    %c0_i32 = arith.constant 0 : i32
    %c0_i32_0 = arith.constant 0 : i32
    return %arg0, %c0_i32 : i32, i32
  }
  func.func @transform_2(%arg0: i32) -> (i32, i32) {
    %c0_i32 = arith.constant 0 : i32
    %c0_i32_0 = arith.constant 0 : i32
    %c0_i32_1 = arith.constant 0 : i32
    return %c0_i32, %c0_i32_0 : i32, i32
  }
  func.func @transform_3(%arg0: i32) -> (i32, i32) {
    %c0_i32 = arith.constant 0 : i32
    %c0_i32_0 = arith.constant 0 : i32
    %c0_i32_1 = arith.constant 0 : i32
    return %c0_i32, %c0_i32_0 : i32, i32
  }
  func.func @transform_4(%arg0: i32) -> (i32, i32) {
    %c0_i32 = arith.constant 0 : i32
    %c0_i32_0 = arith.constant 0 : i32
    %c0_i32_1 = arith.constant 0 : i32
    return %c0_i32, %c0_i32_0 : i32, i32
  }
  func.func @transform_5(%arg0: i32) -> (i32, i32) {
    %c0_i32 = arith.constant 0 : i32
    %c0_i32_0 = arith.constant 0 : i32
    return %arg0, %c0_i32 : i32, i32
  }
}

module attributes {stable_mosaic.version = 14 : i64} {
  func.func @_mlp_body(%arg0: i32, %arg1: memref<2000x128xf32, #tpu.memory_space<vmem>>, %arg2: memref<128x128xf32, #tpu.memory_space<vmem>>, %arg3: memref<1x128xf32, #tpu.memory_space<vmem>>, %arg4: memref<128x1xf32, #tpu.memory_space<vmem>>, %arg5: memref<1x1xf32, #tpu.memory_space<vmem>>, %arg6: memref<2000x1xf32, #tpu.memory_space<vmem>>) attributes {dimension_semantics = [#tpu.dimension_semantics<arbitrary>], iteration_bounds = array<i64: 5>, scalar_prefetch = 0 : i64, scratch_operands = 0 : i64, tpu.core_type = #tpu.core_type<tc>, window_params = [{transform_indices = @transform_0, window_bounds = array<i64: 2000, 128>}, {pipeline_mode = #tpu.pipeline_mode<synchronous>, transform_indices = @transform_1, window_bounds = array<i64: 128, 128>}, {pipeline_mode = #tpu.pipeline_mode<synchronous>, transform_indices = @transform_2, window_bounds = array<i64: 1, 128>}, {pipeline_mode = #tpu.pipeline_mode<synchronous>, transform_indices = @transform_3, window_bounds = array<i64: 128, 1>}, {pipeline_mode = #tpu.pipeline_mode<synchronous>, transform_indices = @transform_4, window_bounds = array<i64: 1, 1>}, {transform_indices = @transform_5, window_bounds = array<i64: 2000, 1>}]} {
    %get3A = arith.constant 0 : index
    %get3A_0 = arith.constant 0 : index
    %get3A_1 = vector.load %arg1[%get3A, %get3A_0] : memref<2000x128xf32, #tpu.memory_space<vmem>>, vector<2000x128xf32>
    %get3A_2 = arith.constant 0 : index
    %get3A_3 = arith.constant 0 : index
    %get3A_4 = vector.load %arg2[%get3A_2, %get3A_3] : memref<128x128xf32, #tpu.memory_space<vmem>>, vector<128x128xf32>
    %dot_general3A = arith.constant dense<0.000000e+00> : vector<2000x128xf32>
    %dot_general3A_5 = tpu.matmul %get3A_1, %get3A_4, %dot_general3A {dimension_numbers = #tpu.dot_dimension_numbers<[1], [0], [0], [1], [0, 0, 1, 1], [], []>, transpose_lhs_hint = false} : vector<2000x128xf32>, vector<128x128xf32>, vector<2000x128xf32> -> vector<2000x128xf32>
    %get3A_6 = arith.constant 0 : index
    %get3A_7 = arith.constant 0 : index
    %get3A_8 = vector.load %arg3[%get3A_6, %get3A_7] : memref<1x128xf32, #tpu.memory_space<vmem>>, vector<1x128xf32>
    %add3A = vector.broadcast %get3A_8 : vector<1x128xf32> to vector<2000x128xf32>
    %add3A_9 = arith.addf %dot_general3A_5, %add3A : vector<2000x128xf32>
    %max3A = arith.constant 0.000000e+00 : f32
    %max3A_10 = vector.broadcast %max3A : f32 to vector<2000x128xf32>
    %max3A_11 = arith.maximumf %add3A_9, %max3A_10 : vector<2000x128xf32>
    %get3A_12 = arith.constant 0 : index
    %get3A_13 = arith.constant 0 : index
    %get3A_14 = vector.load %arg4[%get3A_12, %get3A_13] : memref<128x1xf32, #tpu.memory_space<vmem>>, vector<128x1xf32>
    %dot_general3A_15 = arith.constant dense<0.000000e+00> : vector<2000x1xf32>
    %dot_general3A_16 = tpu.matmul %max3A_11, %get3A_14, %dot_general3A_15 {dimension_numbers = #tpu.dot_dimension_numbers<[1], [0], [0], [1], [0, 0, 1, 1], [], []>, transpose_lhs_hint = false} : vector<2000x128xf32>, vector<128x1xf32>, vector<2000x1xf32> -> vector<2000x1xf32>
    %get3A_17 = arith.constant 0 : index
    %get3A_18 = arith.constant 0 : index
    %get3A_19 = vector.load %arg5[%get3A_17, %get3A_18] : memref<1x1xf32, #tpu.memory_space<vmem>>, vector<1x1xf32>
    %add3A_20 = vector.broadcast %get3A_19 : vector<1x1xf32> to vector<2000x1xf32>
    %add3A_21 = arith.addf %dot_general3A_16, %add3A_20 : vector<2000x1xf32>
    %logistic3A = arith.negf %add3A_21 : vector<2000x1xf32>
    %logistic3A_22 = math.exp %logistic3A : vector<2000x1xf32>
    %logistic3A_23 = arith.constant 1.000000e+00 : f32
    %logistic3A_24 = vector.broadcast %logistic3A_23 : f32 to vector<2000x1xf32>
    %logistic3A_25 = arith.addf %logistic3A_24, %logistic3A_22 : vector<2000x1xf32>
    %logistic3A_26 = arith.divf %logistic3A_24, %logistic3A_25 : vector<2000x1xf32>
    %swap3A = arith.constant 0 : index
    %swap3A_27 = arith.constant 0 : index
    %swap3A_28 = vector.load %arg6[%swap3A, %swap3A_27] : memref<2000x1xf32, #tpu.memory_space<vmem>>, vector<2000x1xf32>
    tpu.vector_store %arg6[%swap3A, %swap3A_27], %logistic3A_26 {strides = array<i32>} : memref<2000x1xf32, #tpu.memory_space<vmem>>, vector<2000x1xf32>,
    return
  }
  func.func @transform_0(%arg0: i32) -> (i32, i32) {
    %c0_i32 = arith.constant 0 : i32
    %c0_i32_0 = arith.constant 0 : i32
    return %arg0, %c0_i32 : i32, i32
  }
  func.func @transform_1(%arg0: i32) -> (i32, i32) {
    %c0_i32 = arith.constant 0 : i32
    %c0_i32_0 = arith.constant 0 : i32
    %c0_i32_1 = arith.constant 0 : i32
    return %c0_i32, %c0_i32_0 : i32, i32
  }
  func.func @transform_2(%arg0: i32) -> (i32, i32) {
    %c0_i32 = arith.constant 0 : i32
    %c0_i32_0 = arith.constant 0 : i32
    %c0_i32_1 = arith.constant 0 : i32
    return %c0_i32, %c0_i32_0 : i32, i32
  }
  func.func @transform_3(%arg0: i32) -> (i32, i32) {
    %c0_i32 = arith.constant 0 : i32
    %c0_i32_0 = arith.constant 0 : i32
    %c0_i32_1 = arith.constant 0 : i32
    return %c0_i32, %c0_i32_0 : i32, i32
  }
  func.func @transform_4(%arg0: i32) -> (i32, i32) {
    %c0_i32 = arith.constant 0 : i32
    %c0_i32_0 = arith.constant 0 : i32
    %c0_i32_1 = arith.constant 0 : i32
    return %c0_i32, %c0_i32_0 : i32, i32
  }
  func.func @transform_5(%arg0: i32) -> (i32, i32) {
    %c0_i32 = arith.constant 0 : i32
    %c0_i32_0 = arith.constant 0 : i32
    return %arg0, %c0_i32 : i32, i32
  }
}

</mosaic_0001>

<sc_bundles>
// kernel: kernel.12.cloned.1.call-start
scs
__scs_entry_jumppad:
0x0: {  	(pc) =	sbr.rel $0x88, $3  }
0x1: {  	(tag) =	ssettag $0x0;
	lr =	simm.s32 $0x1  }
0x2: {  	[smem:$0x3F92] =	sst lr;
	_ =	strace $0xD0000000  }
0x3: {  	_ = 	snop  }
0x4: {  	_ = 	snop  }
0x5: {  	_ = 	snop  }
0x6: {  	_ = 	snop  }
0x7: {  	_ = 	snop  }
__scs_overlays_trampoline_lowered:
0x8: {  	[smem:$0x3FA1] =	sst s0  }
0x9: {  	[smem:$0x3FA2] =	sst s1  }
0xa: {  	[smem:$0x3FA3] =	sst s2  }
0xb: {  	[smem:$0x3FA4] =	sst s3  }
0xc: {  	[smem:$0x3FA5] =	sst s4  }
0xd: {  	[smem:$0x3FA6] =	sst s5  }
0xe: {  	[smem:$0x3FA7] =	sst s6  }
0xf: {  	[smem:$0x3FA8] =	sst s7  }
0x10: {  	[smem:$0x3FA9] =	sst s8  }
0x11: {  	[smem:$0x3FAA] =	sst s9;
	s0 =	simm.s32 @!p0 $0x0  }
0x12: {  	s1 =	sld [smem:$0x3F90];
	s0 =	simm.s32 @p0 $0x1  }
0x13: {  	[smem:$0x3FAB] =	sst s0;
	s0 =	simm.s32 @!p1 $0x0  }
0x14: {  	s2 =	sld [smem:$0x3F8F];
	s0 =	simm.s32 @p1 $0x1  }
0x15: {  	[smem:$0x3FAC] =	sst s0;
	s0 =	simm.s32 @!p2 $0x0  }
0x16: {  	s3 =	sld [smem:$0x3FDB];
	s0 =	simm.s32 @p2 $0x1  }
0x17: {  	s4 =	simm.s32 $0x1BF5;
	[smem:$0x3FAE] =	sst s0  }
0x18: {  	s0 =	sld [smem:$0x3F91];
	_ =	swait.ge [sflag:s4], $0x0  }
0x19: {  	s7 =	sld [smem:$0x3F92]  }
0x1a: {  	s8 =	sadd.s32 $0xFFFFE003, lr  }
0x1b: {  	s9 =	sadd.s32 $0xFFFFFEF7, lr;
	s5 =	simm.s32 $0xFFFFFFFF;
	p2 =	slt.u32 s8, $0xFFFFF086  }
0x1c: {  	p1 =	slt.u32 s9, $0xF7A;
	s5 =	simm.s32 @!p2 $0x0  }
0x1d: {  	s5 =	simm.s32 @p1 $0x1;
	p0 =	seq.s32 s7, s2  }
0x1e: {  	s7 =	smul.u32 @!p0 $0xF7A, s2;
	p2 =	seq.s32 @!p0 s5, $0x0  }
0x1f: {  	s9 =	smul.u32 $0xF7A, s1;
	s8 =	simm.s32 @!p0 $0x1BF5;
	p2 =	por !p2, p0  }
0x20: {  	[sflag:s8] =	ssyncset.s32 @!p0 $0xFFFFF086;
	s6 =	sadd.s32 @!p0 s3, s7;
	s7 =	simm.s32 @!p0 $0x108  }
0x21: {  	s3 =	sadd.s32 s3, s9;
	s6 =	sadd.s32 @!p0 $0x88, s6;
	s7 =	simm.s32 @p2 $0x1082  }
0x22: {  	[simem:s7], [sflag:s8] =	dma.local @!p0 [hbm:s6], $0xF7A  }
0x23: {  	s9 =	sor.u32 $0xD0000000, s2;
	s6 =	simm.s32 $0x108;
	_ =	swait.ge @!p0 [sflag:s8], $0x0  }
0x24: {  	s3 =	sadd.s32 $0x88, s3;
	s6 =	simm.s32 @!p1 $0x1082;
	[sflag:s4] =	ssyncset.s32 $0xFFFFF086  }
0x25: {  	[simem:s6], [sflag:s4] =	dma.local [hbm:s3], $0xF7A  }
0x26: {  	[smem:$0x3F92] =	sst s1;
	(tag) =	ssettag s2;
	_ =	strace s9  }
0x27: {  	s1 =	sld [smem:$0x3FA2]  }
0x28: {  	s2 =	sld [smem:$0x3FA3]  }
0x29: {  	s4 =	sld [smem:$0x3FA5]  }
0x2a: {  	p0 =	seq.s32 s5, $0x0;
	s5 =	sld [smem:$0x3FA6]  }
0x2b: {  	s6 =	sld [smem:$0x3FA7]  }
0x2c: {  	s7 =	sld [smem:$0x3FA8]  }
0x2d: {  	s3 =	simm.s32 $0x108;
	s8 =	sld [smem:$0x3FA9]  }
0x2e: {  	s3 =	simm.s32 @!p0 $0x1082;
	s9 =	sld [smem:$0x3FAA]  }
0x2f: {  	lr =	sadd.s32 s0, s3;
	s0 =	sld [smem:$0x3FA1]  }
0x30: {  	s3 =	sld [smem:$0x3FA4]  }
0x31: {  	[smem:$0x3FAD] =	sst s10  }
0x32: {  	s10 =	sld [smem:$0x3FAB];
	_ =	sdelay $0x3  }
0x33: {  	p0 =	seq.s32 s10, $0x1;
	s10 =	sld [smem:$0x3FAD];
	_ =	sdelay $0x3  }
0x34: {  	[smem:$0x3FAD] =	sst s10  }
0x35: {  	s10 =	sld [smem:$0x3FAC];
	_ =	sdelay $0x3  }
0x36: {  	p1 =	seq.s32 s10, $0x1;
	s10 =	sld [smem:$0x3FAD];
	_ =	sdelay $0x3  }
0x37: {  	[smem:$0x3FAD] =	sst s10  }
0x38: {  	s10 =	sld [smem:$0x3FAE]  }
0x39: {  	_ = 	snop;
	(pc) =	sbr.ind lr, $3  }
0x3a: {  	_ = 	snop  }
0x3b: {  	_ = 	snop  }
0x3c: {  	p2 =	seq.s32 s10, $0x1;
	s10 =	sld [smem:$0x3FAD]  }
0x3d: {  	_ =	shalt  }
0x3e: {  	_ =	shalt  }
0x3f: {  	_ =	shalt  }
0x40: {  	_ =	shalt  }
0x41: {  	_ =	shalt  }
0x42: {  	_ =	shalt  }
0x43: {  	_ =	shalt  }
0x44: {  	_ =	shalt  }
0x45: {  	_ =	shalt  }
0x46: {  	_ =	shalt  }
0x47: {  	_ =	shalt  }
0x48: {  	_ =	shalt  }
0x49: {  	_ =	shalt  }
0x4a: {  	_ =	shalt  }
0x4b: {  	_ =	shalt  }
0x4c: {  	_ =	shalt  }
0x4d: {  	_ =	shalt  }
0x4e: {  	_ =	shalt  }
0x4f: {  	_ =	shalt  }
0x50: {  	_ =	shalt  }
0x51: {  	_ =	shalt  }
0x52: {  	_ =	shalt  }
0x53: {  	_ =	shalt  }
0x54: {  	_ =	shalt  }
0x55: {  	_ =	shalt  }
0x56: {  	_ =	shalt  }
0x57: {  	_ =	shalt  }
0x58: {  	_ =	shalt  }
0x59: {  	_ =	shalt  }
0x5a: {  	_ =	shalt  }
0x5b: {  	_ =	shalt  }
0x5c: {  	_ =	shalt  }
0x5d: {  	_ =	shalt  }
0x5e: {  	_ =	shalt  }
0x5f: {  	_ =	shalt  }
0x60: {  	_ =	shalt  }
0x61: {  	_ =	shalt  }
0x62: {  	_ =	shalt  }
0x63: {  	_ =	shalt  }
0x64: {  	_ =	shalt  }
0x65: {  	_ =	shalt  }
0x66: {  	_ =	shalt  }
0x67: {  	_ =	shalt  }
0x68: {  	_ =	shalt  }
0x69: {  	_ =	shalt  }
0x6a: {  	_ =	shalt  }
0x6b: {  	_ =	shalt  }
0x6c: {  	_ =	shalt  }
0x6d: {  	_ =	shalt  }
0x6e: {  	_ =	shalt  }
0x6f: {  	_ =	shalt  }
0x70: {  	_ =	shalt  }
0x71: {  	_ =	shalt  }
0x72: {  	_ =	shalt  }
0x73: {  	_ =	shalt  }
0x74: {  	_ =	shalt  }
0x75: {  	_ =	shalt  }
0x76: {  	_ =	shalt  }
0x77: {  	_ =	shalt  }
0x78: {  	_ =	shalt  }
0x79: {  	_ =	shalt  }
0x7a: {  	_ =	shalt  }
0x7b: {  	_ =	shalt  }
0x7c: {  	_ =	shalt  }
0x7d: {  	_ =	shalt  }
0x7e: {  	_ =	shalt  }
0x7f: {  	_ =	shalt  }
0x80: {  	_ =	shalt  }
0x81: {  	_ =	shalt  }
0x82: {  	_ =	shalt  }
0x83: {  	_ =	shalt  }
0x84: {  	_ =	shalt  }
0x85: {  	_ =	shalt  }
0x86: {  	_ =	shalt  }
0x87: {  	_ =	shalt  }
.Lfunc_end0:
.L_simem_size_0:
called_computation.1_lowered:
.L_overlay_start_0:
0x88: {  	s2 =	sld [smem:$0x3FD9]  }
0x89: {  	s3 =	sld [smem:$0x3FFE];
	_ =	sdelay $0x1  }
0x8a: {  	s1 =	srdreg.scid  }
0x8b: {  	s0 =	sand.u32 $0x1, s1  }
0x8c: {  	s16 =	sshll.u32 s0, $0xA;
	s2 =	sadd.s32 s3, s2  }
0x8d: {  	s2 =	sadd.s32 s2, s16  }
0x8e: {  	[smem:$0x3FB9] =	sst s2  }
0x8f: {  	_ = 	snop  }
0x90: {  	(tm) =	ssettm $0x1  }
0x91: {  	s17 =	sld [smem:$0x3FFB];
	_ =	sdelay $0x3  }
0x92: {  	_ =	strace s17  }
0x93: {  	s2 =	sld [smem:$0x3FFC];
	_ =	sdelay $0x3  }
0x94: {  	_ =	strace s2  }
0x95: {  	s2 =	sld [smem:$0x3FFD];
	_ =	sdelay $0x3  }
0x96: {  	_ =	strace s2  }
0x97: {  	_ =	strace $0x8FFFFFFF  }
0x98: {  	s18 =	sld [smem:$0x3FDB];
	_ =	sdelay $0x1  }
0x99: {  	s19 =	simm.s32 $_scs_section_size  }
0x9a: {  	s4 =	simm.s32 $_size__tile_overlayer_lowered;
	s5 =	simm.s32 $_tile_overlayer_lowered  }
0x9b: {  	s22 =	simm.s32 $0x1BFF;
	s21 =	sshll.u32 s5, $0x1;
	s2 =	sadd.s32 s19, s18  }
0x9c: {  	s6 =	simm.s32 $0x0;
	s20 =	sshll.u32 s4, $0x1;
	s4 =	sadd.s32 s21, s2  }
0x9d: {  	[timem:s6], [sflag:s22] =	dma.local [hbm:s4], s20  }
0x9e: {  	_ =	swait.ge [sflag:s22], s20  }
0x9f: {  	s3 =	ssub.s32 $0x0, s20;
	[sflag:s22] =	ssyncset.done $0x0  }
0xa0: {  	[sflag:s22] =	ssyncadd.s32 s3;
	_ =	sdelay $0x1  }
0xa1: {  	s23 =	simm.s32 $0x1B8B  }
0xa2: {  	_ =	swait.ge [sflag:s23], $0x1  }
0xa3: {  	[sflag:s23] =	ssyncset.done $0x0  }
0xa4: {  	s25 =	simm.s32 $0x1B8E;
	s24 =	sld [smem:$0x3FFE];
	[sflag:s23] =	ssyncadd.s32 $0xFFFFFFFF  }
0xa5: {  	s26 =	simm.s32 $execute0_lowered;
	[smem:$0x3FD2] =	sst s25  }
0xa6: {  	s4 =	sshll.u32 s26, $0x1;
	_ =	strace $0x80000049;
	[dreg:$0x1] =	wrdreg $0xFFFFFFFF  }
0xa7: {  	s28 =	simm.s32 $_size_execute0_lowered;
	s2 =	sadd.s32 s2, s4;
	[dreg:$0x0] =	wrdreg $0x0  }
0xa8: {  	s4 =	sshll.u32 s28, $0x1;
	[dreg:$0x2] =	wrdreg s2  }
0xa9: {  	[dreg:$0x3] =	wrdreg s4  }
0xaa: {  	[dreg:$0x4] =	wrdreg $0xC0  }
0xab: {  	_ =	task [dreg:s6], $0x5FFFF  }
0xac: {  	[dreg:$0x1] =	wrdreg $0xFFFFFFFF  }
0xad: {  	[dreg:$0x0] =	wrdreg $0x60  }
0xae: {  	[dreg:$0x2] =	wrdreg s24  }
0xaf: {  	[dreg:$0x3] =	wrdreg $0x136000  }
0xb0: {  	[dreg:$0x4] =	wrdreg $0x9  }
0xb1: {  	_ =	task.clear_ibuf [dreg:s6], $0x5FFFF;
	_ =	strace $0x90000049  }
0xb2: {  	s29 =	simm.s32 $0x9;
	_ =	strace $0x8000004B  }
0xb3: {  	_ =	swait.ge [sflag:s29], $0x1  }
0xb4: {  	[sflag:s29] =	ssyncadd.s32 $0xFFFFFFFF  }
0xb5: {  	_ =	strace $0x9000004B  }
0xb6: {  	_ =	sfence  }
0xb7: {  	s30 =	sld [smem:$0x0];
	_ =	sdelay $0x2  }
0xb8: {  	s31 =	sshll.u32 s1, $0xD;
	s1 =	sshrl.u32 s1, $0x2  }
0xb9: {  	s3 =	sand.u32 $0x4000, s31;
	s1 =	sadd.s32 s1, s30  }
0xba: {  	s0 =	sor.u32 s3, s0;
	s1 =	sshll.u32 s1, $0x11  }
0xbb: {  	s0 =	sor.u32 s1, s0  }
0xbc: {  	s0 =	sadd.s32 $0x8F2B, s0  }
0xbd: {  	[sflag:s0] =	ssyncadd.remote.s32 $0x1  }
0xbe: {  	_ =	sfence.sel $0xFFFF  }
0xbf: {  	[dreg:$0x0] =	wrdreg $0xFFFFFFFF;
	(pc) =	sbr.abs _section_cstart, $3  }
0xc0: {  	[dreg:$0x1] =	wrdreg $0xFFFFFFFF  }
0xc1: {  	_ =	task.clear_ibuf [dreg:s6], $0x2FFFF;
	_ =	strace $0x9FFFFFFF  }
0xc2: {  	(tm) =	ssettm $0x7FFFFFFF  }
0xc3: {  	_ =	shalt  }
tec
execute0_lowered:
.L_overlay_start_1:
0x0: {  	(tag) =	ssettag $0x1  }
0x1: {  	s9 =	rddreg [dreg:$0x0]  }
0x2: {  	s2 =	rddreg [dreg:$0x1];
	s3 =	simm.s32 $0x0  }
0x3: {  	s16 =	stileid.u32;
	[smem:$0x7FF] =	sst s3;
	s20 =	sadd.s32 $0x29A00, s9  }
0x4: {  	s22 =	sadd.s32 $0x64600, s9;
	_ =	strace $0x8000004A;
	[dreg:$0x5] =	wrdreg s20  }
0x5: {  	s0 =	srdreg.scid;
	s23 =	sadd.s32 $0x77F00, s9;
	[dreg:$0x7] =	wrdreg s22  }
0x6: {  	s1 =	smul.u32 $0x1400, s16;
	s25 =	sadd.s32 $0xD010, s9;
	[dreg:$0x8] =	wrdreg s23  }
0x7: {  	s10 =	sand.u32 $0x1, s0;
	s26 =	sadd.s32 $0xD020, s9;
	[dreg:$0xa] =	wrdreg s25  }
0x8: {  	s4 =	sadd.s32 $0x2A800, s9;
	s28 =	sadd.s32 $0xD030, s9;
	[dreg:$0xb] =	wrdreg s26  }
0x9: {  	s7 =	smul.u32 $0x140, s16;
	s29 =	sadd.s32 $0xD040, s9;
	[dreg:$0xc] =	wrdreg s28  }
0xa: {  	s5 =	sadd.s32 $0x3200, s9;
	s30 =	sadd.s32 $0xD050, s9;
	[dreg:$0xd] =	wrdreg s29  }
0xb: {  	s6 =	sadd.s32 $0xD000, s9;
	s31 =	sadd.s32 $0xD060, s9;
	[dreg:$0xe] =	wrdreg s30  }
0xc: {  	s18 =	smul.u32 $0x28000, s16;
	[dreg:$0xf] =	wrdreg s31;
	s20 =	sadd.s32 $0x3210, s9  }
0xd: {  	s0 =	smul.u32 $0x1390, s10;
	s22 =	sadd.s32 $0x3230, s9;
	[dreg:$0x19] =	wrdreg s20  }
0xe: {  	s17 =	ssub.s32 $0x2, s10;
	s23 =	sadd.s32 $0x3240, s9;
	[dreg:$0x1b] =	wrdreg s22  }
0xf: {  	s8 =	sxor.u32 $0x139, s10;
	s25 =	sadd.s32 $0x3260, s9;
	[dreg:$0x1c] =	wrdreg s23  }
0x10: {  	p0 =	seq.s32 s10, $0x0;
	s26 =	sadd.s32 $0x3270, s9;
	[dreg:$0x1e] =	wrdreg s25  }
0x11: {  	p2 =	seq.s32 s10, $0x1;
	s28 =	sadd.s32 $0x3280, s9;
	[dreg:$0x1f] =	wrdreg s26  }
0x12: {  	s29 =	sadd.s32 $0x3290, s9;
	s30 =	sadd.s32 $0x32A0, s9;
	[smem:$0x7FA] =	sst s28  }
0x13: {  	s31 =	sadd.s32 $0x32B0, s9;
	s11 =	sadd.s32 s1, s9;
	[smem:$0x7FB] =	sst s29  }
0x14: {  	s12 =	sshrl.u32 s17, $0x1;
	s13 =	smul.u32 s16, s8;
	[smem:$0x7FC] =	sst s30  }
0x15: {  	[smem:$0x7FD] =	sst s31;
	s20 =	simm.s32 $0x5;
	s15 =	sadd.s32 s7, s0  }
0x16: {  	s12 =	ssub.s32 s17, s12;
	s11 =	sadd.s32 $0x16E00, s11;
	s17 =	sadd.s32 $0xD0D0, s9  }
0x17: {  	s1 =	sshll.u32 s15, $0x4;
	s7 =	sadd.s32 s0, s13;
	[dreg:$0x4] =	wrdreg s11  }
0x18: {  	s13 =	simm.s32 $0x1390;
	s24 =	smax.u32 s12, $0x1;
	[dreg:$0x16] =	wrdreg s17  }
0x19: {  	s15 =	sshrl.u32 s18, $0x2;
	s11 =	sadd.s32 $0xD070, s9;
	[dreg:$0x9] =	wrdreg s24  }
0x1a: {  	s12 =	sadd.s32 $0xD080, s9;
	s18 =	sadd.s32 $0xD0E0, s9;
	[dreg:$0x10] =	wrdreg s11  }
0x1b: {  	s17 =	sadd.s32 $0x32F0, s9;
	s14 =	sadd.s32 s1, s9;
	[dreg:$0x11] =	wrdreg s12  }
0x1c: {  	s8 =	sadd.s32 s8, s7;
	s19 =	sadd.s32 s15, s2;
	[dreg:$0x17] =	wrdreg s18  }
0x1d: {  	s13 =	simm.s32 @!p0 $0x1380;
	s15 =	sadd.s32 $0xD0B0, s9;
	[dreg:$0x3] =	wrdreg s19  }
0x1e: {  	p0 =	seq.s32 s16, $0xF;
	s24 =	sadd.s32 $0x3250, s9;
	[dreg:$0x14] =	wrdreg s15  }
0x1f: {  	s18 =	sadd.s32 $0x96000, s2;
	s21 =	sadd.s32 $0x51A00, s14;
	[dreg:$0x1d] =	wrdreg s24  }
0x20: {  	s1 =	sor.u32 s16, s13;
	s13 =	sadd.s32 $0xD090, s9;
	[dreg:$0x6] =	wrdreg s21  }
0x21: {  	p1 =	sne.s32 @p0 s10, $0x0;
	s14 =	sadd.s32 $0xD0A0, s9;
	[dreg:$0x12] =	wrdreg s13  }
.Ltmp0:
0x22: {  	s16 =	sadd.s32 $0xD0C0, s9;
	[dreg:$0x13] =	wrdreg s14;
	(pc) =	sbr.rel .LBB2_1-.Ltmp0, $4  }
0x23: {  	s19 =	sadd.s32 $0xD0F0, s9;
	s15 =	sadd.s32 $0x32D0, s9;
	[dreg:$0x15] =	wrdreg s16  }
0x24: {  	p2 =	por !p2, !p0;
	[dreg:$0x18] =	wrdreg s19;
	s21 =	sadd.s32 $0x3220, s9  }
0x25: {  	v4 =	vimm.s32 $0x0;
	v2 =	vmov s0;
	s14 =	sadd.s32 $0x32C0, s9;
	s16 =	sadd.s32 $0x32E0, s9;
	p1 =	por p1, !p0  }
0x26: {  	v0 =	vmov s7;
	v1 =	vmov s8;
	v3 =	vmov s1;
	s19 =	simm.s32 $0x80;
	[dreg:$0x1a] =	wrdreg s21;
	s21 =	simm.s32 $0x0  }
.LBB2_13:
0x27: {  	[sflag:s20] =	ssyncadd.s32 $0xFFFFC000  }
.LBB2_14:
0x28: {  	[bflag:$0x0] =	sbarrier.arrive $0xFFFF  }
0x29: {  	s0 =	sshrl.u32 @!p1 s18, $0x3;
	s1 =	simm.s32 @!p1 $0x1FC8;
	s7 =	rddreg [dreg:$0x7]  }
0x2a: {  	[hbm:s7], [sflag:s1] =	dma.local @!p1 [spmem:s0], $0xD00  }
0x2b: {  	s0 =	simm.s32 @!p1 $0x8  }
0x2c: {  	_ =	swait.ge @!p1 [sflag:s0], $0xD00  }
0x2d: {  	s1 =	simm.s32 @!p2 $0x1FC8;
	[sflag:s0] =	ssyncset.done @!p1 $0x0  }
0x2e: {  	s7 =	rddreg [dreg:$0x8];
	[sflag:s0] =	ssyncadd.s32 @!p1 $0xFFFFF300;
	s0 =	sshrl.u32 @!p2 s18, $0x3  }
0x2f: {  	[hbm:s7], [sflag:s1] =	dma.local @!p2 [spmem:s0], $0xC00  }
0x30: {  	s0 =	simm.s32 @!p2 $0x8  }
0x31: {  	_ =	swait.ge @!p2 [sflag:s0], $0xC00  }
0x32: {  	[sflag:s0] =	ssyncset.done @!p2 $0x0  }
0x33: {  	[sflag:s0] =	ssyncadd.s32 @!p2 $0xFFFFF400;
	s0 =	rddreg [dreg:$0x6]  }
0x34: {  	[hbm:s0], [sflag:s22] =	dma.local @!p0 [spmem:s23], $0x1400  }
0x35: {  	s0 =	simm.s32 @!p0 $0x8  }
0x36: {  	_ =	swait.ge @!p0 [sflag:s0], $0x1400  }
0x37: {  	s21 =	sadd.s32 $0x1, s21;
	s31 =	rddreg [dreg:$0x9]  }
0x38: {  	p3 =	sne.s32 s21, s31  }
.Ltmp1:
0x39: {  	_ = 	snop;
	(pc) =	sbr.rel @!p3 .LBB2_15-.Ltmp1, $3  }
0x3a: {  	_ =	sdelay $0x1  }
0x3b: {  	[sflag:s0] =	ssyncset.done @!p0 $0x0  }
0x3c: {  	[sflag:s0] =	ssyncadd.s32 @!p0 $0xFFFFEC00  }
.LBB2_1:
0x3d: {  	s0 =	sshrl.u32 @p0 s18, $0x3;
	s1 =	simm.s32 @p0 $0x1FC8;
	s7 =	rddreg [dreg:$0x5]  }
0x3e: {  	[spmem:s0], [sflag:s1] =	dma.local @p0 [hbm:s7], $0xE00  }
0x3f: {  	s0 =	simm.s32 @p0 $0x8  }
0x40: {  	_ =	swait.ge @p0 [sflag:s0], $0xE00  }
0x41: {  	s1 =	stileid.u32;
	[sflag:s0] =	ssyncset.done @p0 $0x0  }
0x42: {  	s1 =	sshll.u32 @!p0 s1, $0x6;
	[sflag:s0] =	ssyncadd.s32 @p0 $0xFFFFF200;
	s0 =	rddreg [dreg:$0x3]  }
0x43: {  	s22 =	sor.u32 @!p0 $0x1C08, s1;
	s23 =	sshrl.u32 @!p0 s0, $0x3;
	s0 =	rddreg [dreg:$0x4]  }
0x44: {  	[spmem:s23], [sflag:s22] =	dma.local @!p0 [hbm:s0], $0x1400  }
0x45: {  	s0 =	simm.s32 @!p0 $0x8  }
0x46: {  	_ =	swait.ge @!p0 [sflag:s0], $0x1400  }
0x47: {  	[sflag:s0] =	ssyncset.done @!p0 $0x0  }
0x48: {  	[sflag:s0] =	ssyncadd.s32 @!p0 $0xFFFFEC00  }
0x49: {  	[bflag:$0x0] =	sbarrier.arrive $0xFFFF  }
0x4a: {  	[tilespmem:s3], [sflag:$0x6] =	stream.linear.gather [hbm4b:s6+s3], $0x80, $0x38;
	[tilespmem:$0x1D300] =	vst v63  }
0x4b: {  	s8 =	simm.s32 $0x100;
	s7 =	rddreg [dreg:$0xa]  }
0x4c: {  	[tilespmem:s8], [sflag:$0x6] =	stream.linear.gather [hbm4b:s7+s3], $0x80, $0x38;
	[tilespmem:$0x1D300] =	vst v63  }
0x4d: {  	s10 =	simm.s32 $0x200;
	s9 =	rddreg [dreg:$0xb]  }
0x4e: {  	[tilespmem:s10], [sflag:$0x6] =	stream.linear.gather [hbm4b:s9+s3], $0x80, $0x38;
	[tilespmem:$0x1D300] =	vst v63  }
0x4f: {  	s12 =	simm.s32 $0x300;
	s11 =	rddreg [dreg:$0xc]  }
0x50: {  	[tilespmem:s12], [sflag:$0x6] =	stream.linear.gather [hbm4b:s11+s3], $0x80, $0x38;
	[tilespmem:$0x1D300] =	vst v63  }
0x51: {  	s24 =	simm.s32 $0x400;
	s13 =	rddreg [dreg:$0xd]  }
0x52: {  	[tilespmem:s24], [sflag:$0x6] =	stream.linear.gather [hbm4b:s13+s3], $0x80, $0x38;
	[tilespmem:$0x1D300] =	vst v63  }
0x53: {  	s26 =	simm.s32 $0x500;
	s25 =	rddreg [dreg:$0xe]  }
0x54: {  	[tilespmem:s26], [sflag:$0x6] =	stream.linear.gather [hbm4b:s25+s3], $0x80, $0x38;
	[tilespmem:$0x1D300] =	vst v63  }
0x55: {  	s29 =	simm.s32 $0x600;
	s28 =	rddreg [dreg:$0xf]  }
0x56: {  	[tilespmem:s29], [sflag:$0x6] =	stream.linear.gather [hbm4b:s28+s3], $0x80, $0x38;
	[tilespmem:$0x1D300] =	vst v63  }
0x57: {  	s31 =	simm.s32 $0x700;
	s30 =	rddreg [dreg:$0x10]  }
0x58: {  	[tilespmem:s31], [sflag:$0x6] =	stream.linear.gather [hbm4b:s30+s3], $0x80, $0x38;
	[tilespmem:$0x1D300] =	vst v63  }
0x59: {  	s7 =	rddreg [dreg:$0x11];
	s8 =	simm.s32 $0x800  }
0x5a: {  	[tilespmem:s8], [sflag:$0x6] =	stream.linear.gather [hbm4b:s7+s3], $0x80, $0x38;
	[tilespmem:$0x1D300] =	vst v63  }
0x5b: {  	s9 =	rddreg [dreg:$0x12];
	s10 =	simm.s32 $0x900  }
0x5c: {  	[tilespmem:s10], [sflag:$0x6] =	stream.linear.gather [hbm4b:s9+s3], $0x80, $0x38;
	[tilespmem:$0x1D300] =	vst v63  }
0x5d: {  	s11 =	rddreg [dreg:$0x13];
	s12 =	simm.s32 $0xA00  }
0x5e: {  	[tilespmem:s12], [sflag:$0x6] =	stream.linear.gather [hbm4b:s11+s3], $0x80, $0x38;
	[tilespmem:$0x1D300] =	vst v63  }
0x5f: {  	s13 =	rddreg [dreg:$0x14];
	s24 =	simm.s32 $0xB00  }
0x60: {  	[tilespmem:s24], [sflag:$0x6] =	stream.linear.gather [hbm4b:s13+s3], $0x80, $0x38;
	[tilespmem:$0x1D300] =	vst v63  }
0x61: {  	s25 =	rddreg [dreg:$0x15];
	s26 =	simm.s32 $0xC00  }
0x62: {  	[tilespmem:s26], [sflag:$0x6] =	stream.linear.gather [hbm4b:s25+s3], $0x80, $0x38;
	[tilespmem:$0x1D300] =	vst v63  }
0x63: {  	s28 =	rddreg [dreg:$0x16];
	s29 =	simm.s32 $0xD00  }
0x64: {  	[tilespmem:s29], [sflag:$0x6] =	stream.linear.gather [hbm4b:s28+s3], $0x80, $0x38;
	[tilespmem:$0x1D300] =	vst v63  }
0x65: {  	s30 =	rddreg [dreg:$0x17];
	s31 =	simm.s32 $0xE00  }
0x66: {  	[tilespmem:s31], [sflag:$0x6] =	stream.linear.gather [hbm4b:s30+s3], $0x80, $0x38;
	[tilespmem:$0x1D300] =	vst v63  }
0x67: {  	s1 =	rddreg [dreg:$0x18];
	s7 =	simm.s32 $0xF00  }
0x68: {  	[tilespmem:s7], [sflag:$0x6] =	stream.linear.gather [hbm4b:s1+s3], $0x80, $0x38;
	[tilespmem:$0x1D300] =	vst v63  }
0x69: {  	s8 =	simm.s32 $0x1000;
	s9 =	rddreg [dreg:$0x19]  }
0x6a: {  	[tilespmem:s8], [sflag:$0x6] =	stream.linear.gather [hbm4b:s5+s3], $0x80, $0x38;
	[tilespmem:$0x1D300] =	vst v63  }
0x6b: {  	s10 =	simm.s32 $0x1100;
	s11 =	rddreg [dreg:$0x1a]  }
0x6c: {  	[tilespmem:s10], [sflag:$0x6] =	stream.linear.gather [hbm4b:s9+s3], $0x80, $0x38;
	[tilespmem:$0x1D300] =	vst v63  }
0x6d: {  	s12 =	simm.s32 $0x1200;
	s13 =	rddreg [dreg:$0x1b]  }
0x6e: {  	[tilespmem:s12], [sflag:$0x6] =	stream.linear.gather [hbm4b:s11+s3], $0x80, $0x38;
	[tilespmem:$0x1D300] =	vst v63  }
0x6f: {  	s24 =	simm.s32 $0x1300;
	s25 =	rddreg [dreg:$0x1c]  }
0x70: {  	[tilespmem:s24], [sflag:$0x6] =	stream.linear.gather [hbm4b:s13+s3], $0x80, $0x38;
	[tilespmem:$0x1D300] =	vst v63  }
0x71: {  	s26 =	simm.s32 $0x1400;
	s28 =	rddreg [dreg:$0x1d]  }
0x72: {  	[tilespmem:s26], [sflag:$0x6] =	stream.linear.gather [hbm4b:s25+s3], $0x80, $0x38;
	[tilespmem:$0x1D300] =	vst v63  }
0x73: {  	s29 =	simm.s32 $0x1500;
	s30 =	rddreg [dreg:$0x1e]  }
0x74: {  	[tilespmem:s29], [sflag:$0x6] =	stream.linear.gather [hbm4b:s28+s3], $0x80, $0x38;
	[tilespmem:$0x1D300] =	vst v63  }
0x75: {  	s31 =	simm.s32 $0x1600;
	s7 =	rddreg [dreg:$0x1f]  }
0x76: {  	[tilespmem:s31], [sflag:$0x6] =	stream.linear.gather [hbm4b:s30+s3], $0x80, $0x38;
	[tilespmem:$0x1D300] =	vst v63  }
0x77: {  	s8 =	simm.s32 $0x1700;
	s9 =	sld [smem:$0x7FA]  }
0x78: {  	[tilespmem:s8], [sflag:$0x6] =	stream.linear.gather [hbm4b:s7+s3], $0x80, $0x38;
	[tilespmem:$0x1D300] =	vst v63  }
0x79: {  	s10 =	simm.s32 $0x1800;
	s11 =	sld [smem:$0x7FB]  }
0x7a: {  	[tilespmem:s10], [sflag:$0x6] =	stream.linear.gather [hbm4b:s9+s3], $0x80, $0x38;
	[tilespmem:$0x1D300] =	vst v63  }
0x7b: {  	s12 =	simm.s32 $0x1900;
	s13 =	sld [smem:$0x7FC]  }
0x7c: {  	[tilespmem:s12], [sflag:$0x6] =	stream.linear.gather [hbm4b:s11+s3], $0x80, $0x38;
	[tilespmem:$0x1D300] =	vst v63  }
0x7d: {  	s24 =	simm.s32 $0x1A00;
	s25 =	sld [smem:$0x7FD]  }
0x7e: {  	[tilespmem:s24], [sflag:$0x6] =	stream.linear.gather [hbm4b:s13+s3], $0x80, $0x38;
	[tilespmem:$0x1D300] =	vst v63  }
0x7f: {  	s26 =	simm.s32 $0x1B00  }
0x80: {  	[tilespmem:s26], [sflag:$0x6] =	stream.linear.gather [hbm4b:s25+s3], $0x80, $0x38;
	[tilespmem:$0x1D300] =	vst v63  }
0x81: {  	s28 =	simm.s32 $0x1C00  }
0x82: {  	[tilespmem:s28], [sflag:$0x6] =	stream.linear.gather [hbm4b:s14+s3], $0x80, $0x38;
	[tilespmem:$0x1D300] =	vst v63  }
0x83: {  	s29 =	simm.s32 $0x1D00  }
0x84: {  	[tilespmem:s29], [sflag:$0x6] =	stream.linear.gather [hbm4b:s15+s3], $0x80, $0x38;
	[tilespmem:$0x1D300] =	vst v63  }
.Ltmp2:
0x85: {  	_ = 	snop;
	(pc) =	sbr.rel .LBB2_2-.Ltmp2, $4  }
0x86: {  	s0 =	simm.s32 $0x0;
	s30 =	simm.s32 $0x1E00  }
0x87: {  	[tilespmem:s30], [sflag:$0x6] =	stream.linear.gather [hbm4b:s16+s3], $0x80, $0x38;
	[tilespmem:$0x1D300] =	vst v63  }
0x88: {  	s31 =	simm.s32 $0x1F00;
	s24 =	simm.s32 $0x0;
	s25 =	simm.s32 $0x0  }
0x89: {  	[tilespmem:s31], [sflag:$0x6] =	stream.linear.gather [hbm4b:s17+s3], $0x80, $0x38;
	[tilespmem:$0x1D300] =	vst v63  }
.LBB2_9:
0x8a: {  	v5 =	vld [tilespmem:s1+$0x2000]  }
0x8b: {  	v6 =	vld [tilespmem:s1+$0x2900];
	_ =	sdelay $0x3  }
0x8c: {  	[tilespmem:$0x2000] =	vst v5  }
0x8d: {  	[tilespmem:$0x2900] =	vst v6  }
0x8e: {  	v5 =	vld [tilespmem:s1+$0x2010]  }
0x8f: {  	v6 =	vld [tilespmem:s1+$0x2910];
	_ =	sdelay $0x3  }
0x90: {  	[tilespmem:$0x2010] =	vst v5  }
0x91: {  	[tilespmem:$0x2910] =	vst v6  }
0x92: {  	v5 =	vld [tilespmem:s1+$0x2020]  }
0x93: {  	v6 =	vld [tilespmem:s1+$0x2920];
	_ =	sdelay $0x3  }
0x94: {  	[tilespmem:$0x2020] =	vst v5  }
0x95: {  	[tilespmem:$0x2920] =	vst v6  }
0x96: {  	v5 =	vld [tilespmem:s1+$0x2030]  }
0x97: {  	v6 =	vld [tilespmem:s1+$0x2930];
	_ =	sdelay $0x3  }
0x98: {  	[tilespmem:$0x2030] =	vst v5  }
0x99: {  	[tilespmem:$0x2930] =	vst v6  }
0x9a: {  	v5 =	vld [tilespmem:s1+$0x2040]  }
0x9b: {  	v6 =	vld [tilespmem:s1+$0x2940];
	_ =	sdelay $0x3  }
0x9c: {  	[tilespmem:$0x2040] =	vst v5  }
0x9d: {  	[tilespmem:$0x2940] =	vst v6  }
0x9e: {  	v5 =	vld [tilespmem:s1+$0x2050]  }
0x9f: {  	v6 =	vld [tilespmem:s1+$0x2950];
	_ =	sdelay $0x3  }
0xa0: {  	[tilespmem:$0x2050] =	vst v5  }
0xa1: {  	[tilespmem:$0x2950] =	vst v6  }
0xa2: {  	v5 =	vld [tilespmem:s1+$0x2060]  }
0xa3: {  	v6 =	vld [tilespmem:s1+$0x2960];
	_ =	sdelay $0x3  }
0xa4: {  	[tilespmem:$0x2060] =	vst v5  }
0xa5: {  	[tilespmem:$0x2960] =	vst v6  }
0xa6: {  	v5 =	vld [tilespmem:s1+$0x2070]  }
0xa7: {  	p3 =	sne.s32 s25, $0x9D;
	v6 =	vld [tilespmem:s1+$0x2970]  }
.Ltmp3:
0xa8: {  	_ = 	snop;
	(pc) =	sbr.rel @!p3 .LBB2_10-.Ltmp3, $3  }
0xa9: {  	_ =	sdelay $0x1  }
0xaa: {  	[tilespmem:$0x2070] =	vst v5  }
0xab: {  	s0 =	ssub.s32 s0, s1;
	[tilespmem:$0x2970] =	vst v6  }
.LBB2_2:
0xac: {  	s1 =	sand.u32 $0x1, s25  }
0xad: {  	s7 =	sor.u32 $0x6, s1  }
0xae: {  	p3 =	seq.s32 s25, $0x9C;
	_ =	swait.ge [sflag:s7], $0x800  }
.Ltmp4:
0xaf: {  	[sflag:s7] =	ssyncset.done $0x0;
	(pc) =	sbr.rel @p3 .LBB2_4-.Ltmp4, $4  }
0xb0: {  	[sflag:s7] =	ssyncadd.s32 $0xFFFFF800  }
0xb1: {  	_ =	swait.ge [sflag:s7], $0x800  }
0xb2: {  	[sflag:s7] =	ssyncset.done $0x0  }
0xb3: {  	s25 =	sadd.s32 $0x1, s25;
	[sflag:s7] =	ssyncadd.s32 $0xFFFFF800  }
0xb4: {  	s8 =	sand.u32 $0x1, s25;
	s9 =	sshll.u32 s25, $0x8  }
0xb5: {  	s7 =	sor.u32 $0x6, s8;
	s8 =	sshll.u32 s8, $0x7;
	s10 =	sadd.s32 s6, s9  }
0xb6: {  	[tilespmem:s8], [sflag:s7] =	stream.linear.gather [hbm4b:s10+s3], $0x80, $0x38;
	[tilespmem:$0x1D300] =	vst v63  }
0xb7: {  	s11 =	sadd.s32 $0x10, s10;
	s12 =	sor.u32 $0x100, s8  }
0xb8: {  	[tilespmem:s12], [sflag:s7] =	stream.linear.gather [hbm4b:s11+s3], $0x80, $0x38;
	[tilespmem:$0x1D300] =	vst v63  }
0xb9: {  	s30 =	sadd.s32 $0x20, s10;
	s31 =	sor.u32 $0x200, s8  }
0xba: {  	[tilespmem:s31], [sflag:s7] =	stream.linear.gather [hbm4b:s30+s3], $0x80, $0x38;
	[tilespmem:$0x1D300] =	vst v63  }
0xbb: {  	s13 =	sadd.s32 $0x30, s10;
	s26 =	sor.u32 $0x300, s8  }
0xbc: {  	[tilespmem:s26], [sflag:s7] =	stream.linear.gather [hbm4b:s13+s3], $0x80, $0x38;
	[tilespmem:$0x1D300] =	vst v63  }
0xbd: {  	s28 =	sadd.s32 $0x40, s10;
	s29 =	sor.u32 $0x400, s8  }
0xbe: {  	[tilespmem:s29], [sflag:s7] =	stream.linear.gather [hbm4b:s28+s3], $0x80, $0x38;
	[tilespmem:$0x1D300] =	vst v63  }
0xbf: {  	s30 =	sadd.s32 $0x50, s10;
	s31 =	sor.u32 $0x500, s8  }
0xc0: {  	[tilespmem:s31], [sflag:s7] =	stream.linear.gather [hbm4b:s30+s3], $0x80, $0x38;
	[tilespmem:$0x1D300] =	vst v63  }
0xc1: {  	s13 =	sadd.s32 $0x60, s10;
	s26 =	sor.u32 $0x600, s8  }
0xc2: {  	[tilespmem:s26], [sflag:s7] =	stream.linear.gather [hbm4b:s13+s3], $0x80, $0x38;
	[tilespmem:$0x1D300] =	vst v63  }
0xc3: {  	s28 =	sadd.s32 $0x70, s10;
	s29 =	sor.u32 $0x700, s8  }
0xc4: {  	[tilespmem:s29], [sflag:s7] =	stream.linear.gather [hbm4b:s28+s3], $0x80, $0x38;
	[tilespmem:$0x1D300] =	vst v63  }
0xc5: {  	s30 =	sadd.s32 $0x80, s10;
	s31 =	sor.u32 $0x800, s8  }
0xc6: {  	[tilespmem:s31], [sflag:s7] =	stream.linear.gather [hbm4b:s30+s3], $0x80, $0x38;
	[tilespmem:$0x1D300] =	vst v63  }
0xc7: {  	s13 =	sadd.s32 $0x90, s10;
	s26 =	sor.u32 $0x900, s8  }
0xc8: {  	[tilespmem:s26], [sflag:s7] =	stream.linear.gather [hbm4b:s13+s3], $0x80, $0x38;
	[tilespmem:$0x1D300] =	vst v63  }
0xc9: {  	s28 =	sadd.s32 $0xA0, s10;
	s29 =	sor.u32 $0xA00, s8  }
0xca: {  	[tilespmem:s29], [sflag:s7] =	stream.linear.gather [hbm4b:s28+s3], $0x80, $0x38;
	[tilespmem:$0x1D300] =	vst v63  }
0xcb: {  	s30 =	sadd.s32 $0xB0, s10;
	s31 =	sor.u32 $0xB00, s8  }
0xcc: {  	[tilespmem:s31], [sflag:s7] =	stream.linear.gather [hbm4b:s30+s3], $0x80, $0x38;
	[tilespmem:$0x1D300] =	vst v63  }
0xcd: {  	s13 =	sadd.s32 $0xC0, s10;
	s26 =	sor.u32 $0xC00, s8  }
0xce: {  	[tilespmem:s26], [sflag:s7] =	stream.linear.gather [hbm4b:s13+s3], $0x80, $0x38;
	[tilespmem:$0x1D300] =	vst v63  }
0xcf: {  	s28 =	sadd.s32 $0xD0, s10;
	s29 =	sor.u32 $0xD00, s8  }
0xd0: {  	[tilespmem:s29], [sflag:s7] =	stream.linear.gather [hbm4b:s28+s3], $0x80, $0x38;
	[tilespmem:$0x1D300] =	vst v63  }
0xd1: {  	s30 =	sadd.s32 $0xE0, s10;
	s31 =	sor.u32 $0xE00, s8  }
0xd2: {  	[tilespmem:s31], [sflag:s7] =	stream.linear.gather [hbm4b:s30+s3], $0x80, $0x38;
	[tilespmem:$0x1D300] =	vst v63  }
0xd3: {  	s10 =	sadd.s32 $0xF0, s10;
	s13 =	sor.u32 $0xF00, s8  }
0xd4: {  	[tilespmem:s13], [sflag:s7] =	stream.linear.gather [hbm4b:s10+s3], $0x80, $0x38;
	[tilespmem:$0x1D300] =	vst v63  }
0xd5: {  	s9 =	sadd.s32 s5, s9;
	s26 =	sor.u32 $0x1000, s8  }
0xd6: {  	[tilespmem:s26], [sflag:s7] =	stream.linear.gather [hbm4b:s9+s3], $0x80, $0x38;
	[tilespmem:$0x1D300] =	vst v63  }
0xd7: {  	s28 =	sadd.s32 $0x10, s9;
	s29 =	sor.u32 $0x1100, s8  }
0xd8: {  	[tilespmem:s29], [sflag:s7] =	stream.linear.gather [hbm4b:s28+s3], $0x80, $0x38;
	[tilespmem:$0x1D300] =	vst v63  }
0xd9: {  	s30 =	sadd.s32 $0x20, s9;
	s31 =	sor.u32 $0x1200, s8  }
0xda: {  	[tilespmem:s31], [sflag:s7] =	stream.linear.gather [hbm4b:s30+s3], $0x80, $0x38;
	[tilespmem:$0x1D300] =	vst v63  }
0xdb: {  	s11 =	sadd.s32 $0x30, s9;
	s12 =	sor.u32 $0x1300, s8  }
0xdc: {  	[tilespmem:s12], [sflag:s7] =	stream.linear.gather [hbm4b:s11+s3], $0x80, $0x38;
	[tilespmem:$0x1D300] =	vst v63  }
0xdd: {  	s13 =	sadd.s32 $0x40, s9;
	s26 =	sor.u32 $0x1400, s8  }
0xde: {  	[tilespmem:s26], [sflag:s7] =	stream.linear.gather [hbm4b:s13+s3], $0x80, $0x38;
	[tilespmem:$0x1D300] =	vst v63  }
0xdf: {  	s28 =	sadd.s32 $0x50, s9;
	s29 =	sor.u32 $0x1500, s8  }
0xe0: {  	[tilespmem:s29], [sflag:s7] =	stream.linear.gather [hbm4b:s28+s3], $0x80, $0x38;
	[tilespmem:$0x1D300] =	vst v63  }
0xe1: {  	s30 =	sadd.s32 $0x60, s9;
	s31 =	sor.u32 $0x1600, s8  }
0xe2: {  	[tilespmem:s31], [sflag:s7] =	stream.linear.gather [hbm4b:s30+s3], $0x80, $0x38;
	[tilespmem:$0x1D300] =	vst v63  }
0xe3: {  	s11 =	sadd.s32 $0x70, s9;
	s12 =	sor.u32 $0x1700, s8  }
0xe4: {  	[tilespmem:s12], [sflag:s7] =	stream.linear.gather [hbm4b:s11+s3], $0x80, $0x38;
	[tilespmem:$0x1D300] =	vst v63  }
0xe5: {  	s13 =	sadd.s32 $0x80, s9;
	s26 =	sor.u32 $0x1800, s8  }
0xe6: {  	[tilespmem:s26], [sflag:s7] =	stream.linear.gather [hbm4b:s13+s3], $0x80, $0x38;
	[tilespmem:$0x1D300] =	vst v63  }
0xe7: {  	s28 =	sadd.s32 $0x90, s9;
	s29 =	sor.u32 $0x1900, s8  }
0xe8: {  	[tilespmem:s29], [sflag:s7] =	stream.linear.gather [hbm4b:s28+s3], $0x80, $0x38;
	[tilespmem:$0x1D300] =	vst v63  }
0xe9: {  	s30 =	sadd.s32 $0xA0, s9;
	s31 =	sor.u32 $0x1A00, s8  }
0xea: {  	[tilespmem:s31], [sflag:s7] =	stream.linear.gather [hbm4b:s30+s3], $0x80, $0x38;
	[tilespmem:$0x1D300] =	vst v63  }
0xeb: {  	s11 =	sadd.s32 $0xB0, s9;
	s12 =	sor.u32 $0x1B00, s8  }
0xec: {  	[tilespmem:s12], [sflag:s7] =	stream.linear.gather [hbm4b:s11+s3], $0x80, $0x38;
	[tilespmem:$0x1D300] =	vst v63  }
0xed: {  	s13 =	sadd.s32 $0xC0, s9;
	s26 =	sor.u32 $0x1C00, s8  }
0xee: {  	[tilespmem:s26], [sflag:s7] =	stream.linear.gather [hbm4b:s13+s3], $0x80, $0x38;
	[tilespmem:$0x1D300] =	vst v63  }
0xef: {  	s28 =	sadd.s32 $0xD0, s9;
	s29 =	sor.u32 $0x1D00, s8  }
0xf0: {  	[tilespmem:s29], [sflag:s7] =	stream.linear.gather [hbm4b:s28+s3], $0x80, $0x38;
	[tilespmem:$0x1D300] =	vst v63  }
0xf1: {  	s30 =	sadd.s32 $0xE0, s9;
	s31 =	sor.u32 $0x1E00, s8  }
0xf2: {  	[tilespmem:s31], [sflag:s7] =	stream.linear.gather [hbm4b:s30+s3], $0x80, $0x38;
	[tilespmem:$0x1D300] =	vst v63  }
0xf3: {  	s9 =	sadd.s32 $0xF0, s9;
	s8 =	sor.u32 $0x1F00, s8  }
0xf4: {  	[tilespmem:s8], [sflag:s7] =	stream.linear.gather [hbm4b:s9+s3], $0x80, $0x38;
	[tilespmem:$0x1D300] =	vst v63  }
.LBB2_4:
0xf5: {  	s9 =	simm.s32 $0x0  }
0xf6: {  	s26 =	sshll.u32 s1, $0x7;
	s7 =	sand.u32 $0x40, s9  }
0xf7: {  	s1 =	sand.u32 $0xF00, s9;
	s8 =	sor.u32 s26, s7  }
0xf8: {  	s8 =	sor.u32 s1, s8  }
0xf9: {  	v5 =	vld [tilespmem:s8+$0x0];
	_ =	sdelay $0x3  }
0xfa: {  	v6 =	vld [tilespmem:s8+$0x1000]  }
0xfb: {  	vm0 =	vge.s32 v5, v0;
	vm1 =	vlt.s32 v5, v1  }
0xfc: {  	v7 =	vsub.s32 v5, v2;
	vm2 =	vgt.s32 v5, $0xFFFFF;
	vm0 =	vmand vm0, vm1  }
0xfd: {  	s28 =	sor.u32 $0x10, s26;
	v5 =	vsel vm2, v3, v7;
	vm0 =	vmor vm2, vm0  }
0xfe: {  	s10 =	sor.u32 s28, s7;
	v7 =	vsel vm0, $0x1, v4;
	[tilespmem:s0+$0x2000] =	vst.msk vm0, v5  }
0xff: {  	s8 =	sor.u32 s1, s10;
	[tilespmem:s0+$0x2900] =	vst.msk vm0, v6;
	(xrf0) =	vadd.scan.msk.s32 $0xffff, v7  }
0x100: {  	v5 =	vld [tilespmem:s8+$0x0];
	_ =	sdelay $0x4  }
0x101: {  	vm0 =	vge.s32 v5, v0;
	vm1 =	vlt.s32 v5, v1;
	v6, _, _ =	vpop (xrf0)  }
0x102: {  	vm2 =	vgt.s32 v5, $0xFFFFF;
	vm0 =	vmand vm0, vm1;
	(v2sf) =	vpush v6, $0xF  }
0x103: {  	vm0 =	vmor vm2, vm0  }
0x104: {  	v6 =	vsel vm0, $0x1, v4  }
0x105: {  	(xrf0) =	vadd.scan.msk.s32 $0xffff, v6;
	_ =	sdelay $0x5  }
0x106: {  	v6, _, _ =	vpop (xrf0)  }
0x107: {  	(v2sf) =	vpush v6, $0xF;
	_ =	sdelay $0x2  }
0x108: {  	v6 =	vld [tilespmem:s8+$0x1000];
	_ =	sdelay $0x1  }
0x109: {  	v5 =	vsub.s32 v5, v2;
	s11 =	spop (v2sf)  }
0x10a: {  	s29 =	sor.u32 $0x20, s26;
	v5 =	vsel vm2, v3, v5;
	s12 =	sadd.s32 s0, s11  }
0x10b: {  	s13 =	sor.u32 s29, s7;
	[tilespmem:s12+$0x2000] =	vst.msk vm0, v5  }
0x10c: {  	s8 =	sor.u32 s1, s13;
	[tilespmem:s12+$0x2900] =	vst.msk vm0, v6  }
0x10d: {  	v5 =	vld [tilespmem:s8+$0x0];
	_ =	sdelay $0x3  }
0x10e: {  	v6 =	vld [tilespmem:s8+$0x1000]  }
0x10f: {  	vm0 =	vge.s32 v5, v0;
	vm1 =	vlt.s32 v5, v1  }
0x110: {  	v7 =	vsub.s32 v5, v2;
	vm2 =	vgt.s32 v5, $0xFFFFF;
	vm0 =	vmand vm0, vm1;
	s9 =	spop (v2sf)  }
0x111: {  	s30 =	sor.u32 $0x30, s26;
	v5 =	vsel vm2, v3, v7;
	s8 =	sadd.s32 s12, s9;
	vm0 =	vmor vm2, vm0  }
0x112: {  	s10 =	sor.u32 s30, s7;
	v7 =	vsel vm0, $0x1, v4;
	[tilespmem:s8+$0x2000] =	vst.msk vm0, v5  }
0x113: {  	s0 =	sor.u32 s1, s10;
	[tilespmem:s8+$0x2900] =	vst.msk vm0, v6;
	(xrf0) =	vadd.scan.msk.s32 $0xffff, v7  }
0x114: {  	v5 =	vld [tilespmem:s0+$0x0];
	_ =	sdelay $0x4  }
0x115: {  	vm0 =	vge.s32 v5, v0;
	vm1 =	vlt.s32 v5, v1;
	v6, _, _ =	vpop (xrf0)  }
0x116: {  	vm2 =	vgt.s32 v5, $0xFFFFF;
	vm0 =	vmand vm0, vm1;
	(v2sf) =	vpush v6, $0xF  }
0x117: {  	vm0 =	vmor vm2, vm0  }
0x118: {  	v6 =	vsel vm0, $0x1, v4  }
0x119: {  	(xrf0) =	vadd.scan.msk.s32 $0xffff, v6;
	_ =	sdelay $0x5  }
0x11a: {  	v6, _, _ =	vpop (xrf0)  }
0x11b: {  	(v2sf) =	vpush v6, $0xF;
	_ =	sdelay $0x2  }
0x11c: {  	v6 =	vld [tilespmem:s0+$0x1000];
	_ =	sdelay $0x1  }
0x11d: {  	s31 =	simm.s32 $0x40;
	v5 =	vsub.s32 v5, v2;
	s11 =	spop (v2sf)  }
0x11e: {  	s12 =	sand.u32 $0x40, s31;
	v5 =	vsel vm2, v3, v5;
	s0 =	simm.s32 $0x80;
	s10 =	sadd.s32 s8, s11  }
0x11f: {  	s13 =	sor.u32 s26, s12;
	s1 =	sand.u32 $0xF00, s0;
	[tilespmem:s10+$0x2000] =	vst.msk vm0, v5  }
0x120: {  	s13 =	sor.u32 s1, s13;
	[tilespmem:s10+$0x2900] =	vst.msk vm0, v6  }
0x121: {  	v7 =	vld [tilespmem:s13+$0x0];
	_ =	sdelay $0x3  }
0x122: {  	v5 =	vld [tilespmem:s13+$0x1000]  }
0x123: {  	s7 =	simm.s32 $0x4;
	s9 =	sor.u32 s29, s12;
	vm1 =	vge.s32 v7, v0;
	vm2 =	vlt.s32 v7, v1  }
0x124: {  	s11 =	sor.u32 s28, s12;
	s8 =	sor.u32 s30, s12;
	v6 =	vsub.s32 v7, v2;
	vm0 =	vgt.s32 v7, $0xFFFFF;
	vm1 =	vmand vm1, vm2;
	s12 =	spop (v2sf)  }
.LBB2_5:
0x125: {  	s7 =	sadd.s32 $0x4, s7;
	vm1 =	vmor vm0, vm1;
	v6 =	vsel vm0, v3, v6;
	s10 =	sadd.s32 s10, s12  }
0x126: {  	p3 =	slt.u32 s7, $0x7C;
	v7 =	vsel vm1, $0x1, v4;
	[tilespmem:s10+$0x2000] =	vst.msk vm1, v6  }
0x127: {  	s11 =	sor.u32 s1, s11;
	[tilespmem:s10+$0x2900] =	vst.msk vm1, v5;
	(xrf0) =	vadd.scan.msk.s32 $0xffff, v7  }
0x128: {  	v5 =	vld [tilespmem:s11+$0x0];
	_ =	sdelay $0x4  }
0x129: {  	vm0 =	vge.s32 v5, v0;
	vm1 =	vlt.s32 v5, v1;
	v6, _, _ =	vpop (xrf0)  }
0x12a: {  	vm2 =	vgt.s32 v5, $0xFFFFF;
	vm0 =	vmand vm0, vm1;
	(v2sf) =	vpush v6, $0xF  }
0x12b: {  	vm0 =	vmor vm2, vm0  }
0x12c: {  	v6 =	vsel vm0, $0x1, v4  }
0x12d: {  	(xrf0) =	vadd.scan.msk.s32 $0xffff, v6;
	_ =	sdelay $0x5  }
0x12e: {  	v6, _, _ =	vpop (xrf0)  }
0x12f: {  	(v2sf) =	vpush v6, $0xF;
	_ =	sdelay $0x2  }
0x130: {  	v6 =	vld [tilespmem:s11+$0x1000];
	_ =	sdelay $0x1  }
0x131: {  	v5 =	vsub.s32 v5, v2;
	s11 =	spop (v2sf)  }
0x132: {  	v5 =	vsel vm2, v3, v5;
	s10 =	sadd.s32 s10, s11  }
0x133: {  	[tilespmem:s10+$0x2000] =	vst.msk vm0, v5  }
0x134: {  	s9 =	sor.u32 s1, s9;
	[tilespmem:s10+$0x2900] =	vst.msk vm0, v6  }
0x135: {  	v5 =	vld [tilespmem:s9+$0x0];
	_ =	sdelay $0x3  }
0x136: {  	v6 =	vld [tilespmem:s9+$0x1000]  }
0x137: {  	vm0 =	vge.s32 v5, v0;
	vm1 =	vlt.s32 v5, v1;
	v7 =	vsub.s32 v5, v2  }
0x138: {  	vm2 =	vgt.s32 v5, $0xFFFFF;
	vm0 =	vmand vm0, vm1;
	s9 =	spop (v2sf)  }
0x139: {  	v5 =	vsel vm2, v3, v7;
	s9 =	sadd.s32 s10, s9;
	vm0 =	vmor vm2, vm0  }
0x13a: {  	v7 =	vsel vm0, $0x1, v4;
	[tilespmem:s9+$0x2000] =	vst.msk vm0, v5  }
0x13b: {  	s1 =	sor.u32 s1, s8;
	[tilespmem:s9+$0x2900] =	vst.msk vm0, v6;
	(xrf0) =	vadd.scan.msk.s32 $0xffff, v7  }
0x13c: {  	v5 =	vld [tilespmem:s1+$0x0]  }
0x13d: {  	v6 =	vld [tilespmem:s1+$0x1000];
	_ =	sdelay $0x3  }
0x13e: {  	vm0 =	vge.s32 v5, v0;
	vm1 =	vlt.s32 v5, v1;
	v7, _, _ =	vpop (xrf0)  }
0x13f: {  	vm2 =	vgt.s32 v5, $0xFFFFF;
	vm0 =	vmand vm0, vm1;
	(v2sf) =	vpush v7, $0xF  }
0x140: {  	vm0 =	vmor vm2, vm0  }
0x141: {  	v7 =	vsel vm0, $0x1, v4  }
0x142: {  	(xrf0) =	vadd.scan.msk.s32 $0xffff, v7;
	_ =	sdelay $0x5  }
0x143: {  	v7, _, _ =	vpop (xrf0)  }
0x144: {  	(v2sf) =	vpush v7, $0xF;
	_ =	sdelay $0x4  }
0x145: {  	s0 =	sadd.s32 $0x80, s0;
	s31 =	sadd.s32 $0x40, s31;
	v5 =	vsub.s32 v5, v2;
	s8 =	spop (v2sf)  }
0x146: {  	s12 =	sand.u32 $0x40, s31;
	s1 =	sand.u32 $0xF00, s0;
	v5 =	vsel vm2, v3, v5;
	s10 =	sadd.s32 s9, s8  }
0x147: {  	s11 =	sor.u32 s28, s12;
	s8 =	sor.u32 s26, s12;
	s9 =	sor.u32 s29, s12;
	[tilespmem:s10+$0x2000] =	vst.msk vm0, v5  }
0x148: {  	s13 =	sor.u32 s1, s8;
	s8 =	sor.u32 s30, s12;
	[tilespmem:s10+$0x2900] =	vst.msk vm0, v6  }
0x149: {  	v7 =	vld [tilespmem:s13+$0x0];
	_ =	sdelay $0x1  }
.Ltmp5:
0x14a: {  	(pc) =	sbr.rel @p3 .LBB2_5-.Ltmp5, $4  }
0x14b: {  	_ = 	snop  }
0x14c: {  	v5 =	vld [tilespmem:s13+$0x1000]  }
0x14d: {  	vm1 =	vge.s32 v7, v0;
	vm2 =	vlt.s32 v7, v1;
	v6 =	vsub.s32 v7, v2  }
0x14e: {  	vm0 =	vgt.s32 v7, $0xFFFFF;
	vm1 =	vmand vm1, vm2;
	s12 =	spop (v2sf)  }
0x14f: {  	vm1 =	vmor vm0, vm1;
	v6 =	vsel vm0, v3, v6;
	s0 =	sadd.s32 s10, s12  }
0x150: {  	v7 =	vsel vm1, $0x1, v4;
	[tilespmem:s0+$0x2000] =	vst.msk vm1, v6  }
0x151: {  	s7 =	sor.u32 s1, s11;
	[tilespmem:s0+$0x2900] =	vst.msk vm1, v5;
	(xrf0) =	vadd.scan.msk.s32 $0xffff, v7  }
0x152: {  	v5 =	vld [tilespmem:s7+$0x0];
	_ =	sdelay $0x4  }
0x153: {  	vm8 =	vge.s32 v5, v0;
	vm9 =	vlt.s32 v5, v1;
	v6, _, _ =	vpop (xrf0)  }
0x154: {  	vm2 =	vgt.s32 v5, $0xFFFFF;
	vm0 =	vmand vm8, vm9;
	(v2sf) =	vpush v6, $0xF  }
0x155: {  	vm0 =	vmor vm2, vm0  }
0x156: {  	v6 =	vsel vm0, $0x1, v4  }
0x157: {  	(xrf0) =	vadd.scan.msk.s32 $0xffff, v6;
	_ =	sdelay $0x5  }
0x158: {  	v6, _, _ =	vpop (xrf0)  }
0x159: {  	(v2sf) =	vpush v6, $0xF;
	_ =	sdelay $0x2  }
0x15a: {  	v6 =	vld [tilespmem:s7+$0x1000];
	_ =	sdelay $0x1  }
0x15b: {  	v5 =	vsub.s32 v5, v2;
	s13 =	spop (v2sf)  }
0x15c: {  	v5 =	vsel vm2, v3, v5;
	s0 =	sadd.s32 s0, s13  }
0x15d: {  	[tilespmem:s0+$0x2000] =	vst.msk vm0, v5  }
0x15e: {  	s26 =	sor.u32 s1, s9;
	[tilespmem:s0+$0x2900] =	vst.msk vm0, v6  }
0x15f: {  	v5 =	vld [tilespmem:s26+$0x0];
	_ =	sdelay $0x3  }
0x160: {  	v6 =	vld [tilespmem:s26+$0x1000]  }
0x161: {  	vm10 =	vge.s32 v5, v0;
	vm11 =	vlt.s32 v5, v1  }
0x162: {  	v7 =	vsub.s32 v5, v2;
	vm12 =	vgt.s32 v5, $0xFFFFF;
	vm0 =	vmand vm10, vm11;
	s28 =	spop (v2sf)  }
0x163: {  	v5 =	vsel vm12, v3, v7;
	s0 =	sadd.s32 s0, s28;
	vm0 =	vmor vm12, vm0  }
0x164: {  	[tilespmem:s0+$0x2000] =	vst.msk vm0, v5  }
0x165: {  	s29 =	sor.u32 s1, s8;
	[tilespmem:s0+$0x2900] =	vst.msk vm0, v6  }
0x166: {  	v5 =	vld [tilespmem:s29+$0x0];
	_ =	sdelay $0x4  }
0x167: {  	vm13 =	vge.s32 v5, v0;
	vm14 =	vlt.s32 v5, v1  }
0x168: {  	v6 =	vsel vm0, $0x1, v4;
	vm15 =	vgt.s32 v5, $0xFFFFF;
	vm1 =	vmand vm13, vm14  }
0x169: {  	(xrf0) =	vadd.scan.msk.s32 $0xffff, v6;
	vm1 =	vmor vm15, vm1  }
0x16a: {  	v6 =	vsel vm1, $0x1, v4  }
0x16b: {  	(xrf0) =	vadd.scan.msk.s32 $0xffff, v6;
	_ =	sdelay $0x3  }
0x16c: {  	v6, _, _ =	vpop (xrf0)  }
0x16d: {  	(v2sf) =	vpush v6, $0xF  }
0x16e: {  	v6, _, _ =	vpop (xrf0)  }
0x16f: {  	(v2sf) =	vpush v6, $0xF;
	_ =	sdelay $0xa  }
0x170: {  	v6 =	vld [tilespmem:s29+$0x1000];
	_ =	sdelay $0x1  }
0x171: {  	v5 =	vsub.s32 v5, v2;
	s30 =	spop (v2sf)  }
0x172: {  	v5 =	vsel vm15, v3, v5;
	s0 =	sadd.s32 s0, s30  }
0x173: {  	[tilespmem:s0+$0x2000] =	vst.msk vm1, v5;
	s31 =	spop (v2sf)  }
0x174: {  	[tilespmem:s0+$0x2900] =	vst.msk vm1, v6;
	s0 =	sadd.s32 s0, s31  }
0x175: {  	p3 =	slt.s32 s0, $0x80  }
.Ltmp6:
0x176: {  	_ = 	snop;
	(pc) =	sbr.rel @p3 .LBB2_9-.Ltmp6, $2  }
0x177: {  	_ =	sdelay $0x2  }
0x178: {  	s1 =	simm.s32 $0x0  }
0x179: {  	s7 =	simm.s32 $0x2940;
	s8 =	simm.s32 $0x2040  }
.LBB2_8:
0x17a: {  	p3 =	slt.s32 s24, $0x4  }
0x17b: {  	s9 =	simm.s32 @!p3 $0x5  }
0x17c: {  	_ =	swait.ge @!p3 [sflag:s9], $0x4000  }
0x17d: {  	[sflag:s9] =	ssyncset.done @!p3 $0x0  }
0x17e: {  	[sflag:s9] =	ssyncadd.s32 @!p3 $0xFFFFC000  }
0x17f: {  	v5 =	vld [tilespmem:s8+$0xFFFFFFC0];
	_ =	sdelay $0x2  }
0x180: {  	s30 =	sand.u32 $0x3, s24  }
0x181: {  	s10 =	sshll.u32 s30, $0x7  }
0x182: {  	[tilespmem:s10+$0x3200] =	vst v5  }
0x183: {  	v5 =	vld [tilespmem:s7+$0xFFFFFFC0];
	_ =	sdelay $0x4  }
0x184: {  	[tilespmem:s10+$0x3400] =	vst v5  }
0x185: {  	v5 =	vld [tilespmem:s8+$0xFFFFFFD0];
	_ =	sdelay $0x4  }
0x186: {  	[tilespmem:s10+$0x3210] =	vst v5  }
0x187: {  	v5 =	vld [tilespmem:s7+$0xFFFFFFD0];
	_ =	sdelay $0x4  }
0x188: {  	[tilespmem:s10+$0x3410] =	vst v5  }
0x189: {  	v5 =	vld [tilespmem:s8+$0xFFFFFFE0];
	_ =	sdelay $0x4  }
0x18a: {  	[tilespmem:s10+$0x3220] =	vst v5  }
0x18b: {  	v5 =	vld [tilespmem:s7+$0xFFFFFFE0];
	_ =	sdelay $0x4  }
0x18c: {  	[tilespmem:s10+$0x3420] =	vst v5  }
0x18d: {  	v5 =	vld [tilespmem:s8+$0xFFFFFFF0];
	_ =	sdelay $0x4  }
0x18e: {  	[tilespmem:s10+$0x3230] =	vst v5  }
0x18f: {  	v5 =	vld [tilespmem:s7+$0xFFFFFFF0];
	_ =	sdelay $0x4  }
0x190: {  	[tilespmem:s10+$0x3430] =	vst v5  }
0x191: {  	v5 =	vld [tilespmem:s8+$0x0];
	_ =	sdelay $0x4  }
0x192: {  	[tilespmem:s10+$0x3240] =	vst v5  }
0x193: {  	v5 =	vld [tilespmem:s7+$0x0];
	_ =	sdelay $0x4  }
0x194: {  	[tilespmem:s10+$0x3440] =	vst v5  }
0x195: {  	v5 =	vld [tilespmem:s8+$0x10];
	_ =	sdelay $0x4  }
0x196: {  	[tilespmem:s10+$0x3250] =	vst v5  }
0x197: {  	v5 =	vld [tilespmem:s7+$0x10];
	_ =	sdelay $0x4  }
0x198: {  	[tilespmem:s10+$0x3450] =	vst v5  }
0x199: {  	v5 =	vld [tilespmem:s8+$0x20];
	_ =	sdelay $0x4  }
0x19a: {  	[tilespmem:s10+$0x3260] =	vst v5  }
0x19b: {  	v5 =	vld [tilespmem:s7+$0x20];
	_ =	sdelay $0x4  }
0x19c: {  	[tilespmem:s10+$0x3460] =	vst v5  }
0x19d: {  	v5 =	vld [tilespmem:s8+$0x30];
	_ =	sdelay $0x4  }
0x19e: {  	[tilespmem:s10+$0x3270] =	vst v5  }
0x19f: {  	v5 =	vld [tilespmem:s7+$0x30];
	_ =	sdelay $0x2  }
0x1a0: {  	s11 =	sshll.u32 s30, $0xE  }
0x1a1: {  	s11 =	sor.u32 $0x3600, s11  }
0x1a2: {  	s9 =	sadd.s32 $0x1, s30;
	p3 =	slt.s32 s24, $0x1;
	[tilespmem:s10+$0x3470] =	vst v5;
	s10 =	sor.u32 $0x3400, s10  }
0x1a3: {  	[tilespmem:s11], [sflag:s9] =	stream.indirect.gather [hbm4b:s4+s19], $0x80, s10, s19, $0xb8;
	[tilespmem:$0x1D300] =	vst v63  }
0x1a4: {  	s9 =	sadd.s32 @!p3 $0xFFFFFFFF, s24  }
0x1a5: {  	s9 =	sand.u32 @!p3 $0x3, s9  }
0x1a6: {  	s10 =	sadd.s32 @!p3 $0x1, s9  }
0x1a7: {  	s31 =	sadd.s32 $0x100, s1;
	s11 =	sshll.u32 @!p3 s9, $0xE;
	_ =	swait.ge @!p3 [sflag:s10], $0x4000  }
0x1a8: {  	s9 =	sshll.u32 @!p3 s9, $0x7;
	s11 =	sor.u32 @!p3 $0x3600, s11;
	[sflag:s10] =	ssyncset.done @!p3 $0x0  }
0x1a9: {  	s9 =	sor.u32 @!p3 $0x3200, s9;
	[sflag:s10] =	ssyncadd.s32 @!p3 $0xFFFFC000;
	s10 =	simm.s32 @!p3 $0x80  }
0x1aa: {  	[spmem:s2] =	stream.indirect.scatter.add.f32 @!p3 [tilespmem:s11], [sflag:$0x5], $0x80, s9, s10, $0xb8;
	[tilespmem:$0x1D300] =	vst v63  }
0x1ab: {  	p3 =	sle.s32 s31, s0  }
.Ltmp7:
0x1ac: {  	_ = 	snop;
	(pc) =	sbr.rel @p3 .LBB2_8-.Ltmp7, $3  }
0x1ad: {  	_ =	sdelay $0x1  }
0x1ae: {  	s1 =	sadd.s32 $0x80, s1  }
0x1af: {  	s8 =	sadd.s32 $0x80, s8;
	s7 =	sadd.s32 $0x80, s7;
	s24 =	sadd.s32 $0x1, s24  }
.Ltmp8:
0x1b0: {  	_ = 	snop;
	(pc) =	sbr.rel .LBB2_9-.Ltmp8, $1  }
0x1b1: {  	_ =	sdelay $0x3  }
.LBB2_10:
0x1b2: {  	p3 =	slt.s32 s24, $0x1  }
.Ltmp9:
0x1b3: {  	_ = 	snop;
	(pc) =	sbr.rel @p3 .LBB2_14-.Ltmp9, $1  }
0x1b4: {  	_ =	sdelay $0x3  }
0x1b5: {  	s0 =	sadd.s32 $0xFFFFFFFF, s24  }
0x1b6: {  	s0 =	sand.u32 $0x3, s0  }
0x1b7: {  	s31 =	smin.u32 s24, $0x4;
	s1 =	sadd.s32 $0x1, s0  }
0x1b8: {  	p3 =	sne.s32 s31, $0x1;
	s7 =	sshll.u32 s0, $0xE;
	_ =	swait.ge [sflag:s1], $0x4000  }
.Ltmp10:
0x1b9: {  	s0 =	sshll.u32 s0, $0x7;
	[sflag:s1] =	ssyncset.done $0x0;
	(pc) =	sbr.rel @!p3 .LBB2_13-.Ltmp10, $4  }
0x1ba: {  	s7 =	sor.u32 $0x3600, s7;
	s0 =	sor.u32 $0x3200, s0;
	[sflag:s1] =	ssyncadd.s32 $0xFFFFC000  }
0x1bb: {  	[spmem:s2] =	stream.indirect.scatter.add.f32 [tilespmem:s7], [sflag:$0x5], $0x80, s0, s19, $0xb8;
	[tilespmem:$0x1D300] =	vst v63  }
0x1bc: {  	_ =	swait.ge [sflag:s20], $0x4000  }
0x1bd: {  	s0 =	sadd.s32 $0xFFFFFFFF, s31;
	[sflag:s20] =	ssyncset.done $0x0  }
.LBB2_12:
0x1be: {  	p3 =	sne.s32 s0, $0x1;
	s0 =	sadd.s32 $0xFFFFFFFF, s0;
	[sflag:s20] =	ssyncadd.s32 $0xFFFFC000  }
.Ltmp11:
0x1bf: {  	(pc) =	sbr.rel @p3 .LBB2_12-.Ltmp11, $3  }
0x1c0: {  	_ =	sdelay $0x1  }
0x1c1: {  	_ =	swait.ge [sflag:s20], $0x4000  }
0x1c2: {  	[sflag:s20] =	ssyncset.done $0x0  }
.Ltmp12:
0x1c3: {  	_ = 	snop;
	(pc) =	sbr.rel .LBB2_13-.Ltmp12, $1  }
0x1c4: {  	_ =	sdelay $0x3  }
.LBB2_15:
0x1c5: {  	_ =	sfence.sel $0x180000  }
0x1c6: {  	[bflag:$0x0] =	sbarrier.arrive $0xFFFF  }
0x1c7: {  	_ =	strace $0x9000004A  }
0x1c8: {  	s0 =	stileid.u32;
	[bflag:$0x2] =	sbarrier.arrive $0xFFFF  }
0x1c9: {  	p0 =	sne.s32 s0, $0x0;
	s0 =	rddreg [dreg:$0x2]  }
0x1ca: {  	s0 =	sadd.s32 @!p0 $0x100000, s0  }
0x1cb: {  	[sflag:s0] =	ssyncadd.tile.s32 @!p0 $0x1;
	_ =	shalt  }
.Lfunc_end2:
_tile_overlayer_lowered:
.L_overlay_start_2:
0x1cc: {  	(tag) =	ssettag $0x2  }
0x1cd: {  	s0 =	rddreg [dreg:$0x0];
	s2 =	stileid.u32  }
0x1ce: {  	s1 =	rddreg [dreg:$0x1];
	p0 =	sne.s32 s2, $0x0  }
0x1cf: {  	s3 =	rddreg [dreg:$0x2];
	[bflag:$0x3] =	sbarrier.arrive $0xFFFF;
	s2 =	simm.s32 @!p0 $0x1C08  }
0x1d0: {  	[timem:s3], [sflag:s2] =	dma.local @!p0 [hbm:s0], s1  }
0x1d1: {  	s0 =	simm.s32 @!p0 $0x8  }
0x1d2: {  	_ =	swait.ge @!p0 [sflag:s0], s1  }
0x1d3: {  	s1 =	ssub.s32 @!p0 $0x0, s1;
	[sflag:s0] =	ssyncset.done @!p0 $0x0  }
0x1d4: {  	[sflag:s0] =	ssyncadd.s32 @!p0 s1  }
0x1d5: {  	[bflag:$0x3] =	sbarrier.arrive $0xFFFF  }
0x1d6: {  	_ =	shalt  }

// kernel: kernel.15.cloned.1.call-start
scs
__scs_entry_jumppad:
0x0: {  	(pc) =	sbr.rel $0x88, $3  }
0x1: {  	(tag) =	ssettag $0x0;
	lr =	simm.s32 $0x1  }
0x2: {  	[smem:$0x3F92] =	sst lr;
	_ =	strace $0xD0000000  }
0x3: {  	_ = 	snop  }
0x4: {  	_ = 	snop  }
0x5: {  	_ = 	snop  }
0x6: {  	_ = 	snop  }
0x7: {  	_ = 	snop  }
__scs_overlays_trampoline_lowered:
0x8: {  	[smem:$0x3FA1] =	sst s0  }
0x9: {  	[smem:$0x3FA2] =	sst s1  }
0xa: {  	[smem:$0x3FA3] =	sst s2  }
0xb: {  	[smem:$0x3FA4] =	sst s3  }
0xc: {  	[smem:$0x3FA5] =	sst s4  }
0xd: {  	[smem:$0x3FA6] =	sst s5  }
0xe: {  	[smem:$0x3FA7] =	sst s6  }
0xf: {  	[smem:$0x3FA8] =	sst s7  }
0x10: {  	[smem:$0x3FA9] =	sst s8  }
0x11: {  	[smem:$0x3FAA] =	sst s9;
	s0 =	simm.s32 @!p0 $0x0  }
0x12: {  	s1 =	sld [smem:$0x3F90];
	s0 =	simm.s32 @p0 $0x1  }
0x13: {  	[smem:$0x3FAB] =	sst s0;
	s0 =	simm.s32 @!p1 $0x0  }
0x14: {  	s2 =	sld [smem:$0x3F8F];
	s0 =	simm.s32 @p1 $0x1  }
0x15: {  	[smem:$0x3FAC] =	sst s0;
	s0 =	simm.s32 @!p2 $0x0  }
0x16: {  	s3 =	sld [smem:$0x3FDB];
	s0 =	simm.s32 @p2 $0x1  }
0x17: {  	s4 =	simm.s32 $0x1BF5;
	[smem:$0x3FAE] =	sst s0  }
0x18: {  	s0 =	sld [smem:$0x3F91];
	_ =	swait.ge [sflag:s4], $0x0  }
0x19: {  	s7 =	sld [smem:$0x3F92]  }
0x1a: {  	s8 =	sadd.s32 $0xFFFFE003, lr  }
0x1b: {  	s9 =	sadd.s32 $0xFFFFFEF7, lr;
	s5 =	simm.s32 $0xFFFFFFFF;
	p2 =	slt.u32 s8, $0xFFFFF086  }
0x1c: {  	p1 =	slt.u32 s9, $0xF7A;
	s5 =	simm.s32 @!p2 $0x0  }
0x1d: {  	s5 =	simm.s32 @p1 $0x1;
	p0 =	seq.s32 s7, s2  }
0x1e: {  	s7 =	smul.u32 @!p0 $0xF7A, s2;
	p2 =	seq.s32 @!p0 s5, $0x0  }
0x1f: {  	s9 =	smul.u32 $0xF7A, s1;
	s8 =	simm.s32 @!p0 $0x1BF5;
	p2 =	por !p2, p0  }
0x20: {  	[sflag:s8] =	ssyncset.s32 @!p0 $0xFFFFF086;
	s6 =	sadd.s32 @!p0 s3, s7;
	s7 =	simm.s32 @!p0 $0x108  }
0x21: {  	s3 =	sadd.s32 s3, s9;
	s6 =	sadd.s32 @!p0 $0x88, s6;
	s7 =	simm.s32 @p2 $0x1082  }
0x22: {  	[simem:s7], [sflag:s8] =	dma.local @!p0 [hbm:s6], $0xF7A  }
0x23: {  	s9 =	sor.u32 $0xD0000000, s2;
	s6 =	simm.s32 $0x108;
	_ =	swait.ge @!p0 [sflag:s8], $0x0  }
0x24: {  	s3 =	sadd.s32 $0x88, s3;
	s6 =	simm.s32 @!p1 $0x1082;
	[sflag:s4] =	ssyncset.s32 $0xFFFFF086  }
0x25: {  	[simem:s6], [sflag:s4] =	dma.local [hbm:s3], $0xF7A  }
0x26: {  	[smem:$0x3F92] =	sst s1;
	(tag) =	ssettag s2;
	_ =	strace s9  }
0x27: {  	s1 =	sld [smem:$0x3FA2]  }
0x28: {  	s2 =	sld [smem:$0x3FA3]  }
0x29: {  	s4 =	sld [smem:$0x3FA5]  }
0x2a: {  	p0 =	seq.s32 s5, $0x0;
	s5 =	sld [smem:$0x3FA6]  }
0x2b: {  	s6 =	sld [smem:$0x3FA7]  }
0x2c: {  	s7 =	sld [smem:$0x3FA8]  }
0x2d: {  	s3 =	simm.s32 $0x108;
	s8 =	sld [smem:$0x3FA9]  }
0x2e: {  	s3 =	simm.s32 @!p0 $0x1082;
	s9 =	sld [smem:$0x3FAA]  }
0x2f: {  	lr =	sadd.s32 s0, s3;
	s0 =	sld [smem:$0x3FA1]  }
0x30: {  	s3 =	sld [smem:$0x3FA4]  }
0x31: {  	[smem:$0x3FAD] =	sst s10  }
0x32: {  	s10 =	sld [smem:$0x3FAB];
	_ =	sdelay $0x3  }
0x33: {  	p0 =	seq.s32 s10, $0x1;
	s10 =	sld [smem:$0x3FAD];
	_ =	sdelay $0x3  }
0x34: {  	[smem:$0x3FAD] =	sst s10  }
0x35: {  	s10 =	sld [smem:$0x3FAC];
	_ =	sdelay $0x3  }
0x36: {  	p1 =	seq.s32 s10, $0x1;
	s10 =	sld [smem:$0x3FAD];
	_ =	sdelay $0x3  }
0x37: {  	[smem:$0x3FAD] =	sst s10  }
0x38: {  	s10 =	sld [smem:$0x3FAE]  }
0x39: {  	_ = 	snop;
	(pc) =	sbr.ind lr, $3  }
0x3a: {  	_ = 	snop  }
0x3b: {  	_ = 	snop  }
0x3c: {  	p2 =	seq.s32 s10, $0x1;
	s10 =	sld [smem:$0x3FAD]  }
0x3d: {  	_ =	shalt  }
0x3e: {  	_ =	shalt  }
0x3f: {  	_ =	shalt  }
0x40: {  	_ =	shalt  }
0x41: {  	_ =	shalt  }
0x42: {  	_ =	shalt  }
0x43: {  	_ =	shalt  }
0x44: {  	_ =	shalt  }
0x45: {  	_ =	shalt  }
0x46: {  	_ =	shalt  }
0x47: {  	_ =	shalt  }
0x48: {  	_ =	shalt  }
0x49: {  	_ =	shalt  }
0x4a: {  	_ =	shalt  }
0x4b: {  	_ =	shalt  }
0x4c: {  	_ =	shalt  }
0x4d: {  	_ =	shalt  }
0x4e: {  	_ =	shalt  }
0x4f: {  	_ =	shalt  }
0x50: {  	_ =	shalt  }
0x51: {  	_ =	shalt  }
0x52: {  	_ =	shalt  }
0x53: {  	_ =	shalt  }
0x54: {  	_ =	shalt  }
0x55: {  	_ =	shalt  }
0x56: {  	_ =	shalt  }
0x57: {  	_ =	shalt  }
0x58: {  	_ =	shalt  }
0x59: {  	_ =	shalt  }
0x5a: {  	_ =	shalt  }
0x5b: {  	_ =	shalt  }
0x5c: {  	_ =	shalt  }
0x5d: {  	_ =	shalt  }
0x5e: {  	_ =	shalt  }
0x5f: {  	_ =	shalt  }
0x60: {  	_ =	shalt  }
0x61: {  	_ =	shalt  }
0x62: {  	_ =	shalt  }
0x63: {  	_ =	shalt  }
0x64: {  	_ =	shalt  }
0x65: {  	_ =	shalt  }
0x66: {  	_ =	shalt  }
0x67: {  	_ =	shalt  }
0x68: {  	_ =	shalt  }
0x69: {  	_ =	shalt  }
0x6a: {  	_ =	shalt  }
0x6b: {  	_ =	shalt  }
0x6c: {  	_ =	shalt  }
0x6d: {  	_ =	shalt  }
0x6e: {  	_ =	shalt  }
0x6f: {  	_ =	shalt  }
0x70: {  	_ =	shalt  }
0x71: {  	_ =	shalt  }
0x72: {  	_ =	shalt  }
0x73: {  	_ =	shalt  }
0x74: {  	_ =	shalt  }
0x75: {  	_ =	shalt  }
0x76: {  	_ =	shalt  }
0x77: {  	_ =	shalt  }
0x78: {  	_ =	shalt  }
0x79: {  	_ =	shalt  }
0x7a: {  	_ =	shalt  }
0x7b: {  	_ =	shalt  }
0x7c: {  	_ =	shalt  }
0x7d: {  	_ =	shalt  }
0x7e: {  	_ =	shalt  }
0x7f: {  	_ =	shalt  }
0x80: {  	_ =	shalt  }
0x81: {  	_ =	shalt  }
0x82: {  	_ =	shalt  }
0x83: {  	_ =	shalt  }
0x84: {  	_ =	shalt  }
0x85: {  	_ =	shalt  }
0x86: {  	_ =	shalt  }
0x87: {  	_ =	shalt  }
.Lfunc_end0:
.L_simem_size_0:
called_computation.2_lowered:
.L_overlay_start_0:
0x88: {  	s2 =	sld [smem:$0x3FD9]  }
0x89: {  	s3 =	sld [smem:$0x3FFE];
	_ =	sdelay $0x1  }
0x8a: {  	s1 =	srdreg.scid  }
0x8b: {  	s0 =	sand.u32 $0x1, s1  }
0x8c: {  	s16 =	sshll.u32 s0, $0xA;
	s2 =	sadd.s32 s3, s2  }
0x8d: {  	s2 =	sadd.s32 s2, s16  }
0x8e: {  	[smem:$0x3FB9] =	sst s2  }
0x8f: {  	_ = 	snop  }
0x90: {  	(tm) =	ssettm $0x1  }
0x91: {  	s17 =	sld [smem:$0x3FFB];
	_ =	sdelay $0x3  }
0x92: {  	_ =	strace s17  }
0x93: {  	s2 =	sld [smem:$0x3FFC];
	_ =	sdelay $0x3  }
0x94: {  	_ =	strace s2  }
0x95: {  	s2 =	sld [smem:$0x3FFD];
	_ =	sdelay $0x3  }
0x96: {  	_ =	strace s2  }
0x97: {  	_ =	strace $0x8FFFFFFF  }
0x98: {  	s18 =	sld [smem:$0x3FDB];
	_ =	sdelay $0x1  }
0x99: {  	s19 =	simm.s32 $_scs_section_size  }
0x9a: {  	s4 =	simm.s32 $_size__tile_overlayer_lowered;
	s5 =	simm.s32 $_tile_overlayer_lowered  }
0x9b: {  	s22 =	simm.s32 $0x1BFF;
	s21 =	sshll.u32 s5, $0x1;
	s2 =	sadd.s32 s19, s18  }
0x9c: {  	s6 =	simm.s32 $0x0;
	s20 =	sshll.u32 s4, $0x1;
	s4 =	sadd.s32 s21, s2  }
0x9d: {  	[timem:s6], [sflag:s22] =	dma.local [hbm:s4], s20  }
0x9e: {  	_ =	swait.ge [sflag:s22], s20  }
0x9f: {  	s3 =	ssub.s32 $0x0, s20;
	[sflag:s22] =	ssyncset.done $0x0  }
0xa0: {  	[sflag:s22] =	ssyncadd.s32 s3;
	_ =	sdelay $0x1  }
0xa1: {  	s23 =	simm.s32 $0x1B8B  }
0xa2: {  	_ =	swait.ge [sflag:s23], $0x1  }
0xa3: {  	[sflag:s23] =	ssyncset.done $0x0  }
0xa4: {  	s25 =	simm.s32 $0x1B8E;
	s24 =	sld [smem:$0x3FFE];
	[sflag:s23] =	ssyncadd.s32 $0xFFFFFFFF  }
0xa5: {  	s26 =	simm.s32 $execute0_lowered;
	[smem:$0x3FD2] =	sst s25  }
0xa6: {  	s4 =	sshll.u32 s26, $0x1;
	_ =	strace $0x8000004C;
	[dreg:$0x1] =	wrdreg $0xFFFFFFFF  }
0xa7: {  	s28 =	simm.s32 $_size_execute0_lowered;
	s2 =	sadd.s32 s2, s4;
	[dreg:$0x0] =	wrdreg $0x0  }
0xa8: {  	s4 =	sshll.u32 s28, $0x1;
	[dreg:$0x2] =	wrdreg s2  }
0xa9: {  	[dreg:$0x3] =	wrdreg s4  }
0xaa: {  	[dreg:$0x4] =	wrdreg $0xC0  }
0xab: {  	_ =	task [dreg:s6], $0x5FFFF  }
0xac: {  	[dreg:$0x1] =	wrdreg $0xFFFFFFFF  }
0xad: {  	[dreg:$0x0] =	wrdreg $0x60  }
0xae: {  	[dreg:$0x2] =	wrdreg s24  }
0xaf: {  	[dreg:$0x3] =	wrdreg $0x136000  }
0xb0: {  	[dreg:$0x4] =	wrdreg $0x9  }
0xb1: {  	_ =	task.clear_ibuf [dreg:s6], $0x5FFFF;
	_ =	strace $0x9000004C  }
0xb2: {  	s29 =	simm.s32 $0x9;
	_ =	strace $0x8000004E  }
0xb3: {  	_ =	swait.ge [sflag:s29], $0x1  }
0xb4: {  	[sflag:s29] =	ssyncadd.s32 $0xFFFFFFFF  }
0xb5: {  	_ =	strace $0x9000004E  }
0xb6: {  	_ =	sfence  }
0xb7: {  	s30 =	sld [smem:$0x0];
	_ =	sdelay $0x2  }
0xb8: {  	s31 =	sshll.u32 s1, $0xD;
	s1 =	sshrl.u32 s1, $0x2  }
0xb9: {  	s3 =	sand.u32 $0x4000, s31;
	s1 =	sadd.s32 s1, s30  }
0xba: {  	s0 =	sor.u32 s3, s0;
	s1 =	sshll.u32 s1, $0x11  }
0xbb: {  	s0 =	sor.u32 s1, s0  }
0xbc: {  	s0 =	sadd.s32 $0x8F2B, s0  }
0xbd: {  	[sflag:s0] =	ssyncadd.remote.s32 $0x1  }
0xbe: {  	_ =	sfence.sel $0xFFFF  }
0xbf: {  	[dreg:$0x0] =	wrdreg $0xFFFFFFFF;
	(pc) =	sbr.abs _section_cstart, $3  }
0xc0: {  	[dreg:$0x1] =	wrdreg $0xFFFFFFFF  }
0xc1: {  	_ =	task.clear_ibuf [dreg:s6], $0x2FFFF;
	_ =	strace $0x9FFFFFFF  }
0xc2: {  	(tm) =	ssettm $0x7FFFFFFF  }
0xc3: {  	_ =	shalt  }
tec
execute0_lowered:
.L_overlay_start_1:
0x0: {  	(tag) =	ssettag $0x1  }
0x1: {  	s9 =	rddreg [dreg:$0x0]  }
0x2: {  	s2 =	rddreg [dreg:$0x1];
	s3 =	simm.s32 $0x0  }
0x3: {  	s16 =	stileid.u32;
	[smem:$0x7FF] =	sst s3;
	s20 =	sadd.s32 $0x29A00, s9  }
0x4: {  	s22 =	sadd.s32 $0x64600, s9;
	_ =	strace $0x8000004D;
	[dreg:$0x5] =	wrdreg s20  }
0x5: {  	s0 =	srdreg.scid;
	s23 =	sadd.s32 $0x77F00, s9;
	[dreg:$0x7] =	wrdreg s22  }
0x6: {  	s1 =	smul.u32 $0x1400, s16;
	s25 =	sadd.s32 $0xD010, s9;
	[dreg:$0x8] =	wrdreg s23  }
0x7: {  	s10 =	sand.u32 $0x1, s0;
	s26 =	sadd.s32 $0xD020, s9;
	[dreg:$0xa] =	wrdreg s25  }
0x8: {  	s4 =	sadd.s32 $0x2A800, s9;
	s28 =	sadd.s32 $0xD030, s9;
	[dreg:$0xb] =	wrdreg s26  }
0x9: {  	s7 =	smul.u32 $0x140, s16;
	s29 =	sadd.s32 $0xD040, s9;
	[dreg:$0xc] =	wrdreg s28  }
0xa: {  	s5 =	sadd.s32 $0x3200, s9;
	s30 =	sadd.s32 $0xD050, s9;
	[dreg:$0xd] =	wrdreg s29  }
0xb: {  	s6 =	sadd.s32 $0xD000, s9;
	s31 =	sadd.s32 $0xD060, s9;
	[dreg:$0xe] =	wrdreg s30  }
0xc: {  	s18 =	smul.u32 $0x28000, s16;
	[dreg:$0xf] =	wrdreg s31;
	s20 =	sadd.s32 $0x3210, s9  }
0xd: {  	s0 =	smul.u32 $0x1390, s10;
	s22 =	sadd.s32 $0x3230, s9;
	[dreg:$0x19] =	wrdreg s20  }
0xe: {  	s17 =	ssub.s32 $0x2, s10;
	s23 =	sadd.s32 $0x3240, s9;
	[dreg:$0x1b] =	wrdreg s22  }
0xf: {  	s8 =	sxor.u32 $0x139, s10;
	s25 =	sadd.s32 $0x3260, s9;
	[dreg:$0x1c] =	wrdreg s23  }
0x10: {  	p0 =	seq.s32 s10, $0x0;
	s26 =	sadd.s32 $0x3270, s9;
	[dreg:$0x1e] =	wrdreg s25  }
0x11: {  	p2 =	seq.s32 s10, $0x1;
	s28 =	sadd.s32 $0x3280, s9;
	[dreg:$0x1f] =	wrdreg s26  }
0x12: {  	s29 =	sadd.s32 $0x3290, s9;
	s30 =	sadd.s32 $0x32A0, s9;
	[smem:$0x7FA] =	sst s28  }
0x13: {  	s31 =	sadd.s32 $0x32B0, s9;
	s11 =	sadd.s32 s1, s9;
	[smem:$0x7FB] =	sst s29  }
0x14: {  	s12 =	sshrl.u32 s17, $0x1;
	s13 =	smul.u32 s16, s8;
	[smem:$0x7FC] =	sst s30  }
0x15: {  	[smem:$0x7FD] =	sst s31;
	s20 =	simm.s32 $0x5;
	s15 =	sadd.s32 s7, s0  }
0x16: {  	s12 =	ssub.s32 s17, s12;
	s11 =	sadd.s32 $0x16E00, s11;
	s17 =	sadd.s32 $0xD0D0, s9  }
0x17: {  	s1 =	sshll.u32 s15, $0x4;
	s7 =	sadd.s32 s0, s13;
	[dreg:$0x4] =	wrdreg s11  }
0x18: {  	s13 =	simm.s32 $0x1390;
	s24 =	smax.u32 s12, $0x1;
	[dreg:$0x16] =	wrdreg s17  }
0x19: {  	s15 =	sshrl.u32 s18, $0x2;
	s11 =	sadd.s32 $0xD070, s9;
	[dreg:$0x9] =	wrdreg s24  }
0x1a: {  	s12 =	sadd.s32 $0xD080, s9;
	s18 =	sadd.s32 $0xD0E0, s9;
	[dreg:$0x10] =	wrdreg s11  }
0x1b: {  	s17 =	sadd.s32 $0x32F0, s9;
	s14 =	sadd.s32 s1, s9;
	[dreg:$0x11] =	wrdreg s12  }
0x1c: {  	s8 =	sadd.s32 s8, s7;
	s19 =	sadd.s32 s15, s2;
	[dreg:$0x17] =	wrdreg s18  }
0x1d: {  	s13 =	simm.s32 @!p0 $0x1380;
	s15 =	sadd.s32 $0xD0B0, s9;
	[dreg:$0x3] =	wrdreg s19  }
0x1e: {  	p0 =	seq.s32 s16, $0xF;
	s24 =	sadd.s32 $0x3250, s9;
	[dreg:$0x14] =	wrdreg s15  }
0x1f: {  	s18 =	sadd.s32 $0x96000, s2;
	s21 =	sadd.s32 $0x51A00, s14;
	[dreg:$0x1d] =	wrdreg s24  }
0x20: {  	s1 =	sor.u32 s16, s13;
	s13 =	sadd.s32 $0xD090, s9;
	[dreg:$0x6] =	wrdreg s21  }
0x21: {  	p1 =	sne.s32 @p0 s10, $0x0;
	s14 =	sadd.s32 $0xD0A0, s9;
	[dreg:$0x12] =	wrdreg s13  }
.Ltmp0:
0x22: {  	s16 =	sadd.s32 $0xD0C0, s9;
	[dreg:$0x13] =	wrdreg s14;
	(pc) =	sbr.rel .LBB2_1-.Ltmp0, $4  }
0x23: {  	s19 =	sadd.s32 $0xD0F0, s9;
	s15 =	sadd.s32 $0x32D0, s9;
	[dreg:$0x15] =	wrdreg s16  }
0x24: {  	p2 =	por !p2, !p0;
	[dreg:$0x18] =	wrdreg s19;
	s21 =	sadd.s32 $0x3220, s9  }
0x25: {  	v4 =	vimm.s32 $0x0;
	v2 =	vmov s0;
	s14 =	sadd.s32 $0x32C0, s9;
	s16 =	sadd.s32 $0x32E0, s9;
	p1 =	por p1, !p0  }
0x26: {  	v0 =	vmov s7;
	v1 =	vmov s8;
	v3 =	vmov s1;
	s19 =	simm.s32 $0x80;
	[dreg:$0x1a] =	wrdreg s21;
	s21 =	simm.s32 $0x0  }
.LBB2_13:
0x27: {  	[sflag:s20] =	ssyncadd.s32 $0xFFFFC000  }
.LBB2_14:
0x28: {  	[bflag:$0x0] =	sbarrier.arrive $0xFFFF  }
0x29: {  	s0 =	sshrl.u32 @!p1 s18, $0x3;
	s1 =	simm.s32 @!p1 $0x1FC8;
	s7 =	rddreg [dreg:$0x7]  }
0x2a: {  	[hbm:s7], [sflag:s1] =	dma.local @!p1 [spmem:s0], $0xD00  }
0x2b: {  	s0 =	simm.s32 @!p1 $0x8  }
0x2c: {  	_ =	swait.ge @!p1 [sflag:s0], $0xD00  }
0x2d: {  	s1 =	simm.s32 @!p2 $0x1FC8;
	[sflag:s0] =	ssyncset.done @!p1 $0x0  }
0x2e: {  	s7 =	rddreg [dreg:$0x8];
	[sflag:s0] =	ssyncadd.s32 @!p1 $0xFFFFF300;
	s0 =	sshrl.u32 @!p2 s18, $0x3  }
0x2f: {  	[hbm:s7], [sflag:s1] =	dma.local @!p2 [spmem:s0], $0xC00  }
0x30: {  	s0 =	simm.s32 @!p2 $0x8  }
0x31: {  	_ =	swait.ge @!p2 [sflag:s0], $0xC00  }
0x32: {  	[sflag:s0] =	ssyncset.done @!p2 $0x0  }
0x33: {  	[sflag:s0] =	ssyncadd.s32 @!p2 $0xFFFFF400;
	s0 =	rddreg [dreg:$0x6]  }
0x34: {  	[hbm:s0], [sflag:s22] =	dma.local @!p0 [spmem:s23], $0x1400  }
0x35: {  	s0 =	simm.s32 @!p0 $0x8  }
0x36: {  	_ =	swait.ge @!p0 [sflag:s0], $0x1400  }
0x37: {  	s21 =	sadd.s32 $0x1, s21;
	s31 =	rddreg [dreg:$0x9]  }
0x38: {  	p3 =	sne.s32 s21, s31  }
.Ltmp1:
0x39: {  	_ = 	snop;
	(pc) =	sbr.rel @!p3 .LBB2_15-.Ltmp1, $3  }
0x3a: {  	_ =	sdelay $0x1  }
0x3b: {  	[sflag:s0] =	ssyncset.done @!p0 $0x0  }
0x3c: {  	[sflag:s0] =	ssyncadd.s32 @!p0 $0xFFFFEC00  }
.LBB2_1:
0x3d: {  	s0 =	sshrl.u32 @p0 s18, $0x3;
	s1 =	simm.s32 @p0 $0x1FC8;
	s7 =	rddreg [dreg:$0x5]  }
0x3e: {  	[spmem:s0], [sflag:s1] =	dma.local @p0 [hbm:s7], $0xE00  }
0x3f: {  	s0 =	simm.s32 @p0 $0x8  }
0x40: {  	_ =	swait.ge @p0 [sflag:s0], $0xE00  }
0x41: {  	s1 =	stileid.u32;
	[sflag:s0] =	ssyncset.done @p0 $0x0  }
0x42: {  	s1 =	sshll.u32 @!p0 s1, $0x6;
	[sflag:s0] =	ssyncadd.s32 @p0 $0xFFFFF200;
	s0 =	rddreg [dreg:$0x3]  }
0x43: {  	s22 =	sor.u32 @!p0 $0x1C08, s1;
	s23 =	sshrl.u32 @!p0 s0, $0x3;
	s0 =	rddreg [dreg:$0x4]  }
0x44: {  	[spmem:s23], [sflag:s22] =	dma.local @!p0 [hbm:s0], $0x1400  }
0x45: {  	s0 =	simm.s32 @!p0 $0x8  }
0x46: {  	_ =	swait.ge @!p0 [sflag:s0], $0x1400  }
0x47: {  	[sflag:s0] =	ssyncset.done @!p0 $0x0  }
0x48: {  	[sflag:s0] =	ssyncadd.s32 @!p0 $0xFFFFEC00  }
0x49: {  	[bflag:$0x0] =	sbarrier.arrive $0xFFFF  }
0x4a: {  	[tilespmem:s3], [sflag:$0x6] =	stream.linear.gather [hbm4b:s6+s3], $0x80, $0x38;
	[tilespmem:$0x1D300] =	vst v63  }
0x4b: {  	s8 =	simm.s32 $0x100;
	s7 =	rddreg [dreg:$0xa]  }
0x4c: {  	[tilespmem:s8], [sflag:$0x6] =	stream.linear.gather [hbm4b:s7+s3], $0x80, $0x38;
	[tilespmem:$0x1D300] =	vst v63  }
0x4d: {  	s10 =	simm.s32 $0x200;
	s9 =	rddreg [dreg:$0xb]  }
0x4e: {  	[tilespmem:s10], [sflag:$0x6] =	stream.linear.gather [hbm4b:s9+s3], $0x80, $0x38;
	[tilespmem:$0x1D300] =	vst v63  }
0x4f: {  	s12 =	simm.s32 $0x300;
	s11 =	rddreg [dreg:$0xc]  }
0x50: {  	[tilespmem:s12], [sflag:$0x6] =	stream.linear.gather [hbm4b:s11+s3], $0x80, $0x38;
	[tilespmem:$0x1D300] =	vst v63  }
0x51: {  	s24 =	simm.s32 $0x400;
	s13 =	rddreg [dreg:$0xd]  }
0x52: {  	[tilespmem:s24], [sflag:$0x6] =	stream.linear.gather [hbm4b:s13+s3], $0x80, $0x38;
	[tilespmem:$0x1D300] =	vst v63  }
0x53: {  	s26 =	simm.s32 $0x500;
	s25 =	rddreg [dreg:$0xe]  }
0x54: {  	[tilespmem:s26], [sflag:$0x6] =	stream.linear.gather [hbm4b:s25+s3], $0x80, $0x38;
	[tilespmem:$0x1D300] =	vst v63  }
0x55: {  	s29 =	simm.s32 $0x600;
	s28 =	rddreg [dreg:$0xf]  }
0x56: {  	[tilespmem:s29], [sflag:$0x6] =	stream.linear.gather [hbm4b:s28+s3], $0x80, $0x38;
	[tilespmem:$0x1D300] =	vst v63  }
0x57: {  	s31 =	simm.s32 $0x700;
	s30 =	rddreg [dreg:$0x10]  }
0x58: {  	[tilespmem:s31], [sflag:$0x6] =	stream.linear.gather [hbm4b:s30+s3], $0x80, $0x38;
	[tilespmem:$0x1D300] =	vst v63  }
0x59: {  	s7 =	rddreg [dreg:$0x11];
	s8 =	simm.s32 $0x800  }
0x5a: {  	[tilespmem:s8], [sflag:$0x6] =	stream.linear.gather [hbm4b:s7+s3], $0x80, $0x38;
	[tilespmem:$0x1D300] =	vst v63  }
0x5b: {  	s9 =	rddreg [dreg:$0x12];
	s10 =	simm.s32 $0x900  }
0x5c: {  	[tilespmem:s10], [sflag:$0x6] =	stream.linear.gather [hbm4b:s9+s3], $0x80, $0x38;
	[tilespmem:$0x1D300] =	vst v63  }
0x5d: {  	s11 =	rddreg [dreg:$0x13];
	s12 =	simm.s32 $0xA00  }
0x5e: {  	[tilespmem:s12], [sflag:$0x6] =	stream.linear.gather [hbm4b:s11+s3], $0x80, $0x38;
	[tilespmem:$0x1D300] =	vst v63  }
0x5f: {  	s13 =	rddreg [dreg:$0x14];
	s24 =	simm.s32 $0xB00  }
0x60: {  	[tilespmem:s24], [sflag:$0x6] =	stream.linear.gather [hbm4b:s13+s3], $0x80, $0x38;
	[tilespmem:$0x1D300] =	vst v63  }
0x61: {  	s25 =	rddreg [dreg:$0x15];
	s26 =	simm.s32 $0xC00  }
0x62: {  	[tilespmem:s26], [sflag:$0x6] =	stream.linear.gather [hbm4b:s25+s3], $0x80, $0x38;
	[tilespmem:$0x1D300] =	vst v63  }
0x63: {  	s28 =	rddreg [dreg:$0x16];
	s29 =	simm.s32 $0xD00  }
0x64: {  	[tilespmem:s29], [sflag:$0x6] =	stream.linear.gather [hbm4b:s28+s3], $0x80, $0x38;
	[tilespmem:$0x1D300] =	vst v63  }
0x65: {  	s30 =	rddreg [dreg:$0x17];
	s31 =	simm.s32 $0xE00  }
0x66: {  	[tilespmem:s31], [sflag:$0x6] =	stream.linear.gather [hbm4b:s30+s3], $0x80, $0x38;
	[tilespmem:$0x1D300] =	vst v63  }
0x67: {  	s1 =	rddreg [dreg:$0x18];
	s7 =	simm.s32 $0xF00  }
0x68: {  	[tilespmem:s7], [sflag:$0x6] =	stream.linear.gather [hbm4b:s1+s3], $0x80, $0x38;
	[tilespmem:$0x1D300] =	vst v63  }
0x69: {  	s8 =	simm.s32 $0x1000;
	s9 =	rddreg [dreg:$0x19]  }
0x6a: {  	[tilespmem:s8], [sflag:$0x6] =	stream.linear.gather [hbm4b:s5+s3], $0x80, $0x38;
	[tilespmem:$0x1D300] =	vst v63  }
0x6b: {  	s10 =	simm.s32 $0x1100;
	s11 =	rddreg [dreg:$0x1a]  }
0x6c: {  	[tilespmem:s10], [sflag:$0x6] =	stream.linear.gather [hbm4b:s9+s3], $0x80, $0x38;
	[tilespmem:$0x1D300] =	vst v63  }
0x6d: {  	s12 =	simm.s32 $0x1200;
	s13 =	rddreg [dreg:$0x1b]  }
0x6e: {  	[tilespmem:s12], [sflag:$0x6] =	stream.linear.gather [hbm4b:s11+s3], $0x80, $0x38;
	[tilespmem:$0x1D300] =	vst v63  }
0x6f: {  	s24 =	simm.s32 $0x1300;
	s25 =	rddreg [dreg:$0x1c]  }
0x70: {  	[tilespmem:s24], [sflag:$0x6] =	stream.linear.gather [hbm4b:s13+s3], $0x80, $0x38;
	[tilespmem:$0x1D300] =	vst v63  }
0x71: {  	s26 =	simm.s32 $0x1400;
	s28 =	rddreg [dreg:$0x1d]  }
0x72: {  	[tilespmem:s26], [sflag:$0x6] =	stream.linear.gather [hbm4b:s25+s3], $0x80, $0x38;
	[tilespmem:$0x1D300] =	vst v63  }
0x73: {  	s29 =	simm.s32 $0x1500;
	s30 =	rddreg [dreg:$0x1e]  }
0x74: {  	[tilespmem:s29], [sflag:$0x6] =	stream.linear.gather [hbm4b:s28+s3], $0x80, $0x38;
	[tilespmem:$0x1D300] =	vst v63  }
0x75: {  	s31 =	simm.s32 $0x1600;
	s7 =	rddreg [dreg:$0x1f]  }
0x76: {  	[tilespmem:s31], [sflag:$0x6] =	stream.linear.gather [hbm4b:s30+s3], $0x80, $0x38;
	[tilespmem:$0x1D300] =	vst v63  }
0x77: {  	s8 =	simm.s32 $0x1700;
	s9 =	sld [smem:$0x7FA]  }
0x78: {  	[tilespmem:s8], [sflag:$0x6] =	stream.linear.gather [hbm4b:s7+s3], $0x80, $0x38;
	[tilespmem:$0x1D300] =	vst v63  }
0x79: {  	s10 =	simm.s32 $0x1800;
	s11 =	sld [smem:$0x7FB]  }
0x7a: {  	[tilespmem:s10], [sflag:$0x6] =	stream.linear.gather [hbm4b:s9+s3], $0x80, $0x38;
	[tilespmem:$0x1D300] =	vst v63  }
0x7b: {  	s12 =	simm.s32 $0x1900;
	s13 =	sld [smem:$0x7FC]  }
0x7c: {  	[tilespmem:s12], [sflag:$0x6] =	stream.linear.gather [hbm4b:s11+s3], $0x80, $0x38;
	[tilespmem:$0x1D300] =	vst v63  }
0x7d: {  	s24 =	simm.s32 $0x1A00;
	s25 =	sld [smem:$0x7FD]  }
0x7e: {  	[tilespmem:s24], [sflag:$0x6] =	stream.linear.gather [hbm4b:s13+s3], $0x80, $0x38;
	[tilespmem:$0x1D300] =	vst v63  }
0x7f: {  	s26 =	simm.s32 $0x1B00  }
0x80: {  	[tilespmem:s26], [sflag:$0x6] =	stream.linear.gather [hbm4b:s25+s3], $0x80, $0x38;
	[tilespmem:$0x1D300] =	vst v63  }
0x81: {  	s28 =	simm.s32 $0x1C00  }
0x82: {  	[tilespmem:s28], [sflag:$0x6] =	stream.linear.gather [hbm4b:s14+s3], $0x80, $0x38;
	[tilespmem:$0x1D300] =	vst v63  }
0x83: {  	s29 =	simm.s32 $0x1D00  }
0x84: {  	[tilespmem:s29], [sflag:$0x6] =	stream.linear.gather [hbm4b:s15+s3], $0x80, $0x38;
	[tilespmem:$0x1D300] =	vst v63  }
.Ltmp2:
0x85: {  	_ = 	snop;
	(pc) =	sbr.rel .LBB2_2-.Ltmp2, $4  }
0x86: {  	s0 =	simm.s32 $0x0;
	s30 =	simm.s32 $0x1E00  }
0x87: {  	[tilespmem:s30], [sflag:$0x6] =	stream.linear.gather [hbm4b:s16+s3], $0x80, $0x38;
	[tilespmem:$0x1D300] =	vst v63  }
0x88: {  	s31 =	simm.s32 $0x1F00;
	s24 =	simm.s32 $0x0;
	s25 =	simm.s32 $0x0  }
0x89: {  	[tilespmem:s31], [sflag:$0x6] =	stream.linear.gather [hbm4b:s17+s3], $0x80, $0x38;
	[tilespmem:$0x1D300] =	vst v63  }
.LBB2_9:
0x8a: {  	v5 =	vld [tilespmem:s1+$0x2000]  }
0x8b: {  	v6 =	vld [tilespmem:s1+$0x2900];
	_ =	sdelay $0x3  }
0x8c: {  	[tilespmem:$0x2000] =	vst v5  }
0x8d: {  	[tilespmem:$0x2900] =	vst v6  }
0x8e: {  	v5 =	vld [tilespmem:s1+$0x2010]  }
0x8f: {  	v6 =	vld [tilespmem:s1+$0x2910];
	_ =	sdelay $0x3  }
0x90: {  	[tilespmem:$0x2010] =	vst v5  }
0x91: {  	[tilespmem:$0x2910] =	vst v6  }
0x92: {  	v5 =	vld [tilespmem:s1+$0x2020]  }
0x93: {  	v6 =	vld [tilespmem:s1+$0x2920];
	_ =	sdelay $0x3  }
0x94: {  	[tilespmem:$0x2020] =	vst v5  }
0x95: {  	[tilespmem:$0x2920] =	vst v6  }
0x96: {  	v5 =	vld [tilespmem:s1+$0x2030]  }
0x97: {  	v6 =	vld [tilespmem:s1+$0x2930];
	_ =	sdelay $0x3  }
0x98: {  	[tilespmem:$0x2030] =	vst v5  }
0x99: {  	[tilespmem:$0x2930] =	vst v6  }
0x9a: {  	v5 =	vld [tilespmem:s1+$0x2040]  }
0x9b: {  	v6 =	vld [tilespmem:s1+$0x2940];
	_ =	sdelay $0x3  }
0x9c: {  	[tilespmem:$0x2040] =	vst v5  }
0x9d: {  	[tilespmem:$0x2940] =	vst v6  }
0x9e: {  	v5 =	vld [tilespmem:s1+$0x2050]  }
0x9f: {  	v6 =	vld [tilespmem:s1+$0x2950];
	_ =	sdelay $0x3  }
0xa0: {  	[tilespmem:$0x2050] =	vst v5  }
0xa1: {  	[tilespmem:$0x2950] =	vst v6  }
0xa2: {  	v5 =	vld [tilespmem:s1+$0x2060]  }
0xa3: {  	v6 =	vld [tilespmem:s1+$0x2960];
	_ =	sdelay $0x3  }
0xa4: {  	[tilespmem:$0x2060] =	vst v5  }
0xa5: {  	[tilespmem:$0x2960] =	vst v6  }
0xa6: {  	v5 =	vld [tilespmem:s1+$0x2070]  }
0xa7: {  	p3 =	sne.s32 s25, $0x9D;
	v6 =	vld [tilespmem:s1+$0x2970]  }
.Ltmp3:
0xa8: {  	_ = 	snop;
	(pc) =	sbr.rel @!p3 .LBB2_10-.Ltmp3, $3  }
0xa9: {  	_ =	sdelay $0x1  }
0xaa: {  	[tilespmem:$0x2070] =	vst v5  }
0xab: {  	s0 =	ssub.s32 s0, s1;
	[tilespmem:$0x2970] =	vst v6  }
.LBB2_2:
0xac: {  	s1 =	sand.u32 $0x1, s25  }
0xad: {  	s7 =	sor.u32 $0x6, s1  }
0xae: {  	p3 =	seq.s32 s25, $0x9C;
	_ =	swait.ge [sflag:s7], $0x800  }
.Ltmp4:
0xaf: {  	[sflag:s7] =	ssyncset.done $0x0;
	(pc) =	sbr.rel @p3 .LBB2_4-.Ltmp4, $4  }
0xb0: {  	[sflag:s7] =	ssyncadd.s32 $0xFFFFF800  }
0xb1: {  	_ =	swait.ge [sflag:s7], $0x800  }
0xb2: {  	[sflag:s7] =	ssyncset.done $0x0  }
0xb3: {  	s25 =	sadd.s32 $0x1, s25;
	[sflag:s7] =	ssyncadd.s32 $0xFFFFF800  }
0xb4: {  	s8 =	sand.u32 $0x1, s25;
	s9 =	sshll.u32 s25, $0x8  }
0xb5: {  	s7 =	sor.u32 $0x6, s8;
	s8 =	sshll.u32 s8, $0x7;
	s10 =	sadd.s32 s6, s9  }
0xb6: {  	[tilespmem:s8], [sflag:s7] =	stream.linear.gather [hbm4b:s10+s3], $0x80, $0x38;
	[tilespmem:$0x1D300] =	vst v63  }
0xb7: {  	s11 =	sadd.s32 $0x10, s10;
	s12 =	sor.u32 $0x100, s8  }
0xb8: {  	[tilespmem:s12], [sflag:s7] =	stream.linear.gather [hbm4b:s11+s3], $0x80, $0x38;
	[tilespmem:$0x1D300] =	vst v63  }
0xb9: {  	s30 =	sadd.s32 $0x20, s10;
	s31 =	sor.u32 $0x200, s8  }
0xba: {  	[tilespmem:s31], [sflag:s7] =	stream.linear.gather [hbm4b:s30+s3], $0x80, $0x38;
	[tilespmem:$0x1D300] =	vst v63  }
0xbb: {  	s13 =	sadd.s32 $0x30, s10;
	s26 =	sor.u32 $0x300, s8  }
0xbc: {  	[tilespmem:s26], [sflag:s7] =	stream.linear.gather [hbm4b:s13+s3], $0x80, $0x38;
	[tilespmem:$0x1D300] =	vst v63  }
0xbd: {  	s28 =	sadd.s32 $0x40, s10;
	s29 =	sor.u32 $0x400, s8  }
0xbe: {  	[tilespmem:s29], [sflag:s7] =	stream.linear.gather [hbm4b:s28+s3], $0x80, $0x38;
	[tilespmem:$0x1D300] =	vst v63  }
0xbf: {  	s30 =	sadd.s32 $0x50, s10;
	s31 =	sor.u32 $0x500, s8  }
0xc0: {  	[tilespmem:s31], [sflag:s7] =	stream.linear.gather [hbm4b:s30+s3], $0x80, $0x38;
	[tilespmem:$0x1D300] =	vst v63  }
0xc1: {  	s13 =	sadd.s32 $0x60, s10;
	s26 =	sor.u32 $0x600, s8  }
0xc2: {  	[tilespmem:s26], [sflag:s7] =	stream.linear.gather [hbm4b:s13+s3], $0x80, $0x38;
	[tilespmem:$0x1D300] =	vst v63  }
0xc3: {  	s28 =	sadd.s32 $0x70, s10;
	s29 =	sor.u32 $0x700, s8  }
0xc4: {  	[tilespmem:s29], [sflag:s7] =	stream.linear.gather [hbm4b:s28+s3], $0x80, $0x38;
	[tilespmem:$0x1D300] =	vst v63  }
0xc5: {  	s30 =	sadd.s32 $0x80, s10;
	s31 =	sor.u32 $0x800, s8  }
0xc6: {  	[tilespmem:s31], [sflag:s7] =	stream.linear.gather [hbm4b:s30+s3], $0x80, $0x38;
	[tilespmem:$0x1D300] =	vst v63  }
0xc7: {  	s13 =	sadd.s32 $0x90, s10;
	s26 =	sor.u32 $0x900, s8  }
0xc8: {  	[tilespmem:s26], [sflag:s7] =	stream.linear.gather [hbm4b:s13+s3], $0x80, $0x38;
	[tilespmem:$0x1D300] =	vst v63  }
0xc9: {  	s28 =	sadd.s32 $0xA0, s10;
	s29 =	sor.u32 $0xA00, s8  }
0xca: {  	[tilespmem:s29], [sflag:s7] =	stream.linear.gather [hbm4b:s28+s3], $0x80, $0x38;
	[tilespmem:$0x1D300] =	vst v63  }
0xcb: {  	s30 =	sadd.s32 $0xB0, s10;
	s31 =	sor.u32 $0xB00, s8  }
0xcc: {  	[tilespmem:s31], [sflag:s7] =	stream.linear.gather [hbm4b:s30+s3], $0x80, $0x38;
	[tilespmem:$0x1D300] =	vst v63  }
0xcd: {  	s13 =	sadd.s32 $0xC0, s10;
	s26 =	sor.u32 $0xC00, s8  }
0xce: {  	[tilespmem:s26], [sflag:s7] =	stream.linear.gather [hbm4b:s13+s3], $0x80, $0x38;
	[tilespmem:$0x1D300] =	vst v63  }
0xcf: {  	s28 =	sadd.s32 $0xD0, s10;
	s29 =	sor.u32 $0xD00, s8  }
0xd0: {  	[tilespmem:s29], [sflag:s7] =	stream.linear.gather [hbm4b:s28+s3], $0x80, $0x38;
	[tilespmem:$0x1D300] =	vst v63  }
0xd1: {  	s30 =	sadd.s32 $0xE0, s10;
	s31 =	sor.u32 $0xE00, s8  }
0xd2: {  	[tilespmem:s31], [sflag:s7] =	stream.linear.gather [hbm4b:s30+s3], $0x80, $0x38;
	[tilespmem:$0x1D300] =	vst v63  }
0xd3: {  	s10 =	sadd.s32 $0xF0, s10;
	s13 =	sor.u32 $0xF00, s8  }
0xd4: {  	[tilespmem:s13], [sflag:s7] =	stream.linear.gather [hbm4b:s10+s3], $0x80, $0x38;
	[tilespmem:$0x1D300] =	vst v63  }
0xd5: {  	s9 =	sadd.s32 s5, s9;
	s26 =	sor.u32 $0x1000, s8  }
0xd6: {  	[tilespmem:s26], [sflag:s7] =	stream.linear.gather [hbm4b:s9+s3], $0x80, $0x38;
	[tilespmem:$0x1D300] =	vst v63  }
0xd7: {  	s28 =	sadd.s32 $0x10, s9;
	s29 =	sor.u32 $0x1100, s8  }
0xd8: {  	[tilespmem:s29], [sflag:s7] =	stream.linear.gather [hbm4b:s28+s3], $0x80, $0x38;
	[tilespmem:$0x1D300] =	vst v63  }
0xd9: {  	s30 =	sadd.s32 $0x20, s9;
	s31 =	sor.u32 $0x1200, s8  }
0xda: {  	[tilespmem:s31], [sflag:s7] =	stream.linear.gather [hbm4b:s30+s3], $0x80, $0x38;
	[tilespmem:$0x1D300] =	vst v63  }
0xdb: {  	s11 =	sadd.s32 $0x30, s9;
	s12 =	sor.u32 $0x1300, s8  }
0xdc: {  	[tilespmem:s12], [sflag:s7] =	stream.linear.gather [hbm4b:s11+s3], $0x80, $0x38;
	[tilespmem:$0x1D300] =	vst v63  }
0xdd: {  	s13 =	sadd.s32 $0x40, s9;
	s26 =	sor.u32 $0x1400, s8  }
0xde: {  	[tilespmem:s26], [sflag:s7] =	stream.linear.gather [hbm4b:s13+s3], $0x80, $0x38;
	[tilespmem:$0x1D300] =	vst v63  }
0xdf: {  	s28 =	sadd.s32 $0x50, s9;
	s29 =	sor.u32 $0x1500, s8  }
0xe0: {  	[tilespmem:s29], [sflag:s7] =	stream.linear.gather [hbm4b:s28+s3], $0x80, $0x38;
	[tilespmem:$0x1D300] =	vst v63  }
0xe1: {  	s30 =	sadd.s32 $0x60, s9;
	s31 =	sor.u32 $0x1600, s8  }
0xe2: {  	[tilespmem:s31], [sflag:s7] =	stream.linear.gather [hbm4b:s30+s3], $0x80, $0x38;
	[tilespmem:$0x1D300] =	vst v63  }
0xe3: {  	s11 =	sadd.s32 $0x70, s9;
	s12 =	sor.u32 $0x1700, s8  }
0xe4: {  	[tilespmem:s12], [sflag:s7] =	stream.linear.gather [hbm4b:s11+s3], $0x80, $0x38;
	[tilespmem:$0x1D300] =	vst v63  }
0xe5: {  	s13 =	sadd.s32 $0x80, s9;
	s26 =	sor.u32 $0x1800, s8  }
0xe6: {  	[tilespmem:s26], [sflag:s7] =	stream.linear.gather [hbm4b:s13+s3], $0x80, $0x38;
	[tilespmem:$0x1D300] =	vst v63  }
0xe7: {  	s28 =	sadd.s32 $0x90, s9;
	s29 =	sor.u32 $0x1900, s8  }
0xe8: {  	[tilespmem:s29], [sflag:s7] =	stream.linear.gather [hbm4b:s28+s3], $0x80, $0x38;
	[tilespmem:$0x1D300] =	vst v63  }
0xe9: {  	s30 =	sadd.s32 $0xA0, s9;
	s31 =	sor.u32 $0x1A00, s8  }
0xea: {  	[tilespmem:s31], [sflag:s7] =	stream.linear.gather [hbm4b:s30+s3], $0x80, $0x38;
	[tilespmem:$0x1D300] =	vst v63  }
0xeb: {  	s11 =	sadd.s32 $0xB0, s9;
	s12 =	sor.u32 $0x1B00, s8  }
0xec: {  	[tilespmem:s12], [sflag:s7] =	stream.linear.gather [hbm4b:s11+s3], $0x80, $0x38;
	[tilespmem:$0x1D300] =	vst v63  }
0xed: {  	s13 =	sadd.s32 $0xC0, s9;
	s26 =	sor.u32 $0x1C00, s8  }
0xee: {  	[tilespmem:s26], [sflag:s7] =	stream.linear.gather [hbm4b:s13+s3], $0x80, $0x38;
	[tilespmem:$0x1D300] =	vst v63  }
0xef: {  	s28 =	sadd.s32 $0xD0, s9;
	s29 =	sor.u32 $0x1D00, s8  }
0xf0: {  	[tilespmem:s29], [sflag:s7] =	stream.linear.gather [hbm4b:s28+s3], $0x80, $0x38;
	[tilespmem:$0x1D300] =	vst v63  }
0xf1: {  	s30 =	sadd.s32 $0xE0, s9;
	s31 =	sor.u32 $0x1E00, s8  }
0xf2: {  	[tilespmem:s31], [sflag:s7] =	stream.linear.gather [hbm4b:s30+s3], $0x80, $0x38;
	[tilespmem:$0x1D300] =	vst v63  }
0xf3: {  	s9 =	sadd.s32 $0xF0, s9;
	s8 =	sor.u32 $0x1F00, s8  }
0xf4: {  	[tilespmem:s8], [sflag:s7] =	stream.linear.gather [hbm4b:s9+s3], $0x80, $0x38;
	[tilespmem:$0x1D300] =	vst v63  }
.LBB2_4:
0xf5: {  	s9 =	simm.s32 $0x0  }
0xf6: {  	s26 =	sshll.u32 s1, $0x7;
	s7 =	sand.u32 $0x40, s9  }
0xf7: {  	s1 =	sand.u32 $0xF00, s9;
	s8 =	sor.u32 s26, s7  }
0xf8: {  	s8 =	sor.u32 s1, s8  }
0xf9: {  	v5 =	vld [tilespmem:s8+$0x0];
	_ =	sdelay $0x3  }
0xfa: {  	v6 =	vld [tilespmem:s8+$0x1000]  }
0xfb: {  	vm0 =	vge.s32 v5, v0;
	vm1 =	vlt.s32 v5, v1  }
0xfc: {  	v7 =	vsub.s32 v5, v2;
	vm2 =	vgt.s32 v5, $0xFFFFF;
	vm0 =	vmand vm0, vm1  }
0xfd: {  	s28 =	sor.u32 $0x10, s26;
	v5 =	vsel vm2, v3, v7;
	vm0 =	vmor vm2, vm0  }
0xfe: {  	s10 =	sor.u32 s28, s7;
	v7 =	vsel vm0, $0x1, v4;
	[tilespmem:s0+$0x2000] =	vst.msk vm0, v5  }
0xff: {  	s8 =	sor.u32 s1, s10;
	[tilespmem:s0+$0x2900] =	vst.msk vm0, v6;
	(xrf0) =	vadd.scan.msk.s32 $0xffff, v7  }
0x100: {  	v5 =	vld [tilespmem:s8+$0x0];
	_ =	sdelay $0x4  }
0x101: {  	vm0 =	vge.s32 v5, v0;
	vm1 =	vlt.s32 v5, v1;
	v6, _, _ =	vpop (xrf0)  }
0x102: {  	vm2 =	vgt.s32 v5, $0xFFFFF;
	vm0 =	vmand vm0, vm1;
	(v2sf) =	vpush v6, $0xF  }
0x103: {  	vm0 =	vmor vm2, vm0  }
0x104: {  	v6 =	vsel vm0, $0x1, v4  }
0x105: {  	(xrf0) =	vadd.scan.msk.s32 $0xffff, v6;
	_ =	sdelay $0x5  }
0x106: {  	v6, _, _ =	vpop (xrf0)  }
0x107: {  	(v2sf) =	vpush v6, $0xF;
	_ =	sdelay $0x2  }
0x108: {  	v6 =	vld [tilespmem:s8+$0x1000];
	_ =	sdelay $0x1  }
0x109: {  	v5 =	vsub.s32 v5, v2;
	s11 =	spop (v2sf)  }
0x10a: {  	s29 =	sor.u32 $0x20, s26;
	v5 =	vsel vm2, v3, v5;
	s12 =	sadd.s32 s0, s11  }
0x10b: {  	s13 =	sor.u32 s29, s7;
	[tilespmem:s12+$0x2000] =	vst.msk vm0, v5  }
0x10c: {  	s8 =	sor.u32 s1, s13;
	[tilespmem:s12+$0x2900] =	vst.msk vm0, v6  }
0x10d: {  	v5 =	vld [tilespmem:s8+$0x0];
	_ =	sdelay $0x3  }
0x10e: {  	v6 =	vld [tilespmem:s8+$0x1000]  }
0x10f: {  	vm0 =	vge.s32 v5, v0;
	vm1 =	vlt.s32 v5, v1  }
0x110: {  	v7 =	vsub.s32 v5, v2;
	vm2 =	vgt.s32 v5, $0xFFFFF;
	vm0 =	vmand vm0, vm1;
	s9 =	spop (v2sf)  }
0x111: {  	s30 =	sor.u32 $0x30, s26;
	v5 =	vsel vm2, v3, v7;
	s8 =	sadd.s32 s12, s9;
	vm0 =	vmor vm2, vm0  }
0x112: {  	s10 =	sor.u32 s30, s7;
	v7 =	vsel vm0, $0x1, v4;
	[tilespmem:s8+$0x2000] =	vst.msk vm0, v5  }
0x113: {  	s0 =	sor.u32 s1, s10;
	[tilespmem:s8+$0x2900] =	vst.msk vm0, v6;
	(xrf0) =	vadd.scan.msk.s32 $0xffff, v7  }
0x114: {  	v5 =	vld [tilespmem:s0+$0x0];
	_ =	sdelay $0x4  }
0x115: {  	vm0 =	vge.s32 v5, v0;
	vm1 =	vlt.s32 v5, v1;
	v6, _, _ =	vpop (xrf0)  }
0x116: {  	vm2 =	vgt.s32 v5, $0xFFFFF;
	vm0 =	vmand vm0, vm1;
	(v2sf) =	vpush v6, $0xF  }
0x117: {  	vm0 =	vmor vm2, vm0  }
0x118: {  	v6 =	vsel vm0, $0x1, v4  }
0x119: {  	(xrf0) =	vadd.scan.msk.s32 $0xffff, v6;
	_ =	sdelay $0x5  }
0x11a: {  	v6, _, _ =	vpop (xrf0)  }
0x11b: {  	(v2sf) =	vpush v6, $0xF;
	_ =	sdelay $0x2  }
0x11c: {  	v6 =	vld [tilespmem:s0+$0x1000];
	_ =	sdelay $0x1  }
0x11d: {  	s31 =	simm.s32 $0x40;
	v5 =	vsub.s32 v5, v2;
	s11 =	spop (v2sf)  }
0x11e: {  	s12 =	sand.u32 $0x40, s31;
	v5 =	vsel vm2, v3, v5;
	s0 =	simm.s32 $0x80;
	s10 =	sadd.s32 s8, s11  }
0x11f: {  	s13 =	sor.u32 s26, s12;
	s1 =	sand.u32 $0xF00, s0;
	[tilespmem:s10+$0x2000] =	vst.msk vm0, v5  }
0x120: {  	s13 =	sor.u32 s1, s13;
	[tilespmem:s10+$0x2900] =	vst.msk vm0, v6  }
0x121: {  	v7 =	vld [tilespmem:s13+$0x0];
	_ =	sdelay $0x3  }
0x122: {  	v5 =	vld [tilespmem:s13+$0x1000]  }
0x123: {  	s7 =	simm.s32 $0x4;
	s9 =	sor.u32 s29, s12;
	vm1 =	vge.s32 v7, v0;
	vm2 =	vlt.s32 v7, v1  }
0x124: {  	s11 =	sor.u32 s28, s12;
	s8 =	sor.u32 s30, s12;
	v6 =	vsub.s32 v7, v2;
	vm0 =	vgt.s32 v7, $0xFFFFF;
	vm1 =	vmand vm1, vm2;
	s12 =	spop (v2sf)  }
.LBB2_5:
0x125: {  	s7 =	sadd.s32 $0x4, s7;
	vm1 =	vmor vm0, vm1;
	v6 =	vsel vm0, v3, v6;
	s10 =	sadd.s32 s10, s12  }
0x126: {  	p3 =	slt.u32 s7, $0x7C;
	v7 =	vsel vm1, $0x1, v4;
	[tilespmem:s10+$0x2000] =	vst.msk vm1, v6  }
0x127: {  	s11 =	sor.u32 s1, s11;
	[tilespmem:s10+$0x2900] =	vst.msk vm1, v5;
	(xrf0) =	vadd.scan.msk.s32 $0xffff, v7  }
0x128: {  	v5 =	vld [tilespmem:s11+$0x0];
	_ =	sdelay $0x4  }
0x129: {  	vm0 =	vge.s32 v5, v0;
	vm1 =	vlt.s32 v5, v1;
	v6, _, _ =	vpop (xrf0)  }
0x12a: {  	vm2 =	vgt.s32 v5, $0xFFFFF;
	vm0 =	vmand vm0, vm1;
	(v2sf) =	vpush v6, $0xF  }
0x12b: {  	vm0 =	vmor vm2, vm0  }
0x12c: {  	v6 =	vsel vm0, $0x1, v4  }
0x12d: {  	(xrf0) =	vadd.scan.msk.s32 $0xffff, v6;
	_ =	sdelay $0x5  }
0x12e: {  	v6, _, _ =	vpop (xrf0)  }
0x12f: {  	(v2sf) =	vpush v6, $0xF;
	_ =	sdelay $0x2  }
0x130: {  	v6 =	vld [tilespmem:s11+$0x1000];
	_ =	sdelay $0x1  }
0x131: {  	v5 =	vsub.s32 v5, v2;
	s11 =	spop (v2sf)  }
0x132: {  	v5 =	vsel vm2, v3, v5;
	s10 =	sadd.s32 s10, s11  }
0x133: {  	[tilespmem:s10+$0x2000] =	vst.msk vm0, v5  }
0x134: {  	s9 =	sor.u32 s1, s9;
	[tilespmem:s10+$0x2900] =	vst.msk vm0, v6  }
0x135: {  	v5 =	vld [tilespmem:s9+$0x0];
	_ =	sdelay $0x3  }
0x136: {  	v6 =	vld [tilespmem:s9+$0x1000]  }
0x137: {  	vm0 =	vge.s32 v5, v0;
	vm1 =	vlt.s32 v5, v1;
	v7 =	vsub.s32 v5, v2  }
0x138: {  	vm2 =	vgt.s32 v5, $0xFFFFF;
	vm0 =	vmand vm0, vm1;
	s9 =	spop (v2sf)  }
0x139: {  	v5 =	vsel vm2, v3, v7;
	s9 =	sadd.s32 s10, s9;
	vm0 =	vmor vm2, vm0  }
0x13a: {  	v7 =	vsel vm0, $0x1, v4;
	[tilespmem:s9+$0x2000] =	vst.msk vm0, v5  }
0x13b: {  	s1 =	sor.u32 s1, s8;
	[tilespmem:s9+$0x2900] =	vst.msk vm0, v6;
	(xrf0) =	vadd.scan.msk.s32 $0xffff, v7  }
0x13c: {  	v5 =	vld [tilespmem:s1+$0x0]  }
0x13d: {  	v6 =	vld [tilespmem:s1+$0x1000];
	_ =	sdelay $0x3  }
0x13e: {  	vm0 =	vge.s32 v5, v0;
	vm1 =	vlt.s32 v5, v1;
	v7, _, _ =	vpop (xrf0)  }
0x13f: {  	vm2 =	vgt.s32 v5, $0xFFFFF;
	vm0 =	vmand vm0, vm1;
	(v2sf) =	vpush v7, $0xF  }
0x140: {  	vm0 =	vmor vm2, vm0  }
0x141: {  	v7 =	vsel vm0, $0x1, v4  }
0x142: {  	(xrf0) =	vadd.scan.msk.s32 $0xffff, v7;
	_ =	sdelay $0x5  }
0x143: {  	v7, _, _ =	vpop (xrf0)  }
0x144: {  	(v2sf) =	vpush v7, $0xF;
	_ =	sdelay $0x4  }
0x145: {  	s0 =	sadd.s32 $0x80, s0;
	s31 =	sadd.s32 $0x40, s31;
	v5 =	vsub.s32 v5, v2;
	s8 =	spop (v2sf)  }
0x146: {  	s12 =	sand.u32 $0x40, s31;
	s1 =	sand.u32 $0xF00, s0;
	v5 =	vsel vm2, v3, v5;
	s10 =	sadd.s32 s9, s8  }
0x147: {  	s11 =	sor.u32 s28, s12;
	s8 =	sor.u32 s26, s12;
	s9 =	sor.u32 s29, s12;
	[tilespmem:s10+$0x2000] =	vst.msk vm0, v5  }
0x148: {  	s13 =	sor.u32 s1, s8;
	s8 =	sor.u32 s30, s12;
	[tilespmem:s10+$0x2900] =	vst.msk vm0, v6  }
0x149: {  	v7 =	vld [tilespmem:s13+$0x0];
	_ =	sdelay $0x1  }
.Ltmp5:
0x14a: {  	(pc) =	sbr.rel @p3 .LBB2_5-.Ltmp5, $4  }
0x14b: {  	_ = 	snop  }
0x14c: {  	v5 =	vld [tilespmem:s13+$0x1000]  }
0x14d: {  	vm1 =	vge.s32 v7, v0;
	vm2 =	vlt.s32 v7, v1;
	v6 =	vsub.s32 v7, v2  }
0x14e: {  	vm0 =	vgt.s32 v7, $0xFFFFF;
	vm1 =	vmand vm1, vm2;
	s12 =	spop (v2sf)  }
0x14f: {  	vm1 =	vmor vm0, vm1;
	v6 =	vsel vm0, v3, v6;
	s0 =	sadd.s32 s10, s12  }
0x150: {  	v7 =	vsel vm1, $0x1, v4;
	[tilespmem:s0+$0x2000] =	vst.msk vm1, v6  }
0x151: {  	s7 =	sor.u32 s1, s11;
	[tilespmem:s0+$0x2900] =	vst.msk vm1, v5;
	(xrf0) =	vadd.scan.msk.s32 $0xffff, v7  }
0x152: {  	v5 =	vld [tilespmem:s7+$0x0];
	_ =	sdelay $0x4  }
0x153: {  	vm8 =	vge.s32 v5, v0;
	vm9 =	vlt.s32 v5, v1;
	v6, _, _ =	vpop (xrf0)  }
0x154: {  	vm2 =	vgt.s32 v5, $0xFFFFF;
	vm0 =	vmand vm8, vm9;
	(v2sf) =	vpush v6, $0xF  }
0x155: {  	vm0 =	vmor vm2, vm0  }
0x156: {  	v6 =	vsel vm0, $0x1, v4  }
0x157: {  	(xrf0) =	vadd.scan.msk.s32 $0xffff, v6;
	_ =	sdelay $0x5  }
0x158: {  	v6, _, _ =	vpop (xrf0)  }
0x159: {  	(v2sf) =	vpush v6, $0xF;
	_ =	sdelay $0x2  }
0x15a: {  	v6 =	vld [tilespmem:s7+$0x1000];
	_ =	sdelay $0x1  }
0x15b: {  	v5 =	vsub.s32 v5, v2;
	s13 =	spop (v2sf)  }
0x15c: {  	v5 =	vsel vm2, v3, v5;
	s0 =	sadd.s32 s0, s13  }
0x15d: {  	[tilespmem:s0+$0x2000] =	vst.msk vm0, v5  }
0x15e: {  	s26 =	sor.u32 s1, s9;
	[tilespmem:s0+$0x2900] =	vst.msk vm0, v6  }
0x15f: {  	v5 =	vld [tilespmem:s26+$0x0];
	_ =	sdelay $0x3  }
0x160: {  	v6 =	vld [tilespmem:s26+$0x1000]  }
0x161: {  	vm10 =	vge.s32 v5, v0;
	vm11 =	vlt.s32 v5, v1  }
0x162: {  	v7 =	vsub.s32 v5, v2;
	vm12 =	vgt.s32 v5, $0xFFFFF;
	vm0 =	vmand vm10, vm11;
	s28 =	spop (v2sf)  }
0x163: {  	v5 =	vsel vm12, v3, v7;
	s0 =	sadd.s32 s0, s28;
	vm0 =	vmor vm12, vm0  }
0x164: {  	[tilespmem:s0+$0x2000] =	vst.msk vm0, v5  }
0x165: {  	s29 =	sor.u32 s1, s8;
	[tilespmem:s0+$0x2900] =	vst.msk vm0, v6  }
0x166: {  	v5 =	vld [tilespmem:s29+$0x0];
	_ =	sdelay $0x4  }
0x167: {  	vm13 =	vge.s32 v5, v0;
	vm14 =	vlt.s32 v5, v1  }
0x168: {  	v6 =	vsel vm0, $0x1, v4;
	vm15 =	vgt.s32 v5, $0xFFFFF;
	vm1 =	vmand vm13, vm14  }
0x169: {  	(xrf0) =	vadd.scan.msk.s32 $0xffff, v6;
	vm1 =	vmor vm15, vm1  }
0x16a: {  	v6 =	vsel vm1, $0x1, v4  }
0x16b: {  	(xrf0) =	vadd.scan.msk.s32 $0xffff, v6;
	_ =	sdelay $0x3  }
0x16c: {  	v6, _, _ =	vpop (xrf0)  }
0x16d: {  	(v2sf) =	vpush v6, $0xF  }
0x16e: {  	v6, _, _ =	vpop (xrf0)  }
0x16f: {  	(v2sf) =	vpush v6, $0xF;
	_ =	sdelay $0xa  }
0x170: {  	v6 =	vld [tilespmem:s29+$0x1000];
	_ =	sdelay $0x1  }
0x171: {  	v5 =	vsub.s32 v5, v2;
	s30 =	spop (v2sf)  }
0x172: {  	v5 =	vsel vm15, v3, v5;
	s0 =	sadd.s32 s0, s30  }
0x173: {  	[tilespmem:s0+$0x2000] =	vst.msk vm1, v5;
	s31 =	spop (v2sf)  }
0x174: {  	[tilespmem:s0+$0x2900] =	vst.msk vm1, v6;
	s0 =	sadd.s32 s0, s31  }
0x175: {  	p3 =	slt.s32 s0, $0x80  }
.Ltmp6:
0x176: {  	_ = 	snop;
	(pc) =	sbr.rel @p3 .LBB2_9-.Ltmp6, $2  }
0x177: {  	_ =	sdelay $0x2  }
0x178: {  	s1 =	simm.s32 $0x0  }
0x179: {  	s7 =	simm.s32 $0x2940;
	s8 =	simm.s32 $0x2040  }
.LBB2_8:
0x17a: {  	p3 =	slt.s32 s24, $0x4  }
0x17b: {  	s9 =	simm.s32 @!p3 $0x5  }
0x17c: {  	_ =	swait.ge @!p3 [sflag:s9], $0x4000  }
0x17d: {  	[sflag:s9] =	ssyncset.done @!p3 $0x0  }
0x17e: {  	[sflag:s9] =	ssyncadd.s32 @!p3 $0xFFFFC000  }
0x17f: {  	v5 =	vld [tilespmem:s8+$0xFFFFFFC0];
	_ =	sdelay $0x2  }
0x180: {  	s30 =	sand.u32 $0x3, s24  }
0x181: {  	s10 =	sshll.u32 s30, $0x7  }
0x182: {  	[tilespmem:s10+$0x3200] =	vst v5  }
0x183: {  	v5 =	vld [tilespmem:s7+$0xFFFFFFC0];
	_ =	sdelay $0x4  }
0x184: {  	[tilespmem:s10+$0x3400] =	vst v5  }
0x185: {  	v5 =	vld [tilespmem:s8+$0xFFFFFFD0];
	_ =	sdelay $0x4  }
0x186: {  	[tilespmem:s10+$0x3210] =	vst v5  }
0x187: {  	v5 =	vld [tilespmem:s7+$0xFFFFFFD0];
	_ =	sdelay $0x4  }
0x188: {  	[tilespmem:s10+$0x3410] =	vst v5  }
0x189: {  	v5 =	vld [tilespmem:s8+$0xFFFFFFE0];
	_ =	sdelay $0x4  }
0x18a: {  	[tilespmem:s10+$0x3220] =	vst v5  }
0x18b: {  	v5 =	vld [tilespmem:s7+$0xFFFFFFE0];
	_ =	sdelay $0x4  }
0x18c: {  	[tilespmem:s10+$0x3420] =	vst v5  }
0x18d: {  	v5 =	vld [tilespmem:s8+$0xFFFFFFF0];
	_ =	sdelay $0x4  }
0x18e: {  	[tilespmem:s10+$0x3230] =	vst v5  }
0x18f: {  	v5 =	vld [tilespmem:s7+$0xFFFFFFF0];
	_ =	sdelay $0x4  }
0x190: {  	[tilespmem:s10+$0x3430] =	vst v5  }
0x191: {  	v5 =	vld [tilespmem:s8+$0x0];
	_ =	sdelay $0x4  }
0x192: {  	[tilespmem:s10+$0x3240] =	vst v5  }
0x193: {  	v5 =	vld [tilespmem:s7+$0x0];
	_ =	sdelay $0x4  }
0x194: {  	[tilespmem:s10+$0x3440] =	vst v5  }
0x195: {  	v5 =	vld [tilespmem:s8+$0x10];
	_ =	sdelay $0x4  }
0x196: {  	[tilespmem:s10+$0x3250] =	vst v5  }
0x197: {  	v5 =	vld [tilespmem:s7+$0x10];
	_ =	sdelay $0x4  }
0x198: {  	[tilespmem:s10+$0x3450] =	vst v5  }
0x199: {  	v5 =	vld [tilespmem:s8+$0x20];
	_ =	sdelay $0x4  }
0x19a: {  	[tilespmem:s10+$0x3260] =	vst v5  }
0x19b: {  	v5 =	vld [tilespmem:s7+$0x20];
	_ =	sdelay $0x4  }
0x19c: {  	[tilespmem:s10+$0x3460] =	vst v5  }
0x19d: {  	v5 =	vld [tilespmem:s8+$0x30];
	_ =	sdelay $0x4  }
0x19e: {  	[tilespmem:s10+$0x3270] =	vst v5  }
0x19f: {  	v5 =	vld [tilespmem:s7+$0x30];
	_ =	sdelay $0x2  }
0x1a0: {  	s11 =	sshll.u32 s30, $0xE  }
0x1a1: {  	s11 =	sor.u32 $0x3600, s11  }
0x1a2: {  	s9 =	sadd.s32 $0x1, s30;
	p3 =	slt.s32 s24, $0x1;
	[tilespmem:s10+$0x3470] =	vst v5;
	s10 =	sor.u32 $0x3400, s10  }
0x1a3: {  	[tilespmem:s11], [sflag:s9] =	stream.indirect.gather [hbm4b:s4+s19], $0x80, s10, s19, $0xb8;
	[tilespmem:$0x1D300] =	vst v63  }
0x1a4: {  	s9 =	sadd.s32 @!p3 $0xFFFFFFFF, s24  }
0x1a5: {  	s9 =	sand.u32 @!p3 $0x3, s9  }
0x1a6: {  	s10 =	sadd.s32 @!p3 $0x1, s9  }
0x1a7: {  	s31 =	sadd.s32 $0x100, s1;
	s11 =	sshll.u32 @!p3 s9, $0xE;
	_ =	swait.ge @!p3 [sflag:s10], $0x4000  }
0x1a8: {  	s9 =	sshll.u32 @!p3 s9, $0x7;
	s11 =	sor.u32 @!p3 $0x3600, s11;
	[sflag:s10] =	ssyncset.done @!p3 $0x0  }
0x1a9: {  	s9 =	sor.u32 @!p3 $0x3200, s9;
	[sflag:s10] =	ssyncadd.s32 @!p3 $0xFFFFC000;
	s10 =	simm.s32 @!p3 $0x80  }
0x1aa: {  	[spmem:s2] =	stream.indirect.scatter.add.f32 @!p3 [tilespmem:s11], [sflag:$0x5], $0x80, s9, s10, $0xb8;
	[tilespmem:$0x1D300] =	vst v63  }
0x1ab: {  	p3 =	sle.s32 s31, s0  }
.Ltmp7:
0x1ac: {  	_ = 	snop;
	(pc) =	sbr.rel @p3 .LBB2_8-.Ltmp7, $3  }
0x1ad: {  	_ =	sdelay $0x1  }
0x1ae: {  	s1 =	sadd.s32 $0x80, s1  }
0x1af: {  	s8 =	sadd.s32 $0x80, s8;
	s7 =	sadd.s32 $0x80, s7;
	s24 =	sadd.s32 $0x1, s24  }
.Ltmp8:
0x1b0: {  	_ = 	snop;
	(pc) =	sbr.rel .LBB2_9-.Ltmp8, $1  }
0x1b1: {  	_ =	sdelay $0x3  }
.LBB2_10:
0x1b2: {  	p3 =	slt.s32 s24, $0x1  }
.Ltmp9:
0x1b3: {  	_ = 	snop;
	(pc) =	sbr.rel @p3 .LBB2_14-.Ltmp9, $1  }
0x1b4: {  	_ =	sdelay $0x3  }
0x1b5: {  	s0 =	sadd.s32 $0xFFFFFFFF, s24  }
0x1b6: {  	s0 =	sand.u32 $0x3, s0  }
0x1b7: {  	s31 =	smin.u32 s24, $0x4;
	s1 =	sadd.s32 $0x1, s0  }
0x1b8: {  	p3 =	sne.s32 s31, $0x1;
	s7 =	sshll.u32 s0, $0xE;
	_ =	swait.ge [sflag:s1], $0x4000  }
.Ltmp10:
0x1b9: {  	s0 =	sshll.u32 s0, $0x7;
	[sflag:s1] =	ssyncset.done $0x0;
	(pc) =	sbr.rel @!p3 .LBB2_13-.Ltmp10, $4  }
0x1ba: {  	s7 =	sor.u32 $0x3600, s7;
	s0 =	sor.u32 $0x3200, s0;
	[sflag:s1] =	ssyncadd.s32 $0xFFFFC000  }
0x1bb: {  	[spmem:s2] =	stream.indirect.scatter.add.f32 [tilespmem:s7], [sflag:$0x5], $0x80, s0, s19, $0xb8;
	[tilespmem:$0x1D300] =	vst v63  }
0x1bc: {  	_ =	swait.ge [sflag:s20], $0x4000  }
0x1bd: {  	s0 =	sadd.s32 $0xFFFFFFFF, s31;
	[sflag:s20] =	ssyncset.done $0x0  }
.LBB2_12:
0x1be: {  	p3 =	sne.s32 s0, $0x1;
	s0 =	sadd.s32 $0xFFFFFFFF, s0;
	[sflag:s20] =	ssyncadd.s32 $0xFFFFC000  }
.Ltmp11:
0x1bf: {  	(pc) =	sbr.rel @p3 .LBB2_12-.Ltmp11, $3  }
0x1c0: {  	_ =	sdelay $0x1  }
0x1c1: {  	_ =	swait.ge [sflag:s20], $0x4000  }
0x1c2: {  	[sflag:s20] =	ssyncset.done $0x0  }
.Ltmp12:
0x1c3: {  	_ = 	snop;
	(pc) =	sbr.rel .LBB2_13-.Ltmp12, $1  }
0x1c4: {  	_ =	sdelay $0x3  }
.LBB2_15:
0x1c5: {  	_ =	sfence.sel $0x180000  }
0x1c6: {  	[bflag:$0x0] =	sbarrier.arrive $0xFFFF  }
0x1c7: {  	_ =	strace $0x9000004D  }
0x1c8: {  	s0 =	stileid.u32;
	[bflag:$0x2] =	sbarrier.arrive $0xFFFF  }
0x1c9: {  	p0 =	sne.s32 s0, $0x0;
	s0 =	rddreg [dreg:$0x2]  }
0x1ca: {  	s0 =	sadd.s32 @!p0 $0x100000, s0  }
0x1cb: {  	[sflag:s0] =	ssyncadd.tile.s32 @!p0 $0x1;
	_ =	shalt  }
.Lfunc_end2:
_tile_overlayer_lowered:
.L_overlay_start_2:
0x1cc: {  	(tag) =	ssettag $0x2  }
0x1cd: {  	s0 =	rddreg [dreg:$0x0];
	s2 =	stileid.u32  }
0x1ce: {  	s1 =	rddreg [dreg:$0x1];
	p0 =	sne.s32 s2, $0x0  }
0x1cf: {  	s3 =	rddreg [dreg:$0x2];
	[bflag:$0x3] =	sbarrier.arrive $0xFFFF;
	s2 =	simm.s32 @!p0 $0x1C08  }
0x1d0: {  	[timem:s3], [sflag:s2] =	dma.local @!p0 [hbm:s0], s1  }
0x1d1: {  	s0 =	simm.s32 @!p0 $0x8  }
0x1d2: {  	_ =	swait.ge @!p0 [sflag:s0], s1  }
0x1d3: {  	s1 =	ssub.s32 @!p0 $0x0, s1;
	[sflag:s0] =	ssyncset.done @!p0 $0x0  }
0x1d4: {  	[sflag:s0] =	ssyncadd.s32 @!p0 s1  }
0x1d5: {  	[bflag:$0x3] =	sbarrier.arrive $0xFFFF  }
0x1d6: {  	_ =	shalt  }

// kernel: kernel.9.cloned.1.call-start
scs
__scs_entry_jumppad:
0x0: {  	(pc) =	sbr.rel $0x88, $3  }
0x1: {  	(tag) =	ssettag $0x0;
	lr =	simm.s32 $0x1  }
0x2: {  	[smem:$0x3F92] =	sst lr;
	_ =	strace $0xD0000000  }
0x3: {  	_ = 	snop  }
0x4: {  	_ = 	snop  }
0x5: {  	_ = 	snop  }
0x6: {  	_ = 	snop  }
0x7: {  	_ = 	snop  }
__scs_overlays_trampoline_lowered:
0x8: {  	[smem:$0x3FA1] =	sst s0  }
0x9: {  	[smem:$0x3FA2] =	sst s1  }
0xa: {  	[smem:$0x3FA3] =	sst s2  }
0xb: {  	[smem:$0x3FA4] =	sst s3  }
0xc: {  	[smem:$0x3FA5] =	sst s4  }
0xd: {  	[smem:$0x3FA6] =	sst s5  }
0xe: {  	[smem:$0x3FA7] =	sst s6  }
0xf: {  	[smem:$0x3FA8] =	sst s7  }
0x10: {  	[smem:$0x3FA9] =	sst s8  }
0x11: {  	[smem:$0x3FAA] =	sst s9;
	s0 =	simm.s32 @!p0 $0x0  }
0x12: {  	s1 =	sld [smem:$0x3F90];
	s0 =	simm.s32 @p0 $0x1  }
0x13: {  	[smem:$0x3FAB] =	sst s0;
	s0 =	simm.s32 @!p1 $0x0  }
0x14: {  	s2 =	sld [smem:$0x3F8F];
	s0 =	simm.s32 @p1 $0x1  }
0x15: {  	[smem:$0x3FAC] =	sst s0;
	s0 =	simm.s32 @!p2 $0x0  }
0x16: {  	s3 =	sld [smem:$0x3FDB];
	s0 =	simm.s32 @p2 $0x1  }
0x17: {  	s4 =	simm.s32 $0x1BF5;
	[smem:$0x3FAE] =	sst s0  }
0x18: {  	s0 =	sld [smem:$0x3F91];
	_ =	swait.ge [sflag:s4], $0x0  }
0x19: {  	s7 =	sld [smem:$0x3F92]  }
0x1a: {  	s8 =	sadd.s32 $0xFFFFE003, lr  }
0x1b: {  	s9 =	sadd.s32 $0xFFFFFEF7, lr;
	s5 =	simm.s32 $0xFFFFFFFF;
	p2 =	slt.u32 s8, $0xFFFFF086  }
0x1c: {  	p1 =	slt.u32 s9, $0xF7A;
	s5 =	simm.s32 @!p2 $0x0  }
0x1d: {  	s5 =	simm.s32 @p1 $0x1;
	p0 =	seq.s32 s7, s2  }
0x1e: {  	s7 =	smul.u32 @!p0 $0xF7A, s2;
	p2 =	seq.s32 @!p0 s5, $0x0  }
0x1f: {  	s9 =	smul.u32 $0xF7A, s1;
	s8 =	simm.s32 @!p0 $0x1BF5;
	p2 =	por !p2, p0  }
0x20: {  	[sflag:s8] =	ssyncset.s32 @!p0 $0xFFFFF086;
	s6 =	sadd.s32 @!p0 s3, s7;
	s7 =	simm.s32 @!p0 $0x108  }
0x21: {  	s3 =	sadd.s32 s3, s9;
	s6 =	sadd.s32 @!p0 $0x88, s6;
	s7 =	simm.s32 @p2 $0x1082  }
0x22: {  	[simem:s7], [sflag:s8] =	dma.local @!p0 [hbm:s6], $0xF7A  }
0x23: {  	s9 =	sor.u32 $0xD0000000, s2;
	s6 =	simm.s32 $0x108;
	_ =	swait.ge @!p0 [sflag:s8], $0x0  }
0x24: {  	s3 =	sadd.s32 $0x88, s3;
	s6 =	simm.s32 @!p1 $0x1082;
	[sflag:s4] =	ssyncset.s32 $0xFFFFF086  }
0x25: {  	[simem:s6], [sflag:s4] =	dma.local [hbm:s3], $0xF7A  }
0x26: {  	[smem:$0x3F92] =	sst s1;
	(tag) =	ssettag s2;
	_ =	strace s9  }
0x27: {  	s1 =	sld [smem:$0x3FA2]  }
0x28: {  	s2 =	sld [smem:$0x3FA3]  }
0x29: {  	s4 =	sld [smem:$0x3FA5]  }
0x2a: {  	p0 =	seq.s32 s5, $0x0;
	s5 =	sld [smem:$0x3FA6]  }
0x2b: {  	s6 =	sld [smem:$0x3FA7]  }
0x2c: {  	s7 =	sld [smem:$0x3FA8]  }
0x2d: {  	s3 =	simm.s32 $0x108;
	s8 =	sld [smem:$0x3FA9]  }
0x2e: {  	s3 =	simm.s32 @!p0 $0x1082;
	s9 =	sld [smem:$0x3FAA]  }
0x2f: {  	lr =	sadd.s32 s0, s3;
	s0 =	sld [smem:$0x3FA1]  }
0x30: {  	s3 =	sld [smem:$0x3FA4]  }
0x31: {  	[smem:$0x3FAD] =	sst s10  }
0x32: {  	s10 =	sld [smem:$0x3FAB];
	_ =	sdelay $0x3  }
0x33: {  	p0 =	seq.s32 s10, $0x1;
	s10 =	sld [smem:$0x3FAD];
	_ =	sdelay $0x3  }
0x34: {  	[smem:$0x3FAD] =	sst s10  }
0x35: {  	s10 =	sld [smem:$0x3FAC];
	_ =	sdelay $0x3  }
0x36: {  	p1 =	seq.s32 s10, $0x1;
	s10 =	sld [smem:$0x3FAD];
	_ =	sdelay $0x3  }
0x37: {  	[smem:$0x3FAD] =	sst s10  }
0x38: {  	s10 =	sld [smem:$0x3FAE]  }
0x39: {  	_ = 	snop;
	(pc) =	sbr.ind lr, $3  }
0x3a: {  	_ = 	snop  }
0x3b: {  	_ = 	snop  }
0x3c: {  	p2 =	seq.s32 s10, $0x1;
	s10 =	sld [smem:$0x3FAD]  }
0x3d: {  	_ =	shalt  }
0x3e: {  	_ =	shalt  }
0x3f: {  	_ =	shalt  }
0x40: {  	_ =	shalt  }
0x41: {  	_ =	shalt  }
0x42: {  	_ =	shalt  }
0x43: {  	_ =	shalt  }
0x44: {  	_ =	shalt  }
0x45: {  	_ =	shalt  }
0x46: {  	_ =	shalt  }
0x47: {  	_ =	shalt  }
0x48: {  	_ =	shalt  }
0x49: {  	_ =	shalt  }
0x4a: {  	_ =	shalt  }
0x4b: {  	_ =	shalt  }
0x4c: {  	_ =	shalt  }
0x4d: {  	_ =	shalt  }
0x4e: {  	_ =	shalt  }
0x4f: {  	_ =	shalt  }
0x50: {  	_ =	shalt  }
0x51: {  	_ =	shalt  }
0x52: {  	_ =	shalt  }
0x53: {  	_ =	shalt  }
0x54: {  	_ =	shalt  }
0x55: {  	_ =	shalt  }
0x56: {  	_ =	shalt  }
0x57: {  	_ =	shalt  }
0x58: {  	_ =	shalt  }
0x59: {  	_ =	shalt  }
0x5a: {  	_ =	shalt  }
0x5b: {  	_ =	shalt  }
0x5c: {  	_ =	shalt  }
0x5d: {  	_ =	shalt  }
0x5e: {  	_ =	shalt  }
0x5f: {  	_ =	shalt  }
0x60: {  	_ =	shalt  }
0x61: {  	_ =	shalt  }
0x62: {  	_ =	shalt  }
0x63: {  	_ =	shalt  }
0x64: {  	_ =	shalt  }
0x65: {  	_ =	shalt  }
0x66: {  	_ =	shalt  }
0x67: {  	_ =	shalt  }
0x68: {  	_ =	shalt  }
0x69: {  	_ =	shalt  }
0x6a: {  	_ =	shalt  }
0x6b: {  	_ =	shalt  }
0x6c: {  	_ =	shalt  }
0x6d: {  	_ =	shalt  }
0x6e: {  	_ =	shalt  }
0x6f: {  	_ =	shalt  }
0x70: {  	_ =	shalt  }
0x71: {  	_ =	shalt  }
0x72: {  	_ =	shalt  }
0x73: {  	_ =	shalt  }
0x74: {  	_ =	shalt  }
0x75: {  	_ =	shalt  }
0x76: {  	_ =	shalt  }
0x77: {  	_ =	shalt  }
0x78: {  	_ =	shalt  }
0x79: {  	_ =	shalt  }
0x7a: {  	_ =	shalt  }
0x7b: {  	_ =	shalt  }
0x7c: {  	_ =	shalt  }
0x7d: {  	_ =	shalt  }
0x7e: {  	_ =	shalt  }
0x7f: {  	_ =	shalt  }
0x80: {  	_ =	shalt  }
0x81: {  	_ =	shalt  }
0x82: {  	_ =	shalt  }
0x83: {  	_ =	shalt  }
0x84: {  	_ =	shalt  }
0x85: {  	_ =	shalt  }
0x86: {  	_ =	shalt  }
0x87: {  	_ =	shalt  }
.Lfunc_end0:
.L_simem_size_0:
called_computation_lowered:
.L_overlay_start_0:
0x88: {  	s2 =	sld [smem:$0x3FD9]  }
0x89: {  	s3 =	sld [smem:$0x3FFE];
	_ =	sdelay $0x1  }
0x8a: {  	s1 =	srdreg.scid  }
0x8b: {  	s0 =	sand.u32 $0x1, s1  }
0x8c: {  	s17 =	sshll.u32 s0, $0xA;
	s2 =	sadd.s32 s3, s2  }
0x8d: {  	s2 =	sadd.s32 s2, s17  }
0x8e: {  	[smem:$0x3FB9] =	sst s2  }
0x8f: {  	_ = 	snop  }
0x90: {  	s2 =	sld [smem:$0x3FC9];
	(tm) =	ssettm $0x1  }
0x91: {  	s18 =	sld [smem:$0x3FFB];
	_ =	sdelay $0x3  }
0x92: {  	_ =	strace s18  }
0x93: {  	s3 =	sld [smem:$0x3FFC];
	_ =	sdelay $0x3  }
0x94: {  	_ =	strace s3  }
0x95: {  	s3 =	sld [smem:$0x3FFD];
	_ =	sdelay $0x3  }
0x96: {  	_ =	strace s3  }
0x97: {  	_ =	strace $0x8FFFFFFF  }
0x98: {  	s19 =	sld [smem:$0x3FDB];
	_ =	sdelay $0x1  }
0x99: {  	s4 =	simm.s32 $_scs_section_size  }
0x9a: {  	s5 =	simm.s32 $_size__tile_overlayer_lowered;
	s6 =	simm.s32 $_tile_overlayer_lowered  }
0x9b: {  	s22 =	simm.s32 $0x1BFF;
	s21 =	sshll.u32 s6, $0x1;
	s3 =	sadd.s32 s4, s19  }
0x9c: {  	s7 =	simm.s32 $0x0;
	s20 =	sshll.u32 s5, $0x1;
	s5 =	sadd.s32 s21, s3  }
0x9d: {  	[timem:s7], [sflag:s22] =	dma.local [hbm:s5], s20  }
0x9e: {  	_ =	swait.ge [sflag:s22], s20  }
0x9f: {  	s4 =	ssub.s32 $0x0, s20;
	[sflag:s22] =	ssyncset.done $0x0  }
0xa0: {  	[sflag:s22] =	ssyncadd.s32 s4;
	_ =	sdelay $0x1  }
0xa1: {  	s23 =	simm.s32 $0x1B8B  }
0xa2: {  	_ =	swait.ge [sflag:s23], $0x1  }
0xa3: {  	[sflag:s23] =	ssyncset.done $0x0  }
0xa4: {  	s25 =	simm.s32 $0x1B8E;
	s24 =	sld [smem:$0x3FFE];
	[sflag:s23] =	ssyncadd.s32 $0xFFFFFFFF  }
0xa5: {  	s26 =	simm.s32 $execute0_lowered;
	[smem:$0x3FD2] =	sst s25  }
0xa6: {  	s5 =	sshll.u32 s26, $0x1;
	_ =	strace $0x80000046;
	[dreg:$0x1] =	wrdreg $0xFFFFFFFF  }
0xa7: {  	s28 =	simm.s32 $_size_execute0_lowered;
	s3 =	sadd.s32 s3, s5;
	[dreg:$0x0] =	wrdreg $0x0  }
0xa8: {  	s5 =	sshll.u32 s28, $0x1;
	[dreg:$0x2] =	wrdreg s3  }
0xa9: {  	[dreg:$0x3] =	wrdreg s5  }
0xaa: {  	[dreg:$0x4] =	wrdreg $0xC0  }
0xab: {  	_ =	task [dreg:s7], $0x5FFFF  }
0xac: {  	[dreg:$0x1] =	wrdreg $0xFFFFFFFF  }
0xad: {  	[dreg:$0x0] =	wrdreg $0x60  }
0xae: {  	[dreg:$0x2] =	wrdreg s2  }
0xaf: {  	[dreg:$0x3] =	wrdreg s24  }
0xb0: {  	[dreg:$0x4] =	wrdreg $0x136000  }
0xb1: {  	[dreg:$0x5] =	wrdreg $0x9  }
0xb2: {  	_ =	task.clear_ibuf [dreg:s7], $0x6FFFF;
	_ =	strace $0x90000046  }
0xb3: {  	s29 =	simm.s32 $0x9;
	_ =	strace $0x80000048  }
0xb4: {  	_ =	swait.ge [sflag:s29], $0x1  }
0xb5: {  	[sflag:s29] =	ssyncadd.s32 $0xFFFFFFFF  }
0xb6: {  	_ =	strace $0x90000048  }
0xb7: {  	_ =	sfence  }
0xb8: {  	s30 =	sld [smem:$0x0];
	_ =	sdelay $0x2  }
0xb9: {  	s31 =	sshll.u32 s1, $0xD;
	s1 =	sshrl.u32 s1, $0x2  }
0xba: {  	s3 =	sand.u32 $0x4000, s31;
	s1 =	sadd.s32 s1, s30  }
0xbb: {  	s0 =	sor.u32 s3, s0;
	s1 =	sshll.u32 s1, $0x11  }
0xbc: {  	s0 =	sor.u32 s1, s0  }
0xbd: {  	s0 =	sadd.s32 $0x8F2B, s0  }
0xbe: {  	[sflag:s0] =	ssyncadd.remote.s32 $0x1  }
0xbf: {  	_ =	sfence.sel $0xFFFF  }
0xc0: {  	[dreg:$0x0] =	wrdreg $0xFFFFFFFF;
	(pc) =	sbr.abs _section_cstart, $3  }
0xc1: {  	[dreg:$0x1] =	wrdreg $0xFFFFFFFF  }
0xc2: {  	_ =	task.clear_ibuf [dreg:s7], $0x2FFFF;
	_ =	strace $0x9FFFFFFF  }
0xc3: {  	(tm) =	ssettm $0x7FFFFFFF  }
tec
execute0_lowered:
.L_overlay_start_1:
0x0: {  	(tag) =	ssettag $0x1  }
0x1: {  	s2 =	rddreg [dreg:$0x0]  }
0x2: {  	s9 =	rddreg [dreg:$0x1]  }
0x3: {  	s3 =	rddreg [dreg:$0x2];
	s4 =	simm.s32 $0x0  }
0x4: {  	[smem:$0x7FF] =	sst s4;
	s20 =	sadd.s32 $0x29A00, s9  }
0x5: {  	s22 =	sadd.s32 $0x3D400, s9;
	_ =	strace $0x80000047;
	[dreg:$0x6] =	wrdreg s20  }
0x6: {  	s16 =	stileid.u32;
	s23 =	sadd.s32 $0x50D00, s9;
	[dreg:$0x8] =	wrdreg s22  }
0x7: {  	s0 =	srdreg.scid;
	s25 =	sadd.s32 $0xD010, s9;
	[dreg:$0x9] =	wrdreg s23  }
0x8: {  	s1 =	smul.u32 $0x1400, s16;
	s26 =	sadd.s32 $0xD020, s9;
	[dreg:$0xb] =	wrdreg s25  }
0x9: {  	s10 =	sand.u32 $0x1, s0;
	s28 =	sadd.s32 $0xD030, s9;
	[dreg:$0xc] =	wrdreg s26  }
0xa: {  	s7 =	smul.u32 $0x140, s16;
	s29 =	sadd.s32 $0xD040, s9;
	[dreg:$0xd] =	wrdreg s28  }
0xb: {  	s5 =	sadd.s32 $0x3200, s9;
	s30 =	sadd.s32 $0xD050, s9;
	[dreg:$0xe] =	wrdreg s29  }
0xc: {  	s6 =	sadd.s32 $0xD000, s9;
	s31 =	sadd.s32 $0xD060, s9;
	[dreg:$0xf] =	wrdreg s30  }
0xd: {  	s18 =	smul.u32 $0x28000, s16;
	[dreg:$0x10] =	wrdreg s31;
	s20 =	sadd.s32 $0x3210, s9  }
0xe: {  	s0 =	smul.u32 $0x1390, s10;
	s22 =	sadd.s32 $0x3230, s9;
	[dreg:$0x1a] =	wrdreg s20  }
0xf: {  	s17 =	ssub.s32 $0x2, s10;
	s23 =	sadd.s32 $0x3240, s9;
	[dreg:$0x1c] =	wrdreg s22  }
0x10: {  	s8 =	sxor.u32 $0x139, s10;
	s25 =	sadd.s32 $0x3260, s9;
	[dreg:$0x1d] =	wrdreg s23  }
0x11: {  	p0 =	seq.s32 s10, $0x0;
	s26 =	sadd.s32 $0x3270, s9;
	[dreg:$0x1f] =	wrdreg s25  }
0x12: {  	p2 =	seq.s32 s10, $0x1;
	s28 =	sadd.s32 $0x3280, s9;
	[smem:$0x7F9] =	sst s26  }
0x13: {  	s29 =	sadd.s32 $0x3290, s9;
	s30 =	sadd.s32 $0x32A0, s9;
	[smem:$0x7FA] =	sst s28  }
0x14: {  	s31 =	sadd.s32 $0x32B0, s9;
	s11 =	sadd.s32 s1, s9;
	[smem:$0x7FB] =	sst s29  }
0x15: {  	s12 =	sshrl.u32 s17, $0x1;
	s13 =	smul.u32 s16, s8;
	[smem:$0x7FC] =	sst s30  }
0x16: {  	[smem:$0x7FD] =	sst s31;
	s20 =	simm.s32 $0x5;
	s15 =	sadd.s32 s7, s0  }
0x17: {  	s12 =	ssub.s32 s17, s12;
	s11 =	sadd.s32 $0x16E00, s11;
	s17 =	sadd.s32 $0xD0D0, s9  }
0x18: {  	s1 =	sshll.u32 s15, $0x4;
	s7 =	sadd.s32 s0, s13;
	[dreg:$0x5] =	wrdreg s11  }
0x19: {  	s13 =	simm.s32 $0x1390;
	s24 =	smax.u32 s12, $0x1;
	[dreg:$0x17] =	wrdreg s17  }
0x1a: {  	s15 =	sshrl.u32 s18, $0x2;
	s11 =	sadd.s32 $0xD070, s9;
	[dreg:$0xa] =	wrdreg s24  }
0x1b: {  	s12 =	sadd.s32 $0xD080, s9;
	s18 =	sadd.s32 $0xD0E0, s9;
	[dreg:$0x11] =	wrdreg s11  }
0x1c: {  	s17 =	sadd.s32 $0x32F0, s9;
	s14 =	sadd.s32 s1, s9;
	[dreg:$0x12] =	wrdreg s12  }
0x1d: {  	s8 =	sadd.s32 s8, s7;
	s19 =	sadd.s32 s15, s3;
	[dreg:$0x18] =	wrdreg s18  }
0x1e: {  	s13 =	simm.s32 @!p0 $0x1380;
	s15 =	sadd.s32 $0xD0B0, s9;
	[dreg:$0x4] =	wrdreg s19  }
0x1f: {  	p0 =	seq.s32 s16, $0xF;
	s24 =	sadd.s32 $0x3250, s9;
	[dreg:$0x15] =	wrdreg s15  }
0x20: {  	s18 =	sadd.s32 $0x96000, s3;
	s21 =	sadd.s32 $0x2A800, s14;
	[dreg:$0x1e] =	wrdreg s24  }
0x21: {  	s1 =	sor.u32 s16, s13;
	s13 =	sadd.s32 $0xD090, s9;
	[dreg:$0x7] =	wrdreg s21  }
0x22: {  	p1 =	sne.s32 @p0 s10, $0x0;
	s14 =	sadd.s32 $0xD0A0, s9;
	[dreg:$0x13] =	wrdreg s13  }
.Ltmp0:
0x23: {  	s16 =	sadd.s32 $0xD0C0, s9;
	[dreg:$0x14] =	wrdreg s14;
	(pc) =	sbr.rel .LBB2_1-.Ltmp0, $4  }
0x24: {  	s19 =	sadd.s32 $0xD0F0, s9;
	s15 =	sadd.s32 $0x32D0, s9;
	[dreg:$0x16] =	wrdreg s16  }
0x25: {  	p2 =	por !p2, !p0;
	[dreg:$0x19] =	wrdreg s19;
	s21 =	sadd.s32 $0x3220, s9  }
0x26: {  	v4 =	vimm.s32 $0x0;
	v2 =	vmov s0;
	s14 =	sadd.s32 $0x32C0, s9;
	s16 =	sadd.s32 $0x32E0, s9;
	p1 =	por p1, !p0  }
0x27: {  	v0 =	vmov s7;
	v1 =	vmov s8;
	v3 =	vmov s1;
	s19 =	simm.s32 $0x80;
	[dreg:$0x1b] =	wrdreg s21;
	s21 =	simm.s32 $0x0  }
.LBB2_13:
0x28: {  	[sflag:s20] =	ssyncadd.s32 $0xFFFFC000  }
.LBB2_14:
0x29: {  	[bflag:$0x0] =	sbarrier.arrive $0xFFFF  }
0x2a: {  	s0 =	sshrl.u32 @!p1 s18, $0x3;
	s1 =	simm.s32 @!p1 $0x1FC8;
	s7 =	rddreg [dreg:$0x8]  }
0x2b: {  	[hbm:s7], [sflag:s1] =	dma.local @!p1 [spmem:s0], $0xD00  }
0x2c: {  	s0 =	simm.s32 @!p1 $0x8  }
0x2d: {  	_ =	swait.ge @!p1 [sflag:s0], $0xD00  }
0x2e: {  	s1 =	simm.s32 @!p2 $0x1FC8;
	[sflag:s0] =	ssyncset.done @!p1 $0x0  }
0x2f: {  	s7 =	rddreg [dreg:$0x9];
	[sflag:s0] =	ssyncadd.s32 @!p1 $0xFFFFF300;
	s0 =	sshrl.u32 @!p2 s18, $0x3  }
0x30: {  	[hbm:s7], [sflag:s1] =	dma.local @!p2 [spmem:s0], $0xC00  }
0x31: {  	s0 =	simm.s32 @!p2 $0x8  }
0x32: {  	_ =	swait.ge @!p2 [sflag:s0], $0xC00  }
0x33: {  	[sflag:s0] =	ssyncset.done @!p2 $0x0  }
0x34: {  	[sflag:s0] =	ssyncadd.s32 @!p2 $0xFFFFF400;
	s0 =	rddreg [dreg:$0x7]  }
0x35: {  	[hbm:s0], [sflag:s22] =	dma.local @!p0 [spmem:s23], $0x1400  }
0x36: {  	s0 =	simm.s32 @!p0 $0x8  }
0x37: {  	_ =	swait.ge @!p0 [sflag:s0], $0x1400  }
0x38: {  	s21 =	sadd.s32 $0x1, s21;
	s31 =	rddreg [dreg:$0xa]  }
0x39: {  	p3 =	sne.s32 s21, s31  }
.Ltmp1:
0x3a: {  	_ = 	snop;
	(pc) =	sbr.rel @!p3 .LBB2_15-.Ltmp1, $3  }
0x3b: {  	_ =	sdelay $0x1  }
0x3c: {  	[sflag:s0] =	ssyncset.done @!p0 $0x0  }
0x3d: {  	[sflag:s0] =	ssyncadd.s32 @!p0 $0xFFFFEC00  }
.LBB2_1:
0x3e: {  	s0 =	sshrl.u32 @p0 s18, $0x3;
	s1 =	simm.s32 @p0 $0x1FC8;
	s7 =	rddreg [dreg:$0x6]  }
0x3f: {  	[spmem:s0], [sflag:s1] =	dma.local @p0 [hbm:s7], $0xE00  }
0x40: {  	s0 =	simm.s32 @p0 $0x8  }
0x41: {  	_ =	swait.ge @p0 [sflag:s0], $0xE00  }
0x42: {  	s1 =	stileid.u32;
	[sflag:s0] =	ssyncset.done @p0 $0x0  }
0x43: {  	s1 =	sshll.u32 @!p0 s1, $0x6;
	[sflag:s0] =	ssyncadd.s32 @p0 $0xFFFFF200;
	s0 =	rddreg [dreg:$0x4]  }
0x44: {  	s22 =	sor.u32 @!p0 $0x1C08, s1;
	s23 =	sshrl.u32 @!p0 s0, $0x3;
	s0 =	rddreg [dreg:$0x5]  }
0x45: {  	[spmem:s23], [sflag:s22] =	dma.local @!p0 [hbm:s0], $0x1400  }
0x46: {  	s0 =	simm.s32 @!p0 $0x8  }
0x47: {  	_ =	swait.ge @!p0 [sflag:s0], $0x1400  }
0x48: {  	[sflag:s0] =	ssyncset.done @!p0 $0x0  }
0x49: {  	[sflag:s0] =	ssyncadd.s32 @!p0 $0xFFFFEC00  }
0x4a: {  	[bflag:$0x0] =	sbarrier.arrive $0xFFFF  }
0x4b: {  	[tilespmem:s4], [sflag:$0x6] =	stream.linear.gather [hbm4b:s6+s4], $0x80, $0x38;
	[tilespmem:$0x1D300] =	vst v63  }
0x4c: {  	s8 =	simm.s32 $0x100;
	s7 =	rddreg [dreg:$0xb]  }
0x4d: {  	[tilespmem:s8], [sflag:$0x6] =	stream.linear.gather [hbm4b:s7+s4], $0x80, $0x38;
	[tilespmem:$0x1D300] =	vst v63  }
0x4e: {  	s10 =	simm.s32 $0x200;
	s9 =	rddreg [dreg:$0xc]  }
0x4f: {  	[tilespmem:s10], [sflag:$0x6] =	stream.linear.gather [hbm4b:s9+s4], $0x80, $0x38;
	[tilespmem:$0x1D300] =	vst v63  }
0x50: {  	s12 =	simm.s32 $0x300;
	s11 =	rddreg [dreg:$0xd]  }
0x51: {  	[tilespmem:s12], [sflag:$0x6] =	stream.linear.gather [hbm4b:s11+s4], $0x80, $0x38;
	[tilespmem:$0x1D300] =	vst v63  }
0x52: {  	s24 =	simm.s32 $0x400;
	s13 =	rddreg [dreg:$0xe]  }
0x53: {  	[tilespmem:s24], [sflag:$0x6] =	stream.linear.gather [hbm4b:s13+s4], $0x80, $0x38;
	[tilespmem:$0x1D300] =	vst v63  }
0x54: {  	s26 =	simm.s32 $0x500;
	s25 =	rddreg [dreg:$0xf]  }
0x55: {  	[tilespmem:s26], [sflag:$0x6] =	stream.linear.gather [hbm4b:s25+s4], $0x80, $0x38;
	[tilespmem:$0x1D300] =	vst v63  }
0x56: {  	s29 =	simm.s32 $0x600;
	s28 =	rddreg [dreg:$0x10]  }
0x57: {  	[tilespmem:s29], [sflag:$0x6] =	stream.linear.gather [hbm4b:s28+s4], $0x80, $0x38;
	[tilespmem:$0x1D300] =	vst v63  }
0x58: {  	s31 =	simm.s32 $0x700;
	s30 =	rddreg [dreg:$0x11]  }
0x59: {  	[tilespmem:s31], [sflag:$0x6] =	stream.linear.gather [hbm4b:s30+s4], $0x80, $0x38;
	[tilespmem:$0x1D300] =	vst v63  }
0x5a: {  	s7 =	rddreg [dreg:$0x12];
	s8 =	simm.s32 $0x800  }
0x5b: {  	[tilespmem:s8], [sflag:$0x6] =	stream.linear.gather [hbm4b:s7+s4], $0x80, $0x38;
	[tilespmem:$0x1D300] =	vst v63  }
0x5c: {  	s9 =	rddreg [dreg:$0x13];
	s10 =	simm.s32 $0x900  }
0x5d: {  	[tilespmem:s10], [sflag:$0x6] =	stream.linear.gather [hbm4b:s9+s4], $0x80, $0x38;
	[tilespmem:$0x1D300] =	vst v63  }
0x5e: {  	s11 =	rddreg [dreg:$0x14];
	s12 =	simm.s32 $0xA00  }
0x5f: {  	[tilespmem:s12], [sflag:$0x6] =	stream.linear.gather [hbm4b:s11+s4], $0x80, $0x38;
	[tilespmem:$0x1D300] =	vst v63  }
0x60: {  	s13 =	rddreg [dreg:$0x15];
	s24 =	simm.s32 $0xB00  }
0x61: {  	[tilespmem:s24], [sflag:$0x6] =	stream.linear.gather [hbm4b:s13+s4], $0x80, $0x38;
	[tilespmem:$0x1D300] =	vst v63  }
0x62: {  	s25 =	rddreg [dreg:$0x16];
	s26 =	simm.s32 $0xC00  }
0x63: {  	[tilespmem:s26], [sflag:$0x6] =	stream.linear.gather [hbm4b:s25+s4], $0x80, $0x38;
	[tilespmem:$0x1D300] =	vst v63  }
0x64: {  	s28 =	rddreg [dreg:$0x17];
	s29 =	simm.s32 $0xD00  }
0x65: {  	[tilespmem:s29], [sflag:$0x6] =	stream.linear.gather [hbm4b:s28+s4], $0x80, $0x38;
	[tilespmem:$0x1D300] =	vst v63  }
0x66: {  	s30 =	rddreg [dreg:$0x18];
	s31 =	simm.s32 $0xE00  }
0x67: {  	[tilespmem:s31], [sflag:$0x6] =	stream.linear.gather [hbm4b:s30+s4], $0x80, $0x38;
	[tilespmem:$0x1D300] =	vst v63  }
0x68: {  	s1 =	rddreg [dreg:$0x19];
	s7 =	simm.s32 $0xF00  }
0x69: {  	[tilespmem:s7], [sflag:$0x6] =	stream.linear.gather [hbm4b:s1+s4], $0x80, $0x38;
	[tilespmem:$0x1D300] =	vst v63  }
0x6a: {  	s8 =	simm.s32 $0x1000;
	s9 =	rddreg [dreg:$0x1a]  }
0x6b: {  	[tilespmem:s8], [sflag:$0x6] =	stream.linear.gather [hbm4b:s5+s4], $0x80, $0x38;
	[tilespmem:$0x1D300] =	vst v63  }
0x6c: {  	s10 =	simm.s32 $0x1100;
	s11 =	rddreg [dreg:$0x1b]  }
0x6d: {  	[tilespmem:s10], [sflag:$0x6] =	stream.linear.gather [hbm4b:s9+s4], $0x80, $0x38;
	[tilespmem:$0x1D300] =	vst v63  }
0x6e: {  	s12 =	simm.s32 $0x1200;
	s13 =	rddreg [dreg:$0x1c]  }
0x6f: {  	[tilespmem:s12], [sflag:$0x6] =	stream.linear.gather [hbm4b:s11+s4], $0x80, $0x38;
	[tilespmem:$0x1D300] =	vst v63  }
0x70: {  	s24 =	simm.s32 $0x1300;
	s25 =	rddreg [dreg:$0x1d]  }
0x71: {  	[tilespmem:s24], [sflag:$0x6] =	stream.linear.gather [hbm4b:s13+s4], $0x80, $0x38;
	[tilespmem:$0x1D300] =	vst v63  }
0x72: {  	s26 =	simm.s32 $0x1400;
	s28 =	rddreg [dreg:$0x1e]  }
0x73: {  	[tilespmem:s26], [sflag:$0x6] =	stream.linear.gather [hbm4b:s25+s4], $0x80, $0x38;
	[tilespmem:$0x1D300] =	vst v63  }
0x74: {  	s29 =	simm.s32 $0x1500;
	s30 =	rddreg [dreg:$0x1f]  }
0x75: {  	[tilespmem:s29], [sflag:$0x6] =	stream.linear.gather [hbm4b:s28+s4], $0x80, $0x38;
	[tilespmem:$0x1D300] =	vst v63  }
0x76: {  	s31 =	simm.s32 $0x1600;
	s7 =	sld [smem:$0x7F9]  }
0x77: {  	[tilespmem:s31], [sflag:$0x6] =	stream.linear.gather [hbm4b:s30+s4], $0x80, $0x38;
	[tilespmem:$0x1D300] =	vst v63  }
0x78: {  	s8 =	simm.s32 $0x1700;
	s9 =	sld [smem:$0x7FA]  }
0x79: {  	[tilespmem:s8], [sflag:$0x6] =	stream.linear.gather [hbm4b:s7+s4], $0x80, $0x38;
	[tilespmem:$0x1D300] =	vst v63  }
0x7a: {  	s10 =	simm.s32 $0x1800;
	s11 =	sld [smem:$0x7FB]  }
0x7b: {  	[tilespmem:s10], [sflag:$0x6] =	stream.linear.gather [hbm4b:s9+s4], $0x80, $0x38;
	[tilespmem:$0x1D300] =	vst v63  }
0x7c: {  	s12 =	simm.s32 $0x1900;
	s13 =	sld [smem:$0x7FC]  }
0x7d: {  	[tilespmem:s12], [sflag:$0x6] =	stream.linear.gather [hbm4b:s11+s4], $0x80, $0x38;
	[tilespmem:$0x1D300] =	vst v63  }
0x7e: {  	s24 =	simm.s32 $0x1A00;
	s25 =	sld [smem:$0x7FD]  }
0x7f: {  	[tilespmem:s24], [sflag:$0x6] =	stream.linear.gather [hbm4b:s13+s4], $0x80, $0x38;
	[tilespmem:$0x1D300] =	vst v63  }
0x80: {  	s26 =	simm.s32 $0x1B00  }
0x81: {  	[tilespmem:s26], [sflag:$0x6] =	stream.linear.gather [hbm4b:s25+s4], $0x80, $0x38;
	[tilespmem:$0x1D300] =	vst v63  }
0x82: {  	s28 =	simm.s32 $0x1C00  }
0x83: {  	[tilespmem:s28], [sflag:$0x6] =	stream.linear.gather [hbm4b:s14+s4], $0x80, $0x38;
	[tilespmem:$0x1D300] =	vst v63  }
0x84: {  	s29 =	simm.s32 $0x1D00  }
0x85: {  	[tilespmem:s29], [sflag:$0x6] =	stream.linear.gather [hbm4b:s15+s4], $0x80, $0x38;
	[tilespmem:$0x1D300] =	vst v63  }
.Ltmp2:
0x86: {  	_ = 	snop;
	(pc) =	sbr.rel .LBB2_2-.Ltmp2, $4  }
0x87: {  	s0 =	simm.s32 $0x0;
	s30 =	simm.s32 $0x1E00  }
0x88: {  	[tilespmem:s30], [sflag:$0x6] =	stream.linear.gather [hbm4b:s16+s4], $0x80, $0x38;
	[tilespmem:$0x1D300] =	vst v63  }
0x89: {  	s31 =	simm.s32 $0x1F00;
	s24 =	simm.s32 $0x0;
	s25 =	simm.s32 $0x0  }
0x8a: {  	[tilespmem:s31], [sflag:$0x6] =	stream.linear.gather [hbm4b:s17+s4], $0x80, $0x38;
	[tilespmem:$0x1D300] =	vst v63  }
.LBB2_9:
0x8b: {  	v5 =	vld [tilespmem:s1+$0x2000]  }
0x8c: {  	v6 =	vld [tilespmem:s1+$0x2900];
	_ =	sdelay $0x3  }
0x8d: {  	[tilespmem:$0x2000] =	vst v5  }
0x8e: {  	[tilespmem:$0x2900] =	vst v6  }
0x8f: {  	v5 =	vld [tilespmem:s1+$0x2010]  }
0x90: {  	v6 =	vld [tilespmem:s1+$0x2910];
	_ =	sdelay $0x3  }
0x91: {  	[tilespmem:$0x2010] =	vst v5  }
0x92: {  	[tilespmem:$0x2910] =	vst v6  }
0x93: {  	v5 =	vld [tilespmem:s1+$0x2020]  }
0x94: {  	v6 =	vld [tilespmem:s1+$0x2920];
	_ =	sdelay $0x3  }
0x95: {  	[tilespmem:$0x2020] =	vst v5  }
0x96: {  	[tilespmem:$0x2920] =	vst v6  }
0x97: {  	v5 =	vld [tilespmem:s1+$0x2030]  }
0x98: {  	v6 =	vld [tilespmem:s1+$0x2930];
	_ =	sdelay $0x3  }
0x99: {  	[tilespmem:$0x2030] =	vst v5  }
0x9a: {  	[tilespmem:$0x2930] =	vst v6  }
0x9b: {  	v5 =	vld [tilespmem:s1+$0x2040]  }
0x9c: {  	v6 =	vld [tilespmem:s1+$0x2940];
	_ =	sdelay $0x3  }
0x9d: {  	[tilespmem:$0x2040] =	vst v5  }
0x9e: {  	[tilespmem:$0x2940] =	vst v6  }
0x9f: {  	v5 =	vld [tilespmem:s1+$0x2050]  }
0xa0: {  	v6 =	vld [tilespmem:s1+$0x2950];
	_ =	sdelay $0x3  }
0xa1: {  	[tilespmem:$0x2050] =	vst v5  }
0xa2: {  	[tilespmem:$0x2950] =	vst v6  }
0xa3: {  	v5 =	vld [tilespmem:s1+$0x2060]  }
0xa4: {  	v6 =	vld [tilespmem:s1+$0x2960];
	_ =	sdelay $0x3  }
0xa5: {  	[tilespmem:$0x2060] =	vst v5  }
0xa6: {  	[tilespmem:$0x2960] =	vst v6  }
0xa7: {  	v5 =	vld [tilespmem:s1+$0x2070]  }
0xa8: {  	p3 =	sne.s32 s25, $0x9D;
	v6 =	vld [tilespmem:s1+$0x2970]  }
.Ltmp3:
0xa9: {  	_ = 	snop;
	(pc) =	sbr.rel @!p3 .LBB2_10-.Ltmp3, $3  }
0xaa: {  	_ =	sdelay $0x1  }
0xab: {  	[tilespmem:$0x2070] =	vst v5  }
0xac: {  	s0 =	ssub.s32 s0, s1;
	[tilespmem:$0x2970] =	vst v6  }
.LBB2_2:
0xad: {  	s1 =	sand.u32 $0x1, s25  }
0xae: {  	s7 =	sor.u32 $0x6, s1  }
0xaf: {  	p3 =	seq.s32 s25, $0x9C;
	_ =	swait.ge [sflag:s7], $0x800  }
.Ltmp4:
0xb0: {  	[sflag:s7] =	ssyncset.done $0x0;
	(pc) =	sbr.rel @p3 .LBB2_4-.Ltmp4, $4  }
0xb1: {  	[sflag:s7] =	ssyncadd.s32 $0xFFFFF800  }
0xb2: {  	_ =	swait.ge [sflag:s7], $0x800  }
0xb3: {  	[sflag:s7] =	ssyncset.done $0x0  }
0xb4: {  	s25 =	sadd.s32 $0x1, s25;
	[sflag:s7] =	ssyncadd.s32 $0xFFFFF800  }
0xb5: {  	s8 =	sand.u32 $0x1, s25;
	s9 =	sshll.u32 s25, $0x8  }
0xb6: {  	s7 =	sor.u32 $0x6, s8;
	s8 =	sshll.u32 s8, $0x7;
	s10 =	sadd.s32 s6, s9  }
0xb7: {  	[tilespmem:s8], [sflag:s7] =	stream.linear.gather [hbm4b:s10+s4], $0x80, $0x38;
	[tilespmem:$0x1D300] =	vst v63  }
0xb8: {  	s11 =	sadd.s32 $0x10, s10;
	s12 =	sor.u32 $0x100, s8  }
0xb9: {  	[tilespmem:s12], [sflag:s7] =	stream.linear.gather [hbm4b:s11+s4], $0x80, $0x38;
	[tilespmem:$0x1D300] =	vst v63  }
0xba: {  	s30 =	sadd.s32 $0x20, s10;
	s31 =	sor.u32 $0x200, s8  }
0xbb: {  	[tilespmem:s31], [sflag:s7] =	stream.linear.gather [hbm4b:s30+s4], $0x80, $0x38;
	[tilespmem:$0x1D300] =	vst v63  }
0xbc: {  	s13 =	sadd.s32 $0x30, s10;
	s26 =	sor.u32 $0x300, s8  }
0xbd: {  	[tilespmem:s26], [sflag:s7] =	stream.linear.gather [hbm4b:s13+s4], $0x80, $0x38;
	[tilespmem:$0x1D300] =	vst v63  }
0xbe: {  	s28 =	sadd.s32 $0x40, s10;
	s29 =	sor.u32 $0x400, s8  }
0xbf: {  	[tilespmem:s29], [sflag:s7] =	stream.linear.gather [hbm4b:s28+s4], $0x80, $0x38;
	[tilespmem:$0x1D300] =	vst v63  }
0xc0: {  	s30 =	sadd.s32 $0x50, s10;
	s31 =	sor.u32 $0x500, s8  }
0xc1: {  	[tilespmem:s31], [sflag:s7] =	stream.linear.gather [hbm4b:s30+s4], $0x80, $0x38;
	[tilespmem:$0x1D300] =	vst v63  }
0xc2: {  	s13 =	sadd.s32 $0x60, s10;
	s26 =	sor.u32 $0x600, s8  }
0xc3: {  	[tilespmem:s26], [sflag:s7] =	stream.linear.gather [hbm4b:s13+s4], $0x80, $0x38;
	[tilespmem:$0x1D300] =	vst v63  }
0xc4: {  	s28 =	sadd.s32 $0x70, s10;
	s29 =	sor.u32 $0x700, s8  }
0xc5: {  	[tilespmem:s29], [sflag:s7] =	stream.linear.gather [hbm4b:s28+s4], $0x80, $0x38;
	[tilespmem:$0x1D300] =	vst v63  }
0xc6: {  	s30 =	sadd.s32 $0x80, s10;
	s31 =	sor.u32 $0x800, s8  }
0xc7: {  	[tilespmem:s31], [sflag:s7] =	stream.linear.gather [hbm4b:s30+s4], $0x80, $0x38;
	[tilespmem:$0x1D300] =	vst v63  }
0xc8: {  	s13 =	sadd.s32 $0x90, s10;
	s26 =	sor.u32 $0x900, s8  }
0xc9: {  	[tilespmem:s26], [sflag:s7] =	stream.linear.gather [hbm4b:s13+s4], $0x80, $0x38;
	[tilespmem:$0x1D300] =	vst v63  }
0xca: {  	s28 =	sadd.s32 $0xA0, s10;
	s29 =	sor.u32 $0xA00, s8  }
0xcb: {  	[tilespmem:s29], [sflag:s7] =	stream.linear.gather [hbm4b:s28+s4], $0x80, $0x38;
	[tilespmem:$0x1D300] =	vst v63  }
0xcc: {  	s30 =	sadd.s32 $0xB0, s10;
	s31 =	sor.u32 $0xB00, s8  }
0xcd: {  	[tilespmem:s31], [sflag:s7] =	stream.linear.gather [hbm4b:s30+s4], $0x80, $0x38;
	[tilespmem:$0x1D300] =	vst v63  }
0xce: {  	s13 =	sadd.s32 $0xC0, s10;
	s26 =	sor.u32 $0xC00, s8  }
0xcf: {  	[tilespmem:s26], [sflag:s7] =	stream.linear.gather [hbm4b:s13+s4], $0x80, $0x38;
	[tilespmem:$0x1D300] =	vst v63  }
0xd0: {  	s28 =	sadd.s32 $0xD0, s10;
	s29 =	sor.u32 $0xD00, s8  }
0xd1: {  	[tilespmem:s29], [sflag:s7] =	stream.linear.gather [hbm4b:s28+s4], $0x80, $0x38;
	[tilespmem:$0x1D300] =	vst v63  }
0xd2: {  	s30 =	sadd.s32 $0xE0, s10;
	s31 =	sor.u32 $0xE00, s8  }
0xd3: {  	[tilespmem:s31], [sflag:s7] =	stream.linear.gather [hbm4b:s30+s4], $0x80, $0x38;
	[tilespmem:$0x1D300] =	vst v63  }
0xd4: {  	s10 =	sadd.s32 $0xF0, s10;
	s13 =	sor.u32 $0xF00, s8  }
0xd5: {  	[tilespmem:s13], [sflag:s7] =	stream.linear.gather [hbm4b:s10+s4], $0x80, $0x38;
	[tilespmem:$0x1D300] =	vst v63  }
0xd6: {  	s9 =	sadd.s32 s5, s9;
	s26 =	sor.u32 $0x1000, s8  }
0xd7: {  	[tilespmem:s26], [sflag:s7] =	stream.linear.gather [hbm4b:s9+s4], $0x80, $0x38;
	[tilespmem:$0x1D300] =	vst v63  }
0xd8: {  	s28 =	sadd.s32 $0x10, s9;
	s29 =	sor.u32 $0x1100, s8  }
0xd9: {  	[tilespmem:s29], [sflag:s7] =	stream.linear.gather [hbm4b:s28+s4], $0x80, $0x38;
	[tilespmem:$0x1D300] =	vst v63  }
0xda: {  	s30 =	sadd.s32 $0x20, s9;
	s31 =	sor.u32 $0x1200, s8  }
0xdb: {  	[tilespmem:s31], [sflag:s7] =	stream.linear.gather [hbm4b:s30+s4], $0x80, $0x38;
	[tilespmem:$0x1D300] =	vst v63  }
0xdc: {  	s11 =	sadd.s32 $0x30, s9;
	s12 =	sor.u32 $0x1300, s8  }
0xdd: {  	[tilespmem:s12], [sflag:s7] =	stream.linear.gather [hbm4b:s11+s4], $0x80, $0x38;
	[tilespmem:$0x1D300] =	vst v63  }
0xde: {  	s13 =	sadd.s32 $0x40, s9;
	s26 =	sor.u32 $0x1400, s8  }
0xdf: {  	[tilespmem:s26], [sflag:s7] =	stream.linear.gather [hbm4b:s13+s4], $0x80, $0x38;
	[tilespmem:$0x1D300] =	vst v63  }
0xe0: {  	s28 =	sadd.s32 $0x50, s9;
	s29 =	sor.u32 $0x1500, s8  }
0xe1: {  	[tilespmem:s29], [sflag:s7] =	stream.linear.gather [hbm4b:s28+s4], $0x80, $0x38;
	[tilespmem:$0x1D300] =	vst v63  }
0xe2: {  	s30 =	sadd.s32 $0x60, s9;
	s31 =	sor.u32 $0x1600, s8  }
0xe3: {  	[tilespmem:s31], [sflag:s7] =	stream.linear.gather [hbm4b:s30+s4], $0x80, $0x38;
	[tilespmem:$0x1D300] =	vst v63  }
0xe4: {  	s11 =	sadd.s32 $0x70, s9;
	s12 =	sor.u32 $0x1700, s8  }
0xe5: {  	[tilespmem:s12], [sflag:s7] =	stream.linear.gather [hbm4b:s11+s4], $0x80, $0x38;
	[tilespmem:$0x1D300] =	vst v63  }
0xe6: {  	s13 =	sadd.s32 $0x80, s9;
	s26 =	sor.u32 $0x1800, s8  }
0xe7: {  	[tilespmem:s26], [sflag:s7] =	stream.linear.gather [hbm4b:s13+s4], $0x80, $0x38;
	[tilespmem:$0x1D300] =	vst v63  }
0xe8: {  	s28 =	sadd.s32 $0x90, s9;
	s29 =	sor.u32 $0x1900, s8  }
0xe9: {  	[tilespmem:s29], [sflag:s7] =	stream.linear.gather [hbm4b:s28+s4], $0x80, $0x38;
	[tilespmem:$0x1D300] =	vst v63  }
0xea: {  	s30 =	sadd.s32 $0xA0, s9;
	s31 =	sor.u32 $0x1A00, s8  }
0xeb: {  	[tilespmem:s31], [sflag:s7] =	stream.linear.gather [hbm4b:s30+s4], $0x80, $0x38;
	[tilespmem:$0x1D300] =	vst v63  }
0xec: {  	s11 =	sadd.s32 $0xB0, s9;
	s12 =	sor.u32 $0x1B00, s8  }
0xed: {  	[tilespmem:s12], [sflag:s7] =	stream.linear.gather [hbm4b:s11+s4], $0x80, $0x38;
	[tilespmem:$0x1D300] =	vst v63  }
0xee: {  	s13 =	sadd.s32 $0xC0, s9;
	s26 =	sor.u32 $0x1C00, s8  }
0xef: {  	[tilespmem:s26], [sflag:s7] =	stream.linear.gather [hbm4b:s13+s4], $0x80, $0x38;
	[tilespmem:$0x1D300] =	vst v63  }
0xf0: {  	s28 =	sadd.s32 $0xD0, s9;
	s29 =	sor.u32 $0x1D00, s8  }
0xf1: {  	[tilespmem:s29], [sflag:s7] =	stream.linear.gather [hbm4b:s28+s4], $0x80, $0x38;
	[tilespmem:$0x1D300] =	vst v63  }
0xf2: {  	s30 =	sadd.s32 $0xE0, s9;
	s31 =	sor.u32 $0x1E00, s8  }
0xf3: {  	[tilespmem:s31], [sflag:s7] =	stream.linear.gather [hbm4b:s30+s4], $0x80, $0x38;
	[tilespmem:$0x1D300] =	vst v63  }
0xf4: {  	s9 =	sadd.s32 $0xF0, s9;
	s8 =	sor.u32 $0x1F00, s8  }
0xf5: {  	[tilespmem:s8], [sflag:s7] =	stream.linear.gather [hbm4b:s9+s4], $0x80, $0x38;
	[tilespmem:$0x1D300] =	vst v63  }
.LBB2_4:
0xf6: {  	s9 =	simm.s32 $0x0  }
0xf7: {  	s26 =	sshll.u32 s1, $0x7;
	s7 =	sand.u32 $0x40, s9  }
0xf8: {  	s1 =	sand.u32 $0xF00, s9;
	s8 =	sor.u32 s26, s7  }
0xf9: {  	s8 =	sor.u32 s1, s8  }
0xfa: {  	v5 =	vld [tilespmem:s8+$0x0];
	_ =	sdelay $0x3  }
0xfb: {  	v6 =	vld [tilespmem:s8+$0x1000]  }
0xfc: {  	vm0 =	vge.s32 v5, v0;
	vm1 =	vlt.s32 v5, v1  }
0xfd: {  	v7 =	vsub.s32 v5, v2;
	vm2 =	vgt.s32 v5, $0xFFFFF;
	vm0 =	vmand vm0, vm1  }
0xfe: {  	s28 =	sor.u32 $0x10, s26;
	v5 =	vsel vm2, v3, v7;
	vm0 =	vmor vm2, vm0  }
0xff: {  	s10 =	sor.u32 s28, s7;
	v7 =	vsel vm0, $0x1, v4;
	[tilespmem:s0+$0x2000] =	vst.msk vm0, v5  }
0x100: {  	s8 =	sor.u32 s1, s10;
	[tilespmem:s0+$0x2900] =	vst.msk vm0, v6;
	(xrf0) =	vadd.scan.msk.s32 $0xffff, v7  }
0x101: {  	v5 =	vld [tilespmem:s8+$0x0];
	_ =	sdelay $0x4  }
0x102: {  	vm0 =	vge.s32 v5, v0;
	vm1 =	vlt.s32 v5, v1;
	v6, _, _ =	vpop (xrf0)  }
0x103: {  	vm2 =	vgt.s32 v5, $0xFFFFF;
	vm0 =	vmand vm0, vm1;
	(v2sf) =	vpush v6, $0xF  }
0x104: {  	vm0 =	vmor vm2, vm0  }
0x105: {  	v6 =	vsel vm0, $0x1, v4  }
0x106: {  	(xrf0) =	vadd.scan.msk.s32 $0xffff, v6;
	_ =	sdelay $0x5  }
0x107: {  	v6, _, _ =	vpop (xrf0)  }
0x108: {  	(v2sf) =	vpush v6, $0xF;
	_ =	sdelay $0x2  }
0x109: {  	v6 =	vld [tilespmem:s8+$0x1000];
	_ =	sdelay $0x1  }
0x10a: {  	v5 =	vsub.s32 v5, v2;
	s11 =	spop (v2sf)  }
0x10b: {  	s29 =	sor.u32 $0x20, s26;
	v5 =	vsel vm2, v3, v5;
	s12 =	sadd.s32 s0, s11  }
0x10c: {  	s13 =	sor.u32 s29, s7;
	[tilespmem:s12+$0x2000] =	vst.msk vm0, v5  }
0x10d: {  	s8 =	sor.u32 s1, s13;
	[tilespmem:s12+$0x2900] =	vst.msk vm0, v6  }
0x10e: {  	v5 =	vld [tilespmem:s8+$0x0];
	_ =	sdelay $0x3  }
0x10f: {  	v6 =	vld [tilespmem:s8+$0x1000]  }
0x110: {  	vm0 =	vge.s32 v5, v0;
	vm1 =	vlt.s32 v5, v1  }
0x111: {  	v7 =	vsub.s32 v5, v2;
	vm2 =	vgt.s32 v5, $0xFFFFF;
	vm0 =	vmand vm0, vm1;
	s9 =	spop (v2sf)  }
0x112: {  	s30 =	sor.u32 $0x30, s26;
	v5 =	vsel vm2, v3, v7;
	s8 =	sadd.s32 s12, s9;
	vm0 =	vmor vm2, vm0  }
0x113: {  	s10 =	sor.u32 s30, s7;
	v7 =	vsel vm0, $0x1, v4;
	[tilespmem:s8+$0x2000] =	vst.msk vm0, v5  }
0x114: {  	s0 =	sor.u32 s1, s10;
	[tilespmem:s8+$0x2900] =	vst.msk vm0, v6;
	(xrf0) =	vadd.scan.msk.s32 $0xffff, v7  }
0x115: {  	v5 =	vld [tilespmem:s0+$0x0];
	_ =	sdelay $0x4  }
0x116: {  	vm0 =	vge.s32 v5, v0;
	vm1 =	vlt.s32 v5, v1;
	v6, _, _ =	vpop (xrf0)  }
0x117: {  	vm2 =	vgt.s32 v5, $0xFFFFF;
	vm0 =	vmand vm0, vm1;
	(v2sf) =	vpush v6, $0xF  }
0x118: {  	vm0 =	vmor vm2, vm0  }
0x119: {  	v6 =	vsel vm0, $0x1, v4  }
0x11a: {  	(xrf0) =	vadd.scan.msk.s32 $0xffff, v6;
	_ =	sdelay $0x5  }
0x11b: {  	v6, _, _ =	vpop (xrf0)  }
0x11c: {  	(v2sf) =	vpush v6, $0xF;
	_ =	sdelay $0x2  }
0x11d: {  	v6 =	vld [tilespmem:s0+$0x1000];
	_ =	sdelay $0x1  }
0x11e: {  	s31 =	simm.s32 $0x40;
	v5 =	vsub.s32 v5, v2;
	s11 =	spop (v2sf)  }
0x11f: {  	s12 =	sand.u32 $0x40, s31;
	v5 =	vsel vm2, v3, v5;
	s0 =	simm.s32 $0x80;
	s10 =	sadd.s32 s8, s11  }
0x120: {  	s13 =	sor.u32 s26, s12;
	s1 =	sand.u32 $0xF00, s0;
	[tilespmem:s10+$0x2000] =	vst.msk vm0, v5  }
0x121: {  	s13 =	sor.u32 s1, s13;
	[tilespmem:s10+$0x2900] =	vst.msk vm0, v6  }
0x122: {  	v7 =	vld [tilespmem:s13+$0x0];
	_ =	sdelay $0x3  }
0x123: {  	v5 =	vld [tilespmem:s13+$0x1000]  }
0x124: {  	s7 =	simm.s32 $0x4;
	s9 =	sor.u32 s29, s12;
	vm1 =	vge.s32 v7, v0;
	vm2 =	vlt.s32 v7, v1  }
0x125: {  	s11 =	sor.u32 s28, s12;
	s8 =	sor.u32 s30, s12;
	v6 =	vsub.s32 v7, v2;
	vm0 =	vgt.s32 v7, $0xFFFFF;
	vm1 =	vmand vm1, vm2;
	s12 =	spop (v2sf)  }
.LBB2_5:
0x126: {  	s7 =	sadd.s32 $0x4, s7;
	vm1 =	vmor vm0, vm1;
	v6 =	vsel vm0, v3, v6;
	s10 =	sadd.s32 s10, s12  }
0x127: {  	p3 =	slt.u32 s7, $0x7C;
	v7 =	vsel vm1, $0x1, v4;
	[tilespmem:s10+$0x2000] =	vst.msk vm1, v6  }
0x128: {  	s11 =	sor.u32 s1, s11;
	[tilespmem:s10+$0x2900] =	vst.msk vm1, v5;
	(xrf0) =	vadd.scan.msk.s32 $0xffff, v7  }
0x129: {  	v5 =	vld [tilespmem:s11+$0x0];
	_ =	sdelay $0x4  }
0x12a: {  	vm0 =	vge.s32 v5, v0;
	vm1 =	vlt.s32 v5, v1;
	v6, _, _ =	vpop (xrf0)  }
0x12b: {  	vm2 =	vgt.s32 v5, $0xFFFFF;
	vm0 =	vmand vm0, vm1;
	(v2sf) =	vpush v6, $0xF  }
0x12c: {  	vm0 =	vmor vm2, vm0  }
0x12d: {  	v6 =	vsel vm0, $0x1, v4  }
0x12e: {  	(xrf0) =	vadd.scan.msk.s32 $0xffff, v6;
	_ =	sdelay $0x5  }
0x12f: {  	v6, _, _ =	vpop (xrf0)  }
0x130: {  	(v2sf) =	vpush v6, $0xF;
	_ =	sdelay $0x2  }
0x131: {  	v6 =	vld [tilespmem:s11+$0x1000];
	_ =	sdelay $0x1  }
0x132: {  	v5 =	vsub.s32 v5, v2;
	s11 =	spop (v2sf)  }
0x133: {  	v5 =	vsel vm2, v3, v5;
	s10 =	sadd.s32 s10, s11  }
0x134: {  	[tilespmem:s10+$0x2000] =	vst.msk vm0, v5  }
0x135: {  	s9 =	sor.u32 s1, s9;
	[tilespmem:s10+$0x2900] =	vst.msk vm0, v6  }
0x136: {  	v5 =	vld [tilespmem:s9+$0x0];
	_ =	sdelay $0x3  }
0x137: {  	v6 =	vld [tilespmem:s9+$0x1000]  }
0x138: {  	vm0 =	vge.s32 v5, v0;
	vm1 =	vlt.s32 v5, v1;
	v7 =	vsub.s32 v5, v2  }
0x139: {  	vm2 =	vgt.s32 v5, $0xFFFFF;
	vm0 =	vmand vm0, vm1;
	s9 =	spop (v2sf)  }
0x13a: {  	v5 =	vsel vm2, v3, v7;
	s9 =	sadd.s32 s10, s9;
	vm0 =	vmor vm2, vm0  }
0x13b: {  	v7 =	vsel vm0, $0x1, v4;
	[tilespmem:s9+$0x2000] =	vst.msk vm0, v5  }
0x13c: {  	s1 =	sor.u32 s1, s8;
	[tilespmem:s9+$0x2900] =	vst.msk vm0, v6;
	(xrf0) =	vadd.scan.msk.s32 $0xffff, v7  }
0x13d: {  	v5 =	vld [tilespmem:s1+$0x0]  }
0x13e: {  	v6 =	vld [tilespmem:s1+$0x1000];
	_ =	sdelay $0x3  }
0x13f: {  	vm0 =	vge.s32 v5, v0;
	vm1 =	vlt.s32 v5, v1;
	v7, _, _ =	vpop (xrf0)  }
0x140: {  	vm2 =	vgt.s32 v5, $0xFFFFF;
	vm0 =	vmand vm0, vm1;
	(v2sf) =	vpush v7, $0xF  }
0x141: {  	vm0 =	vmor vm2, vm0  }
0x142: {  	v7 =	vsel vm0, $0x1, v4  }
0x143: {  	(xrf0) =	vadd.scan.msk.s32 $0xffff, v7;
	_ =	sdelay $0x5  }
0x144: {  	v7, _, _ =	vpop (xrf0)  }
0x145: {  	(v2sf) =	vpush v7, $0xF;
	_ =	sdelay $0x4  }
0x146: {  	s0 =	sadd.s32 $0x80, s0;
	s31 =	sadd.s32 $0x40, s31;
	v5 =	vsub.s32 v5, v2;
	s8 =	spop (v2sf)  }
0x147: {  	s12 =	sand.u32 $0x40, s31;
	s1 =	sand.u32 $0xF00, s0;
	v5 =	vsel vm2, v3, v5;
	s10 =	sadd.s32 s9, s8  }
0x148: {  	s11 =	sor.u32 s28, s12;
	s8 =	sor.u32 s26, s12;
	s9 =	sor.u32 s29, s12;
	[tilespmem:s10+$0x2000] =	vst.msk vm0, v5  }
0x149: {  	s13 =	sor.u32 s1, s8;
	s8 =	sor.u32 s30, s12;
	[tilespmem:s10+$0x2900] =	vst.msk vm0, v6  }
0x14a: {  	v7 =	vld [tilespmem:s13+$0x0];
	_ =	sdelay $0x1  }
.Ltmp5:
0x14b: {  	(pc) =	sbr.rel @p3 .LBB2_5-.Ltmp5, $4  }
0x14c: {  	_ = 	snop  }
0x14d: {  	v5 =	vld [tilespmem:s13+$0x1000]  }
0x14e: {  	vm1 =	vge.s32 v7, v0;
	vm2 =	vlt.s32 v7, v1;
	v6 =	vsub.s32 v7, v2  }
0x14f: {  	vm0 =	vgt.s32 v7, $0xFFFFF;
	vm1 =	vmand vm1, vm2;
	s12 =	spop (v2sf)  }
0x150: {  	vm1 =	vmor vm0, vm1;
	v6 =	vsel vm0, v3, v6;
	s0 =	sadd.s32 s10, s12  }
0x151: {  	v7 =	vsel vm1, $0x1, v4;
	[tilespmem:s0+$0x2000] =	vst.msk vm1, v6  }
0x152: {  	s7 =	sor.u32 s1, s11;
	[tilespmem:s0+$0x2900] =	vst.msk vm1, v5;
	(xrf0) =	vadd.scan.msk.s32 $0xffff, v7  }
0x153: {  	v5 =	vld [tilespmem:s7+$0x0];
	_ =	sdelay $0x4  }
0x154: {  	vm8 =	vge.s32 v5, v0;
	vm9 =	vlt.s32 v5, v1;
	v6, _, _ =	vpop (xrf0)  }
0x155: {  	vm2 =	vgt.s32 v5, $0xFFFFF;
	vm0 =	vmand vm8, vm9;
	(v2sf) =	vpush v6, $0xF  }
0x156: {  	vm0 =	vmor vm2, vm0  }
0x157: {  	v6 =	vsel vm0, $0x1, v4  }
0x158: {  	(xrf0) =	vadd.scan.msk.s32 $0xffff, v6;
	_ =	sdelay $0x5  }
0x159: {  	v6, _, _ =	vpop (xrf0)  }
0x15a: {  	(v2sf) =	vpush v6, $0xF;
	_ =	sdelay $0x2  }
0x15b: {  	v6 =	vld [tilespmem:s7+$0x1000];
	_ =	sdelay $0x1  }
0x15c: {  	v5 =	vsub.s32 v5, v2;
	s13 =	spop (v2sf)  }
0x15d: {  	v5 =	vsel vm2, v3, v5;
	s0 =	sadd.s32 s0, s13  }
0x15e: {  	[tilespmem:s0+$0x2000] =	vst.msk vm0, v5  }
0x15f: {  	s26 =	sor.u32 s1, s9;
	[tilespmem:s0+$0x2900] =	vst.msk vm0, v6  }
0x160: {  	v5 =	vld [tilespmem:s26+$0x0];
	_ =	sdelay $0x3  }
0x161: {  	v6 =	vld [tilespmem:s26+$0x1000]  }
0x162: {  	vm10 =	vge.s32 v5, v0;
	vm11 =	vlt.s32 v5, v1  }
0x163: {  	v7 =	vsub.s32 v5, v2;
	vm12 =	vgt.s32 v5, $0xFFFFF;
	vm0 =	vmand vm10, vm11;
	s28 =	spop (v2sf)  }
0x164: {  	v5 =	vsel vm12, v3, v7;
	s0 =	sadd.s32 s0, s28;
	vm0 =	vmor vm12, vm0  }
0x165: {  	[tilespmem:s0+$0x2000] =	vst.msk vm0, v5  }
0x166: {  	s29 =	sor.u32 s1, s8;
	[tilespmem:s0+$0x2900] =	vst.msk vm0, v6  }
0x167: {  	v5 =	vld [tilespmem:s29+$0x0];
	_ =	sdelay $0x4  }
0x168: {  	vm13 =	vge.s32 v5, v0;
	vm14 =	vlt.s32 v5, v1  }
0x169: {  	v6 =	vsel vm0, $0x1, v4;
	vm15 =	vgt.s32 v5, $0xFFFFF;
	vm1 =	vmand vm13, vm14  }
0x16a: {  	(xrf0) =	vadd.scan.msk.s32 $0xffff, v6;
	vm1 =	vmor vm15, vm1  }
0x16b: {  	v6 =	vsel vm1, $0x1, v4  }
0x16c: {  	(xrf0) =	vadd.scan.msk.s32 $0xffff, v6;
	_ =	sdelay $0x3  }
0x16d: {  	v6, _, _ =	vpop (xrf0)  }
0x16e: {  	(v2sf) =	vpush v6, $0xF  }
0x16f: {  	v6, _, _ =	vpop (xrf0)  }
0x170: {  	(v2sf) =	vpush v6, $0xF;
	_ =	sdelay $0xa  }
0x171: {  	v6 =	vld [tilespmem:s29+$0x1000];
	_ =	sdelay $0x1  }
0x172: {  	v5 =	vsub.s32 v5, v2;
	s30 =	spop (v2sf)  }
0x173: {  	v5 =	vsel vm15, v3, v5;
	s0 =	sadd.s32 s0, s30  }
0x174: {  	[tilespmem:s0+$0x2000] =	vst.msk vm1, v5;
	s31 =	spop (v2sf)  }
0x175: {  	[tilespmem:s0+$0x2900] =	vst.msk vm1, v6;
	s0 =	sadd.s32 s0, s31  }
0x176: {  	p3 =	slt.s32 s0, $0x80  }
.Ltmp6:
0x177: {  	_ = 	snop;
	(pc) =	sbr.rel @p3 .LBB2_9-.Ltmp6, $2  }
0x178: {  	_ =	sdelay $0x2  }
0x179: {  	s1 =	simm.s32 $0x0  }
0x17a: {  	s7 =	simm.s32 $0x2940;
	s8 =	simm.s32 $0x2040  }
.LBB2_8:
0x17b: {  	p3 =	slt.s32 s24, $0x4  }
0x17c: {  	s9 =	simm.s32 @!p3 $0x5  }
0x17d: {  	_ =	swait.ge @!p3 [sflag:s9], $0x4000  }
0x17e: {  	[sflag:s9] =	ssyncset.done @!p3 $0x0  }
0x17f: {  	[sflag:s9] =	ssyncadd.s32 @!p3 $0xFFFFC000  }
0x180: {  	v5 =	vld [tilespmem:s8+$0xFFFFFFC0];
	_ =	sdelay $0x2  }
0x181: {  	s30 =	sand.u32 $0x3, s24  }
0x182: {  	s10 =	sshll.u32 s30, $0x7  }
0x183: {  	[tilespmem:s10+$0x3200] =	vst v5  }
0x184: {  	v5 =	vld [tilespmem:s7+$0xFFFFFFC0];
	_ =	sdelay $0x4  }
0x185: {  	[tilespmem:s10+$0x3400] =	vst v5  }
0x186: {  	v5 =	vld [tilespmem:s8+$0xFFFFFFD0];
	_ =	sdelay $0x4  }
0x187: {  	[tilespmem:s10+$0x3210] =	vst v5  }
0x188: {  	v5 =	vld [tilespmem:s7+$0xFFFFFFD0];
	_ =	sdelay $0x4  }
0x189: {  	[tilespmem:s10+$0x3410] =	vst v5  }
0x18a: {  	v5 =	vld [tilespmem:s8+$0xFFFFFFE0];
	_ =	sdelay $0x4  }
0x18b: {  	[tilespmem:s10+$0x3220] =	vst v5  }
0x18c: {  	v5 =	vld [tilespmem:s7+$0xFFFFFFE0];
	_ =	sdelay $0x4  }
0x18d: {  	[tilespmem:s10+$0x3420] =	vst v5  }
0x18e: {  	v5 =	vld [tilespmem:s8+$0xFFFFFFF0];
	_ =	sdelay $0x4  }
0x18f: {  	[tilespmem:s10+$0x3230] =	vst v5  }
0x190: {  	v5 =	vld [tilespmem:s7+$0xFFFFFFF0];
	_ =	sdelay $0x4  }
0x191: {  	[tilespmem:s10+$0x3430] =	vst v5  }
0x192: {  	v5 =	vld [tilespmem:s8+$0x0];
	_ =	sdelay $0x4  }
0x193: {  	[tilespmem:s10+$0x3240] =	vst v5  }
0x194: {  	v5 =	vld [tilespmem:s7+$0x0];
	_ =	sdelay $0x4  }
0x195: {  	[tilespmem:s10+$0x3440] =	vst v5  }
0x196: {  	v5 =	vld [tilespmem:s8+$0x10];
	_ =	sdelay $0x4  }
0x197: {  	[tilespmem:s10+$0x3250] =	vst v5  }
0x198: {  	v5 =	vld [tilespmem:s7+$0x10];
	_ =	sdelay $0x4  }
0x199: {  	[tilespmem:s10+$0x3450] =	vst v5  }
0x19a: {  	v5 =	vld [tilespmem:s8+$0x20];
	_ =	sdelay $0x4  }
0x19b: {  	[tilespmem:s10+$0x3260] =	vst v5  }
0x19c: {  	v5 =	vld [tilespmem:s7+$0x20];
	_ =	sdelay $0x4  }
0x19d: {  	[tilespmem:s10+$0x3460] =	vst v5  }
0x19e: {  	v5 =	vld [tilespmem:s8+$0x30];
	_ =	sdelay $0x4  }
0x19f: {  	[tilespmem:s10+$0x3270] =	vst v5  }
0x1a0: {  	v5 =	vld [tilespmem:s7+$0x30];
	_ =	sdelay $0x2  }
0x1a1: {  	s11 =	sshll.u32 s30, $0xE  }
0x1a2: {  	s11 =	sor.u32 $0x3600, s11  }
0x1a3: {  	s9 =	sadd.s32 $0x1, s30;
	p3 =	slt.s32 s24, $0x1;
	[tilespmem:s10+$0x3470] =	vst v5;
	s10 =	sor.u32 $0x3400, s10  }
0x1a4: {  	[tilespmem:s11], [sflag:s9] =	stream.indirect.gather [hbm4b:s2+s19], $0x80, s10, s19, $0xb8;
	[tilespmem:$0x1D300] =	vst v63  }
0x1a5: {  	s9 =	sadd.s32 @!p3 $0xFFFFFFFF, s24  }
0x1a6: {  	s9 =	sand.u32 @!p3 $0x3, s9  }
0x1a7: {  	s10 =	sadd.s32 @!p3 $0x1, s9  }
0x1a8: {  	s31 =	sadd.s32 $0x100, s1;
	s11 =	sshll.u32 @!p3 s9, $0xE;
	_ =	swait.ge @!p3 [sflag:s10], $0x4000  }
0x1a9: {  	s9 =	sshll.u32 @!p3 s9, $0x7;
	s11 =	sor.u32 @!p3 $0x3600, s11;
	[sflag:s10] =	ssyncset.done @!p3 $0x0  }
0x1aa: {  	s9 =	sor.u32 @!p3 $0x3200, s9;
	[sflag:s10] =	ssyncadd.s32 @!p3 $0xFFFFC000;
	s10 =	simm.s32 @!p3 $0x80  }
0x1ab: {  	[spmem:s3] =	stream.indirect.scatter.add.f32 @!p3 [tilespmem:s11], [sflag:$0x5], $0x80, s9, s10, $0xb8;
	[tilespmem:$0x1D300] =	vst v63  }
0x1ac: {  	p3 =	sle.s32 s31, s0  }
.Ltmp7:
0x1ad: {  	_ = 	snop;
	(pc) =	sbr.rel @p3 .LBB2_8-.Ltmp7, $3  }
0x1ae: {  	_ =	sdelay $0x1  }
0x1af: {  	s1 =	sadd.s32 $0x80, s1  }
0x1b0: {  	s8 =	sadd.s32 $0x80, s8;
	s7 =	sadd.s32 $0x80, s7;
	s24 =	sadd.s32 $0x1, s24  }
.Ltmp8:
0x1b1: {  	_ = 	snop;
	(pc) =	sbr.rel .LBB2_9-.Ltmp8, $1  }
0x1b2: {  	_ =	sdelay $0x3  }
.LBB2_10:
0x1b3: {  	p3 =	slt.s32 s24, $0x1  }
.Ltmp9:
0x1b4: {  	_ = 	snop;
	(pc) =	sbr.rel @p3 .LBB2_14-.Ltmp9, $1  }
0x1b5: {  	_ =	sdelay $0x3  }
0x1b6: {  	s0 =	sadd.s32 $0xFFFFFFFF, s24  }
0x1b7: {  	s0 =	sand.u32 $0x3, s0  }
0x1b8: {  	s31 =	smin.u32 s24, $0x4;
	s1 =	sadd.s32 $0x1, s0  }
0x1b9: {  	p3 =	sne.s32 s31, $0x1;
	s7 =	sshll.u32 s0, $0xE;
	_ =	swait.ge [sflag:s1], $0x4000  }
.Ltmp10:
0x1ba: {  	s0 =	sshll.u32 s0, $0x7;
	[sflag:s1] =	ssyncset.done $0x0;
	(pc) =	sbr.rel @!p3 .LBB2_13-.Ltmp10, $4  }
0x1bb: {  	s7 =	sor.u32 $0x3600, s7;
	s0 =	sor.u32 $0x3200, s0;
	[sflag:s1] =	ssyncadd.s32 $0xFFFFC000  }
0x1bc: {  	[spmem:s3] =	stream.indirect.scatter.add.f32 [tilespmem:s7], [sflag:$0x5], $0x80, s0, s19, $0xb8;
	[tilespmem:$0x1D300] =	vst v63  }
0x1bd: {  	_ =	swait.ge [sflag:s20], $0x4000  }
0x1be: {  	s0 =	sadd.s32 $0xFFFFFFFF, s31;
	[sflag:s20] =	ssyncset.done $0x0  }
.LBB2_12:
0x1bf: {  	p3 =	sne.s32 s0, $0x1;
	s0 =	sadd.s32 $0xFFFFFFFF, s0;
	[sflag:s20] =	ssyncadd.s32 $0xFFFFC000  }
.Ltmp11:
0x1c0: {  	(pc) =	sbr.rel @p3 .LBB2_12-.Ltmp11, $3  }
0x1c1: {  	_ =	sdelay $0x1  }
0x1c2: {  	_ =	swait.ge [sflag:s20], $0x4000  }
0x1c3: {  	[sflag:s20] =	ssyncset.done $0x0  }
.Ltmp12:
0x1c4: {  	_ = 	snop;
	(pc) =	sbr.rel .LBB2_13-.Ltmp12, $1  }
0x1c5: {  	_ =	sdelay $0x3  }
.LBB2_15:
0x1c6: {  	_ =	sfence.sel $0x180000  }
0x1c7: {  	[bflag:$0x0] =	sbarrier.arrive $0xFFFF  }
0x1c8: {  	_ =	strace $0x90000047  }
0x1c9: {  	s0 =	stileid.u32;
	[bflag:$0x2] =	sbarrier.arrive $0xFFFF  }
0x1ca: {  	p0 =	sne.s32 s0, $0x0;
	s0 =	rddreg [dreg:$0x3]  }
0x1cb: {  	s0 =	sadd.s32 @!p0 $0x100000, s0  }
0x1cc: {  	[sflag:s0] =	ssyncadd.tile.s32 @!p0 $0x1;
	_ =	shalt  }
.Lfunc_end2:
_tile_overlayer_lowered:
.L_overlay_start_2:
0x1cd: {  	(tag) =	ssettag $0x2  }
0x1ce: {  	s0 =	rddreg [dreg:$0x0];
	s2 =	stileid.u32  }
0x1cf: {  	s1 =	rddreg [dreg:$0x1];
	p0 =	sne.s32 s2, $0x0  }
0x1d0: {  	s3 =	rddreg [dreg:$0x2];
	[bflag:$0x3] =	sbarrier.arrive $0xFFFF;
	s2 =	simm.s32 @!p0 $0x1C08  }
0x1d1: {  	[timem:s3], [sflag:s2] =	dma.local @!p0 [hbm:s0], s1  }
0x1d2: {  	s0 =	simm.s32 @!p0 $0x8  }
0x1d3: {  	_ =	swait.ge @!p0 [sflag:s0], s1  }
0x1d4: {  	s1 =	ssub.s32 @!p0 $0x0, s1;
	[sflag:s0] =	ssyncset.done @!p0 $0x0  }
0x1d5: {  	[sflag:s0] =	ssyncadd.s32 @!p0 s1  }
0x1d6: {  	[bflag:$0x3] =	sbarrier.arrive $0xFFFF  }
0x1d7: {  	_ =	shalt  }

</sc_bundles>
